<compile_context>
chip_gen: v7x
topology: tpu7x:2x2x1
jax: 0.10.2.dev20260603
libtpu: 0.0.44.dev20260713+nightly
codegen_flags: <defaults>
</compile_context>

<pallas_src>
import functools

import jax
import jax.numpy as jnp
from jax import lax
from jax.experimental import pallas as pl
from jax.experimental.pallas import tpu as pltpu
from jax.experimental.pallas import tpu_sc as plsc

N = 10000
E = 160000
IN_NF = 128
HID = 32
E_D = 4
MLP_H = 8
N_STEPS = 3
M9 = MLP_H + 1

NC = 2
NS = 16
NW = NC * NS
CH = 125
EPW = E // NW
NCHUNK = EPW // CH
N_ACC = N
RPT = N_ACC // NS

@functools.cache
def _sc_mesh():
    return plsc.VectorSubcoreMesh(core_axis_name="c", subcore_axis_name="s",
                                  num_cores=NC, num_subcores=NS)



def _kx0_body(x_ref, w0t_ref, b0_ref, o_ref):
    o_ref[...] = jnp.maximum(
        jnp.dot(x_ref[...], w0t_ref[...], preferred_element_type=jnp.float32, precision=lax.Precision.HIGHEST)
        + b0_ref[...], 0.0)


def _kx0(x, w0t, b0row):
    BN = 2000
    return pl.pallas_call(
        _kx0_body,
        grid=(N // BN,),
        in_specs=[
            pl.BlockSpec((BN, IN_NF), lambda i: (i, 0)),
            pl.BlockSpec((IN_NF, HID), lambda i: (0, 0)),
            pl.BlockSpec((1, HID), lambda i: (0, 0)),
        ],
        out_specs=pl.BlockSpec((BN, HID), lambda i: (i, 0)),
        out_shape=jax.ShapeDtypeStruct((N, HID), jnp.float32),
    )(x, w0t, b0row)


def _km_body(xg_ref, ea_ref, a1rept_ref, c1rep_ref, bcat_ref, o_ref):
    ea = ea_ref[...]
    a1 = a1rept_ref[...]
    e1rep = c1rep_ref[...] + ea[:, 0:1] * a1[0:1, :]
    for k in range(1, E_D):
        e1rep = e1rep + ea[:, k:k + 1] * a1[k:k + 1, :]
    e1rep = jnp.maximum(e1rep, 0.0)
    t = e1rep * jnp.dot(xg_ref[...], bcat_ref[...],
                        preferred_element_type=jnp.float32, precision=lax.Precision.HIGHEST)
    acc = t[:, :HID]
    for m in range(1, M9):
        acc = acc + t[:, m * HID:(m + 1) * HID]
    o_ref[...] = acc


def _km(xg, eap, a1rept, c1rep, bcat):
    BE = 4000
    return pl.pallas_call(
        _km_body,
        grid=(E // BE,),
        in_specs=[
            pl.BlockSpec((BE, HID), lambda i: (i, 0)),
            pl.BlockSpec((BE, E_D), lambda i: (i, 0)),
            pl.BlockSpec((E_D, M9 * HID), lambda i: (0, 0)),
            pl.BlockSpec((1, M9 * HID), lambda i: (0, 0)),
            pl.BlockSpec((HID, M9 * HID), lambda i: (0, 0)),
        ],
        out_specs=pl.BlockSpec((BE, HID), lambda i: (i, 0)),
        out_shape=jax.ShapeDtypeStruct((E, HID), jnp.float32),
    )(xg, eap, a1rept, c1rep, bcat)


def _kn_body(p_ref, d_ref, xx_ref, wroott_ref, bconv_ref,
             wiht_ref, bih_ref, whht_ref, bhh_ref, o_ref):
    xx = xx_ref[...]
    deg = jnp.maximum(d_ref[0] + d_ref[1], 1.0)
    agg = (p_ref[0] + p_ref[1]) / deg
    m = jnp.maximum(
        agg + jnp.dot(xx, wroott_ref[...], preferred_element_type=jnp.float32, precision=lax.Precision.HIGHEST)
        + bconv_ref[...], 0.0)
    gi = jnp.dot(m, wiht_ref[...], preferred_element_type=jnp.float32, precision=lax.Precision.HIGHEST) \
        + bih_ref[...]
    gh = jnp.dot(xx, whht_ref[...], preferred_element_type=jnp.float32, precision=lax.Precision.HIGHEST) \
        + bhh_ref[...]
    r = jax.nn.sigmoid(gi[:, :HID] + gh[:, :HID])
    z = jax.nn.sigmoid(gi[:, HID:2 * HID] + gh[:, HID:2 * HID])
    nn = jnp.tanh(gi[:, 2 * HID:] + r * gh[:, 2 * HID:])
    o_ref[...] = (1.0 - z) * nn + z * xx


def _kn(p, d, xx, wroott, bconvrow, wiht, bihrow, whht, bhhrow):
    BN = 2000
    return pl.pallas_call(
        _kn_body,
        grid=(N // BN,),
        in_specs=[
            pl.BlockSpec((2, BN, HID), lambda i: (0, i, 0)),
            pl.BlockSpec((2, BN, HID), lambda i: (0, i, 0)),
            pl.BlockSpec((BN, HID), lambda i: (i, 0)),
            pl.BlockSpec((HID, HID), lambda i: (0, 0)),
            pl.BlockSpec((1, HID), lambda i: (0, 0)),
            pl.BlockSpec((HID, 3 * HID), lambda i: (0, 0)),
            pl.BlockSpec((1, 3 * HID), lambda i: (0, 0)),
            pl.BlockSpec((HID, 3 * HID), lambda i: (0, 0)),
            pl.BlockSpec((1, 3 * HID), lambda i: (0, 0)),
        ],
        out_specs=pl.BlockSpec((BN, HID), lambda i: (i, 0)),
        out_shape=jax.ShapeDtypeStruct((N, HID), jnp.float32),
    )(p, d, xx, wroott, bconvrow, wiht, bihrow, whht, bhhrow)


def _khead_body(xx_ref, w1t_ref, b1_ref, w2t_ref, b2_ref, o_ref):
    g = jnp.mean(xx_ref[...], axis=0, keepdims=True)
    g = jnp.maximum(
        jnp.dot(g, w1t_ref[...], preferred_element_type=jnp.float32, precision=lax.Precision.HIGHEST)
        + b1_ref[...], 0.0)
    o_ref[...] = jnp.dot(g, w2t_ref[...],
                         preferred_element_type=jnp.float32, precision=lax.Precision.HIGHEST) + b2_ref[...]


def _khead(xx, w1t, b1row, w2t, b2row):
    return pl.pallas_call(
        _khead_body,
        out_shape=jax.ShapeDtypeStruct((1, 1), jnp.float32),
    )(xx, w1t, b1row, w2t, b2row)



def _worker_id():
    return lax.axis_index("s") * NC + lax.axis_index("c")


NBUF = 4
NGRP = NCHUNK // NBUF


def _kg_body(xx_hbm, src3_hbm, out_hbm, idx_v,
             r0, r1, r2, r3, g0, g1, g2, g3, s0, s1, s2, s3):
    rows = (r0, r1, r2, r3)
    gs = (g0, g1, g2, g3)
    ss = (s0, s1, s2, s3)
    wid = _worker_id()
    base = wid * EPW
    pltpu.sync_copy(src3_hbm.at[wid], idx_v)

    def g_start(j, b):
        pltpu.make_async_copy(xx_hbm.at[idx_v.at[j]], rows[b], gs[b]).start()

    def g_wait(b):
        pltpu.make_async_copy(xx_hbm.at[idx_v.at[0]], rows[b], gs[b]).wait()

    def s_start(j, b):
        pltpu.make_async_copy(
            rows[b], out_hbm.at[pl.ds(base + j * CH, CH)], ss[b]).start()

    def s_wait(b):
        pltpu.make_async_copy(
            rows[b], out_hbm.at[pl.ds(base, CH)], ss[b]).wait()

    for b in range(NBUF):
        g_start(b, b)

    def group(g, carry):
        for b in range(NBUF):
            g_wait(b)
            s_start(g * NBUF + b, b)

        @pl.when(g < NGRP - 1)
        def _():
            for b in range(NBUF):
                s_wait(b)
                g_start((g + 1) * NBUF + b, b)

        return carry

    lax.fori_loop(0, NGRP, group, 0)
    for b in range(NBUF):
        s_wait(b)


@functools.cache
def _kg_fn():
    return pl.kernel(
        _kg_body,
        out_type=jax.ShapeDtypeStruct((E, HID), jnp.float32),
        mesh=_sc_mesh(),
        compiler_params=pltpu.CompilerParams(use_tc_tiling_on_sc=False),
        scratch_types=[pltpu.VMEM((NCHUNK, CH), jnp.int32)]
        + [pltpu.VMEM((CH, HID), jnp.float32)] * NBUF
        + [pltpu.SemaphoreType.DMA] * (2 * NBUF),
    )


def _kg(xx, src3):
    return _kg_fn()(xx, src3)


def _ks_body(msg_hbm, dst3_hbm, zeros_hbm, out_hbm, idx_v,
             r0, r1, r2, r3, l0, l1, l2, l3, a0, a1, a2, a3, acc_sh):
    rows = (r0, r1, r2, r3)
    ls = (l0, l1, l2, l3)
    as_ = (a0, a1, a2, a3)
    cid = lax.axis_index("c")
    sid = lax.axis_index("s")
    wid = sid * NC + cid
    base = wid * EPW
    pltpu.sync_copy(zeros_hbm.at[pl.ds(sid * RPT, RPT)],
                    acc_sh.at[pl.ds(sid * RPT, RPT)])
    pltpu.sync_copy(dst3_hbm.at[wid], idx_v)
    plsc.subcore_barrier()

    def l_start(j, b):
        pltpu.make_async_copy(
            msg_hbm.at[pl.ds(base + j * CH, CH)], rows[b], ls[b]).start()

    def l_wait(b):
        pltpu.make_async_copy(
            msg_hbm.at[pl.ds(base, CH)], rows[b], ls[b]).wait()

    def a_start(j, b):
        pltpu.make_async_copy(
            rows[b], acc_sh.at[idx_v.at[j]], as_[b]).start(add=True)

    def a_wait(b):
        pltpu.make_async_copy(
            rows[b], acc_sh.at[idx_v.at[0]], as_[b]).wait()

    for b in range(NBUF):
        l_start(b, b)

    def group(g, carry):
        for b in range(NBUF):
            l_wait(b)
            a_start(g * NBUF + b, b)

        @pl.when(g < NGRP - 1)
        def _():
            for b in range(NBUF):
                a_wait(b)
                l_start((g + 1) * NBUF + b, b)

        return carry

    lax.fori_loop(0, NGRP, group, 0)
    for b in range(NBUF):
        a_wait(b)
    plsc.subcore_barrier()
    pltpu.sync_copy(acc_sh.at[pl.ds(sid * RPT, RPT)],
                    out_hbm.at[cid, pl.ds(sid * RPT, RPT)])


@functools.cache
def _ks_fn():
    return pl.kernel(
        _ks_body,
        out_type=jax.ShapeDtypeStruct((NC, N_ACC, HID), jnp.float32),
        mesh=_sc_mesh(),
        compiler_params=pltpu.CompilerParams(use_tc_tiling_on_sc=False),
        scratch_types=[pltpu.VMEM((NCHUNK, CH), jnp.int32)]
        + [pltpu.VMEM((CH, HID), jnp.float32)] * NBUF
        + [pltpu.SemaphoreType.DMA] * (2 * NBUF)
        + [pltpu.VMEM_SHARED((N_ACC, HID), jnp.float32)],
    )


def _ks(msg, dst3, zeros_acc):
    return _ks_fn()(msg, dst3, zeros_acc)



def kernel(x, edge_index, edge_attr, W0, b0, A1, c1, A2, c2, Wroot, bconv,
           Wih, bih, Whh, bhh, W1, b1, W2, b2):
    f32 = jnp.float32
    src3 = edge_index[0].reshape(NW, NCHUNK, CH)
    dst3 = edge_index[1].reshape(NW, NCHUNK, CH)
    eap = edge_attr

    w0t = W0.T
    b0row = b0.reshape(1, HID)
    rt = A2.reshape(N_STEPS, HID, HID, MLP_H)
    ball = jnp.concatenate(
        [rt, c2.reshape(N_STEPS, HID, HID)[..., None]], axis=-1)
    bcat = ball.transpose(0, 1, 3, 2).reshape(N_STEPS, HID, M9 * HID)
    a1aug = jnp.concatenate(
        [jnp.swapaxes(A1, 1, 2), jnp.zeros((N_STEPS, E_D, 1), f32)], axis=2)
    c1aug = jnp.concatenate(
        [c1, jnp.ones((N_STEPS, 1), f32)], axis=1)
    a1rept = jnp.repeat(a1aug, HID, axis=2)
    c1rep = jnp.repeat(c1aug, HID, axis=1)[:, None, :]
    wroott = jnp.swapaxes(Wroot, 1, 2)
    bconvrow = bconv.reshape(N_STEPS, 1, HID)
    wiht = Wih.T
    bihrow = bih.reshape(1, 3 * HID)
    whht = Whh.T
    bhhrow = bhh.reshape(1, 3 * HID)
    w1t = W1.T
    b1row = b1.reshape(1, HID // 2)
    w2t = W2.T
    b2row = b2.reshape(1, 1)

    zeros_acc = jnp.zeros((N_ACC, HID), f32)
    ones_e = jnp.ones((E, HID), f32)

    xx = _kx0(x, w0t, b0row)
    d = _ks(ones_e, dst3, zeros_acc)
    for l in range(N_STEPS):
        xg = _kg(xx, src3)
        msg = _km(xg, eap, a1rept[l], c1rep[l], bcat[l])
        p = _ks(msg, dst3, zeros_acc)
        xx = _kn(p, d, xx, wroott[l], bconvrow[l], wiht, bihrow, whht,
                 bhhrow)
    return _khead(xx, w1t, b1row, w2t, b2row)

# --- scband reference (transcript-rebuilt; emitter-appended) ---
"""Pipeline reference for scband-simple-gnn-88699664597753 (READ-ONLY COPY).

The authoritative reference and input builder live on the scoring server;
editing this copy changes nothing except your own understanding.
"""

import jax, jax.numpy as jnp
import numpy as np

N = 10000
E = 160000
IN_NF = 128
HID = 32
E_D = 4
MLP_H = 8
N_STEPS = 3
OUT_D = 1

def setup_inputs(seed: int = 0) -> dict:
    key = jax.random.key(seed)
    ks = jax.random.split(key, 16)
    s = 0.05
    inp = {}
    inp["x"] = jax.random.normal(ks[0], (N, IN_NF), jnp.float32)
    inp["edge_index"] = jax.random.randint(ks[1], (2, E), 0, N, jnp.int32)
    inp["edge_attr"] = jax.random.normal(ks[2], (E, E_D), jnp.float32)
    inp["W0"] = jax.random.normal(ks[3], (HID, IN_NF), jnp.float32) * s
    inp["b0"] = jnp.zeros((HID,), jnp.float32)
    inp["A1"] = jax.random.normal(ks[4], (N_STEPS, MLP_H, E_D), jnp.float32) * s
    inp["c1"] = jnp.zeros((N_STEPS, MLP_H), jnp.float32)
    inp["A2"] = jax.random.normal(ks[5], (N_STEPS, HID * HID, MLP_H), jnp.float32) * s
    inp["c2"] = jnp.zeros((N_STEPS, HID * HID), jnp.float32)
    inp["Wroot"] = jax.random.normal(ks[6], (N_STEPS, HID, HID), jnp.float32) * s
    inp["bconv"] = jnp.zeros((N_STEPS, HID), jnp.float32)
    inp["Wih"] = jax.random.normal(ks[7], (3 * HID, HID), jnp.float32) * s
    inp["bih"] = jnp.zeros((3 * HID,), jnp.float32)
    inp["Whh"] = jax.random.normal(ks[8], (3 * HID, HID), jnp.float32) * s
    inp["bhh"] = jnp.zeros((3 * HID,), jnp.float32)
    inp["W1"] = jax.random.normal(ks[9], (HID // 2, HID), jnp.float32) * s
    inp["b1"] = jnp.zeros((HID // 2,), jnp.float32)
    inp["W2"] = jax.random.normal(ks[10], (OUT_D, HID // 2), jnp.float32) * s
    inp["b2"] = jnp.zeros((OUT_D,), jnp.float32)
    return inp

def reference(x, edge_index, edge_attr, W0, b0, A1, c1, A2, c2, Wroot, bconv, Wih, bih, Whh, bhh, W1, b1, W2, b2):
    src = edge_index[0]
    dst = edge_index[1]
    # lin0 + relu
    xx = jax.nn.relu(x @ W0.T + b0)
    # initial GRU hidden state = xx (h = x.unsqueeze(0))
    h = xx
    # mean-aggregation degree (PyG 'mean' aggr; zero-degree nodes get 0)
    deg = jax.ops.segment_sum(jnp.ones((E,), jnp.float32), dst, num_segments=N)
    deg = jnp.maximum(deg, 1.0)
    for l in range(N_STEPS):
        # edge-conditioned weight generation: mk_mlp(e_d, hid*hid, nl=2, hid=hid//4)
        e1 = jax.nn.relu(edge_attr @ A1[l].T + c1[l])
        We = (e1 @ A2[l].T + c2[l]).reshape(E, HID, HID)
        # NNConv: message = x_j @ W_e, gather at src, scatter-mean at dst
        msg = jnp.einsum('ef,efh->eh', xx[src], We)
        agg = jax.ops.segment_sum(msg, dst, num_segments=N) / deg[:, None]
        # root transform + bias
        m = jax.nn.relu(agg + xx @ Wroot[l].T + bconv[l])
        # GRU cell (PyTorch gate ordering: r, z, n)
        gi = m @ Wih.T + bih
        gh = h @ Whh.T + bhh
        i_r, i_z, i_n = jnp.split(gi, 3, axis=-1)
        h_r, h_z, h_n = jnp.split(gh, 3, axis=-1)
        r = jax.nn.sigmoid(i_r + h_r)
        z = jax.nn.sigmoid(i_z + h_z)
        n = jnp.tanh(i_n + r * h_n)
        h = (1.0 - z) * n + z * h
        xx = h
    # global_mean_pool with batch = zeros -> single graph mean
    g = jnp.mean(xx, axis=0, keepdims=True)
    # lin1 + relu (dropout is identity in eval)
    g = jax.nn.relu(g @ W1.T + b1)
    out = g @ W2.T + b2
    return out

if __name__ == "__main__":
    import jax
    _d = setup_inputs()
    print(jax.jit(kernel)(*tuple(_d.values())))

</pallas_src>

<mosaic_0001>
#map = affine_map<(d0, d1) -> (0, 0)>
#map1 = affine_map<(d0, d1) -> (0, 0, 0)>
module attributes {stable_mosaic.version = 14 : i64} {
  func.func @_kg_body(%arg0: i32, %arg1: i32, %arg2: memref<10000x32xf32, #tpu.memory_space<hbm>>, %arg3: memref<32x40x125xi32, #tpu.memory_space<hbm>>, %arg4: memref<160000x32xf32, #tpu.memory_space<hbm>>, %arg5: memref<40x125xi32, #tpu.memory_space<vmem>>, %arg6: memref<125x32xf32, #tpu.memory_space<vmem>>, %arg7: memref<125x32xf32, #tpu.memory_space<vmem>>, %arg8: memref<125x32xf32, #tpu.memory_space<vmem>>, %arg9: memref<125x32xf32, #tpu.memory_space<vmem>>, %arg10: memref<!tpu.dma_semaphore, #tpu.memory_space<semaphore_mem>>, %arg11: memref<!tpu.dma_semaphore, #tpu.memory_space<semaphore_mem>>, %arg12: memref<!tpu.dma_semaphore, #tpu.memory_space<semaphore_mem>>, %arg13: memref<!tpu.dma_semaphore, #tpu.memory_space<semaphore_mem>>, %arg14: memref<!tpu.dma_semaphore, #tpu.memory_space<semaphore_mem>>, %arg15: memref<!tpu.dma_semaphore, #tpu.memory_space<semaphore_mem>>, %arg16: memref<!tpu.dma_semaphore, #tpu.memory_space<semaphore_mem>>, %arg17: memref<!tpu.dma_semaphore, #tpu.memory_space<semaphore_mem>>) attributes {dimension_semantics = [#tpu.dimension_semantics<core_parallel>, #tpu.dimension_semantics<subcore_parallel>], iteration_bounds = array<i64: 2, 16>, scalar_prefetch = 0 : i64, scratch_operands = 13 : i64, tpu.core_type = #tpu.core_type<sc_vector_subcore>, window_params = [{transform_indices = #map}, {transform_indices = #map1}, {transform_indices = #map}]} {
    %mul3A = arith.constant 2 : i32
    %mul3A_0 = arith.muli %arg1, %mul3A : i32
    %add3A = arith.addi %mul3A_0, %arg0 : i32
    %mul3A_1 = arith.constant 5000 : i32
    %mul3A_2 = arith.muli %add3A, %mul3A_1 : i32
    "tpu.region"() ({
      %run_scoped3A = tpu.sem_alloc : memref<!tpu.dma_semaphore, #tpu.memory_space<semaphore_mem>>
      %dma_start3A_50 = arith.constant 0 : i32
      %dma_start3A_51 = arith.constant 0 : i32
      %dma_start3A_52 = tpu.memref_slice %arg3[%add3A, %dma_start3A_50, %dma_start3A_51] : memref<32x40x125xi32, #tpu.memory_space<hbm>> -> memref<1x40x125xi32, #tpu.memory_space<hbm>>
      %dma_start3A_53 = tpu.memref_squeeze %dma_start3A_52 : memref<1x40x125xi32, #tpu.memory_space<hbm>> -> memref<40x125xi32, #tpu.memory_space<hbm>>
      %dma_start3A_54 = arith.constant 0 : i32
      %dma_start3A_55 = arith.constant 0 : i32
      %dma_start3A_56 = tpu.memref_slice %arg3[%add3A, %dma_start3A_54, %dma_start3A_55] : memref<32x40x125xi32, #tpu.memory_space<hbm>> -> memref<1x40x125xi32, #tpu.memory_space<hbm>>
      %dma_start3A_57 = tpu.memref_squeeze %dma_start3A_56 : memref<1x40x125xi32, #tpu.memory_space<hbm>> -> memref<40x125xi32, #tpu.memory_space<hbm>>
      tpu.enqueue_dma source(%dma_start3A_57 : memref<40x125xi32, #tpu.memory_space<hbm>>) target(%arg5 : memref<40x125xi32, #tpu.memory_space<vmem>>) target_semaphore(%run_scoped3A : memref<!tpu.dma_semaphore, #tpu.memory_space<semaphore_mem>>)
      %dma_wait3A_58 = arith.constant 0 : i32
      %dma_wait3A_59 = arith.constant 0 : i32
      %dma_wait3A_60 = tpu.memref_slice %arg3[%add3A, %dma_wait3A_58, %dma_wait3A_59] : memref<32x40x125xi32, #tpu.memory_space<hbm>> -> memref<1x40x125xi32, #tpu.memory_space<hbm>>
      %dma_wait3A_61 = tpu.memref_squeeze %dma_wait3A_60 : memref<1x40x125xi32, #tpu.memory_space<hbm>> -> memref<40x125xi32, #tpu.memory_space<hbm>>
      %dma_wait3A_62 = arith.constant 0 : i32
      %dma_wait3A_63 = arith.constant 0 : i32
      %dma_wait3A_64 = tpu.memref_slice %arg3[%add3A, %dma_wait3A_62, %dma_wait3A_63] : memref<32x40x125xi32, #tpu.memory_space<hbm>> -> memref<1x40x125xi32, #tpu.memory_space<hbm>>
      %dma_wait3A_65 = tpu.memref_squeeze %dma_wait3A_64 : memref<1x40x125xi32, #tpu.memory_space<hbm>> -> memref<40x125xi32, #tpu.memory_space<hbm>>
      tpu.wait_dma2 semaphore(%run_scoped3A : memref<!tpu.dma_semaphore, #tpu.memory_space<semaphore_mem>>) src(%dma_wait3A_65 : memref<40x125xi32, #tpu.memory_space<hbm>>) dst(%arg5 : memref<40x125xi32, #tpu.memory_space<vmem>>)
      tpu.yield
    }) : () -> ()
    %dma_start3A = arith.constant 0 : i32
    %dma_start3A_3 = arith.constant 0 : i32
    %dma_start3A_4 = tpu.memref_slice %arg5[%dma_start3A, %dma_start3A_3] : memref<40x125xi32, #tpu.memory_space<vmem>> -> memref<1x125xi32, #tpu.memory_space<vmem>>
    %dma_start3A_5 = tpu.memref_squeeze %dma_start3A_4 : memref<1x125xi32, #tpu.memory_space<vmem>> -> memref<125xi32, #tpu.memory_space<vmem>>
    %dma_start3A_6 = arith.constant 0 : i32
    %dma_start3A_7 = arith.constant 0 : i32
    %dma_start3A_8 = tpu.memref_slice %arg2[%dma_start3A_6, %dma_start3A_7] : memref<10000x32xf32, #tpu.memory_space<hbm>> -> memref<10000x32xf32, #tpu.memory_space<hbm>>
    tpu.enqueue_indirect_dma source(%dma_start3A_8 : memref<10000x32xf32, #tpu.memory_space<hbm>>) target(%arg6 : memref<125x32xf32, #tpu.memory_space<vmem>>) offsets(%dma_start3A_5 : memref<125xi32, #tpu.memory_space<vmem>>) semaphore(%arg10 : memref<!tpu.dma_semaphore, #tpu.memory_space<semaphore_mem>>)
    %dma_start3A_9 = arith.constant 1 : i32
    %dma_start3A_10 = arith.constant 0 : i32
    %dma_start3A_11 = tpu.memref_slice %arg5[%dma_start3A_9, %dma_start3A_10] : memref<40x125xi32, #tpu.memory_space<vmem>> -> memref<1x125xi32, #tpu.memory_space<vmem>>
    %dma_start3A_12 = tpu.memref_squeeze %dma_start3A_11 : memref<1x125xi32, #tpu.memory_space<vmem>> -> memref<125xi32, #tpu.memory_space<vmem>>
    %dma_start3A_13 = arith.constant 0 : i32
    %dma_start3A_14 = arith.constant 0 : i32
    %dma_start3A_15 = tpu.memref_slice %arg2[%dma_start3A_13, %dma_start3A_14] : memref<10000x32xf32, #tpu.memory_space<hbm>> -> memref<10000x32xf32, #tpu.memory_space<hbm>>
    tpu.enqueue_indirect_dma source(%dma_start3A_15 : memref<10000x32xf32, #tpu.memory_space<hbm>>) target(%arg7 : memref<125x32xf32, #tpu.memory_space<vmem>>) offsets(%dma_start3A_12 : memref<125xi32, #tpu.memory_space<vmem>>) semaphore(%arg11 : memref<!tpu.dma_semaphore, #tpu.memory_space<semaphore_mem>>)
    %dma_start3A_16 = arith.constant 2 : i32
    %dma_start3A_17 = arith.constant 0 : i32
    %dma_start3A_18 = tpu.memref_slice %arg5[%dma_start3A_16, %dma_start3A_17] : memref<40x125xi32, #tpu.memory_space<vmem>> -> memref<1x125xi32, #tpu.memory_space<vmem>>
    %dma_start3A_19 = tpu.memref_squeeze %dma_start3A_18 : memref<1x125xi32, #tpu.memory_space<vmem>> -> memref<125xi32, #tpu.memory_space<vmem>>
    %dma_start3A_20 = arith.constant 0 : i32
    %dma_start3A_21 = arith.constant 0 : i32
    %dma_start3A_22 = tpu.memref_slice %arg2[%dma_start3A_20, %dma_start3A_21] : memref<10000x32xf32, #tpu.memory_space<hbm>> -> memref<10000x32xf32, #tpu.memory_space<hbm>>
    tpu.enqueue_indirect_dma source(%dma_start3A_22 : memref<10000x32xf32, #tpu.memory_space<hbm>>) target(%arg8 : memref<125x32xf32, #tpu.memory_space<vmem>>) offsets(%dma_start3A_19 : memref<125xi32, #tpu.memory_space<vmem>>) semaphore(%arg12 : memref<!tpu.dma_semaphore, #tpu.memory_space<semaphore_mem>>)
    %dma_start3A_23 = arith.constant 3 : i32
    %dma_start3A_24 = arith.constant 0 : i32
    %dma_start3A_25 = tpu.memref_slice %arg5[%dma_start3A_23, %dma_start3A_24] : memref<40x125xi32, #tpu.memory_space<vmem>> -> memref<1x125xi32, #tpu.memory_space<vmem>>
    %dma_start3A_26 = tpu.memref_squeeze %dma_start3A_25 : memref<1x125xi32, #tpu.memory_space<vmem>> -> memref<125xi32, #tpu.memory_space<vmem>>
    %dma_start3A_27 = arith.constant 0 : i32
    %dma_start3A_28 = arith.constant 0 : i32
    %dma_start3A_29 = tpu.memref_slice %arg2[%dma_start3A_27, %dma_start3A_28] : memref<10000x32xf32, #tpu.memory_space<hbm>> -> memref<10000x32xf32, #tpu.memory_space<hbm>>
    tpu.enqueue_indirect_dma source(%dma_start3A_29 : memref<10000x32xf32, #tpu.memory_space<hbm>>) target(%arg9 : memref<125x32xf32, #tpu.memory_space<vmem>>) offsets(%dma_start3A_26 : memref<125xi32, #tpu.memory_space<vmem>>) semaphore(%arg13 : memref<!tpu.dma_semaphore, #tpu.memory_space<semaphore_mem>>)
    %scan3A = arith.constant 0 : i32
    %scan3A_30 = arith.constant 0 : i32
    %scan3A_31 = arith.constant 10 : i32
    %scan3A_32 = arith.addi %scan3A_30, %scan3A_31 : i32
    %scan3A_33 = arith.constant 1 : i32
    scf.for %scan3A_50 = %scan3A_30 to %scan3A_32 step %scan3A_33  : i32 {
      %dma_wait3A_51 = arith.constant 0 : i32
      %dma_wait3A_52 = arith.constant 0 : i32
      %dma_wait3A_53 = tpu.memref_slice %arg5[%dma_wait3A_51, %dma_wait3A_52] : memref<40x125xi32, #tpu.memory_space<vmem>> -> memref<1x125xi32, #tpu.memory_space<vmem>>
      %dma_wait3A_54 = tpu.memref_squeeze %dma_wait3A_53 : memref<1x125xi32, #tpu.memory_space<vmem>> -> memref<125xi32, #tpu.memory_space<vmem>>
      %dma_wait3A_55 = arith.constant 0 : i32
      %dma_wait3A_56 = arith.constant 0 : i32
      %dma_wait3A_57 = tpu.memref_slice %arg2[%dma_wait3A_55, %dma_wait3A_56] : memref<10000x32xf32, #tpu.memory_space<hbm>> -> memref<10000x32xf32, #tpu.memory_space<hbm>>
      tpu.wait_indirect_dma semaphore(%arg10 : memref<!tpu.dma_semaphore, #tpu.memory_space<semaphore_mem>>) src(%dma_wait3A_57 : memref<10000x32xf32, #tpu.memory_space<hbm>>) dst(%arg6 : memref<125x32xf32, #tpu.memory_space<vmem>>)
      %mul3A_58 = arith.constant 4 : i32
      %mul3A_59 = arith.muli %scan3A_50, %mul3A_58 : i32
      %add3A_60 = arith.constant 0 : i32
      %add3A_61 = arith.addi %mul3A_59, %add3A_60 : i32
      %mul3A_62 = arith.constant 125 : i32
      %mul3A_63 = arith.muli %add3A_61, %mul3A_62 : i32
      %add3A_64 = arith.addi %mul3A_2, %mul3A_63 : i32
      %dma_start3A_65 = arith.constant 0 : i32
      %dma_start3A_66 = tpu.memref_slice %arg4[%add3A_64, %dma_start3A_65] : memref<160000x32xf32, #tpu.memory_space<hbm>> -> memref<125x32xf32, #tpu.memory_space<hbm>>
      %dma_start3A_67 = arith.constant 0 : i32
      %dma_start3A_68 = tpu.memref_slice %arg4[%add3A_64, %dma_start3A_67] : memref<160000x32xf32, #tpu.memory_space<hbm>> -> memref<125x32xf32, #tpu.memory_space<hbm>>
      tpu.enqueue_dma source(%arg6 : memref<125x32xf32, #tpu.memory_space<vmem>>) target(%dma_start3A_68 : memref<125x32xf32, #tpu.memory_space<hbm>>) target_semaphore(%arg14 : memref<!tpu.dma_semaphore, #tpu.memory_space<semaphore_mem>>)
      %dma_wait3A_69 = arith.constant 0 : i32
      %dma_wait3A_70 = arith.constant 0 : i32
      %dma_wait3A_71 = tpu.memref_slice %arg5[%dma_wait3A_69, %dma_wait3A_70] : memref<40x125xi32, #tpu.memory_space<vmem>> -> memref<1x125xi32, #tpu.memory_space<vmem>>
      %dma_wait3A_72 = tpu.memref_squeeze %dma_wait3A_71 : memref<1x125xi32, #tpu.memory_space<vmem>> -> memref<125xi32, #tpu.memory_space<vmem>>
      %dma_wait3A_73 = arith.constant 0 : i32
      %dma_wait3A_74 = arith.constant 0 : i32
      %dma_wait3A_75 = tpu.memref_slice %arg2[%dma_wait3A_73, %dma_wait3A_74] : memref<10000x32xf32, #tpu.memory_space<hbm>> -> memref<10000x32xf32, #tpu.memory_space<hbm>>
      tpu.wait_indirect_dma semaphore(%arg11 : memref<!tpu.dma_semaphore, #tpu.memory_space<semaphore_mem>>) src(%dma_wait3A_75 : memref<10000x32xf32, #tpu.memory_space<hbm>>) dst(%arg7 : memref<125x32xf32, #tpu.memory_space<vmem>>)
      %mul3A_76 = arith.constant 4 : i32
      %mul3A_77 = arith.muli %scan3A_50, %mul3A_76 : i32
      %add3A_78 = arith.constant 1 : i32
      %add3A_79 = arith.addi %mul3A_77, %add3A_78 : i32
      %mul3A_80 = arith.constant 125 : i32
      %mul3A_81 = arith.muli %add3A_79, %mul3A_80 : i32
      %add3A_82 = arith.addi %mul3A_2, %mul3A_81 : i32
      %dma_start3A_83 = arith.constant 0 : i32
      %dma_start3A_84 = tpu.memref_slice %arg4[%add3A_82, %dma_start3A_83] : memref<160000x32xf32, #tpu.memory_space<hbm>> -> memref<125x32xf32, #tpu.memory_space<hbm>>
      %dma_start3A_85 = arith.constant 0 : i32
      %dma_start3A_86 = tpu.memref_slice %arg4[%add3A_82, %dma_start3A_85] : memref<160000x32xf32, #tpu.memory_space<hbm>> -> memref<125x32xf32, #tpu.memory_space<hbm>>
      tpu.enqueue_dma source(%arg7 : memref<125x32xf32, #tpu.memory_space<vmem>>) target(%dma_start3A_86 : memref<125x32xf32, #tpu.memory_space<hbm>>) target_semaphore(%arg15 : memref<!tpu.dma_semaphore, #tpu.memory_space<semaphore_mem>>)
      %dma_wait3A_87 = arith.constant 0 : i32
      %dma_wait3A_88 = arith.constant 0 : i32
      %dma_wait3A_89 = tpu.memref_slice %arg5[%dma_wait3A_87, %dma_wait3A_88] : memref<40x125xi32, #tpu.memory_space<vmem>> -> memref<1x125xi32, #tpu.memory_space<vmem>>
      %dma_wait3A_90 = tpu.memref_squeeze %dma_wait3A_89 : memref<1x125xi32, #tpu.memory_space<vmem>> -> memref<125xi32, #tpu.memory_space<vmem>>
      %dma_wait3A_91 = arith.constant 0 : i32
      %dma_wait3A_92 = arith.constant 0 : i32
      %dma_wait3A_93 = tpu.memref_slice %arg2[%dma_wait3A_91, %dma_wait3A_92] : memref<10000x32xf32, #tpu.memory_space<hbm>> -> memref<10000x32xf32, #tpu.memory_space<hbm>>
      tpu.wait_indirect_dma semaphore(%arg12 : memref<!tpu.dma_semaphore, #tpu.memory_space<semaphore_mem>>) src(%dma_wait3A_93 : memref<10000x32xf32, #tpu.memory_space<hbm>>) dst(%arg8 : memref<125x32xf32, #tpu.memory_space<vmem>>)
      %mul3A_94 = arith.constant 4 : i32
      %mul3A_95 = arith.muli %scan3A_50, %mul3A_94 : i32
      %add3A_96 = arith.constant 2 : i32
      %add3A_97 = arith.addi %mul3A_95, %add3A_96 : i32
      %mul3A_98 = arith.constant 125 : i32
      %mul3A_99 = arith.muli %add3A_97, %mul3A_98 : i32
      %add3A_100 = arith.addi %mul3A_2, %mul3A_99 : i32
      %dma_start3A_101 = arith.constant 0 : i32
      %dma_start3A_102 = tpu.memref_slice %arg4[%add3A_100, %dma_start3A_101] : memref<160000x32xf32, #tpu.memory_space<hbm>> -> memref<125x32xf32, #tpu.memory_space<hbm>>
      %dma_start3A_103 = arith.constant 0 : i32
      %dma_start3A_104 = tpu.memref_slice %arg4[%add3A_100, %dma_start3A_103] : memref<160000x32xf32, #tpu.memory_space<hbm>> -> memref<125x32xf32, #tpu.memory_space<hbm>>
      tpu.enqueue_dma source(%arg8 : memref<125x32xf32, #tpu.memory_space<vmem>>) target(%dma_start3A_104 : memref<125x32xf32, #tpu.memory_space<hbm>>) target_semaphore(%arg16 : memref<!tpu.dma_semaphore, #tpu.memory_space<semaphore_mem>>)
      %dma_wait3A_105 = arith.constant 0 : i32
      %dma_wait3A_106 = arith.constant 0 : i32
      %dma_wait3A_107 = tpu.memref_slice %arg5[%dma_wait3A_105, %dma_wait3A_106] : memref<40x125xi32, #tpu.memory_space<vmem>> -> memref<1x125xi32, #tpu.memory_space<vmem>>
      %dma_wait3A_108 = tpu.memref_squeeze %dma_wait3A_107 : memref<1x125xi32, #tpu.memory_space<vmem>> -> memref<125xi32, #tpu.memory_space<vmem>>
      %dma_wait3A_109 = arith.constant 0 : i32
      %dma_wait3A_110 = arith.constant 0 : i32
      %dma_wait3A_111 = tpu.memref_slice %arg2[%dma_wait3A_109, %dma_wait3A_110] : memref<10000x32xf32, #tpu.memory_space<hbm>> -> memref<10000x32xf32, #tpu.memory_space<hbm>>
      tpu.wait_indirect_dma semaphore(%arg13 : memref<!tpu.dma_semaphore, #tpu.memory_space<semaphore_mem>>) src(%dma_wait3A_111 : memref<10000x32xf32, #tpu.memory_space<hbm>>) dst(%arg9 : memref<125x32xf32, #tpu.memory_space<vmem>>)
      %mul3A_112 = arith.constant 4 : i32
      %mul3A_113 = arith.muli %scan3A_50, %mul3A_112 : i32
      %add3A_114 = arith.constant 3 : i32
      %add3A_115 = arith.addi %mul3A_113, %add3A_114 : i32
      %mul3A_116 = arith.constant 125 : i32
      %mul3A_117 = arith.muli %add3A_115, %mul3A_116 : i32
      %add3A_118 = arith.addi %mul3A_2, %mul3A_117 : i32
      %dma_start3A_119 = arith.constant 0 : i32
      %dma_start3A_120 = tpu.memref_slice %arg4[%add3A_118, %dma_start3A_119] : memref<160000x32xf32, #tpu.memory_space<hbm>> -> memref<125x32xf32, #tpu.memory_space<hbm>>
      %dma_start3A_121 = arith.constant 0 : i32
      %dma_start3A_122 = tpu.memref_slice %arg4[%add3A_118, %dma_start3A_121] : memref<160000x32xf32, #tpu.memory_space<hbm>> -> memref<125x32xf32, #tpu.memory_space<hbm>>
      tpu.enqueue_dma source(%arg9 : memref<125x32xf32, #tpu.memory_space<vmem>>) target(%dma_start3A_122 : memref<125x32xf32, #tpu.memory_space<hbm>>) target_semaphore(%arg17 : memref<!tpu.dma_semaphore, #tpu.memory_space<semaphore_mem>>)
      %lt3A = arith.constant 9 : i32
      %lt3A_123 = arith.cmpi slt, %scan3A_50, %lt3A : i32
      %convert_element_type3A = arith.extui %lt3A_123 : i1 to i32
      %cond3A = arith.constant 0 : i32
      %cond3A_124 = arith.cmpi ne, %convert_element_type3A, %cond3A : i32
      scf.if %cond3A_124 {
        %dma_wait3A_125 = arith.constant 0 : i32
        %dma_wait3A_126 = tpu.memref_slice %arg4[%mul3A_2, %dma_wait3A_125] : memref<160000x32xf32, #tpu.memory_space<hbm>> -> memref<125x32xf32, #tpu.memory_space<hbm>>
        %dma_wait3A_127 = arith.constant 0 : i32
        %dma_wait3A_128 = tpu.memref_slice %arg4[%mul3A_2, %dma_wait3A_127] : memref<160000x32xf32, #tpu.memory_space<hbm>> -> memref<125x32xf32, #tpu.memory_space<hbm>>
        tpu.wait_dma2 semaphore(%arg14 : memref<!tpu.dma_semaphore, #tpu.memory_space<semaphore_mem>>) src(%arg6 : memref<125x32xf32, #tpu.memory_space<vmem>>) dst(%dma_wait3A_128 : memref<125x32xf32, #tpu.memory_space<hbm>>)
        %add3A_129 = arith.constant 1 : i32
        %add3A_130 = arith.addi %scan3A_50, %add3A_129 : i32
        %mul3A_131 = arith.constant 4 : i32
        %mul3A_132 = arith.muli %add3A_130, %mul3A_131 : i32
        %add3A_133 = arith.constant 0 : i32
        %add3A_134 = arith.addi %mul3A_132, %add3A_133 : i32
        %dma_start3A_135 = arith.constant 0 : i32
        %dma_start3A_136 = tpu.memref_slice %arg5[%add3A_134, %dma_start3A_135] : memref<40x125xi32, #tpu.memory_space<vmem>> -> memref<1x125xi32, #tpu.memory_space<vmem>>
        %dma_start3A_137 = tpu.memref_squeeze %dma_start3A_136 : memref<1x125xi32, #tpu.memory_space<vmem>> -> memref<125xi32, #tpu.memory_space<vmem>>
        %dma_start3A_138 = arith.constant 0 : i32
        %dma_start3A_139 = arith.constant 0 : i32
        %dma_start3A_140 = tpu.memref_slice %arg2[%dma_start3A_138, %dma_start3A_139] : memref<10000x32xf32, #tpu.memory_space<hbm>> -> memref<10000x32xf32, #tpu.memory_space<hbm>>
        tpu.enqueue_indirect_dma source(%dma_start3A_140 : memref<10000x32xf32, #tpu.memory_space<hbm>>) target(%arg6 : memref<125x32xf32, #tpu.memory_space<vmem>>) offsets(%dma_start3A_137 : memref<125xi32, #tpu.memory_space<vmem>>) semaphore(%arg10 : memref<!tpu.dma_semaphore, #tpu.memory_space<semaphore_mem>>)
        %dma_wait3A_141 = arith.constant 0 : i32
        %dma_wait3A_142 = tpu.memref_slice %arg4[%mul3A_2, %dma_wait3A_141] : memref<160000x32xf32, #tpu.memory_space<hbm>> -> memref<125x32xf32, #tpu.memory_space<hbm>>
        %dma_wait3A_143 = arith.constant 0 : i32
        %dma_wait3A_144 = tpu.memref_slice %arg4[%mul3A_2, %dma_wait3A_143] : memref<160000x32xf32, #tpu.memory_space<hbm>> -> memref<125x32xf32, #tpu.memory_space<hbm>>
        tpu.wait_dma2 semaphore(%arg15 : memref<!tpu.dma_semaphore, #tpu.memory_space<semaphore_mem>>) src(%arg7 : memref<125x32xf32, #tpu.memory_space<vmem>>) dst(%dma_wait3A_144 : memref<125x32xf32, #tpu.memory_space<hbm>>)
        %add3A_145 = arith.constant 1 : i32
        %add3A_146 = arith.addi %scan3A_50, %add3A_145 : i32
        %mul3A_147 = arith.constant 4 : i32
        %mul3A_148 = arith.muli %add3A_146, %mul3A_147 : i32
        %add3A_149 = arith.constant 1 : i32
        %add3A_150 = arith.addi %mul3A_148, %add3A_149 : i32
        %dma_start3A_151 = arith.constant 0 : i32
        %dma_start3A_152 = tpu.memref_slice %arg5[%add3A_150, %dma_start3A_151] : memref<40x125xi32, #tpu.memory_space<vmem>> -> memref<1x125xi32, #tpu.memory_space<vmem>>
        %dma_start3A_153 = tpu.memref_squeeze %dma_start3A_152 : memref<1x125xi32, #tpu.memory_space<vmem>> -> memref<125xi32, #tpu.memory_space<vmem>>
        %dma_start3A_154 = arith.constant 0 : i32
        %dma_start3A_155 = arith.constant 0 : i32
        %dma_start3A_156 = tpu.memref_slice %arg2[%dma_start3A_154, %dma_start3A_155] : memref<10000x32xf32, #tpu.memory_space<hbm>> -> memref<10000x32xf32, #tpu.memory_space<hbm>>
        tpu.enqueue_indirect_dma source(%dma_start3A_156 : memref<10000x32xf32, #tpu.memory_space<hbm>>) target(%arg7 : memref<125x32xf32, #tpu.memory_space<vmem>>) offsets(%dma_start3A_153 : memref<125xi32, #tpu.memory_space<vmem>>) semaphore(%arg11 : memref<!tpu.dma_semaphore, #tpu.memory_space<semaphore_mem>>)
        %dma_wait3A_157 = arith.constant 0 : i32
        %dma_wait3A_158 = tpu.memref_slice %arg4[%mul3A_2, %dma_wait3A_157] : memref<160000x32xf32, #tpu.memory_space<hbm>> -> memref<125x32xf32, #tpu.memory_space<hbm>>
        %dma_wait3A_159 = arith.constant 0 : i32
        %dma_wait3A_160 = tpu.memref_slice %arg4[%mul3A_2, %dma_wait3A_159] : memref<160000x32xf32, #tpu.memory_space<hbm>> -> memref<125x32xf32, #tpu.memory_space<hbm>>
        tpu.wait_dma2 semaphore(%arg16 : memref<!tpu.dma_semaphore, #tpu.memory_space<semaphore_mem>>) src(%arg8 : memref<125x32xf32, #tpu.memory_space<vmem>>) dst(%dma_wait3A_160 : memref<125x32xf32, #tpu.memory_space<hbm>>)
        %add3A_161 = arith.constant 1 : i32
        %add3A_162 = arith.addi %scan3A_50, %add3A_161 : i32
        %mul3A_163 = arith.constant 4 : i32
        %mul3A_164 = arith.muli %add3A_162, %mul3A_163 : i32
        %add3A_165 = arith.constant 2 : i32
        %add3A_166 = arith.addi %mul3A_164, %add3A_165 : i32
        %dma_start3A_167 = arith.constant 0 : i32
        %dma_start3A_168 = tpu.memref_slice %arg5[%add3A_166, %dma_start3A_167] : memref<40x125xi32, #tpu.memory_space<vmem>> -> memref<1x125xi32, #tpu.memory_space<vmem>>
        %dma_start3A_169 = tpu.memref_squeeze %dma_start3A_168 : memref<1x125xi32, #tpu.memory_space<vmem>> -> memref<125xi32, #tpu.memory_space<vmem>>
        %dma_start3A_170 = arith.constant 0 : i32
        %dma_start3A_171 = arith.constant 0 : i32
        %dma_start3A_172 = tpu.memref_slice %arg2[%dma_start3A_170, %dma_start3A_171] : memref<10000x32xf32, #tpu.memory_space<hbm>> -> memref<10000x32xf32, #tpu.memory_space<hbm>>
        tpu.enqueue_indirect_dma source(%dma_start3A_172 : memref<10000x32xf32, #tpu.memory_space<hbm>>) target(%arg8 : memref<125x32xf32, #tpu.memory_space<vmem>>) offsets(%dma_start3A_169 : memref<125xi32, #tpu.memory_space<vmem>>) semaphore(%arg12 : memref<!tpu.dma_semaphore, #tpu.memory_space<semaphore_mem>>)
        %dma_wait3A_173 = arith.constant 0 : i32
        %dma_wait3A_174 = tpu.memref_slice %arg4[%mul3A_2, %dma_wait3A_173] : memref<160000x32xf32, #tpu.memory_space<hbm>> -> memref<125x32xf32, #tpu.memory_space<hbm>>
        %dma_wait3A_175 = arith.constant 0 : i32
        %dma_wait3A_176 = tpu.memref_slice %arg4[%mul3A_2, %dma_wait3A_175] : memref<160000x32xf32, #tpu.memory_space<hbm>> -> memref<125x32xf32, #tpu.memory_space<hbm>>
        tpu.wait_dma2 semaphore(%arg17 : memref<!tpu.dma_semaphore, #tpu.memory_space<semaphore_mem>>) src(%arg9 : memref<125x32xf32, #tpu.memory_space<vmem>>) dst(%dma_wait3A_176 : memref<125x32xf32, #tpu.memory_space<hbm>>)
        %add3A_177 = arith.constant 1 : i32
        %add3A_178 = arith.addi %scan3A_50, %add3A_177 : i32
        %mul3A_179 = arith.constant 4 : i32
        %mul3A_180 = arith.muli %add3A_178, %mul3A_179 : i32
        %add3A_181 = arith.constant 3 : i32
        %add3A_182 = arith.addi %mul3A_180, %add3A_181 : i32
        %dma_start3A_183 = arith.constant 0 : i32
        %dma_start3A_184 = tpu.memref_slice %arg5[%add3A_182, %dma_start3A_183] : memref<40x125xi32, #tpu.memory_space<vmem>> -> memref<1x125xi32, #tpu.memory_space<vmem>>
        %dma_start3A_185 = tpu.memref_squeeze %dma_start3A_184 : memref<1x125xi32, #tpu.memory_space<vmem>> -> memref<125xi32, #tpu.memory_space<vmem>>
        %dma_start3A_186 = arith.constant 0 : i32
        %dma_start3A_187 = arith.constant 0 : i32
        %dma_start3A_188 = tpu.memref_slice %arg2[%dma_start3A_186, %dma_start3A_187] : memref<10000x32xf32, #tpu.memory_space<hbm>> -> memref<10000x32xf32, #tpu.memory_space<hbm>>
        tpu.enqueue_indirect_dma source(%dma_start3A_188 : memref<10000x32xf32, #tpu.memory_space<hbm>>) target(%arg9 : memref<125x32xf32, #tpu.memory_space<vmem>>) offsets(%dma_start3A_185 : memref<125xi32, #tpu.memory_space<vmem>>) semaphore(%arg13 : memref<!tpu.dma_semaphore, #tpu.memory_space<semaphore_mem>>)
      } else {
      }
    }
    %scan3A_34 = arith.constant 10 : i32
    %dma_wait3A = arith.constant 0 : i32
    %dma_wait3A_35 = tpu.memref_slice %arg4[%mul3A_2, %dma_wait3A] : memref<160000x32xf32, #tpu.memory_space<hbm>> -> memref<125x32xf32, #tpu.memory_space<hbm>>
    %dma_wait3A_36 = arith.constant 0 : i32
    %dma_wait3A_37 = tpu.memref_slice %arg4[%mul3A_2, %dma_wait3A_36] : memref<160000x32xf32, #tpu.memory_space<hbm>> -> memref<125x32xf32, #tpu.memory_space<hbm>>
    tpu.wait_dma2 semaphore(%arg14 : memref<!tpu.dma_semaphore, #tpu.memory_space<semaphore_mem>>) src(%arg6 : memref<125x32xf32, #tpu.memory_space<vmem>>) dst(%dma_wait3A_37 : memref<125x32xf32, #tpu.memory_space<hbm>>)
    %dma_wait3A_38 = arith.constant 0 : i32
    %dma_wait3A_39 = tpu.memref_slice %arg4[%mul3A_2, %dma_wait3A_38] : memref<160000x32xf32, #tpu.memory_space<hbm>> -> memref<125x32xf32, #tpu.memory_space<hbm>>
    %dma_wait3A_40 = arith.constant 0 : i32
    %dma_wait3A_41 = tpu.memref_slice %arg4[%mul3A_2, %dma_wait3A_40] : memref<160000x32xf32, #tpu.memory_space<hbm>> -> memref<125x32xf32, #tpu.memory_space<hbm>>
    tpu.wait_dma2 semaphore(%arg15 : memref<!tpu.dma_semaphore, #tpu.memory_space<semaphore_mem>>) src(%arg7 : memref<125x32xf32, #tpu.memory_space<vmem>>) dst(%dma_wait3A_41 : memref<125x32xf32, #tpu.memory_space<hbm>>)
    %dma_wait3A_42 = arith.constant 0 : i32
    %dma_wait3A_43 = tpu.memref_slice %arg4[%mul3A_2, %dma_wait3A_42] : memref<160000x32xf32, #tpu.memory_space<hbm>> -> memref<125x32xf32, #tpu.memory_space<hbm>>
    %dma_wait3A_44 = arith.constant 0 : i32
    %dma_wait3A_45 = tpu.memref_slice %arg4[%mul3A_2, %dma_wait3A_44] : memref<160000x32xf32, #tpu.memory_space<hbm>> -> memref<125x32xf32, #tpu.memory_space<hbm>>
    tpu.wait_dma2 semaphore(%arg16 : memref<!tpu.dma_semaphore, #tpu.memory_space<semaphore_mem>>) src(%arg8 : memref<125x32xf32, #tpu.memory_space<vmem>>) dst(%dma_wait3A_45 : memref<125x32xf32, #tpu.memory_space<hbm>>)
    %dma_wait3A_46 = arith.constant 0 : i32
    %dma_wait3A_47 = tpu.memref_slice %arg4[%mul3A_2, %dma_wait3A_46] : memref<160000x32xf32, #tpu.memory_space<hbm>> -> memref<125x32xf32, #tpu.memory_space<hbm>>
    %dma_wait3A_48 = arith.constant 0 : i32
    %dma_wait3A_49 = tpu.memref_slice %arg4[%mul3A_2, %dma_wait3A_48] : memref<160000x32xf32, #tpu.memory_space<hbm>> -> memref<125x32xf32, #tpu.memory_space<hbm>>
    tpu.wait_dma2 semaphore(%arg17 : memref<!tpu.dma_semaphore, #tpu.memory_space<semaphore_mem>>) src(%arg9 : memref<125x32xf32, #tpu.memory_space<vmem>>) dst(%dma_wait3A_49 : memref<125x32xf32, #tpu.memory_space<hbm>>)
    return
  }
}

#map = affine_map<(d0, d1) -> (0, 0)>
#map1 = affine_map<(d0, d1) -> (0, 0, 0)>
module attributes {stable_mosaic.version = 14 : i64} {
  func.func @_ks_body(%arg0: i32, %arg1: i32, %arg2: memref<160000x32xf32, #tpu.memory_space<hbm>>, %arg3: memref<32x40x125xi32, #tpu.memory_space<hbm>>, %arg4: memref<10000x32xf32, #tpu.memory_space<hbm>>, %arg5: memref<2x10000x32xf32, #tpu.memory_space<hbm>>, %arg6: memref<40x125xi32, #tpu.memory_space<vmem>>, %arg7: memref<125x32xf32, #tpu.memory_space<vmem>>, %arg8: memref<125x32xf32, #tpu.memory_space<vmem>>, %arg9: memref<125x32xf32, #tpu.memory_space<vmem>>, %arg10: memref<125x32xf32, #tpu.memory_space<vmem>>, %arg11: memref<!tpu.dma_semaphore, #tpu.memory_space<semaphore_mem>>, %arg12: memref<!tpu.dma_semaphore, #tpu.memory_space<semaphore_mem>>, %arg13: memref<!tpu.dma_semaphore, #tpu.memory_space<semaphore_mem>>, %arg14: memref<!tpu.dma_semaphore, #tpu.memory_space<semaphore_mem>>, %arg15: memref<!tpu.dma_semaphore, #tpu.memory_space<semaphore_mem>>, %arg16: memref<!tpu.dma_semaphore, #tpu.memory_space<semaphore_mem>>, %arg17: memref<!tpu.dma_semaphore, #tpu.memory_space<semaphore_mem>>, %arg18: memref<!tpu.dma_semaphore, #tpu.memory_space<semaphore_mem>>, %arg19: memref<10000x32xf32, #tpu.memory_space<vmem_shared>>) attributes {dimension_semantics = [#tpu.dimension_semantics<core_parallel>, #tpu.dimension_semantics<subcore_parallel>], iteration_bounds = array<i64: 2, 16>, scalar_prefetch = 0 : i64, scratch_operands = 14 : i64, tpu.core_type = #tpu.core_type<sc_vector_subcore>, window_params = [{transform_indices = #map}, {transform_indices = #map1}, {transform_indices = #map}, {transform_indices = #map1}]} {
    %mul3A = arith.constant 2 : i32
    %mul3A_0 = arith.muli %arg1, %mul3A : i32
    %add3A = arith.addi %mul3A_0, %arg0 : i32
    %mul3A_1 = arith.constant 5000 : i32
    %mul3A_2 = arith.muli %add3A, %mul3A_1 : i32
    %mul3A_3 = arith.constant 625 : i32
    %mul3A_4 = arith.muli %arg1, %mul3A_3 : i32
    %mul3A_5 = arith.constant 625 : i32
    %mul3A_6 = arith.muli %arg1, %mul3A_5 : i32
    "tpu.region"() ({
      %run_scoped3A = tpu.sem_alloc : memref<!tpu.dma_semaphore, #tpu.memory_space<semaphore_mem>>
      %dma_start3A_67 = arith.constant 0 : i32
      %dma_start3A_68 = tpu.memref_slice %arg19[%mul3A_6, %dma_start3A_67] : memref<10000x32xf32, #tpu.memory_space<vmem_shared>> -> memref<625x32xf32, #tpu.memory_space<vmem_shared>>
      %dma_start3A_69 = arith.constant 0 : i32
      %dma_start3A_70 = tpu.memref_slice %arg4[%mul3A_4, %dma_start3A_69] : memref<10000x32xf32, #tpu.memory_space<hbm>> -> memref<625x32xf32, #tpu.memory_space<hbm>>
      tpu.enqueue_dma source(%dma_start3A_70 : memref<625x32xf32, #tpu.memory_space<hbm>>) target(%dma_start3A_68 : memref<625x32xf32, #tpu.memory_space<vmem_shared>>) target_semaphore(%run_scoped3A : memref<!tpu.dma_semaphore, #tpu.memory_space<semaphore_mem>>)
      %dma_wait3A_71 = arith.constant 0 : i32
      %dma_wait3A_72 = tpu.memref_slice %arg19[%mul3A_6, %dma_wait3A_71] : memref<10000x32xf32, #tpu.memory_space<vmem_shared>> -> memref<625x32xf32, #tpu.memory_space<vmem_shared>>
      %dma_wait3A_73 = arith.constant 0 : i32
      %dma_wait3A_74 = tpu.memref_slice %arg4[%mul3A_4, %dma_wait3A_73] : memref<10000x32xf32, #tpu.memory_space<hbm>> -> memref<625x32xf32, #tpu.memory_space<hbm>>
      tpu.wait_dma2 semaphore(%run_scoped3A : memref<!tpu.dma_semaphore, #tpu.memory_space<semaphore_mem>>) src(%dma_wait3A_74 : memref<625x32xf32, #tpu.memory_space<hbm>>) dst(%dma_wait3A_72 : memref<625x32xf32, #tpu.memory_space<vmem_shared>>)
      tpu.yield
    }) : () -> ()
    "tpu.region"() ({
      %run_scoped3A = tpu.sem_alloc : memref<!tpu.dma_semaphore, #tpu.memory_space<semaphore_mem>>
      %dma_start3A_67 = arith.constant 0 : i32
      %dma_start3A_68 = arith.constant 0 : i32
      %dma_start3A_69 = tpu.memref_slice %arg3[%add3A, %dma_start3A_67, %dma_start3A_68] : memref<32x40x125xi32, #tpu.memory_space<hbm>> -> memref<1x40x125xi32, #tpu.memory_space<hbm>>
      %dma_start3A_70 = tpu.memref_squeeze %dma_start3A_69 : memref<1x40x125xi32, #tpu.memory_space<hbm>> -> memref<40x125xi32, #tpu.memory_space<hbm>>
      %dma_start3A_71 = arith.constant 0 : i32
      %dma_start3A_72 = arith.constant 0 : i32
      %dma_start3A_73 = tpu.memref_slice %arg3[%add3A, %dma_start3A_71, %dma_start3A_72] : memref<32x40x125xi32, #tpu.memory_space<hbm>> -> memref<1x40x125xi32, #tpu.memory_space<hbm>>
      %dma_start3A_74 = tpu.memref_squeeze %dma_start3A_73 : memref<1x40x125xi32, #tpu.memory_space<hbm>> -> memref<40x125xi32, #tpu.memory_space<hbm>>
      tpu.enqueue_dma source(%dma_start3A_74 : memref<40x125xi32, #tpu.memory_space<hbm>>) target(%arg6 : memref<40x125xi32, #tpu.memory_space<vmem>>) target_semaphore(%run_scoped3A : memref<!tpu.dma_semaphore, #tpu.memory_space<semaphore_mem>>)
      %dma_wait3A_75 = arith.constant 0 : i32
      %dma_wait3A_76 = arith.constant 0 : i32
      %dma_wait3A_77 = tpu.memref_slice %arg3[%add3A, %dma_wait3A_75, %dma_wait3A_76] : memref<32x40x125xi32, #tpu.memory_space<hbm>> -> memref<1x40x125xi32, #tpu.memory_space<hbm>>
      %dma_wait3A_78 = tpu.memref_squeeze %dma_wait3A_77 : memref<1x40x125xi32, #tpu.memory_space<hbm>> -> memref<40x125xi32, #tpu.memory_space<hbm>>
      %dma_wait3A_79 = arith.constant 0 : i32
      %dma_wait3A_80 = arith.constant 0 : i32
      %dma_wait3A_81 = tpu.memref_slice %arg3[%add3A, %dma_wait3A_79, %dma_wait3A_80] : memref<32x40x125xi32, #tpu.memory_space<hbm>> -> memref<1x40x125xi32, #tpu.memory_space<hbm>>
      %dma_wait3A_82 = tpu.memref_squeeze %dma_wait3A_81 : memref<1x40x125xi32, #tpu.memory_space<hbm>> -> memref<40x125xi32, #tpu.memory_space<hbm>>
      tpu.wait_dma2 semaphore(%run_scoped3A : memref<!tpu.dma_semaphore, #tpu.memory_space<semaphore_mem>>) src(%dma_wait3A_82 : memref<40x125xi32, #tpu.memory_space<hbm>>) dst(%arg6 : memref<40x125xi32, #tpu.memory_space<vmem>>)
      tpu.yield
    }) : () -> ()
    %barrier3A = arith.constant 0 : index
    tpu.barrier barrier_id(%barrier3A)
    %add3A_7 = arith.constant 0 : i32
    %add3A_8 = arith.addi %mul3A_2, %add3A_7 : i32
    %dma_start3A = arith.constant 0 : i32
    %dma_start3A_9 = tpu.memref_slice %arg2[%add3A_8, %dma_start3A] : memref<160000x32xf32, #tpu.memory_space<hbm>> -> memref<125x32xf32, #tpu.memory_space<hbm>>
    %dma_start3A_10 = arith.constant 0 : i32
    %dma_start3A_11 = tpu.memref_slice %arg2[%add3A_8, %dma_start3A_10] : memref<160000x32xf32, #tpu.memory_space<hbm>> -> memref<125x32xf32, #tpu.memory_space<hbm>>
    tpu.enqueue_dma source(%dma_start3A_11 : memref<125x32xf32, #tpu.memory_space<hbm>>) target(%arg7 : memref<125x32xf32, #tpu.memory_space<vmem>>) target_semaphore(%arg11 : memref<!tpu.dma_semaphore, #tpu.memory_space<semaphore_mem>>)
    %add3A_12 = arith.constant 125 : i32
    %add3A_13 = arith.addi %mul3A_2, %add3A_12 : i32
    %dma_start3A_14 = arith.constant 0 : i32
    %dma_start3A_15 = tpu.memref_slice %arg2[%add3A_13, %dma_start3A_14] : memref<160000x32xf32, #tpu.memory_space<hbm>> -> memref<125x32xf32, #tpu.memory_space<hbm>>
    %dma_start3A_16 = arith.constant 0 : i32
    %dma_start3A_17 = tpu.memref_slice %arg2[%add3A_13, %dma_start3A_16] : memref<160000x32xf32, #tpu.memory_space<hbm>> -> memref<125x32xf32, #tpu.memory_space<hbm>>
    tpu.enqueue_dma source(%dma_start3A_17 : memref<125x32xf32, #tpu.memory_space<hbm>>) target(%arg8 : memref<125x32xf32, #tpu.memory_space<vmem>>) target_semaphore(%arg12 : memref<!tpu.dma_semaphore, #tpu.memory_space<semaphore_mem>>)
    %add3A_18 = arith.constant 250 : i32
    %add3A_19 = arith.addi %mul3A_2, %add3A_18 : i32
    %dma_start3A_20 = arith.constant 0 : i32
    %dma_start3A_21 = tpu.memref_slice %arg2[%add3A_19, %dma_start3A_20] : memref<160000x32xf32, #tpu.memory_space<hbm>> -> memref<125x32xf32, #tpu.memory_space<hbm>>
    %dma_start3A_22 = arith.constant 0 : i32
    %dma_start3A_23 = tpu.memref_slice %arg2[%add3A_19, %dma_start3A_22] : memref<160000x32xf32, #tpu.memory_space<hbm>> -> memref<125x32xf32, #tpu.memory_space<hbm>>
    tpu.enqueue_dma source(%dma_start3A_23 : memref<125x32xf32, #tpu.memory_space<hbm>>) target(%arg9 : memref<125x32xf32, #tpu.memory_space<vmem>>) target_semaphore(%arg13 : memref<!tpu.dma_semaphore, #tpu.memory_space<semaphore_mem>>)
    %add3A_24 = arith.constant 375 : i32
    %add3A_25 = arith.addi %mul3A_2, %add3A_24 : i32
    %dma_start3A_26 = arith.constant 0 : i32
    %dma_start3A_27 = tpu.memref_slice %arg2[%add3A_25, %dma_start3A_26] : memref<160000x32xf32, #tpu.memory_space<hbm>> -> memref<125x32xf32, #tpu.memory_space<hbm>>
    %dma_start3A_28 = arith.constant 0 : i32
    %dma_start3A_29 = tpu.memref_slice %arg2[%add3A_25, %dma_start3A_28] : memref<160000x32xf32, #tpu.memory_space<hbm>> -> memref<125x32xf32, #tpu.memory_space<hbm>>
    tpu.enqueue_dma source(%dma_start3A_29 : memref<125x32xf32, #tpu.memory_space<hbm>>) target(%arg10 : memref<125x32xf32, #tpu.memory_space<vmem>>) target_semaphore(%arg14 : memref<!tpu.dma_semaphore, #tpu.memory_space<semaphore_mem>>)
    %scan3A = arith.constant 0 : i32
    %scan3A_30 = arith.constant 0 : i32
    %scan3A_31 = arith.constant 10 : i32
    %scan3A_32 = arith.addi %scan3A_30, %scan3A_31 : i32
    %scan3A_33 = arith.constant 1 : i32
    scf.for %scan3A_67 = %scan3A_30 to %scan3A_32 step %scan3A_33  : i32 {
      %dma_wait3A_68 = arith.constant 0 : i32
      %dma_wait3A_69 = tpu.memref_slice %arg2[%mul3A_2, %dma_wait3A_68] : memref<160000x32xf32, #tpu.memory_space<hbm>> -> memref<125x32xf32, #tpu.memory_space<hbm>>
      %dma_wait3A_70 = arith.constant 0 : i32
      %dma_wait3A_71 = tpu.memref_slice %arg2[%mul3A_2, %dma_wait3A_70] : memref<160000x32xf32, #tpu.memory_space<hbm>> -> memref<125x32xf32, #tpu.memory_space<hbm>>
      tpu.wait_dma2 semaphore(%arg11 : memref<!tpu.dma_semaphore, #tpu.memory_space<semaphore_mem>>) src(%dma_wait3A_71 : memref<125x32xf32, #tpu.memory_space<hbm>>) dst(%arg7 : memref<125x32xf32, #tpu.memory_space<vmem>>)
      %mul3A_72 = arith.constant 4 : i32
      %mul3A_73 = arith.muli %scan3A_67, %mul3A_72 : i32
      %add3A_74 = arith.constant 0 : i32
      %add3A_75 = arith.addi %mul3A_73, %add3A_74 : i32
      %dma_start3A_76 = arith.constant 0 : i32
      %dma_start3A_77 = tpu.memref_slice %arg6[%add3A_75, %dma_start3A_76] : memref<40x125xi32, #tpu.memory_space<vmem>> -> memref<1x125xi32, #tpu.memory_space<vmem>>
      %dma_start3A_78 = tpu.memref_squeeze %dma_start3A_77 : memref<1x125xi32, #tpu.memory_space<vmem>> -> memref<125xi32, #tpu.memory_space<vmem>>
      %dma_start3A_79 = arith.constant 0 : i32
      %dma_start3A_80 = arith.constant 0 : i32
      %dma_start3A_81 = tpu.memref_slice %arg19[%dma_start3A_79, %dma_start3A_80] : memref<10000x32xf32, #tpu.memory_space<vmem_shared>> -> memref<10000x32xf32, #tpu.memory_space<vmem_shared>>
      tpu.enqueue_indirect_dma source(%arg7 : memref<125x32xf32, #tpu.memory_space<vmem>>) target(%dma_start3A_81 : memref<10000x32xf32, #tpu.memory_space<vmem_shared>>) offsets(%dma_start3A_78 : memref<125xi32, #tpu.memory_space<vmem>>) semaphore(%arg15 : memref<!tpu.dma_semaphore, #tpu.memory_space<semaphore_mem>>) {add = true}
      %dma_wait3A_82 = arith.constant 0 : i32
      %dma_wait3A_83 = tpu.memref_slice %arg2[%mul3A_2, %dma_wait3A_82] : memref<160000x32xf32, #tpu.memory_space<hbm>> -> memref<125x32xf32, #tpu.memory_space<hbm>>
      %dma_wait3A_84 = arith.constant 0 : i32
      %dma_wait3A_85 = tpu.memref_slice %arg2[%mul3A_2, %dma_wait3A_84] : memref<160000x32xf32, #tpu.memory_space<hbm>> -> memref<125x32xf32, #tpu.memory_space<hbm>>
      tpu.wait_dma2 semaphore(%arg12 : memref<!tpu.dma_semaphore, #tpu.memory_space<semaphore_mem>>) src(%dma_wait3A_85 : memref<125x32xf32, #tpu.memory_space<hbm>>) dst(%arg8 : memref<125x32xf32, #tpu.memory_space<vmem>>)
      %mul3A_86 = arith.constant 4 : i32
      %mul3A_87 = arith.muli %scan3A_67, %mul3A_86 : i32
      %add3A_88 = arith.constant 1 : i32
      %add3A_89 = arith.addi %mul3A_87, %add3A_88 : i32
      %dma_start3A_90 = arith.constant 0 : i32
      %dma_start3A_91 = tpu.memref_slice %arg6[%add3A_89, %dma_start3A_90] : memref<40x125xi32, #tpu.memory_space<vmem>> -> memref<1x125xi32, #tpu.memory_space<vmem>>
      %dma_start3A_92 = tpu.memref_squeeze %dma_start3A_91 : memref<1x125xi32, #tpu.memory_space<vmem>> -> memref<125xi32, #tpu.memory_space<vmem>>
      %dma_start3A_93 = arith.constant 0 : i32
      %dma_start3A_94 = arith.constant 0 : i32
      %dma_start3A_95 = tpu.memref_slice %arg19[%dma_start3A_93, %dma_start3A_94] : memref<10000x32xf32, #tpu.memory_space<vmem_shared>> -> memref<10000x32xf32, #tpu.memory_space<vmem_shared>>
      tpu.enqueue_indirect_dma source(%arg8 : memref<125x32xf32, #tpu.memory_space<vmem>>) target(%dma_start3A_95 : memref<10000x32xf32, #tpu.memory_space<vmem_shared>>) offsets(%dma_start3A_92 : memref<125xi32, #tpu.memory_space<vmem>>) semaphore(%arg16 : memref<!tpu.dma_semaphore, #tpu.memory_space<semaphore_mem>>) {add = true}
      %dma_wait3A_96 = arith.constant 0 : i32
      %dma_wait3A_97 = tpu.memref_slice %arg2[%mul3A_2, %dma_wait3A_96] : memref<160000x32xf32, #tpu.memory_space<hbm>> -> memref<125x32xf32, #tpu.memory_space<hbm>>
      %dma_wait3A_98 = arith.constant 0 : i32
      %dma_wait3A_99 = tpu.memref_slice %arg2[%mul3A_2, %dma_wait3A_98] : memref<160000x32xf32, #tpu.memory_space<hbm>> -> memref<125x32xf32, #tpu.memory_space<hbm>>
      tpu.wait_dma2 semaphore(%arg13 : memref<!tpu.dma_semaphore, #tpu.memory_space<semaphore_mem>>) src(%dma_wait3A_99 : memref<125x32xf32, #tpu.memory_space<hbm>>) dst(%arg9 : memref<125x32xf32, #tpu.memory_space<vmem>>)
      %mul3A_100 = arith.constant 4 : i32
      %mul3A_101 = arith.muli %scan3A_67, %mul3A_100 : i32
      %add3A_102 = arith.constant 2 : i32
      %add3A_103 = arith.addi %mul3A_101, %add3A_102 : i32
      %dma_start3A_104 = arith.constant 0 : i32
      %dma_start3A_105 = tpu.memref_slice %arg6[%add3A_103, %dma_start3A_104] : memref<40x125xi32, #tpu.memory_space<vmem>> -> memref<1x125xi32, #tpu.memory_space<vmem>>
      %dma_start3A_106 = tpu.memref_squeeze %dma_start3A_105 : memref<1x125xi32, #tpu.memory_space<vmem>> -> memref<125xi32, #tpu.memory_space<vmem>>
      %dma_start3A_107 = arith.constant 0 : i32
      %dma_start3A_108 = arith.constant 0 : i32
      %dma_start3A_109 = tpu.memref_slice %arg19[%dma_start3A_107, %dma_start3A_108] : memref<10000x32xf32, #tpu.memory_space<vmem_shared>> -> memref<10000x32xf32, #tpu.memory_space<vmem_shared>>
      tpu.enqueue_indirect_dma source(%arg9 : memref<125x32xf32, #tpu.memory_space<vmem>>) target(%dma_start3A_109 : memref<10000x32xf32, #tpu.memory_space<vmem_shared>>) offsets(%dma_start3A_106 : memref<125xi32, #tpu.memory_space<vmem>>) semaphore(%arg17 : memref<!tpu.dma_semaphore, #tpu.memory_space<semaphore_mem>>) {add = true}
      %dma_wait3A_110 = arith.constant 0 : i32
      %dma_wait3A_111 = tpu.memref_slice %arg2[%mul3A_2, %dma_wait3A_110] : memref<160000x32xf32, #tpu.memory_space<hbm>> -> memref<125x32xf32, #tpu.memory_space<hbm>>
      %dma_wait3A_112 = arith.constant 0 : i32
      %dma_wait3A_113 = tpu.memref_slice %arg2[%mul3A_2, %dma_wait3A_112] : memref<160000x32xf32, #tpu.memory_space<hbm>> -> memref<125x32xf32, #tpu.memory_space<hbm>>
      tpu.wait_dma2 semaphore(%arg14 : memref<!tpu.dma_semaphore, #tpu.memory_space<semaphore_mem>>) src(%dma_wait3A_113 : memref<125x32xf32, #tpu.memory_space<hbm>>) dst(%arg10 : memref<125x32xf32, #tpu.memory_space<vmem>>)
      %mul3A_114 = arith.constant 4 : i32
      %mul3A_115 = arith.muli %scan3A_67, %mul3A_114 : i32
      %add3A_116 = arith.constant 3 : i32
      %add3A_117 = arith.addi %mul3A_115, %add3A_116 : i32
      %dma_start3A_118 = arith.constant 0 : i32
      %dma_start3A_119 = tpu.memref_slice %arg6[%add3A_117, %dma_start3A_118] : memref<40x125xi32, #tpu.memory_space<vmem>> -> memref<1x125xi32, #tpu.memory_space<vmem>>
      %dma_start3A_120 = tpu.memref_squeeze %dma_start3A_119 : memref<1x125xi32, #tpu.memory_space<vmem>> -> memref<125xi32, #tpu.memory_space<vmem>>
      %dma_start3A_121 = arith.constant 0 : i32
      %dma_start3A_122 = arith.constant 0 : i32
      %dma_start3A_123 = tpu.memref_slice %arg19[%dma_start3A_121, %dma_start3A_122] : memref<10000x32xf32, #tpu.memory_space<vmem_shared>> -> memref<10000x32xf32, #tpu.memory_space<vmem_shared>>
      tpu.enqueue_indirect_dma source(%arg10 : memref<125x32xf32, #tpu.memory_space<vmem>>) target(%dma_start3A_123 : memref<10000x32xf32, #tpu.memory_space<vmem_shared>>) offsets(%dma_start3A_120 : memref<125xi32, #tpu.memory_space<vmem>>) semaphore(%arg18 : memref<!tpu.dma_semaphore, #tpu.memory_space<semaphore_mem>>) {add = true}
      %lt3A = arith.constant 9 : i32
      %lt3A_124 = arith.cmpi slt, %scan3A_67, %lt3A : i32
      %convert_element_type3A = arith.extui %lt3A_124 : i1 to i32
      %cond3A = arith.constant 0 : i32
      %cond3A_125 = arith.cmpi ne, %convert_element_type3A, %cond3A : i32
      scf.if %cond3A_125 {
        %dma_wait3A_126 = arith.constant 0 : i32
        %dma_wait3A_127 = arith.constant 0 : i32
        %dma_wait3A_128 = tpu.memref_slice %arg6[%dma_wait3A_126, %dma_wait3A_127] : memref<40x125xi32, #tpu.memory_space<vmem>> -> memref<1x125xi32, #tpu.memory_space<vmem>>
        %dma_wait3A_129 = tpu.memref_squeeze %dma_wait3A_128 : memref<1x125xi32, #tpu.memory_space<vmem>> -> memref<125xi32, #tpu.memory_space<vmem>>
        %dma_wait3A_130 = arith.constant 0 : i32
        %dma_wait3A_131 = arith.constant 0 : i32
        %dma_wait3A_132 = tpu.memref_slice %arg19[%dma_wait3A_130, %dma_wait3A_131] : memref<10000x32xf32, #tpu.memory_space<vmem_shared>> -> memref<10000x32xf32, #tpu.memory_space<vmem_shared>>
        tpu.wait_indirect_dma semaphore(%arg15 : memref<!tpu.dma_semaphore, #tpu.memory_space<semaphore_mem>>) src(%arg7 : memref<125x32xf32, #tpu.memory_space<vmem>>) dst(%dma_wait3A_132 : memref<10000x32xf32, #tpu.memory_space<vmem_shared>>)
        %add3A_133 = arith.constant 1 : i32
        %add3A_134 = arith.addi %scan3A_67, %add3A_133 : i32
        %mul3A_135 = arith.constant 4 : i32
        %mul3A_136 = arith.muli %add3A_134, %mul3A_135 : i32
        %add3A_137 = arith.constant 0 : i32
        %add3A_138 = arith.addi %mul3A_136, %add3A_137 : i32
        %mul3A_139 = arith.constant 125 : i32
        %mul3A_140 = arith.muli %add3A_138, %mul3A_139 : i32
        %add3A_141 = arith.addi %mul3A_2, %mul3A_140 : i32
        %dma_start3A_142 = arith.constant 0 : i32
        %dma_start3A_143 = tpu.memref_slice %arg2[%add3A_141, %dma_start3A_142] : memref<160000x32xf32, #tpu.memory_space<hbm>> -> memref<125x32xf32, #tpu.memory_space<hbm>>
        %dma_start3A_144 = arith.constant 0 : i32
        %dma_start3A_145 = tpu.memref_slice %arg2[%add3A_141, %dma_start3A_144] : memref<160000x32xf32, #tpu.memory_space<hbm>> -> memref<125x32xf32, #tpu.memory_space<hbm>>
        tpu.enqueue_dma source(%dma_start3A_145 : memref<125x32xf32, #tpu.memory_space<hbm>>) target(%arg7 : memref<125x32xf32, #tpu.memory_space<vmem>>) target_semaphore(%arg11 : memref<!tpu.dma_semaphore, #tpu.memory_space<semaphore_mem>>)
        %dma_wait3A_146 = arith.constant 0 : i32
        %dma_wait3A_147 = arith.constant 0 : i32
        %dma_wait3A_148 = tpu.memref_slice %arg6[%dma_wait3A_146, %dma_wait3A_147] : memref<40x125xi32, #tpu.memory_space<vmem>> -> memref<1x125xi32, #tpu.memory_space<vmem>>
        %dma_wait3A_149 = tpu.memref_squeeze %dma_wait3A_148 : memref<1x125xi32, #tpu.memory_space<vmem>> -> memref<125xi32, #tpu.memory_space<vmem>>
        %dma_wait3A_150 = arith.constant 0 : i32
        %dma_wait3A_151 = arith.constant 0 : i32
        %dma_wait3A_152 = tpu.memref_slice %arg19[%dma_wait3A_150, %dma_wait3A_151] : memref<10000x32xf32, #tpu.memory_space<vmem_shared>> -> memref<10000x32xf32, #tpu.memory_space<vmem_shared>>
        tpu.wait_indirect_dma semaphore(%arg16 : memref<!tpu.dma_semaphore, #tpu.memory_space<semaphore_mem>>) src(%arg8 : memref<125x32xf32, #tpu.memory_space<vmem>>) dst(%dma_wait3A_152 : memref<10000x32xf32, #tpu.memory_space<vmem_shared>>)
        %add3A_153 = arith.constant 1 : i32
        %add3A_154 = arith.addi %scan3A_67, %add3A_153 : i32
        %mul3A_155 = arith.constant 4 : i32
        %mul3A_156 = arith.muli %add3A_154, %mul3A_155 : i32
        %add3A_157 = arith.constant 1 : i32
        %add3A_158 = arith.addi %mul3A_156, %add3A_157 : i32
        %mul3A_159 = arith.constant 125 : i32
        %mul3A_160 = arith.muli %add3A_158, %mul3A_159 : i32
        %add3A_161 = arith.addi %mul3A_2, %mul3A_160 : i32
        %dma_start3A_162 = arith.constant 0 : i32
        %dma_start3A_163 = tpu.memref_slice %arg2[%add3A_161, %dma_start3A_162] : memref<160000x32xf32, #tpu.memory_space<hbm>> -> memref<125x32xf32, #tpu.memory_space<hbm>>
        %dma_start3A_164 = arith.constant 0 : i32
        %dma_start3A_165 = tpu.memref_slice %arg2[%add3A_161, %dma_start3A_164] : memref<160000x32xf32, #tpu.memory_space<hbm>> -> memref<125x32xf32, #tpu.memory_space<hbm>>
        tpu.enqueue_dma source(%dma_start3A_165 : memref<125x32xf32, #tpu.memory_space<hbm>>) target(%arg8 : memref<125x32xf32, #tpu.memory_space<vmem>>) target_semaphore(%arg12 : memref<!tpu.dma_semaphore, #tpu.memory_space<semaphore_mem>>)
        %dma_wait3A_166 = arith.constant 0 : i32
        %dma_wait3A_167 = arith.constant 0 : i32
        %dma_wait3A_168 = tpu.memref_slice %arg6[%dma_wait3A_166, %dma_wait3A_167] : memref<40x125xi32, #tpu.memory_space<vmem>> -> memref<1x125xi32, #tpu.memory_space<vmem>>
        %dma_wait3A_169 = tpu.memref_squeeze %dma_wait3A_168 : memref<1x125xi32, #tpu.memory_space<vmem>> -> memref<125xi32, #tpu.memory_space<vmem>>
        %dma_wait3A_170 = arith.constant 0 : i32
        %dma_wait3A_171 = arith.constant 0 : i32
        %dma_wait3A_172 = tpu.memref_slice %arg19[%dma_wait3A_170, %dma_wait3A_171] : memref<10000x32xf32, #tpu.memory_space<vmem_shared>> -> memref<10000x32xf32, #tpu.memory_space<vmem_shared>>
        tpu.wait_indirect_dma semaphore(%arg17 : memref<!tpu.dma_semaphore, #tpu.memory_space<semaphore_mem>>) src(%arg9 : memref<125x32xf32, #tpu.memory_space<vmem>>) dst(%dma_wait3A_172 : memref<10000x32xf32, #tpu.memory_space<vmem_shared>>)
        %add3A_173 = arith.constant 1 : i32
        %add3A_174 = arith.addi %scan3A_67, %add3A_173 : i32
        %mul3A_175 = arith.constant 4 : i32
        %mul3A_176 = arith.muli %add3A_174, %mul3A_175 : i32
        %add3A_177 = arith.constant 2 : i32
        %add3A_178 = arith.addi %mul3A_176, %add3A_177 : i32
        %mul3A_179 = arith.constant 125 : i32
        %mul3A_180 = arith.muli %add3A_178, %mul3A_179 : i32
        %add3A_181 = arith.addi %mul3A_2, %mul3A_180 : i32
        %dma_start3A_182 = arith.constant 0 : i32
        %dma_start3A_183 = tpu.memref_slice %arg2[%add3A_181, %dma_start3A_182] : memref<160000x32xf32, #tpu.memory_space<hbm>> -> memref<125x32xf32, #tpu.memory_space<hbm>>
        %dma_start3A_184 = arith.constant 0 : i32
        %dma_start3A_185 = tpu.memref_slice %arg2[%add3A_181, %dma_start3A_184] : memref<160000x32xf32, #tpu.memory_space<hbm>> -> memref<125x32xf32, #tpu.memory_space<hbm>>
        tpu.enqueue_dma source(%dma_start3A_185 : memref<125x32xf32, #tpu.memory_space<hbm>>) target(%arg9 : memref<125x32xf32, #tpu.memory_space<vmem>>) target_semaphore(%arg13 : memref<!tpu.dma_semaphore, #tpu.memory_space<semaphore_mem>>)
        %dma_wait3A_186 = arith.constant 0 : i32
        %dma_wait3A_187 = arith.constant 0 : i32
        %dma_wait3A_188 = tpu.memref_slice %arg6[%dma_wait3A_186, %dma_wait3A_187] : memref<40x125xi32, #tpu.memory_space<vmem>> -> memref<1x125xi32, #tpu.memory_space<vmem>>
        %dma_wait3A_189 = tpu.memref_squeeze %dma_wait3A_188 : memref<1x125xi32, #tpu.memory_space<vmem>> -> memref<125xi32, #tpu.memory_space<vmem>>
        %dma_wait3A_190 = arith.constant 0 : i32
        %dma_wait3A_191 = arith.constant 0 : i32
        %dma_wait3A_192 = tpu.memref_slice %arg19[%dma_wait3A_190, %dma_wait3A_191] : memref<10000x32xf32, #tpu.memory_space<vmem_shared>> -> memref<10000x32xf32, #tpu.memory_space<vmem_shared>>
        tpu.wait_indirect_dma semaphore(%arg18 : memref<!tpu.dma_semaphore, #tpu.memory_space<semaphore_mem>>) src(%arg10 : memref<125x32xf32, #tpu.memory_space<vmem>>) dst(%dma_wait3A_192 : memref<10000x32xf32, #tpu.memory_space<vmem_shared>>)
        %add3A_193 = arith.constant 1 : i32
        %add3A_194 = arith.addi %scan3A_67, %add3A_193 : i32
        %mul3A_195 = arith.constant 4 : i32
        %mul3A_196 = arith.muli %add3A_194, %mul3A_195 : i32
        %add3A_197 = arith.constant 3 : i32
        %add3A_198 = arith.addi %mul3A_196, %add3A_197 : i32
        %mul3A_199 = arith.constant 125 : i32
        %mul3A_200 = arith.muli %add3A_198, %mul3A_199 : i32
        %add3A_201 = arith.addi %mul3A_2, %mul3A_200 : i32
        %dma_start3A_202 = arith.constant 0 : i32
        %dma_start3A_203 = tpu.memref_slice %arg2[%add3A_201, %dma_start3A_202] : memref<160000x32xf32, #tpu.memory_space<hbm>> -> memref<125x32xf32, #tpu.memory_space<hbm>>
        %dma_start3A_204 = arith.constant 0 : i32
        %dma_start3A_205 = tpu.memref_slice %arg2[%add3A_201, %dma_start3A_204] : memref<160000x32xf32, #tpu.memory_space<hbm>> -> memref<125x32xf32, #tpu.memory_space<hbm>>
        tpu.enqueue_dma source(%dma_start3A_205 : memref<125x32xf32, #tpu.memory_space<hbm>>) target(%arg10 : memref<125x32xf32, #tpu.memory_space<vmem>>) target_semaphore(%arg14 : memref<!tpu.dma_semaphore, #tpu.memory_space<semaphore_mem>>)
      } else {
      }
    }
    %scan3A_34 = arith.constant 10 : i32
    %dma_wait3A = arith.constant 0 : i32
    %dma_wait3A_35 = arith.constant 0 : i32
    %dma_wait3A_36 = tpu.memref_slice %arg6[%dma_wait3A, %dma_wait3A_35] : memref<40x125xi32, #tpu.memory_space<vmem>> -> memref<1x125xi32, #tpu.memory_space<vmem>>
    %dma_wait3A_37 = tpu.memref_squeeze %dma_wait3A_36 : memref<1x125xi32, #tpu.memory_space<vmem>> -> memref<125xi32, #tpu.memory_space<vmem>>
    %dma_wait3A_38 = arith.constant 0 : i32
    %dma_wait3A_39 = arith.constant 0 : i32
    %dma_wait3A_40 = tpu.memref_slice %arg19[%dma_wait3A_38, %dma_wait3A_39] : memref<10000x32xf32, #tpu.memory_space<vmem_shared>> -> memref<10000x32xf32, #tpu.memory_space<vmem_shared>>
    tpu.wait_indirect_dma semaphore(%arg15 : memref<!tpu.dma_semaphore, #tpu.memory_space<semaphore_mem>>) src(%arg7 : memref<125x32xf32, #tpu.memory_space<vmem>>) dst(%dma_wait3A_40 : memref<10000x32xf32, #tpu.memory_space<vmem_shared>>)
    %dma_wait3A_41 = arith.constant 0 : i32
    %dma_wait3A_42 = arith.constant 0 : i32
    %dma_wait3A_43 = tpu.memref_slice %arg6[%dma_wait3A_41, %dma_wait3A_42] : memref<40x125xi32, #tpu.memory_space<vmem>> -> memref<1x125xi32, #tpu.memory_space<vmem>>
    %dma_wait3A_44 = tpu.memref_squeeze %dma_wait3A_43 : memref<1x125xi32, #tpu.memory_space<vmem>> -> memref<125xi32, #tpu.memory_space<vmem>>
    %dma_wait3A_45 = arith.constant 0 : i32
    %dma_wait3A_46 = arith.constant 0 : i32
    %dma_wait3A_47 = tpu.memref_slice %arg19[%dma_wait3A_45, %dma_wait3A_46] : memref<10000x32xf32, #tpu.memory_space<vmem_shared>> -> memref<10000x32xf32, #tpu.memory_space<vmem_shared>>
    tpu.wait_indirect_dma semaphore(%arg16 : memref<!tpu.dma_semaphore, #tpu.memory_space<semaphore_mem>>) src(%arg8 : memref<125x32xf32, #tpu.memory_space<vmem>>) dst(%dma_wait3A_47 : memref<10000x32xf32, #tpu.memory_space<vmem_shared>>)
    %dma_wait3A_48 = arith.constant 0 : i32
    %dma_wait3A_49 = arith.constant 0 : i32
    %dma_wait3A_50 = tpu.memref_slice %arg6[%dma_wait3A_48, %dma_wait3A_49] : memref<40x125xi32, #tpu.memory_space<vmem>> -> memref<1x125xi32, #tpu.memory_space<vmem>>
    %dma_wait3A_51 = tpu.memref_squeeze %dma_wait3A_50 : memref<1x125xi32, #tpu.memory_space<vmem>> -> memref<125xi32, #tpu.memory_space<vmem>>
    %dma_wait3A_52 = arith.constant 0 : i32
    %dma_wait3A_53 = arith.constant 0 : i32
    %dma_wait3A_54 = tpu.memref_slice %arg19[%dma_wait3A_52, %dma_wait3A_53] : memref<10000x32xf32, #tpu.memory_space<vmem_shared>> -> memref<10000x32xf32, #tpu.memory_space<vmem_shared>>
    tpu.wait_indirect_dma semaphore(%arg17 : memref<!tpu.dma_semaphore, #tpu.memory_space<semaphore_mem>>) src(%arg9 : memref<125x32xf32, #tpu.memory_space<vmem>>) dst(%dma_wait3A_54 : memref<10000x32xf32, #tpu.memory_space<vmem_shared>>)
    %dma_wait3A_55 = arith.constant 0 : i32
    %dma_wait3A_56 = arith.constant 0 : i32
    %dma_wait3A_57 = tpu.memref_slice %arg6[%dma_wait3A_55, %dma_wait3A_56] : memref<40x125xi32, #tpu.memory_space<vmem>> -> memref<1x125xi32, #tpu.memory_space<vmem>>
    %dma_wait3A_58 = tpu.memref_squeeze %dma_wait3A_57 : memref<1x125xi32, #tpu.memory_space<vmem>> -> memref<125xi32, #tpu.memory_space<vmem>>
    %dma_wait3A_59 = arith.constant 0 : i32
    %dma_wait3A_60 = arith.constant 0 : i32
    %dma_wait3A_61 = tpu.memref_slice %arg19[%dma_wait3A_59, %dma_wait3A_60] : memref<10000x32xf32, #tpu.memory_space<vmem_shared>> -> memref<10000x32xf32, #tpu.memory_space<vmem_shared>>
    tpu.wait_indirect_dma semaphore(%arg18 : memref<!tpu.dma_semaphore, #tpu.memory_space<semaphore_mem>>) src(%arg10 : memref<125x32xf32, #tpu.memory_space<vmem>>) dst(%dma_wait3A_61 : memref<10000x32xf32, #tpu.memory_space<vmem_shared>>)
    %barrier3A_62 = arith.constant 0 : index
    tpu.barrier barrier_id(%barrier3A_62)
    %mul3A_63 = arith.constant 625 : i32
    %mul3A_64 = arith.muli %arg1, %mul3A_63 : i32
    %mul3A_65 = arith.constant 625 : i32
    %mul3A_66 = arith.muli %arg1, %mul3A_65 : i32
    "tpu.region"() ({
      %run_scoped3A = tpu.sem_alloc : memref<!tpu.dma_semaphore, #tpu.memory_space<semaphore_mem>>
      %dma_start3A_67 = arith.constant 0 : i32
      %dma_start3A_68 = tpu.memref_slice %arg5[%arg0, %mul3A_66, %dma_start3A_67] : memref<2x10000x32xf32, #tpu.memory_space<hbm>> -> memref<1x625x32xf32, #tpu.memory_space<hbm>>
      %dma_start3A_69 = tpu.memref_squeeze %dma_start3A_68 : memref<1x625x32xf32, #tpu.memory_space<hbm>> -> memref<625x32xf32, #tpu.memory_space<hbm>>
      %dma_start3A_70 = arith.constant 0 : i32
      %dma_start3A_71 = tpu.memref_slice %arg19[%mul3A_64, %dma_start3A_70] : memref<10000x32xf32, #tpu.memory_space<vmem_shared>> -> memref<625x32xf32, #tpu.memory_space<vmem_shared>>
      tpu.enqueue_dma source(%dma_start3A_71 : memref<625x32xf32, #tpu.memory_space<vmem_shared>>) target(%dma_start3A_69 : memref<625x32xf32, #tpu.memory_space<hbm>>) target_semaphore(%run_scoped3A : memref<!tpu.dma_semaphore, #tpu.memory_space<semaphore_mem>>)
      %dma_wait3A_72 = arith.constant 0 : i32
      %dma_wait3A_73 = tpu.memref_slice %arg5[%arg0, %mul3A_66, %dma_wait3A_72] : memref<2x10000x32xf32, #tpu.memory_space<hbm>> -> memref<1x625x32xf32, #tpu.memory_space<hbm>>
      %dma_wait3A_74 = tpu.memref_squeeze %dma_wait3A_73 : memref<1x625x32xf32, #tpu.memory_space<hbm>> -> memref<625x32xf32, #tpu.memory_space<hbm>>
      %dma_wait3A_75 = arith.constant 0 : i32
      %dma_wait3A_76 = tpu.memref_slice %arg19[%mul3A_64, %dma_wait3A_75] : memref<10000x32xf32, #tpu.memory_space<vmem_shared>> -> memref<625x32xf32, #tpu.memory_space<vmem_shared>>
      tpu.wait_dma2 semaphore(%run_scoped3A : memref<!tpu.dma_semaphore, #tpu.memory_space<semaphore_mem>>) src(%dma_wait3A_76 : memref<625x32xf32, #tpu.memory_space<vmem_shared>>) dst(%dma_wait3A_74 : memref<625x32xf32, #tpu.memory_space<hbm>>)
      tpu.yield
    }) : () -> ()
    return
  }
}

#map = affine_map<(d0, d1) -> (0, 0)>
#map1 = affine_map<(d0, d1) -> (0, 0, 0)>
module attributes {stable_mosaic.version = 14 : i64} {
  func.func @_ks_body(%arg0: i32, %arg1: i32, %arg2: memref<160000x32xf32, #tpu.memory_space<hbm>>, %arg3: memref<32x40x125xi32, #tpu.memory_space<hbm>>, %arg4: memref<10000x32xf32, #tpu.memory_space<hbm>>, %arg5: memref<2x10000x32xf32, #tpu.memory_space<hbm>>, %arg6: memref<40x125xi32, #tpu.memory_space<vmem>>, %arg7: memref<125x32xf32, #tpu.memory_space<vmem>>, %arg8: memref<125x32xf32, #tpu.memory_space<vmem>>, %arg9: memref<125x32xf32, #tpu.memory_space<vmem>>, %arg10: memref<125x32xf32, #tpu.memory_space<vmem>>, %arg11: memref<!tpu.dma_semaphore, #tpu.memory_space<semaphore_mem>>, %arg12: memref<!tpu.dma_semaphore, #tpu.memory_space<semaphore_mem>>, %arg13: memref<!tpu.dma_semaphore, #tpu.memory_space<semaphore_mem>>, %arg14: memref<!tpu.dma_semaphore, #tpu.memory_space<semaphore_mem>>, %arg15: memref<!tpu.dma_semaphore, #tpu.memory_space<semaphore_mem>>, %arg16: memref<!tpu.dma_semaphore, #tpu.memory_space<semaphore_mem>>, %arg17: memref<!tpu.dma_semaphore, #tpu.memory_space<semaphore_mem>>, %arg18: memref<!tpu.dma_semaphore, #tpu.memory_space<semaphore_mem>>, %arg19: memref<10000x32xf32, #tpu.memory_space<vmem_shared>>) attributes {dimension_semantics = [#tpu.dimension_semantics<core_parallel>, #tpu.dimension_semantics<subcore_parallel>], iteration_bounds = array<i64: 2, 16>, scalar_prefetch = 0 : i64, scratch_operands = 14 : i64, tpu.core_type = #tpu.core_type<sc_vector_subcore>, window_params = [{transform_indices = #map}, {transform_indices = #map1}, {transform_indices = #map}, {transform_indices = #map1}]} {
    %mul3A = arith.constant 2 : i32
    %mul3A_0 = arith.muli %arg1, %mul3A : i32
    %add3A = arith.addi %mul3A_0, %arg0 : i32
    %mul3A_1 = arith.constant 5000 : i32
    %mul3A_2 = arith.muli %add3A, %mul3A_1 : i32
    %mul3A_3 = arith.constant 625 : i32
    %mul3A_4 = arith.muli %arg1, %mul3A_3 : i32
    %mul3A_5 = arith.constant 625 : i32
    %mul3A_6 = arith.muli %arg1, %mul3A_5 : i32
    "tpu.region"() ({
      %run_scoped3A = tpu.sem_alloc : memref<!tpu.dma_semaphore, #tpu.memory_space<semaphore_mem>>
      %dma_start3A_67 = arith.constant 0 : i32
      %dma_start3A_68 = tpu.memref_slice %arg19[%mul3A_6, %dma_start3A_67] : memref<10000x32xf32, #tpu.memory_space<vmem_shared>> -> memref<625x32xf32, #tpu.memory_space<vmem_shared>>
      %dma_start3A_69 = arith.constant 0 : i32
      %dma_start3A_70 = tpu.memref_slice %arg4[%mul3A_4, %dma_start3A_69] : memref<10000x32xf32, #tpu.memory_space<hbm>> -> memref<625x32xf32, #tpu.memory_space<hbm>>
      tpu.enqueue_dma source(%dma_start3A_70 : memref<625x32xf32, #tpu.memory_space<hbm>>) target(%dma_start3A_68 : memref<625x32xf32, #tpu.memory_space<vmem_shared>>) target_semaphore(%run_scoped3A : memref<!tpu.dma_semaphore, #tpu.memory_space<semaphore_mem>>)
      %dma_wait3A_71 = arith.constant 0 : i32
      %dma_wait3A_72 = tpu.memref_slice %arg19[%mul3A_6, %dma_wait3A_71] : memref<10000x32xf32, #tpu.memory_space<vmem_shared>> -> memref<625x32xf32, #tpu.memory_space<vmem_shared>>
      %dma_wait3A_73 = arith.constant 0 : i32
      %dma_wait3A_74 = tpu.memref_slice %arg4[%mul3A_4, %dma_wait3A_73] : memref<10000x32xf32, #tpu.memory_space<hbm>> -> memref<625x32xf32, #tpu.memory_space<hbm>>
      tpu.wait_dma2 semaphore(%run_scoped3A : memref<!tpu.dma_semaphore, #tpu.memory_space<semaphore_mem>>) src(%dma_wait3A_74 : memref<625x32xf32, #tpu.memory_space<hbm>>) dst(%dma_wait3A_72 : memref<625x32xf32, #tpu.memory_space<vmem_shared>>)
      tpu.yield
    }) : () -> ()
    "tpu.region"() ({
      %run_scoped3A = tpu.sem_alloc : memref<!tpu.dma_semaphore, #tpu.memory_space<semaphore_mem>>
      %dma_start3A_67 = arith.constant 0 : i32
      %dma_start3A_68 = arith.constant 0 : i32
      %dma_start3A_69 = tpu.memref_slice %arg3[%add3A, %dma_start3A_67, %dma_start3A_68] : memref<32x40x125xi32, #tpu.memory_space<hbm>> -> memref<1x40x125xi32, #tpu.memory_space<hbm>>
      %dma_start3A_70 = tpu.memref_squeeze %dma_start3A_69 : memref<1x40x125xi32, #tpu.memory_space<hbm>> -> memref<40x125xi32, #tpu.memory_space<hbm>>
      %dma_start3A_71 = arith.constant 0 : i32
      %dma_start3A_72 = arith.constant 0 : i32
      %dma_start3A_73 = tpu.memref_slice %arg3[%add3A, %dma_start3A_71, %dma_start3A_72] : memref<32x40x125xi32, #tpu.memory_space<hbm>> -> memref<1x40x125xi32, #tpu.memory_space<hbm>>
      %dma_start3A_74 = tpu.memref_squeeze %dma_start3A_73 : memref<1x40x125xi32, #tpu.memory_space<hbm>> -> memref<40x125xi32, #tpu.memory_space<hbm>>
      tpu.enqueue_dma source(%dma_start3A_74 : memref<40x125xi32, #tpu.memory_space<hbm>>) target(%arg6 : memref<40x125xi32, #tpu.memory_space<vmem>>) target_semaphore(%run_scoped3A : memref<!tpu.dma_semaphore, #tpu.memory_space<semaphore_mem>>)
      %dma_wait3A_75 = arith.constant 0 : i32
      %dma_wait3A_76 = arith.constant 0 : i32
      %dma_wait3A_77 = tpu.memref_slice %arg3[%add3A, %dma_wait3A_75, %dma_wait3A_76] : memref<32x40x125xi32, #tpu.memory_space<hbm>> -> memref<1x40x125xi32, #tpu.memory_space<hbm>>
      %dma_wait3A_78 = tpu.memref_squeeze %dma_wait3A_77 : memref<1x40x125xi32, #tpu.memory_space<hbm>> -> memref<40x125xi32, #tpu.memory_space<hbm>>
      %dma_wait3A_79 = arith.constant 0 : i32
      %dma_wait3A_80 = arith.constant 0 : i32
      %dma_wait3A_81 = tpu.memref_slice %arg3[%add3A, %dma_wait3A_79, %dma_wait3A_80] : memref<32x40x125xi32, #tpu.memory_space<hbm>> -> memref<1x40x125xi32, #tpu.memory_space<hbm>>
      %dma_wait3A_82 = tpu.memref_squeeze %dma_wait3A_81 : memref<1x40x125xi32, #tpu.memory_space<hbm>> -> memref<40x125xi32, #tpu.memory_space<hbm>>
      tpu.wait_dma2 semaphore(%run_scoped3A : memref<!tpu.dma_semaphore, #tpu.memory_space<semaphore_mem>>) src(%dma_wait3A_82 : memref<40x125xi32, #tpu.memory_space<hbm>>) dst(%arg6 : memref<40x125xi32, #tpu.memory_space<vmem>>)
      tpu.yield
    }) : () -> ()
    %barrier3A = arith.constant 0 : index
    tpu.barrier barrier_id(%barrier3A)
    %add3A_7 = arith.constant 0 : i32
    %add3A_8 = arith.addi %mul3A_2, %add3A_7 : i32
    %dma_start3A = arith.constant 0 : i32
    %dma_start3A_9 = tpu.memref_slice %arg2[%add3A_8, %dma_start3A] : memref<160000x32xf32, #tpu.memory_space<hbm>> -> memref<125x32xf32, #tpu.memory_space<hbm>>
    %dma_start3A_10 = arith.constant 0 : i32
    %dma_start3A_11 = tpu.memref_slice %arg2[%add3A_8, %dma_start3A_10] : memref<160000x32xf32, #tpu.memory_space<hbm>> -> memref<125x32xf32, #tpu.memory_space<hbm>>
    tpu.enqueue_dma source(%dma_start3A_11 : memref<125x32xf32, #tpu.memory_space<hbm>>) target(%arg7 : memref<125x32xf32, #tpu.memory_space<vmem>>) target_semaphore(%arg11 : memref<!tpu.dma_semaphore, #tpu.memory_space<semaphore_mem>>)
    %add3A_12 = arith.constant 125 : i32
    %add3A_13 = arith.addi %mul3A_2, %add3A_12 : i32
    %dma_start3A_14 = arith.constant 0 : i32
    %dma_start3A_15 = tpu.memref_slice %arg2[%add3A_13, %dma_start3A_14] : memref<160000x32xf32, #tpu.memory_space<hbm>> -> memref<125x32xf32, #tpu.memory_space<hbm>>
    %dma_start3A_16 = arith.constant 0 : i32
    %dma_start3A_17 = tpu.memref_slice %arg2[%add3A_13, %dma_start3A_16] : memref<160000x32xf32, #tpu.memory_space<hbm>> -> memref<125x32xf32, #tpu.memory_space<hbm>>
    tpu.enqueue_dma source(%dma_start3A_17 : memref<125x32xf32, #tpu.memory_space<hbm>>) target(%arg8 : memref<125x32xf32, #tpu.memory_space<vmem>>) target_semaphore(%arg12 : memref<!tpu.dma_semaphore, #tpu.memory_space<semaphore_mem>>)
    %add3A_18 = arith.constant 250 : i32
    %add3A_19 = arith.addi %mul3A_2, %add3A_18 : i32
    %dma_start3A_20 = arith.constant 0 : i32
    %dma_start3A_21 = tpu.memref_slice %arg2[%add3A_19, %dma_start3A_20] : memref<160000x32xf32, #tpu.memory_space<hbm>> -> memref<125x32xf32, #tpu.memory_space<hbm>>
    %dma_start3A_22 = arith.constant 0 : i32
    %dma_start3A_23 = tpu.memref_slice %arg2[%add3A_19, %dma_start3A_22] : memref<160000x32xf32, #tpu.memory_space<hbm>> -> memref<125x32xf32, #tpu.memory_space<hbm>>
    tpu.enqueue_dma source(%dma_start3A_23 : memref<125x32xf32, #tpu.memory_space<hbm>>) target(%arg9 : memref<125x32xf32, #tpu.memory_space<vmem>>) target_semaphore(%arg13 : memref<!tpu.dma_semaphore, #tpu.memory_space<semaphore_mem>>)
    %add3A_24 = arith.constant 375 : i32
    %add3A_25 = arith.addi %mul3A_2, %add3A_24 : i32
    %dma_start3A_26 = arith.constant 0 : i32
    %dma_start3A_27 = tpu.memref_slice %arg2[%add3A_25, %dma_start3A_26] : memref<160000x32xf32, #tpu.memory_space<hbm>> -> memref<125x32xf32, #tpu.memory_space<hbm>>
    %dma_start3A_28 = arith.constant 0 : i32
    %dma_start3A_29 = tpu.memref_slice %arg2[%add3A_25, %dma_start3A_28] : memref<160000x32xf32, #tpu.memory_space<hbm>> -> memref<125x32xf32, #tpu.memory_space<hbm>>
    tpu.enqueue_dma source(%dma_start3A_29 : memref<125x32xf32, #tpu.memory_space<hbm>>) target(%arg10 : memref<125x32xf32, #tpu.memory_space<vmem>>) target_semaphore(%arg14 : memref<!tpu.dma_semaphore, #tpu.memory_space<semaphore_mem>>)
    %scan3A = arith.constant 0 : i32
    %scan3A_30 = arith.constant 0 : i32
    %scan3A_31 = arith.constant 10 : i32
    %scan3A_32 = arith.addi %scan3A_30, %scan3A_31 : i32
    %scan3A_33 = arith.constant 1 : i32
    scf.for %scan3A_67 = %scan3A_30 to %scan3A_32 step %scan3A_33  : i32 {
      %dma_wait3A_68 = arith.constant 0 : i32
      %dma_wait3A_69 = tpu.memref_slice %arg2[%mul3A_2, %dma_wait3A_68] : memref<160000x32xf32, #tpu.memory_space<hbm>> -> memref<125x32xf32, #tpu.memory_space<hbm>>
      %dma_wait3A_70 = arith.constant 0 : i32
      %dma_wait3A_71 = tpu.memref_slice %arg2[%mul3A_2, %dma_wait3A_70] : memref<160000x32xf32, #tpu.memory_space<hbm>> -> memref<125x32xf32, #tpu.memory_space<hbm>>
      tpu.wait_dma2 semaphore(%arg11 : memref<!tpu.dma_semaphore, #tpu.memory_space<semaphore_mem>>) src(%dma_wait3A_71 : memref<125x32xf32, #tpu.memory_space<hbm>>) dst(%arg7 : memref<125x32xf32, #tpu.memory_space<vmem>>)
      %mul3A_72 = arith.constant 4 : i32
      %mul3A_73 = arith.muli %scan3A_67, %mul3A_72 : i32
      %add3A_74 = arith.constant 0 : i32
      %add3A_75 = arith.addi %mul3A_73, %add3A_74 : i32
      %dma_start3A_76 = arith.constant 0 : i32
      %dma_start3A_77 = tpu.memref_slice %arg6[%add3A_75, %dma_start3A_76] : memref<40x125xi32, #tpu.memory_space<vmem>> -> memref<1x125xi32, #tpu.memory_space<vmem>>
      %dma_start3A_78 = tpu.memref_squeeze %dma_start3A_77 : memref<1x125xi32, #tpu.memory_space<vmem>> -> memref<125xi32, #tpu.memory_space<vmem>>
      %dma_start3A_79 = arith.constant 0 : i32
      %dma_start3A_80 = arith.constant 0 : i32
      %dma_start3A_81 = tpu.memref_slice %arg19[%dma_start3A_79, %dma_start3A_80] : memref<10000x32xf32, #tpu.memory_space<vmem_shared>> -> memref<10000x32xf32, #tpu.memory_space<vmem_shared>>
      tpu.enqueue_indirect_dma source(%arg7 : memref<125x32xf32, #tpu.memory_space<vmem>>) target(%dma_start3A_81 : memref<10000x32xf32, #tpu.memory_space<vmem_shared>>) offsets(%dma_start3A_78 : memref<125xi32, #tpu.memory_space<vmem>>) semaphore(%arg15 : memref<!tpu.dma_semaphore, #tpu.memory_space<semaphore_mem>>) {add = true}
      %dma_wait3A_82 = arith.constant 0 : i32
      %dma_wait3A_83 = tpu.memref_slice %arg2[%mul3A_2, %dma_wait3A_82] : memref<160000x32xf32, #tpu.memory_space<hbm>> -> memref<125x32xf32, #tpu.memory_space<hbm>>
      %dma_wait3A_84 = arith.constant 0 : i32
      %dma_wait3A_85 = tpu.memref_slice %arg2[%mul3A_2, %dma_wait3A_84] : memref<160000x32xf32, #tpu.memory_space<hbm>> -> memref<125x32xf32, #tpu.memory_space<hbm>>
      tpu.wait_dma2 semaphore(%arg12 : memref<!tpu.dma_semaphore, #tpu.memory_space<semaphore_mem>>) src(%dma_wait3A_85 : memref<125x32xf32, #tpu.memory_space<hbm>>) dst(%arg8 : memref<125x32xf32, #tpu.memory_space<vmem>>)
      %mul3A_86 = arith.constant 4 : i32
      %mul3A_87 = arith.muli %scan3A_67, %mul3A_86 : i32
      %add3A_88 = arith.constant 1 : i32
      %add3A_89 = arith.addi %mul3A_87, %add3A_88 : i32
      %dma_start3A_90 = arith.constant 0 : i32
      %dma_start3A_91 = tpu.memref_slice %arg6[%add3A_89, %dma_start3A_90] : memref<40x125xi32, #tpu.memory_space<vmem>> -> memref<1x125xi32, #tpu.memory_space<vmem>>
      %dma_start3A_92 = tpu.memref_squeeze %dma_start3A_91 : memref<1x125xi32, #tpu.memory_space<vmem>> -> memref<125xi32, #tpu.memory_space<vmem>>
      %dma_start3A_93 = arith.constant 0 : i32
      %dma_start3A_94 = arith.constant 0 : i32
      %dma_start3A_95 = tpu.memref_slice %arg19[%dma_start3A_93, %dma_start3A_94] : memref<10000x32xf32, #tpu.memory_space<vmem_shared>> -> memref<10000x32xf32, #tpu.memory_space<vmem_shared>>
      tpu.enqueue_indirect_dma source(%arg8 : memref<125x32xf32, #tpu.memory_space<vmem>>) target(%dma_start3A_95 : memref<10000x32xf32, #tpu.memory_space<vmem_shared>>) offsets(%dma_start3A_92 : memref<125xi32, #tpu.memory_space<vmem>>) semaphore(%arg16 : memref<!tpu.dma_semaphore, #tpu.memory_space<semaphore_mem>>) {add = true}
      %dma_wait3A_96 = arith.constant 0 : i32
      %dma_wait3A_97 = tpu.memref_slice %arg2[%mul3A_2, %dma_wait3A_96] : memref<160000x32xf32, #tpu.memory_space<hbm>> -> memref<125x32xf32, #tpu.memory_space<hbm>>
      %dma_wait3A_98 = arith.constant 0 : i32
      %dma_wait3A_99 = tpu.memref_slice %arg2[%mul3A_2, %dma_wait3A_98] : memref<160000x32xf32, #tpu.memory_space<hbm>> -> memref<125x32xf32, #tpu.memory_space<hbm>>
      tpu.wait_dma2 semaphore(%arg13 : memref<!tpu.dma_semaphore, #tpu.memory_space<semaphore_mem>>) src(%dma_wait3A_99 : memref<125x32xf32, #tpu.memory_space<hbm>>) dst(%arg9 : memref<125x32xf32, #tpu.memory_space<vmem>>)
      %mul3A_100 = arith.constant 4 : i32
      %mul3A_101 = arith.muli %scan3A_67, %mul3A_100 : i32
      %add3A_102 = arith.constant 2 : i32
      %add3A_103 = arith.addi %mul3A_101, %add3A_102 : i32
      %dma_start3A_104 = arith.constant 0 : i32
      %dma_start3A_105 = tpu.memref_slice %arg6[%add3A_103, %dma_start3A_104] : memref<40x125xi32, #tpu.memory_space<vmem>> -> memref<1x125xi32, #tpu.memory_space<vmem>>
      %dma_start3A_106 = tpu.memref_squeeze %dma_start3A_105 : memref<1x125xi32, #tpu.memory_space<vmem>> -> memref<125xi32, #tpu.memory_space<vmem>>
      %dma_start3A_107 = arith.constant 0 : i32
      %dma_start3A_108 = arith.constant 0 : i32
      %dma_start3A_109 = tpu.memref_slice %arg19[%dma_start3A_107, %dma_start3A_108] : memref<10000x32xf32, #tpu.memory_space<vmem_shared>> -> memref<10000x32xf32, #tpu.memory_space<vmem_shared>>
      tpu.enqueue_indirect_dma source(%arg9 : memref<125x32xf32, #tpu.memory_space<vmem>>) target(%dma_start3A_109 : memref<10000x32xf32, #tpu.memory_space<vmem_shared>>) offsets(%dma_start3A_106 : memref<125xi32, #tpu.memory_space<vmem>>) semaphore(%arg17 : memref<!tpu.dma_semaphore, #tpu.memory_space<semaphore_mem>>) {add = true}
      %dma_wait3A_110 = arith.constant 0 : i32
      %dma_wait3A_111 = tpu.memref_slice %arg2[%mul3A_2, %dma_wait3A_110] : memref<160000x32xf32, #tpu.memory_space<hbm>> -> memref<125x32xf32, #tpu.memory_space<hbm>>
      %dma_wait3A_112 = arith.constant 0 : i32
      %dma_wait3A_113 = tpu.memref_slice %arg2[%mul3A_2, %dma_wait3A_112] : memref<160000x32xf32, #tpu.memory_space<hbm>> -> memref<125x32xf32, #tpu.memory_space<hbm>>
      tpu.wait_dma2 semaphore(%arg14 : memref<!tpu.dma_semaphore, #tpu.memory_space<semaphore_mem>>) src(%dma_wait3A_113 : memref<125x32xf32, #tpu.memory_space<hbm>>) dst(%arg10 : memref<125x32xf32, #tpu.memory_space<vmem>>)
      %mul3A_114 = arith.constant 4 : i32
      %mul3A_115 = arith.muli %scan3A_67, %mul3A_114 : i32
      %add3A_116 = arith.constant 3 : i32
      %add3A_117 = arith.addi %mul3A_115, %add3A_116 : i32
      %dma_start3A_118 = arith.constant 0 : i32
      %dma_start3A_119 = tpu.memref_slice %arg6[%add3A_117, %dma_start3A_118] : memref<40x125xi32, #tpu.memory_space<vmem>> -> memref<1x125xi32, #tpu.memory_space<vmem>>
      %dma_start3A_120 = tpu.memref_squeeze %dma_start3A_119 : memref<1x125xi32, #tpu.memory_space<vmem>> -> memref<125xi32, #tpu.memory_space<vmem>>
      %dma_start3A_121 = arith.constant 0 : i32
      %dma_start3A_122 = arith.constant 0 : i32
      %dma_start3A_123 = tpu.memref_slice %arg19[%dma_start3A_121, %dma_start3A_122] : memref<10000x32xf32, #tpu.memory_space<vmem_shared>> -> memref<10000x32xf32, #tpu.memory_space<vmem_shared>>
      tpu.enqueue_indirect_dma source(%arg10 : memref<125x32xf32, #tpu.memory_space<vmem>>) target(%dma_start3A_123 : memref<10000x32xf32, #tpu.memory_space<vmem_shared>>) offsets(%dma_start3A_120 : memref<125xi32, #tpu.memory_space<vmem>>) semaphore(%arg18 : memref<!tpu.dma_semaphore, #tpu.memory_space<semaphore_mem>>) {add = true}
      %lt3A = arith.constant 9 : i32
      %lt3A_124 = arith.cmpi slt, %scan3A_67, %lt3A : i32
      %convert_element_type3A = arith.extui %lt3A_124 : i1 to i32
      %cond3A = arith.constant 0 : i32
      %cond3A_125 = arith.cmpi ne, %convert_element_type3A, %cond3A : i32
      scf.if %cond3A_125 {
        %dma_wait3A_126 = arith.constant 0 : i32
        %dma_wait3A_127 = arith.constant 0 : i32
        %dma_wait3A_128 = tpu.memref_slice %arg6[%dma_wait3A_126, %dma_wait3A_127] : memref<40x125xi32, #tpu.memory_space<vmem>> -> memref<1x125xi32, #tpu.memory_space<vmem>>
        %dma_wait3A_129 = tpu.memref_squeeze %dma_wait3A_128 : memref<1x125xi32, #tpu.memory_space<vmem>> -> memref<125xi32, #tpu.memory_space<vmem>>
        %dma_wait3A_130 = arith.constant 0 : i32
        %dma_wait3A_131 = arith.constant 0 : i32
        %dma_wait3A_132 = tpu.memref_slice %arg19[%dma_wait3A_130, %dma_wait3A_131] : memref<10000x32xf32, #tpu.memory_space<vmem_shared>> -> memref<10000x32xf32, #tpu.memory_space<vmem_shared>>
        tpu.wait_indirect_dma semaphore(%arg15 : memref<!tpu.dma_semaphore, #tpu.memory_space<semaphore_mem>>) src(%arg7 : memref<125x32xf32, #tpu.memory_space<vmem>>) dst(%dma_wait3A_132 : memref<10000x32xf32, #tpu.memory_space<vmem_shared>>)
        %add3A_133 = arith.constant 1 : i32
        %add3A_134 = arith.addi %scan3A_67, %add3A_133 : i32
        %mul3A_135 = arith.constant 4 : i32
        %mul3A_136 = arith.muli %add3A_134, %mul3A_135 : i32
        %add3A_137 = arith.constant 0 : i32
        %add3A_138 = arith.addi %mul3A_136, %add3A_137 : i32
        %mul3A_139 = arith.constant 125 : i32
        %mul3A_140 = arith.muli %add3A_138, %mul3A_139 : i32
        %add3A_141 = arith.addi %mul3A_2, %mul3A_140 : i32
        %dma_start3A_142 = arith.constant 0 : i32
        %dma_start3A_143 = tpu.memref_slice %arg2[%add3A_141, %dma_start3A_142] : memref<160000x32xf32, #tpu.memory_space<hbm>> -> memref<125x32xf32, #tpu.memory_space<hbm>>
        %dma_start3A_144 = arith.constant 0 : i32
        %dma_start3A_145 = tpu.memref_slice %arg2[%add3A_141, %dma_start3A_144] : memref<160000x32xf32, #tpu.memory_space<hbm>> -> memref<125x32xf32, #tpu.memory_space<hbm>>
        tpu.enqueue_dma source(%dma_start3A_145 : memref<125x32xf32, #tpu.memory_space<hbm>>) target(%arg7 : memref<125x32xf32, #tpu.memory_space<vmem>>) target_semaphore(%arg11 : memref<!tpu.dma_semaphore, #tpu.memory_space<semaphore_mem>>)
        %dma_wait3A_146 = arith.constant 0 : i32
        %dma_wait3A_147 = arith.constant 0 : i32
        %dma_wait3A_148 = tpu.memref_slice %arg6[%dma_wait3A_146, %dma_wait3A_147] : memref<40x125xi32, #tpu.memory_space<vmem>> -> memref<1x125xi32, #tpu.memory_space<vmem>>
        %dma_wait3A_149 = tpu.memref_squeeze %dma_wait3A_148 : memref<1x125xi32, #tpu.memory_space<vmem>> -> memref<125xi32, #tpu.memory_space<vmem>>
        %dma_wait3A_150 = arith.constant 0 : i32
        %dma_wait3A_151 = arith.constant 0 : i32
        %dma_wait3A_152 = tpu.memref_slice %arg19[%dma_wait3A_150, %dma_wait3A_151] : memref<10000x32xf32, #tpu.memory_space<vmem_shared>> -> memref<10000x32xf32, #tpu.memory_space<vmem_shared>>
        tpu.wait_indirect_dma semaphore(%arg16 : memref<!tpu.dma_semaphore, #tpu.memory_space<semaphore_mem>>) src(%arg8 : memref<125x32xf32, #tpu.memory_space<vmem>>) dst(%dma_wait3A_152 : memref<10000x32xf32, #tpu.memory_space<vmem_shared>>)
        %add3A_153 = arith.constant 1 : i32
        %add3A_154 = arith.addi %scan3A_67, %add3A_153 : i32
        %mul3A_155 = arith.constant 4 : i32
        %mul3A_156 = arith.muli %add3A_154, %mul3A_155 : i32
        %add3A_157 = arith.constant 1 : i32
        %add3A_158 = arith.addi %mul3A_156, %add3A_157 : i32
        %mul3A_159 = arith.constant 125 : i32
        %mul3A_160 = arith.muli %add3A_158, %mul3A_159 : i32
        %add3A_161 = arith.addi %mul3A_2, %mul3A_160 : i32
        %dma_start3A_162 = arith.constant 0 : i32
        %dma_start3A_163 = tpu.memref_slice %arg2[%add3A_161, %dma_start3A_162] : memref<160000x32xf32, #tpu.memory_space<hbm>> -> memref<125x32xf32, #tpu.memory_space<hbm>>
        %dma_start3A_164 = arith.constant 0 : i32
        %dma_start3A_165 = tpu.memref_slice %arg2[%add3A_161, %dma_start3A_164] : memref<160000x32xf32, #tpu.memory_space<hbm>> -> memref<125x32xf32, #tpu.memory_space<hbm>>
        tpu.enqueue_dma source(%dma_start3A_165 : memref<125x32xf32, #tpu.memory_space<hbm>>) target(%arg8 : memref<125x32xf32, #tpu.memory_space<vmem>>) target_semaphore(%arg12 : memref<!tpu.dma_semaphore, #tpu.memory_space<semaphore_mem>>)
        %dma_wait3A_166 = arith.constant 0 : i32
        %dma_wait3A_167 = arith.constant 0 : i32
        %dma_wait3A_168 = tpu.memref_slice %arg6[%dma_wait3A_166, %dma_wait3A_167] : memref<40x125xi32, #tpu.memory_space<vmem>> -> memref<1x125xi32, #tpu.memory_space<vmem>>
        %dma_wait3A_169 = tpu.memref_squeeze %dma_wait3A_168 : memref<1x125xi32, #tpu.memory_space<vmem>> -> memref<125xi32, #tpu.memory_space<vmem>>
        %dma_wait3A_170 = arith.constant 0 : i32
        %dma_wait3A_171 = arith.constant 0 : i32
        %dma_wait3A_172 = tpu.memref_slice %arg19[%dma_wait3A_170, %dma_wait3A_171] : memref<10000x32xf32, #tpu.memory_space<vmem_shared>> -> memref<10000x32xf32, #tpu.memory_space<vmem_shared>>
        tpu.wait_indirect_dma semaphore(%arg17 : memref<!tpu.dma_semaphore, #tpu.memory_space<semaphore_mem>>) src(%arg9 : memref<125x32xf32, #tpu.memory_space<vmem>>) dst(%dma_wait3A_172 : memref<10000x32xf32, #tpu.memory_space<vmem_shared>>)
        %add3A_173 = arith.constant 1 : i32
        %add3A_174 = arith.addi %scan3A_67, %add3A_173 : i32
        %mul3A_175 = arith.constant 4 : i32
        %mul3A_176 = arith.muli %add3A_174, %mul3A_175 : i32
        %add3A_177 = arith.constant 2 : i32
        %add3A_178 = arith.addi %mul3A_176, %add3A_177 : i32
        %mul3A_179 = arith.constant 125 : i32
        %mul3A_180 = arith.muli %add3A_178, %mul3A_179 : i32
        %add3A_181 = arith.addi %mul3A_2, %mul3A_180 : i32
        %dma_start3A_182 = arith.constant 0 : i32
        %dma_start3A_183 = tpu.memref_slice %arg2[%add3A_181, %dma_start3A_182] : memref<160000x32xf32, #tpu.memory_space<hbm>> -> memref<125x32xf32, #tpu.memory_space<hbm>>
        %dma_start3A_184 = arith.constant 0 : i32
        %dma_start3A_185 = tpu.memref_slice %arg2[%add3A_181, %dma_start3A_184] : memref<160000x32xf32, #tpu.memory_space<hbm>> -> memref<125x32xf32, #tpu.memory_space<hbm>>
        tpu.enqueue_dma source(%dma_start3A_185 : memref<125x32xf32, #tpu.memory_space<hbm>>) target(%arg9 : memref<125x32xf32, #tpu.memory_space<vmem>>) target_semaphore(%arg13 : memref<!tpu.dma_semaphore, #tpu.memory_space<semaphore_mem>>)
        %dma_wait3A_186 = arith.constant 0 : i32
        %dma_wait3A_187 = arith.constant 0 : i32
        %dma_wait3A_188 = tpu.memref_slice %arg6[%dma_wait3A_186, %dma_wait3A_187] : memref<40x125xi32, #tpu.memory_space<vmem>> -> memref<1x125xi32, #tpu.memory_space<vmem>>
        %dma_wait3A_189 = tpu.memref_squeeze %dma_wait3A_188 : memref<1x125xi32, #tpu.memory_space<vmem>> -> memref<125xi32, #tpu.memory_space<vmem>>
        %dma_wait3A_190 = arith.constant 0 : i32
        %dma_wait3A_191 = arith.constant 0 : i32
        %dma_wait3A_192 = tpu.memref_slice %arg19[%dma_wait3A_190, %dma_wait3A_191] : memref<10000x32xf32, #tpu.memory_space<vmem_shared>> -> memref<10000x32xf32, #tpu.memory_space<vmem_shared>>
        tpu.wait_indirect_dma semaphore(%arg18 : memref<!tpu.dma_semaphore, #tpu.memory_space<semaphore_mem>>) src(%arg10 : memref<125x32xf32, #tpu.memory_space<vmem>>) dst(%dma_wait3A_192 : memref<10000x32xf32, #tpu.memory_space<vmem_shared>>)
        %add3A_193 = arith.constant 1 : i32
        %add3A_194 = arith.addi %scan3A_67, %add3A_193 : i32
        %mul3A_195 = arith.constant 4 : i32
        %mul3A_196 = arith.muli %add3A_194, %mul3A_195 : i32
        %add3A_197 = arith.constant 3 : i32
        %add3A_198 = arith.addi %mul3A_196, %add3A_197 : i32
        %mul3A_199 = arith.constant 125 : i32
        %mul3A_200 = arith.muli %add3A_198, %mul3A_199 : i32
        %add3A_201 = arith.addi %mul3A_2, %mul3A_200 : i32
        %dma_start3A_202 = arith.constant 0 : i32
        %dma_start3A_203 = tpu.memref_slice %arg2[%add3A_201, %dma_start3A_202] : memref<160000x32xf32, #tpu.memory_space<hbm>> -> memref<125x32xf32, #tpu.memory_space<hbm>>
        %dma_start3A_204 = arith.constant 0 : i32
        %dma_start3A_205 = tpu.memref_slice %arg2[%add3A_201, %dma_start3A_204] : memref<160000x32xf32, #tpu.memory_space<hbm>> -> memref<125x32xf32, #tpu.memory_space<hbm>>
        tpu.enqueue_dma source(%dma_start3A_205 : memref<125x32xf32, #tpu.memory_space<hbm>>) target(%arg10 : memref<125x32xf32, #tpu.memory_space<vmem>>) target_semaphore(%arg14 : memref<!tpu.dma_semaphore, #tpu.memory_space<semaphore_mem>>)
      } else {
      }
    }
    %scan3A_34 = arith.constant 10 : i32
    %dma_wait3A = arith.constant 0 : i32
    %dma_wait3A_35 = arith.constant 0 : i32
    %dma_wait3A_36 = tpu.memref_slice %arg6[%dma_wait3A, %dma_wait3A_35] : memref<40x125xi32, #tpu.memory_space<vmem>> -> memref<1x125xi32, #tpu.memory_space<vmem>>
    %dma_wait3A_37 = tpu.memref_squeeze %dma_wait3A_36 : memref<1x125xi32, #tpu.memory_space<vmem>> -> memref<125xi32, #tpu.memory_space<vmem>>
    %dma_wait3A_38 = arith.constant 0 : i32
    %dma_wait3A_39 = arith.constant 0 : i32
    %dma_wait3A_40 = tpu.memref_slice %arg19[%dma_wait3A_38, %dma_wait3A_39] : memref<10000x32xf32, #tpu.memory_space<vmem_shared>> -> memref<10000x32xf32, #tpu.memory_space<vmem_shared>>
    tpu.wait_indirect_dma semaphore(%arg15 : memref<!tpu.dma_semaphore, #tpu.memory_space<semaphore_mem>>) src(%arg7 : memref<125x32xf32, #tpu.memory_space<vmem>>) dst(%dma_wait3A_40 : memref<10000x32xf32, #tpu.memory_space<vmem_shared>>)
    %dma_wait3A_41 = arith.constant 0 : i32
    %dma_wait3A_42 = arith.constant 0 : i32
    %dma_wait3A_43 = tpu.memref_slice %arg6[%dma_wait3A_41, %dma_wait3A_42] : memref<40x125xi32, #tpu.memory_space<vmem>> -> memref<1x125xi32, #tpu.memory_space<vmem>>
    %dma_wait3A_44 = tpu.memref_squeeze %dma_wait3A_43 : memref<1x125xi32, #tpu.memory_space<vmem>> -> memref<125xi32, #tpu.memory_space<vmem>>
    %dma_wait3A_45 = arith.constant 0 : i32
    %dma_wait3A_46 = arith.constant 0 : i32
    %dma_wait3A_47 = tpu.memref_slice %arg19[%dma_wait3A_45, %dma_wait3A_46] : memref<10000x32xf32, #tpu.memory_space<vmem_shared>> -> memref<10000x32xf32, #tpu.memory_space<vmem_shared>>
    tpu.wait_indirect_dma semaphore(%arg16 : memref<!tpu.dma_semaphore, #tpu.memory_space<semaphore_mem>>) src(%arg8 : memref<125x32xf32, #tpu.memory_space<vmem>>) dst(%dma_wait3A_47 : memref<10000x32xf32, #tpu.memory_space<vmem_shared>>)
    %dma_wait3A_48 = arith.constant 0 : i32
    %dma_wait3A_49 = arith.constant 0 : i32
    %dma_wait3A_50 = tpu.memref_slice %arg6[%dma_wait3A_48, %dma_wait3A_49] : memref<40x125xi32, #tpu.memory_space<vmem>> -> memref<1x125xi32, #tpu.memory_space<vmem>>
    %dma_wait3A_51 = tpu.memref_squeeze %dma_wait3A_50 : memref<1x125xi32, #tpu.memory_space<vmem>> -> memref<125xi32, #tpu.memory_space<vmem>>
    %dma_wait3A_52 = arith.constant 0 : i32
    %dma_wait3A_53 = arith.constant 0 : i32
    %dma_wait3A_54 = tpu.memref_slice %arg19[%dma_wait3A_52, %dma_wait3A_53] : memref<10000x32xf32, #tpu.memory_space<vmem_shared>> -> memref<10000x32xf32, #tpu.memory_space<vmem_shared>>
    tpu.wait_indirect_dma semaphore(%arg17 : memref<!tpu.dma_semaphore, #tpu.memory_space<semaphore_mem>>) src(%arg9 : memref<125x32xf32, #tpu.memory_space<vmem>>) dst(%dma_wait3A_54 : memref<10000x32xf32, #tpu.memory_space<vmem_shared>>)
    %dma_wait3A_55 = arith.constant 0 : i32
    %dma_wait3A_56 = arith.constant 0 : i32
    %dma_wait3A_57 = tpu.memref_slice %arg6[%dma_wait3A_55, %dma_wait3A_56] : memref<40x125xi32, #tpu.memory_space<vmem>> -> memref<1x125xi32, #tpu.memory_space<vmem>>
    %dma_wait3A_58 = tpu.memref_squeeze %dma_wait3A_57 : memref<1x125xi32, #tpu.memory_space<vmem>> -> memref<125xi32, #tpu.memory_space<vmem>>
    %dma_wait3A_59 = arith.constant 0 : i32
    %dma_wait3A_60 = arith.constant 0 : i32
    %dma_wait3A_61 = tpu.memref_slice %arg19[%dma_wait3A_59, %dma_wait3A_60] : memref<10000x32xf32, #tpu.memory_space<vmem_shared>> -> memref<10000x32xf32, #tpu.memory_space<vmem_shared>>
    tpu.wait_indirect_dma semaphore(%arg18 : memref<!tpu.dma_semaphore, #tpu.memory_space<semaphore_mem>>) src(%arg10 : memref<125x32xf32, #tpu.memory_space<vmem>>) dst(%dma_wait3A_61 : memref<10000x32xf32, #tpu.memory_space<vmem_shared>>)
    %barrier3A_62 = arith.constant 0 : index
    tpu.barrier barrier_id(%barrier3A_62)
    %mul3A_63 = arith.constant 625 : i32
    %mul3A_64 = arith.muli %arg1, %mul3A_63 : i32
    %mul3A_65 = arith.constant 625 : i32
    %mul3A_66 = arith.muli %arg1, %mul3A_65 : i32
    "tpu.region"() ({
      %run_scoped3A = tpu.sem_alloc : memref<!tpu.dma_semaphore, #tpu.memory_space<semaphore_mem>>
      %dma_start3A_67 = arith.constant 0 : i32
      %dma_start3A_68 = tpu.memref_slice %arg5[%arg0, %mul3A_66, %dma_start3A_67] : memref<2x10000x32xf32, #tpu.memory_space<hbm>> -> memref<1x625x32xf32, #tpu.memory_space<hbm>>
      %dma_start3A_69 = tpu.memref_squeeze %dma_start3A_68 : memref<1x625x32xf32, #tpu.memory_space<hbm>> -> memref<625x32xf32, #tpu.memory_space<hbm>>
      %dma_start3A_70 = arith.constant 0 : i32
      %dma_start3A_71 = tpu.memref_slice %arg19[%mul3A_64, %dma_start3A_70] : memref<10000x32xf32, #tpu.memory_space<vmem_shared>> -> memref<625x32xf32, #tpu.memory_space<vmem_shared>>
      tpu.enqueue_dma source(%dma_start3A_71 : memref<625x32xf32, #tpu.memory_space<vmem_shared>>) target(%dma_start3A_69 : memref<625x32xf32, #tpu.memory_space<hbm>>) target_semaphore(%run_scoped3A : memref<!tpu.dma_semaphore, #tpu.memory_space<semaphore_mem>>)
      %dma_wait3A_72 = arith.constant 0 : i32
      %dma_wait3A_73 = tpu.memref_slice %arg5[%arg0, %mul3A_66, %dma_wait3A_72] : memref<2x10000x32xf32, #tpu.memory_space<hbm>> -> memref<1x625x32xf32, #tpu.memory_space<hbm>>
      %dma_wait3A_74 = tpu.memref_squeeze %dma_wait3A_73 : memref<1x625x32xf32, #tpu.memory_space<hbm>> -> memref<625x32xf32, #tpu.memory_space<hbm>>
      %dma_wait3A_75 = arith.constant 0 : i32
      %dma_wait3A_76 = tpu.memref_slice %arg19[%mul3A_64, %dma_wait3A_75] : memref<10000x32xf32, #tpu.memory_space<vmem_shared>> -> memref<625x32xf32, #tpu.memory_space<vmem_shared>>
      tpu.wait_dma2 semaphore(%run_scoped3A : memref<!tpu.dma_semaphore, #tpu.memory_space<semaphore_mem>>) src(%dma_wait3A_76 : memref<625x32xf32, #tpu.memory_space<vmem_shared>>) dst(%dma_wait3A_74 : memref<625x32xf32, #tpu.memory_space<hbm>>)
      tpu.yield
    }) : () -> ()
    return
  }
}

#map = affine_map<(d0, d1) -> (0, 0)>
#map1 = affine_map<(d0, d1) -> (0, 0, 0)>
module attributes {stable_mosaic.version = 14 : i64} {
  func.func @_kg_body(%arg0: i32, %arg1: i32, %arg2: memref<10000x32xf32, #tpu.memory_space<hbm>>, %arg3: memref<32x40x125xi32, #tpu.memory_space<hbm>>, %arg4: memref<160000x32xf32, #tpu.memory_space<hbm>>, %arg5: memref<40x125xi32, #tpu.memory_space<vmem>>, %arg6: memref<125x32xf32, #tpu.memory_space<vmem>>, %arg7: memref<125x32xf32, #tpu.memory_space<vmem>>, %arg8: memref<125x32xf32, #tpu.memory_space<vmem>>, %arg9: memref<125x32xf32, #tpu.memory_space<vmem>>, %arg10: memref<!tpu.dma_semaphore, #tpu.memory_space<semaphore_mem>>, %arg11: memref<!tpu.dma_semaphore, #tpu.memory_space<semaphore_mem>>, %arg12: memref<!tpu.dma_semaphore, #tpu.memory_space<semaphore_mem>>, %arg13: memref<!tpu.dma_semaphore, #tpu.memory_space<semaphore_mem>>, %arg14: memref<!tpu.dma_semaphore, #tpu.memory_space<semaphore_mem>>, %arg15: memref<!tpu.dma_semaphore, #tpu.memory_space<semaphore_mem>>, %arg16: memref<!tpu.dma_semaphore, #tpu.memory_space<semaphore_mem>>, %arg17: memref<!tpu.dma_semaphore, #tpu.memory_space<semaphore_mem>>) attributes {dimension_semantics = [#tpu.dimension_semantics<core_parallel>, #tpu.dimension_semantics<subcore_parallel>], iteration_bounds = array<i64: 2, 16>, scalar_prefetch = 0 : i64, scratch_operands = 13 : i64, tpu.core_type = #tpu.core_type<sc_vector_subcore>, window_params = [{transform_indices = #map}, {transform_indices = #map1}, {transform_indices = #map}]} {
    %mul3A = arith.constant 2 : i32
    %mul3A_0 = arith.muli %arg1, %mul3A : i32
    %add3A = arith.addi %mul3A_0, %arg0 : i32
    %mul3A_1 = arith.constant 5000 : i32
    %mul3A_2 = arith.muli %add3A, %mul3A_1 : i32
    "tpu.region"() ({
      %run_scoped3A = tpu.sem_alloc : memref<!tpu.dma_semaphore, #tpu.memory_space<semaphore_mem>>
      %dma_start3A_50 = arith.constant 0 : i32
      %dma_start3A_51 = arith.constant 0 : i32
      %dma_start3A_52 = tpu.memref_slice %arg3[%add3A, %dma_start3A_50, %dma_start3A_51] : memref<32x40x125xi32, #tpu.memory_space<hbm>> -> memref<1x40x125xi32, #tpu.memory_space<hbm>>
      %dma_start3A_53 = tpu.memref_squeeze %dma_start3A_52 : memref<1x40x125xi32, #tpu.memory_space<hbm>> -> memref<40x125xi32, #tpu.memory_space<hbm>>
      %dma_start3A_54 = arith.constant 0 : i32
      %dma_start3A_55 = arith.constant 0 : i32
      %dma_start3A_56 = tpu.memref_slice %arg3[%add3A, %dma_start3A_54, %dma_start3A_55] : memref<32x40x125xi32, #tpu.memory_space<hbm>> -> memref<1x40x125xi32, #tpu.memory_space<hbm>>
      %dma_start3A_57 = tpu.memref_squeeze %dma_start3A_56 : memref<1x40x125xi32, #tpu.memory_space<hbm>> -> memref<40x125xi32, #tpu.memory_space<hbm>>
      tpu.enqueue_dma source(%dma_start3A_57 : memref<40x125xi32, #tpu.memory_space<hbm>>) target(%arg5 : memref<40x125xi32, #tpu.memory_space<vmem>>) target_semaphore(%run_scoped3A : memref<!tpu.dma_semaphore, #tpu.memory_space<semaphore_mem>>)
      %dma_wait3A_58 = arith.constant 0 : i32
      %dma_wait3A_59 = arith.constant 0 : i32
      %dma_wait3A_60 = tpu.memref_slice %arg3[%add3A, %dma_wait3A_58, %dma_wait3A_59] : memref<32x40x125xi32, #tpu.memory_space<hbm>> -> memref<1x40x125xi32, #tpu.memory_space<hbm>>
      %dma_wait3A_61 = tpu.memref_squeeze %dma_wait3A_60 : memref<1x40x125xi32, #tpu.memory_space<hbm>> -> memref<40x125xi32, #tpu.memory_space<hbm>>
      %dma_wait3A_62 = arith.constant 0 : i32
      %dma_wait3A_63 = arith.constant 0 : i32
      %dma_wait3A_64 = tpu.memref_slice %arg3[%add3A, %dma_wait3A_62, %dma_wait3A_63] : memref<32x40x125xi32, #tpu.memory_space<hbm>> -> memref<1x40x125xi32, #tpu.memory_space<hbm>>
      %dma_wait3A_65 = tpu.memref_squeeze %dma_wait3A_64 : memref<1x40x125xi32, #tpu.memory_space<hbm>> -> memref<40x125xi32, #tpu.memory_space<hbm>>
      tpu.wait_dma2 semaphore(%run_scoped3A : memref<!tpu.dma_semaphore, #tpu.memory_space<semaphore_mem>>) src(%dma_wait3A_65 : memref<40x125xi32, #tpu.memory_space<hbm>>) dst(%arg5 : memref<40x125xi32, #tpu.memory_space<vmem>>)
      tpu.yield
    }) : () -> ()
    %dma_start3A = arith.constant 0 : i32
    %dma_start3A_3 = arith.constant 0 : i32
    %dma_start3A_4 = tpu.memref_slice %arg5[%dma_start3A, %dma_start3A_3] : memref<40x125xi32, #tpu.memory_space<vmem>> -> memref<1x125xi32, #tpu.memory_space<vmem>>
    %dma_start3A_5 = tpu.memref_squeeze %dma_start3A_4 : memref<1x125xi32, #tpu.memory_space<vmem>> -> memref<125xi32, #tpu.memory_space<vmem>>
    %dma_start3A_6 = arith.constant 0 : i32
    %dma_start3A_7 = arith.constant 0 : i32
    %dma_start3A_8 = tpu.memref_slice %arg2[%dma_start3A_6, %dma_start3A_7] : memref<10000x32xf32, #tpu.memory_space<hbm>> -> memref<10000x32xf32, #tpu.memory_space<hbm>>
    tpu.enqueue_indirect_dma source(%dma_start3A_8 : memref<10000x32xf32, #tpu.memory_space<hbm>>) target(%arg6 : memref<125x32xf32, #tpu.memory_space<vmem>>) offsets(%dma_start3A_5 : memref<125xi32, #tpu.memory_space<vmem>>) semaphore(%arg10 : memref<!tpu.dma_semaphore, #tpu.memory_space<semaphore_mem>>)
    %dma_start3A_9 = arith.constant 1 : i32
    %dma_start3A_10 = arith.constant 0 : i32
    %dma_start3A_11 = tpu.memref_slice %arg5[%dma_start3A_9, %dma_start3A_10] : memref<40x125xi32, #tpu.memory_space<vmem>> -> memref<1x125xi32, #tpu.memory_space<vmem>>
    %dma_start3A_12 = tpu.memref_squeeze %dma_start3A_11 : memref<1x125xi32, #tpu.memory_space<vmem>> -> memref<125xi32, #tpu.memory_space<vmem>>
    %dma_start3A_13 = arith.constant 0 : i32
    %dma_start3A_14 = arith.constant 0 : i32
    %dma_start3A_15 = tpu.memref_slice %arg2[%dma_start3A_13, %dma_start3A_14] : memref<10000x32xf32, #tpu.memory_space<hbm>> -> memref<10000x32xf32, #tpu.memory_space<hbm>>
    tpu.enqueue_indirect_dma source(%dma_start3A_15 : memref<10000x32xf32, #tpu.memory_space<hbm>>) target(%arg7 : memref<125x32xf32, #tpu.memory_space<vmem>>) offsets(%dma_start3A_12 : memref<125xi32, #tpu.memory_space<vmem>>) semaphore(%arg11 : memref<!tpu.dma_semaphore, #tpu.memory_space<semaphore_mem>>)
    %dma_start3A_16 = arith.constant 2 : i32
    %dma_start3A_17 = arith.constant 0 : i32
    %dma_start3A_18 = tpu.memref_slice %arg5[%dma_start3A_16, %dma_start3A_17] : memref<40x125xi32, #tpu.memory_space<vmem>> -> memref<1x125xi32, #tpu.memory_space<vmem>>
    %dma_start3A_19 = tpu.memref_squeeze %dma_start3A_18 : memref<1x125xi32, #tpu.memory_space<vmem>> -> memref<125xi32, #tpu.memory_space<vmem>>
    %dma_start3A_20 = arith.constant 0 : i32
    %dma_start3A_21 = arith.constant 0 : i32
    %dma_start3A_22 = tpu.memref_slice %arg2[%dma_start3A_20, %dma_start3A_21] : memref<10000x32xf32, #tpu.memory_space<hbm>> -> memref<10000x32xf32, #tpu.memory_space<hbm>>
    tpu.enqueue_indirect_dma source(%dma_start3A_22 : memref<10000x32xf32, #tpu.memory_space<hbm>>) target(%arg8 : memref<125x32xf32, #tpu.memory_space<vmem>>) offsets(%dma_start3A_19 : memref<125xi32, #tpu.memory_space<vmem>>) semaphore(%arg12 : memref<!tpu.dma_semaphore, #tpu.memory_space<semaphore_mem>>)
    %dma_start3A_23 = arith.constant 3 : i32
    %dma_start3A_24 = arith.constant 0 : i32
    %dma_start3A_25 = tpu.memref_slice %arg5[%dma_start3A_23, %dma_start3A_24] : memref<40x125xi32, #tpu.memory_space<vmem>> -> memref<1x125xi32, #tpu.memory_space<vmem>>
    %dma_start3A_26 = tpu.memref_squeeze %dma_start3A_25 : memref<1x125xi32, #tpu.memory_space<vmem>> -> memref<125xi32, #tpu.memory_space<vmem>>
    %dma_start3A_27 = arith.constant 0 : i32
    %dma_start3A_28 = arith.constant 0 : i32
    %dma_start3A_29 = tpu.memref_slice %arg2[%dma_start3A_27, %dma_start3A_28] : memref<10000x32xf32, #tpu.memory_space<hbm>> -> memref<10000x32xf32, #tpu.memory_space<hbm>>
    tpu.enqueue_indirect_dma source(%dma_start3A_29 : memref<10000x32xf32, #tpu.memory_space<hbm>>) target(%arg9 : memref<125x32xf32, #tpu.memory_space<vmem>>) offsets(%dma_start3A_26 : memref<125xi32, #tpu.memory_space<vmem>>) semaphore(%arg13 : memref<!tpu.dma_semaphore, #tpu.memory_space<semaphore_mem>>)
    %scan3A = arith.constant 0 : i32
    %scan3A_30 = arith.constant 0 : i32
    %scan3A_31 = arith.constant 10 : i32
    %scan3A_32 = arith.addi %scan3A_30, %scan3A_31 : i32
    %scan3A_33 = arith.constant 1 : i32
    scf.for %scan3A_50 = %scan3A_30 to %scan3A_32 step %scan3A_33  : i32 {
      %dma_wait3A_51 = arith.constant 0 : i32
      %dma_wait3A_52 = arith.constant 0 : i32
      %dma_wait3A_53 = tpu.memref_slice %arg5[%dma_wait3A_51, %dma_wait3A_52] : memref<40x125xi32, #tpu.memory_space<vmem>> -> memref<1x125xi32, #tpu.memory_space<vmem>>
      %dma_wait3A_54 = tpu.memref_squeeze %dma_wait3A_53 : memref<1x125xi32, #tpu.memory_space<vmem>> -> memref<125xi32, #tpu.memory_space<vmem>>
      %dma_wait3A_55 = arith.constant 0 : i32
      %dma_wait3A_56 = arith.constant 0 : i32
      %dma_wait3A_57 = tpu.memref_slice %arg2[%dma_wait3A_55, %dma_wait3A_56] : memref<10000x32xf32, #tpu.memory_space<hbm>> -> memref<10000x32xf32, #tpu.memory_space<hbm>>
      tpu.wait_indirect_dma semaphore(%arg10 : memref<!tpu.dma_semaphore, #tpu.memory_space<semaphore_mem>>) src(%dma_wait3A_57 : memref<10000x32xf32, #tpu.memory_space<hbm>>) dst(%arg6 : memref<125x32xf32, #tpu.memory_space<vmem>>)
      %mul3A_58 = arith.constant 4 : i32
      %mul3A_59 = arith.muli %scan3A_50, %mul3A_58 : i32
      %add3A_60 = arith.constant 0 : i32
      %add3A_61 = arith.addi %mul3A_59, %add3A_60 : i32
      %mul3A_62 = arith.constant 125 : i32
      %mul3A_63 = arith.muli %add3A_61, %mul3A_62 : i32
      %add3A_64 = arith.addi %mul3A_2, %mul3A_63 : i32
      %dma_start3A_65 = arith.constant 0 : i32
      %dma_start3A_66 = tpu.memref_slice %arg4[%add3A_64, %dma_start3A_65] : memref<160000x32xf32, #tpu.memory_space<hbm>> -> memref<125x32xf32, #tpu.memory_space<hbm>>
      %dma_start3A_67 = arith.constant 0 : i32
      %dma_start3A_68 = tpu.memref_slice %arg4[%add3A_64, %dma_start3A_67] : memref<160000x32xf32, #tpu.memory_space<hbm>> -> memref<125x32xf32, #tpu.memory_space<hbm>>
      tpu.enqueue_dma source(%arg6 : memref<125x32xf32, #tpu.memory_space<vmem>>) target(%dma_start3A_68 : memref<125x32xf32, #tpu.memory_space<hbm>>) target_semaphore(%arg14 : memref<!tpu.dma_semaphore, #tpu.memory_space<semaphore_mem>>)
      %dma_wait3A_69 = arith.constant 0 : i32
      %dma_wait3A_70 = arith.constant 0 : i32
      %dma_wait3A_71 = tpu.memref_slice %arg5[%dma_wait3A_69, %dma_wait3A_70] : memref<40x125xi32, #tpu.memory_space<vmem>> -> memref<1x125xi32, #tpu.memory_space<vmem>>
      %dma_wait3A_72 = tpu.memref_squeeze %dma_wait3A_71 : memref<1x125xi32, #tpu.memory_space<vmem>> -> memref<125xi32, #tpu.memory_space<vmem>>
      %dma_wait3A_73 = arith.constant 0 : i32
      %dma_wait3A_74 = arith.constant 0 : i32
      %dma_wait3A_75 = tpu.memref_slice %arg2[%dma_wait3A_73, %dma_wait3A_74] : memref<10000x32xf32, #tpu.memory_space<hbm>> -> memref<10000x32xf32, #tpu.memory_space<hbm>>
      tpu.wait_indirect_dma semaphore(%arg11 : memref<!tpu.dma_semaphore, #tpu.memory_space<semaphore_mem>>) src(%dma_wait3A_75 : memref<10000x32xf32, #tpu.memory_space<hbm>>) dst(%arg7 : memref<125x32xf32, #tpu.memory_space<vmem>>)
      %mul3A_76 = arith.constant 4 : i32
      %mul3A_77 = arith.muli %scan3A_50, %mul3A_76 : i32
      %add3A_78 = arith.constant 1 : i32
      %add3A_79 = arith.addi %mul3A_77, %add3A_78 : i32
      %mul3A_80 = arith.constant 125 : i32
      %mul3A_81 = arith.muli %add3A_79, %mul3A_80 : i32
      %add3A_82 = arith.addi %mul3A_2, %mul3A_81 : i32
      %dma_start3A_83 = arith.constant 0 : i32
      %dma_start3A_84 = tpu.memref_slice %arg4[%add3A_82, %dma_start3A_83] : memref<160000x32xf32, #tpu.memory_space<hbm>> -> memref<125x32xf32, #tpu.memory_space<hbm>>
      %dma_start3A_85 = arith.constant 0 : i32
      %dma_start3A_86 = tpu.memref_slice %arg4[%add3A_82, %dma_start3A_85] : memref<160000x32xf32, #tpu.memory_space<hbm>> -> memref<125x32xf32, #tpu.memory_space<hbm>>
      tpu.enqueue_dma source(%arg7 : memref<125x32xf32, #tpu.memory_space<vmem>>) target(%dma_start3A_86 : memref<125x32xf32, #tpu.memory_space<hbm>>) target_semaphore(%arg15 : memref<!tpu.dma_semaphore, #tpu.memory_space<semaphore_mem>>)
      %dma_wait3A_87 = arith.constant 0 : i32
      %dma_wait3A_88 = arith.constant 0 : i32
      %dma_wait3A_89 = tpu.memref_slice %arg5[%dma_wait3A_87, %dma_wait3A_88] : memref<40x125xi32, #tpu.memory_space<vmem>> -> memref<1x125xi32, #tpu.memory_space<vmem>>
      %dma_wait3A_90 = tpu.memref_squeeze %dma_wait3A_89 : memref<1x125xi32, #tpu.memory_space<vmem>> -> memref<125xi32, #tpu.memory_space<vmem>>
      %dma_wait3A_91 = arith.constant 0 : i32
      %dma_wait3A_92 = arith.constant 0 : i32
      %dma_wait3A_93 = tpu.memref_slice %arg2[%dma_wait3A_91, %dma_wait3A_92] : memref<10000x32xf32, #tpu.memory_space<hbm>> -> memref<10000x32xf32, #tpu.memory_space<hbm>>
      tpu.wait_indirect_dma semaphore(%arg12 : memref<!tpu.dma_semaphore, #tpu.memory_space<semaphore_mem>>) src(%dma_wait3A_93 : memref<10000x32xf32, #tpu.memory_space<hbm>>) dst(%arg8 : memref<125x32xf32, #tpu.memory_space<vmem>>)
      %mul3A_94 = arith.constant 4 : i32
      %mul3A_95 = arith.muli %scan3A_50, %mul3A_94 : i32
      %add3A_96 = arith.constant 2 : i32
      %add3A_97 = arith.addi %mul3A_95, %add3A_96 : i32
      %mul3A_98 = arith.constant 125 : i32
      %mul3A_99 = arith.muli %add3A_97, %mul3A_98 : i32
      %add3A_100 = arith.addi %mul3A_2, %mul3A_99 : i32
      %dma_start3A_101 = arith.constant 0 : i32
      %dma_start3A_102 = tpu.memref_slice %arg4[%add3A_100, %dma_start3A_101] : memref<160000x32xf32, #tpu.memory_space<hbm>> -> memref<125x32xf32, #tpu.memory_space<hbm>>
      %dma_start3A_103 = arith.constant 0 : i32
      %dma_start3A_104 = tpu.memref_slice %arg4[%add3A_100, %dma_start3A_103] : memref<160000x32xf32, #tpu.memory_space<hbm>> -> memref<125x32xf32, #tpu.memory_space<hbm>>
      tpu.enqueue_dma source(%arg8 : memref<125x32xf32, #tpu.memory_space<vmem>>) target(%dma_start3A_104 : memref<125x32xf32, #tpu.memory_space<hbm>>) target_semaphore(%arg16 : memref<!tpu.dma_semaphore, #tpu.memory_space<semaphore_mem>>)
      %dma_wait3A_105 = arith.constant 0 : i32
      %dma_wait3A_106 = arith.constant 0 : i32
      %dma_wait3A_107 = tpu.memref_slice %arg5[%dma_wait3A_105, %dma_wait3A_106] : memref<40x125xi32, #tpu.memory_space<vmem>> -> memref<1x125xi32, #tpu.memory_space<vmem>>
      %dma_wait3A_108 = tpu.memref_squeeze %dma_wait3A_107 : memref<1x125xi32, #tpu.memory_space<vmem>> -> memref<125xi32, #tpu.memory_space<vmem>>
      %dma_wait3A_109 = arith.constant 0 : i32
      %dma_wait3A_110 = arith.constant 0 : i32
      %dma_wait3A_111 = tpu.memref_slice %arg2[%dma_wait3A_109, %dma_wait3A_110] : memref<10000x32xf32, #tpu.memory_space<hbm>> -> memref<10000x32xf32, #tpu.memory_space<hbm>>
      tpu.wait_indirect_dma semaphore(%arg13 : memref<!tpu.dma_semaphore, #tpu.memory_space<semaphore_mem>>) src(%dma_wait3A_111 : memref<10000x32xf32, #tpu.memory_space<hbm>>) dst(%arg9 : memref<125x32xf32, #tpu.memory_space<vmem>>)
      %mul3A_112 = arith.constant 4 : i32
      %mul3A_113 = arith.muli %scan3A_50, %mul3A_112 : i32
      %add3A_114 = arith.constant 3 : i32
      %add3A_115 = arith.addi %mul3A_113, %add3A_114 : i32
      %mul3A_116 = arith.constant 125 : i32
      %mul3A_117 = arith.muli %add3A_115, %mul3A_116 : i32
      %add3A_118 = arith.addi %mul3A_2, %mul3A_117 : i32
      %dma_start3A_119 = arith.constant 0 : i32
      %dma_start3A_120 = tpu.memref_slice %arg4[%add3A_118, %dma_start3A_119] : memref<160000x32xf32, #tpu.memory_space<hbm>> -> memref<125x32xf32, #tpu.memory_space<hbm>>
      %dma_start3A_121 = arith.constant 0 : i32
      %dma_start3A_122 = tpu.memref_slice %arg4[%add3A_118, %dma_start3A_121] : memref<160000x32xf32, #tpu.memory_space<hbm>> -> memref<125x32xf32, #tpu.memory_space<hbm>>
      tpu.enqueue_dma source(%arg9 : memref<125x32xf32, #tpu.memory_space<vmem>>) target(%dma_start3A_122 : memref<125x32xf32, #tpu.memory_space<hbm>>) target_semaphore(%arg17 : memref<!tpu.dma_semaphore, #tpu.memory_space<semaphore_mem>>)
      %lt3A = arith.constant 9 : i32
      %lt3A_123 = arith.cmpi slt, %scan3A_50, %lt3A : i32
      %convert_element_type3A = arith.extui %lt3A_123 : i1 to i32
      %cond3A = arith.constant 0 : i32
      %cond3A_124 = arith.cmpi ne, %convert_element_type3A, %cond3A : i32
      scf.if %cond3A_124 {
        %dma_wait3A_125 = arith.constant 0 : i32
        %dma_wait3A_126 = tpu.memref_slice %arg4[%mul3A_2, %dma_wait3A_125] : memref<160000x32xf32, #tpu.memory_space<hbm>> -> memref<125x32xf32, #tpu.memory_space<hbm>>
        %dma_wait3A_127 = arith.constant 0 : i32
        %dma_wait3A_128 = tpu.memref_slice %arg4[%mul3A_2, %dma_wait3A_127] : memref<160000x32xf32, #tpu.memory_space<hbm>> -> memref<125x32xf32, #tpu.memory_space<hbm>>
        tpu.wait_dma2 semaphore(%arg14 : memref<!tpu.dma_semaphore, #tpu.memory_space<semaphore_mem>>) src(%arg6 : memref<125x32xf32, #tpu.memory_space<vmem>>) dst(%dma_wait3A_128 : memref<125x32xf32, #tpu.memory_space<hbm>>)
        %add3A_129 = arith.constant 1 : i32
        %add3A_130 = arith.addi %scan3A_50, %add3A_129 : i32
        %mul3A_131 = arith.constant 4 : i32
        %mul3A_132 = arith.muli %add3A_130, %mul3A_131 : i32
        %add3A_133 = arith.constant 0 : i32
        %add3A_134 = arith.addi %mul3A_132, %add3A_133 : i32
        %dma_start3A_135 = arith.constant 0 : i32
        %dma_start3A_136 = tpu.memref_slice %arg5[%add3A_134, %dma_start3A_135] : memref<40x125xi32, #tpu.memory_space<vmem>> -> memref<1x125xi32, #tpu.memory_space<vmem>>
        %dma_start3A_137 = tpu.memref_squeeze %dma_start3A_136 : memref<1x125xi32, #tpu.memory_space<vmem>> -> memref<125xi32, #tpu.memory_space<vmem>>
        %dma_start3A_138 = arith.constant 0 : i32
        %dma_start3A_139 = arith.constant 0 : i32
        %dma_start3A_140 = tpu.memref_slice %arg2[%dma_start3A_138, %dma_start3A_139] : memref<10000x32xf32, #tpu.memory_space<hbm>> -> memref<10000x32xf32, #tpu.memory_space<hbm>>
        tpu.enqueue_indirect_dma source(%dma_start3A_140 : memref<10000x32xf32, #tpu.memory_space<hbm>>) target(%arg6 : memref<125x32xf32, #tpu.memory_space<vmem>>) offsets(%dma_start3A_137 : memref<125xi32, #tpu.memory_space<vmem>>) semaphore(%arg10 : memref<!tpu.dma_semaphore, #tpu.memory_space<semaphore_mem>>)
        %dma_wait3A_141 = arith.constant 0 : i32
        %dma_wait3A_142 = tpu.memref_slice %arg4[%mul3A_2, %dma_wait3A_141] : memref<160000x32xf32, #tpu.memory_space<hbm>> -> memref<125x32xf32, #tpu.memory_space<hbm>>
        %dma_wait3A_143 = arith.constant 0 : i32
        %dma_wait3A_144 = tpu.memref_slice %arg4[%mul3A_2, %dma_wait3A_143] : memref<160000x32xf32, #tpu.memory_space<hbm>> -> memref<125x32xf32, #tpu.memory_space<hbm>>
        tpu.wait_dma2 semaphore(%arg15 : memref<!tpu.dma_semaphore, #tpu.memory_space<semaphore_mem>>) src(%arg7 : memref<125x32xf32, #tpu.memory_space<vmem>>) dst(%dma_wait3A_144 : memref<125x32xf32, #tpu.memory_space<hbm>>)
        %add3A_145 = arith.constant 1 : i32
        %add3A_146 = arith.addi %scan3A_50, %add3A_145 : i32
        %mul3A_147 = arith.constant 4 : i32
        %mul3A_148 = arith.muli %add3A_146, %mul3A_147 : i32
        %add3A_149 = arith.constant 1 : i32
        %add3A_150 = arith.addi %mul3A_148, %add3A_149 : i32
        %dma_start3A_151 = arith.constant 0 : i32
        %dma_start3A_152 = tpu.memref_slice %arg5[%add3A_150, %dma_start3A_151] : memref<40x125xi32, #tpu.memory_space<vmem>> -> memref<1x125xi32, #tpu.memory_space<vmem>>
        %dma_start3A_153 = tpu.memref_squeeze %dma_start3A_152 : memref<1x125xi32, #tpu.memory_space<vmem>> -> memref<125xi32, #tpu.memory_space<vmem>>
        %dma_start3A_154 = arith.constant 0 : i32
        %dma_start3A_155 = arith.constant 0 : i32
        %dma_start3A_156 = tpu.memref_slice %arg2[%dma_start3A_154, %dma_start3A_155] : memref<10000x32xf32, #tpu.memory_space<hbm>> -> memref<10000x32xf32, #tpu.memory_space<hbm>>
        tpu.enqueue_indirect_dma source(%dma_start3A_156 : memref<10000x32xf32, #tpu.memory_space<hbm>>) target(%arg7 : memref<125x32xf32, #tpu.memory_space<vmem>>) offsets(%dma_start3A_153 : memref<125xi32, #tpu.memory_space<vmem>>) semaphore(%arg11 : memref<!tpu.dma_semaphore, #tpu.memory_space<semaphore_mem>>)
        %dma_wait3A_157 = arith.constant 0 : i32
        %dma_wait3A_158 = tpu.memref_slice %arg4[%mul3A_2, %dma_wait3A_157] : memref<160000x32xf32, #tpu.memory_space<hbm>> -> memref<125x32xf32, #tpu.memory_space<hbm>>
        %dma_wait3A_159 = arith.constant 0 : i32
        %dma_wait3A_160 = tpu.memref_slice %arg4[%mul3A_2, %dma_wait3A_159] : memref<160000x32xf32, #tpu.memory_space<hbm>> -> memref<125x32xf32, #tpu.memory_space<hbm>>
        tpu.wait_dma2 semaphore(%arg16 : memref<!tpu.dma_semaphore, #tpu.memory_space<semaphore_mem>>) src(%arg8 : memref<125x32xf32, #tpu.memory_space<vmem>>) dst(%dma_wait3A_160 : memref<125x32xf32, #tpu.memory_space<hbm>>)
        %add3A_161 = arith.constant 1 : i32
        %add3A_162 = arith.addi %scan3A_50, %add3A_161 : i32
        %mul3A_163 = arith.constant 4 : i32
        %mul3A_164 = arith.muli %add3A_162, %mul3A_163 : i32
        %add3A_165 = arith.constant 2 : i32
        %add3A_166 = arith.addi %mul3A_164, %add3A_165 : i32
        %dma_start3A_167 = arith.constant 0 : i32
        %dma_start3A_168 = tpu.memref_slice %arg5[%add3A_166, %dma_start3A_167] : memref<40x125xi32, #tpu.memory_space<vmem>> -> memref<1x125xi32, #tpu.memory_space<vmem>>
        %dma_start3A_169 = tpu.memref_squeeze %dma_start3A_168 : memref<1x125xi32, #tpu.memory_space<vmem>> -> memref<125xi32, #tpu.memory_space<vmem>>
        %dma_start3A_170 = arith.constant 0 : i32
        %dma_start3A_171 = arith.constant 0 : i32
        %dma_start3A_172 = tpu.memref_slice %arg2[%dma_start3A_170, %dma_start3A_171] : memref<10000x32xf32, #tpu.memory_space<hbm>> -> memref<10000x32xf32, #tpu.memory_space<hbm>>
        tpu.enqueue_indirect_dma source(%dma_start3A_172 : memref<10000x32xf32, #tpu.memory_space<hbm>>) target(%arg8 : memref<125x32xf32, #tpu.memory_space<vmem>>) offsets(%dma_start3A_169 : memref<125xi32, #tpu.memory_space<vmem>>) semaphore(%arg12 : memref<!tpu.dma_semaphore, #tpu.memory_space<semaphore_mem>>)
        %dma_wait3A_173 = arith.constant 0 : i32
        %dma_wait3A_174 = tpu.memref_slice %arg4[%mul3A_2, %dma_wait3A_173] : memref<160000x32xf32, #tpu.memory_space<hbm>> -> memref<125x32xf32, #tpu.memory_space<hbm>>
        %dma_wait3A_175 = arith.constant 0 : i32
        %dma_wait3A_176 = tpu.memref_slice %arg4[%mul3A_2, %dma_wait3A_175] : memref<160000x32xf32, #tpu.memory_space<hbm>> -> memref<125x32xf32, #tpu.memory_space<hbm>>
        tpu.wait_dma2 semaphore(%arg17 : memref<!tpu.dma_semaphore, #tpu.memory_space<semaphore_mem>>) src(%arg9 : memref<125x32xf32, #tpu.memory_space<vmem>>) dst(%dma_wait3A_176 : memref<125x32xf32, #tpu.memory_space<hbm>>)
        %add3A_177 = arith.constant 1 : i32
        %add3A_178 = arith.addi %scan3A_50, %add3A_177 : i32
        %mul3A_179 = arith.constant 4 : i32
        %mul3A_180 = arith.muli %add3A_178, %mul3A_179 : i32
        %add3A_181 = arith.constant 3 : i32
        %add3A_182 = arith.addi %mul3A_180, %add3A_181 : i32
        %dma_start3A_183 = arith.constant 0 : i32
        %dma_start3A_184 = tpu.memref_slice %arg5[%add3A_182, %dma_start3A_183] : memref<40x125xi32, #tpu.memory_space<vmem>> -> memref<1x125xi32, #tpu.memory_space<vmem>>
        %dma_start3A_185 = tpu.memref_squeeze %dma_start3A_184 : memref<1x125xi32, #tpu.memory_space<vmem>> -> memref<125xi32, #tpu.memory_space<vmem>>
        %dma_start3A_186 = arith.constant 0 : i32
        %dma_start3A_187 = arith.constant 0 : i32
        %dma_start3A_188 = tpu.memref_slice %arg2[%dma_start3A_186, %dma_start3A_187] : memref<10000x32xf32, #tpu.memory_space<hbm>> -> memref<10000x32xf32, #tpu.memory_space<hbm>>
        tpu.enqueue_indirect_dma source(%dma_start3A_188 : memref<10000x32xf32, #tpu.memory_space<hbm>>) target(%arg9 : memref<125x32xf32, #tpu.memory_space<vmem>>) offsets(%dma_start3A_185 : memref<125xi32, #tpu.memory_space<vmem>>) semaphore(%arg13 : memref<!tpu.dma_semaphore, #tpu.memory_space<semaphore_mem>>)
      } else {
      }
    }
    %scan3A_34 = arith.constant 10 : i32
    %dma_wait3A = arith.constant 0 : i32
    %dma_wait3A_35 = tpu.memref_slice %arg4[%mul3A_2, %dma_wait3A] : memref<160000x32xf32, #tpu.memory_space<hbm>> -> memref<125x32xf32, #tpu.memory_space<hbm>>
    %dma_wait3A_36 = arith.constant 0 : i32
    %dma_wait3A_37 = tpu.memref_slice %arg4[%mul3A_2, %dma_wait3A_36] : memref<160000x32xf32, #tpu.memory_space<hbm>> -> memref<125x32xf32, #tpu.memory_space<hbm>>
    tpu.wait_dma2 semaphore(%arg14 : memref<!tpu.dma_semaphore, #tpu.memory_space<semaphore_mem>>) src(%arg6 : memref<125x32xf32, #tpu.memory_space<vmem>>) dst(%dma_wait3A_37 : memref<125x32xf32, #tpu.memory_space<hbm>>)
    %dma_wait3A_38 = arith.constant 0 : i32
    %dma_wait3A_39 = tpu.memref_slice %arg4[%mul3A_2, %dma_wait3A_38] : memref<160000x32xf32, #tpu.memory_space<hbm>> -> memref<125x32xf32, #tpu.memory_space<hbm>>
    %dma_wait3A_40 = arith.constant 0 : i32
    %dma_wait3A_41 = tpu.memref_slice %arg4[%mul3A_2, %dma_wait3A_40] : memref<160000x32xf32, #tpu.memory_space<hbm>> -> memref<125x32xf32, #tpu.memory_space<hbm>>
    tpu.wait_dma2 semaphore(%arg15 : memref<!tpu.dma_semaphore, #tpu.memory_space<semaphore_mem>>) src(%arg7 : memref<125x32xf32, #tpu.memory_space<vmem>>) dst(%dma_wait3A_41 : memref<125x32xf32, #tpu.memory_space<hbm>>)
    %dma_wait3A_42 = arith.constant 0 : i32
    %dma_wait3A_43 = tpu.memref_slice %arg4[%mul3A_2, %dma_wait3A_42] : memref<160000x32xf32, #tpu.memory_space<hbm>> -> memref<125x32xf32, #tpu.memory_space<hbm>>
    %dma_wait3A_44 = arith.constant 0 : i32
    %dma_wait3A_45 = tpu.memref_slice %arg4[%mul3A_2, %dma_wait3A_44] : memref<160000x32xf32, #tpu.memory_space<hbm>> -> memref<125x32xf32, #tpu.memory_space<hbm>>
    tpu.wait_dma2 semaphore(%arg16 : memref<!tpu.dma_semaphore, #tpu.memory_space<semaphore_mem>>) src(%arg8 : memref<125x32xf32, #tpu.memory_space<vmem>>) dst(%dma_wait3A_45 : memref<125x32xf32, #tpu.memory_space<hbm>>)
    %dma_wait3A_46 = arith.constant 0 : i32
    %dma_wait3A_47 = tpu.memref_slice %arg4[%mul3A_2, %dma_wait3A_46] : memref<160000x32xf32, #tpu.memory_space<hbm>> -> memref<125x32xf32, #tpu.memory_space<hbm>>
    %dma_wait3A_48 = arith.constant 0 : i32
    %dma_wait3A_49 = tpu.memref_slice %arg4[%mul3A_2, %dma_wait3A_48] : memref<160000x32xf32, #tpu.memory_space<hbm>> -> memref<125x32xf32, #tpu.memory_space<hbm>>
    tpu.wait_dma2 semaphore(%arg17 : memref<!tpu.dma_semaphore, #tpu.memory_space<semaphore_mem>>) src(%arg9 : memref<125x32xf32, #tpu.memory_space<vmem>>) dst(%dma_wait3A_49 : memref<125x32xf32, #tpu.memory_space<hbm>>)
    return
  }
}

#map = affine_map<(d0, d1) -> (0, 0)>
#map1 = affine_map<(d0, d1) -> (0, 0, 0)>
module attributes {stable_mosaic.version = 14 : i64} {
  func.func @_ks_body(%arg0: i32, %arg1: i32, %arg2: memref<160000x32xf32, #tpu.memory_space<hbm>>, %arg3: memref<32x40x125xi32, #tpu.memory_space<hbm>>, %arg4: memref<10000x32xf32, #tpu.memory_space<hbm>>, %arg5: memref<2x10000x32xf32, #tpu.memory_space<hbm>>, %arg6: memref<40x125xi32, #tpu.memory_space<vmem>>, %arg7: memref<125x32xf32, #tpu.memory_space<vmem>>, %arg8: memref<125x32xf32, #tpu.memory_space<vmem>>, %arg9: memref<125x32xf32, #tpu.memory_space<vmem>>, %arg10: memref<125x32xf32, #tpu.memory_space<vmem>>, %arg11: memref<!tpu.dma_semaphore, #tpu.memory_space<semaphore_mem>>, %arg12: memref<!tpu.dma_semaphore, #tpu.memory_space<semaphore_mem>>, %arg13: memref<!tpu.dma_semaphore, #tpu.memory_space<semaphore_mem>>, %arg14: memref<!tpu.dma_semaphore, #tpu.memory_space<semaphore_mem>>, %arg15: memref<!tpu.dma_semaphore, #tpu.memory_space<semaphore_mem>>, %arg16: memref<!tpu.dma_semaphore, #tpu.memory_space<semaphore_mem>>, %arg17: memref<!tpu.dma_semaphore, #tpu.memory_space<semaphore_mem>>, %arg18: memref<!tpu.dma_semaphore, #tpu.memory_space<semaphore_mem>>, %arg19: memref<10000x32xf32, #tpu.memory_space<vmem_shared>>) attributes {dimension_semantics = [#tpu.dimension_semantics<core_parallel>, #tpu.dimension_semantics<subcore_parallel>], iteration_bounds = array<i64: 2, 16>, scalar_prefetch = 0 : i64, scratch_operands = 14 : i64, tpu.core_type = #tpu.core_type<sc_vector_subcore>, window_params = [{transform_indices = #map}, {transform_indices = #map1}, {transform_indices = #map}, {transform_indices = #map1}]} {
    %mul3A = arith.constant 2 : i32
    %mul3A_0 = arith.muli %arg1, %mul3A : i32
    %add3A = arith.addi %mul3A_0, %arg0 : i32
    %mul3A_1 = arith.constant 5000 : i32
    %mul3A_2 = arith.muli %add3A, %mul3A_1 : i32
    %mul3A_3 = arith.constant 625 : i32
    %mul3A_4 = arith.muli %arg1, %mul3A_3 : i32
    %mul3A_5 = arith.constant 625 : i32
    %mul3A_6 = arith.muli %arg1, %mul3A_5 : i32
    "tpu.region"() ({
      %run_scoped3A = tpu.sem_alloc : memref<!tpu.dma_semaphore, #tpu.memory_space<semaphore_mem>>
      %dma_start3A_67 = arith.constant 0 : i32
      %dma_start3A_68 = tpu.memref_slice %arg19[%mul3A_6, %dma_start3A_67] : memref<10000x32xf32, #tpu.memory_space<vmem_shared>> -> memref<625x32xf32, #tpu.memory_space<vmem_shared>>
      %dma_start3A_69 = arith.constant 0 : i32
      %dma_start3A_70 = tpu.memref_slice %arg4[%mul3A_4, %dma_start3A_69] : memref<10000x32xf32, #tpu.memory_space<hbm>> -> memref<625x32xf32, #tpu.memory_space<hbm>>
      tpu.enqueue_dma source(%dma_start3A_70 : memref<625x32xf32, #tpu.memory_space<hbm>>) target(%dma_start3A_68 : memref<625x32xf32, #tpu.memory_space<vmem_shared>>) target_semaphore(%run_scoped3A : memref<!tpu.dma_semaphore, #tpu.memory_space<semaphore_mem>>)
      %dma_wait3A_71 = arith.constant 0 : i32
      %dma_wait3A_72 = tpu.memref_slice %arg19[%mul3A_6, %dma_wait3A_71] : memref<10000x32xf32, #tpu.memory_space<vmem_shared>> -> memref<625x32xf32, #tpu.memory_space<vmem_shared>>
      %dma_wait3A_73 = arith.constant 0 : i32
      %dma_wait3A_74 = tpu.memref_slice %arg4[%mul3A_4, %dma_wait3A_73] : memref<10000x32xf32, #tpu.memory_space<hbm>> -> memref<625x32xf32, #tpu.memory_space<hbm>>
      tpu.wait_dma2 semaphore(%run_scoped3A : memref<!tpu.dma_semaphore, #tpu.memory_space<semaphore_mem>>) src(%dma_wait3A_74 : memref<625x32xf32, #tpu.memory_space<hbm>>) dst(%dma_wait3A_72 : memref<625x32xf32, #tpu.memory_space<vmem_shared>>)
      tpu.yield
    }) : () -> ()
    "tpu.region"() ({
      %run_scoped3A = tpu.sem_alloc : memref<!tpu.dma_semaphore, #tpu.memory_space<semaphore_mem>>
      %dma_start3A_67 = arith.constant 0 : i32
      %dma_start3A_68 = arith.constant 0 : i32
      %dma_start3A_69 = tpu.memref_slice %arg3[%add3A, %dma_start3A_67, %dma_start3A_68] : memref<32x40x125xi32, #tpu.memory_space<hbm>> -> memref<1x40x125xi32, #tpu.memory_space<hbm>>
      %dma_start3A_70 = tpu.memref_squeeze %dma_start3A_69 : memref<1x40x125xi32, #tpu.memory_space<hbm>> -> memref<40x125xi32, #tpu.memory_space<hbm>>
      %dma_start3A_71 = arith.constant 0 : i32
      %dma_start3A_72 = arith.constant 0 : i32
      %dma_start3A_73 = tpu.memref_slice %arg3[%add3A, %dma_start3A_71, %dma_start3A_72] : memref<32x40x125xi32, #tpu.memory_space<hbm>> -> memref<1x40x125xi32, #tpu.memory_space<hbm>>
      %dma_start3A_74 = tpu.memref_squeeze %dma_start3A_73 : memref<1x40x125xi32, #tpu.memory_space<hbm>> -> memref<40x125xi32, #tpu.memory_space<hbm>>
      tpu.enqueue_dma source(%dma_start3A_74 : memref<40x125xi32, #tpu.memory_space<hbm>>) target(%arg6 : memref<40x125xi32, #tpu.memory_space<vmem>>) target_semaphore(%run_scoped3A : memref<!tpu.dma_semaphore, #tpu.memory_space<semaphore_mem>>)
      %dma_wait3A_75 = arith.constant 0 : i32
      %dma_wait3A_76 = arith.constant 0 : i32
      %dma_wait3A_77 = tpu.memref_slice %arg3[%add3A, %dma_wait3A_75, %dma_wait3A_76] : memref<32x40x125xi32, #tpu.memory_space<hbm>> -> memref<1x40x125xi32, #tpu.memory_space<hbm>>
      %dma_wait3A_78 = tpu.memref_squeeze %dma_wait3A_77 : memref<1x40x125xi32, #tpu.memory_space<hbm>> -> memref<40x125xi32, #tpu.memory_space<hbm>>
      %dma_wait3A_79 = arith.constant 0 : i32
      %dma_wait3A_80 = arith.constant 0 : i32
      %dma_wait3A_81 = tpu.memref_slice %arg3[%add3A, %dma_wait3A_79, %dma_wait3A_80] : memref<32x40x125xi32, #tpu.memory_space<hbm>> -> memref<1x40x125xi32, #tpu.memory_space<hbm>>
      %dma_wait3A_82 = tpu.memref_squeeze %dma_wait3A_81 : memref<1x40x125xi32, #tpu.memory_space<hbm>> -> memref<40x125xi32, #tpu.memory_space<hbm>>
      tpu.wait_dma2 semaphore(%run_scoped3A : memref<!tpu.dma_semaphore, #tpu.memory_space<semaphore_mem>>) src(%dma_wait3A_82 : memref<40x125xi32, #tpu.memory_space<hbm>>) dst(%arg6 : memref<40x125xi32, #tpu.memory_space<vmem>>)
      tpu.yield
    }) : () -> ()
    %barrier3A = arith.constant 0 : index
    tpu.barrier barrier_id(%barrier3A)
    %add3A_7 = arith.constant 0 : i32
    %add3A_8 = arith.addi %mul3A_2, %add3A_7 : i32
    %dma_start3A = arith.constant 0 : i32
    %dma_start3A_9 = tpu.memref_slice %arg2[%add3A_8, %dma_start3A] : memref<160000x32xf32, #tpu.memory_space<hbm>> -> memref<125x32xf32, #tpu.memory_space<hbm>>
    %dma_start3A_10 = arith.constant 0 : i32
    %dma_start3A_11 = tpu.memref_slice %arg2[%add3A_8, %dma_start3A_10] : memref<160000x32xf32, #tpu.memory_space<hbm>> -> memref<125x32xf32, #tpu.memory_space<hbm>>
    tpu.enqueue_dma source(%dma_start3A_11 : memref<125x32xf32, #tpu.memory_space<hbm>>) target(%arg7 : memref<125x32xf32, #tpu.memory_space<vmem>>) target_semaphore(%arg11 : memref<!tpu.dma_semaphore, #tpu.memory_space<semaphore_mem>>)
    %add3A_12 = arith.constant 125 : i32
    %add3A_13 = arith.addi %mul3A_2, %add3A_12 : i32
    %dma_start3A_14 = arith.constant 0 : i32
    %dma_start3A_15 = tpu.memref_slice %arg2[%add3A_13, %dma_start3A_14] : memref<160000x32xf32, #tpu.memory_space<hbm>> -> memref<125x32xf32, #tpu.memory_space<hbm>>
    %dma_start3A_16 = arith.constant 0 : i32
    %dma_start3A_17 = tpu.memref_slice %arg2[%add3A_13, %dma_start3A_16] : memref<160000x32xf32, #tpu.memory_space<hbm>> -> memref<125x32xf32, #tpu.memory_space<hbm>>
    tpu.enqueue_dma source(%dma_start3A_17 : memref<125x32xf32, #tpu.memory_space<hbm>>) target(%arg8 : memref<125x32xf32, #tpu.memory_space<vmem>>) target_semaphore(%arg12 : memref<!tpu.dma_semaphore, #tpu.memory_space<semaphore_mem>>)
    %add3A_18 = arith.constant 250 : i32
    %add3A_19 = arith.addi %mul3A_2, %add3A_18 : i32
    %dma_start3A_20 = arith.constant 0 : i32
    %dma_start3A_21 = tpu.memref_slice %arg2[%add3A_19, %dma_start3A_20] : memref<160000x32xf32, #tpu.memory_space<hbm>> -> memref<125x32xf32, #tpu.memory_space<hbm>>
    %dma_start3A_22 = arith.constant 0 : i32
    %dma_start3A_23 = tpu.memref_slice %arg2[%add3A_19, %dma_start3A_22] : memref<160000x32xf32, #tpu.memory_space<hbm>> -> memref<125x32xf32, #tpu.memory_space<hbm>>
    tpu.enqueue_dma source(%dma_start3A_23 : memref<125x32xf32, #tpu.memory_space<hbm>>) target(%arg9 : memref<125x32xf32, #tpu.memory_space<vmem>>) target_semaphore(%arg13 : memref<!tpu.dma_semaphore, #tpu.memory_space<semaphore_mem>>)
    %add3A_24 = arith.constant 375 : i32
    %add3A_25 = arith.addi %mul3A_2, %add3A_24 : i32
    %dma_start3A_26 = arith.constant 0 : i32
    %dma_start3A_27 = tpu.memref_slice %arg2[%add3A_25, %dma_start3A_26] : memref<160000x32xf32, #tpu.memory_space<hbm>> -> memref<125x32xf32, #tpu.memory_space<hbm>>
    %dma_start3A_28 = arith.constant 0 : i32
    %dma_start3A_29 = tpu.memref_slice %arg2[%add3A_25, %dma_start3A_28] : memref<160000x32xf32, #tpu.memory_space<hbm>> -> memref<125x32xf32, #tpu.memory_space<hbm>>
    tpu.enqueue_dma source(%dma_start3A_29 : memref<125x32xf32, #tpu.memory_space<hbm>>) target(%arg10 : memref<125x32xf32, #tpu.memory_space<vmem>>) target_semaphore(%arg14 : memref<!tpu.dma_semaphore, #tpu.memory_space<semaphore_mem>>)
    %scan3A = arith.constant 0 : i32
    %scan3A_30 = arith.constant 0 : i32
    %scan3A_31 = arith.constant 10 : i32
    %scan3A_32 = arith.addi %scan3A_30, %scan3A_31 : i32
    %scan3A_33 = arith.constant 1 : i32
    scf.for %scan3A_67 = %scan3A_30 to %scan3A_32 step %scan3A_33  : i32 {
      %dma_wait3A_68 = arith.constant 0 : i32
      %dma_wait3A_69 = tpu.memref_slice %arg2[%mul3A_2, %dma_wait3A_68] : memref<160000x32xf32, #tpu.memory_space<hbm>> -> memref<125x32xf32, #tpu.memory_space<hbm>>
      %dma_wait3A_70 = arith.constant 0 : i32
      %dma_wait3A_71 = tpu.memref_slice %arg2[%mul3A_2, %dma_wait3A_70] : memref<160000x32xf32, #tpu.memory_space<hbm>> -> memref<125x32xf32, #tpu.memory_space<hbm>>
      tpu.wait_dma2 semaphore(%arg11 : memref<!tpu.dma_semaphore, #tpu.memory_space<semaphore_mem>>) src(%dma_wait3A_71 : memref<125x32xf32, #tpu.memory_space<hbm>>) dst(%arg7 : memref<125x32xf32, #tpu.memory_space<vmem>>)
      %mul3A_72 = arith.constant 4 : i32
      %mul3A_73 = arith.muli %scan3A_67, %mul3A_72 : i32
      %add3A_74 = arith.constant 0 : i32
      %add3A_75 = arith.addi %mul3A_73, %add3A_74 : i32
      %dma_start3A_76 = arith.constant 0 : i32
      %dma_start3A_77 = tpu.memref_slice %arg6[%add3A_75, %dma_start3A_76] : memref<40x125xi32, #tpu.memory_space<vmem>> -> memref<1x125xi32, #tpu.memory_space<vmem>>
      %dma_start3A_78 = tpu.memref_squeeze %dma_start3A_77 : memref<1x125xi32, #tpu.memory_space<vmem>> -> memref<125xi32, #tpu.memory_space<vmem>>
      %dma_start3A_79 = arith.constant 0 : i32
      %dma_start3A_80 = arith.constant 0 : i32
      %dma_start3A_81 = tpu.memref_slice %arg19[%dma_start3A_79, %dma_start3A_80] : memref<10000x32xf32, #tpu.memory_space<vmem_shared>> -> memref<10000x32xf32, #tpu.memory_space<vmem_shared>>
      tpu.enqueue_indirect_dma source(%arg7 : memref<125x32xf32, #tpu.memory_space<vmem>>) target(%dma_start3A_81 : memref<10000x32xf32, #tpu.memory_space<vmem_shared>>) offsets(%dma_start3A_78 : memref<125xi32, #tpu.memory_space<vmem>>) semaphore(%arg15 : memref<!tpu.dma_semaphore, #tpu.memory_space<semaphore_mem>>) {add = true}
      %dma_wait3A_82 = arith.constant 0 : i32
      %dma_wait3A_83 = tpu.memref_slice %arg2[%mul3A_2, %dma_wait3A_82] : memref<160000x32xf32, #tpu.memory_space<hbm>> -> memref<125x32xf32, #tpu.memory_space<hbm>>
      %dma_wait3A_84 = arith.constant 0 : i32
      %dma_wait3A_85 = tpu.memref_slice %arg2[%mul3A_2, %dma_wait3A_84] : memref<160000x32xf32, #tpu.memory_space<hbm>> -> memref<125x32xf32, #tpu.memory_space<hbm>>
      tpu.wait_dma2 semaphore(%arg12 : memref<!tpu.dma_semaphore, #tpu.memory_space<semaphore_mem>>) src(%dma_wait3A_85 : memref<125x32xf32, #tpu.memory_space<hbm>>) dst(%arg8 : memref<125x32xf32, #tpu.memory_space<vmem>>)
      %mul3A_86 = arith.constant 4 : i32
      %mul3A_87 = arith.muli %scan3A_67, %mul3A_86 : i32
      %add3A_88 = arith.constant 1 : i32
      %add3A_89 = arith.addi %mul3A_87, %add3A_88 : i32
      %dma_start3A_90 = arith.constant 0 : i32
      %dma_start3A_91 = tpu.memref_slice %arg6[%add3A_89, %dma_start3A_90] : memref<40x125xi32, #tpu.memory_space<vmem>> -> memref<1x125xi32, #tpu.memory_space<vmem>>
      %dma_start3A_92 = tpu.memref_squeeze %dma_start3A_91 : memref<1x125xi32, #tpu.memory_space<vmem>> -> memref<125xi32, #tpu.memory_space<vmem>>
      %dma_start3A_93 = arith.constant 0 : i32
      %dma_start3A_94 = arith.constant 0 : i32
      %dma_start3A_95 = tpu.memref_slice %arg19[%dma_start3A_93, %dma_start3A_94] : memref<10000x32xf32, #tpu.memory_space<vmem_shared>> -> memref<10000x32xf32, #tpu.memory_space<vmem_shared>>
      tpu.enqueue_indirect_dma source(%arg8 : memref<125x32xf32, #tpu.memory_space<vmem>>) target(%dma_start3A_95 : memref<10000x32xf32, #tpu.memory_space<vmem_shared>>) offsets(%dma_start3A_92 : memref<125xi32, #tpu.memory_space<vmem>>) semaphore(%arg16 : memref<!tpu.dma_semaphore, #tpu.memory_space<semaphore_mem>>) {add = true}
      %dma_wait3A_96 = arith.constant 0 : i32
      %dma_wait3A_97 = tpu.memref_slice %arg2[%mul3A_2, %dma_wait3A_96] : memref<160000x32xf32, #tpu.memory_space<hbm>> -> memref<125x32xf32, #tpu.memory_space<hbm>>
      %dma_wait3A_98 = arith.constant 0 : i32
      %dma_wait3A_99 = tpu.memref_slice %arg2[%mul3A_2, %dma_wait3A_98] : memref<160000x32xf32, #tpu.memory_space<hbm>> -> memref<125x32xf32, #tpu.memory_space<hbm>>
      tpu.wait_dma2 semaphore(%arg13 : memref<!tpu.dma_semaphore, #tpu.memory_space<semaphore_mem>>) src(%dma_wait3A_99 : memref<125x32xf32, #tpu.memory_space<hbm>>) dst(%arg9 : memref<125x32xf32, #tpu.memory_space<vmem>>)
      %mul3A_100 = arith.constant 4 : i32
      %mul3A_101 = arith.muli %scan3A_67, %mul3A_100 : i32
      %add3A_102 = arith.constant 2 : i32
      %add3A_103 = arith.addi %mul3A_101, %add3A_102 : i32
      %dma_start3A_104 = arith.constant 0 : i32
      %dma_start3A_105 = tpu.memref_slice %arg6[%add3A_103, %dma_start3A_104] : memref<40x125xi32, #tpu.memory_space<vmem>> -> memref<1x125xi32, #tpu.memory_space<vmem>>
      %dma_start3A_106 = tpu.memref_squeeze %dma_start3A_105 : memref<1x125xi32, #tpu.memory_space<vmem>> -> memref<125xi32, #tpu.memory_space<vmem>>
      %dma_start3A_107 = arith.constant 0 : i32
      %dma_start3A_108 = arith.constant 0 : i32
      %dma_start3A_109 = tpu.memref_slice %arg19[%dma_start3A_107, %dma_start3A_108] : memref<10000x32xf32, #tpu.memory_space<vmem_shared>> -> memref<10000x32xf32, #tpu.memory_space<vmem_shared>>
      tpu.enqueue_indirect_dma source(%arg9 : memref<125x32xf32, #tpu.memory_space<vmem>>) target(%dma_start3A_109 : memref<10000x32xf32, #tpu.memory_space<vmem_shared>>) offsets(%dma_start3A_106 : memref<125xi32, #tpu.memory_space<vmem>>) semaphore(%arg17 : memref<!tpu.dma_semaphore, #tpu.memory_space<semaphore_mem>>) {add = true}
      %dma_wait3A_110 = arith.constant 0 : i32
      %dma_wait3A_111 = tpu.memref_slice %arg2[%mul3A_2, %dma_wait3A_110] : memref<160000x32xf32, #tpu.memory_space<hbm>> -> memref<125x32xf32, #tpu.memory_space<hbm>>
      %dma_wait3A_112 = arith.constant 0 : i32
      %dma_wait3A_113 = tpu.memref_slice %arg2[%mul3A_2, %dma_wait3A_112] : memref<160000x32xf32, #tpu.memory_space<hbm>> -> memref<125x32xf32, #tpu.memory_space<hbm>>
      tpu.wait_dma2 semaphore(%arg14 : memref<!tpu.dma_semaphore, #tpu.memory_space<semaphore_mem>>) src(%dma_wait3A_113 : memref<125x32xf32, #tpu.memory_space<hbm>>) dst(%arg10 : memref<125x32xf32, #tpu.memory_space<vmem>>)
      %mul3A_114 = arith.constant 4 : i32
      %mul3A_115 = arith.muli %scan3A_67, %mul3A_114 : i32
      %add3A_116 = arith.constant 3 : i32
      %add3A_117 = arith.addi %mul3A_115, %add3A_116 : i32
      %dma_start3A_118 = arith.constant 0 : i32
      %dma_start3A_119 = tpu.memref_slice %arg6[%add3A_117, %dma_start3A_118] : memref<40x125xi32, #tpu.memory_space<vmem>> -> memref<1x125xi32, #tpu.memory_space<vmem>>
      %dma_start3A_120 = tpu.memref_squeeze %dma_start3A_119 : memref<1x125xi32, #tpu.memory_space<vmem>> -> memref<125xi32, #tpu.memory_space<vmem>>
      %dma_start3A_121 = arith.constant 0 : i32
      %dma_start3A_122 = arith.constant 0 : i32
      %dma_start3A_123 = tpu.memref_slice %arg19[%dma_start3A_121, %dma_start3A_122] : memref<10000x32xf32, #tpu.memory_space<vmem_shared>> -> memref<10000x32xf32, #tpu.memory_space<vmem_shared>>
      tpu.enqueue_indirect_dma source(%arg10 : memref<125x32xf32, #tpu.memory_space<vmem>>) target(%dma_start3A_123 : memref<10000x32xf32, #tpu.memory_space<vmem_shared>>) offsets(%dma_start3A_120 : memref<125xi32, #tpu.memory_space<vmem>>) semaphore(%arg18 : memref<!tpu.dma_semaphore, #tpu.memory_space<semaphore_mem>>) {add = true}
      %lt3A = arith.constant 9 : i32
      %lt3A_124 = arith.cmpi slt, %scan3A_67, %lt3A : i32
      %convert_element_type3A = arith.extui %lt3A_124 : i1 to i32
      %cond3A = arith.constant 0 : i32
      %cond3A_125 = arith.cmpi ne, %convert_element_type3A, %cond3A : i32
      scf.if %cond3A_125 {
        %dma_wait3A_126 = arith.constant 0 : i32
        %dma_wait3A_127 = arith.constant 0 : i32
        %dma_wait3A_128 = tpu.memref_slice %arg6[%dma_wait3A_126, %dma_wait3A_127] : memref<40x125xi32, #tpu.memory_space<vmem>> -> memref<1x125xi32, #tpu.memory_space<vmem>>
        %dma_wait3A_129 = tpu.memref_squeeze %dma_wait3A_128 : memref<1x125xi32, #tpu.memory_space<vmem>> -> memref<125xi32, #tpu.memory_space<vmem>>
        %dma_wait3A_130 = arith.constant 0 : i32
        %dma_wait3A_131 = arith.constant 0 : i32
        %dma_wait3A_132 = tpu.memref_slice %arg19[%dma_wait3A_130, %dma_wait3A_131] : memref<10000x32xf32, #tpu.memory_space<vmem_shared>> -> memref<10000x32xf32, #tpu.memory_space<vmem_shared>>
        tpu.wait_indirect_dma semaphore(%arg15 : memref<!tpu.dma_semaphore, #tpu.memory_space<semaphore_mem>>) src(%arg7 : memref<125x32xf32, #tpu.memory_space<vmem>>) dst(%dma_wait3A_132 : memref<10000x32xf32, #tpu.memory_space<vmem_shared>>)
        %add3A_133 = arith.constant 1 : i32
        %add3A_134 = arith.addi %scan3A_67, %add3A_133 : i32
        %mul3A_135 = arith.constant 4 : i32
        %mul3A_136 = arith.muli %add3A_134, %mul3A_135 : i32
        %add3A_137 = arith.constant 0 : i32
        %add3A_138 = arith.addi %mul3A_136, %add3A_137 : i32
        %mul3A_139 = arith.constant 125 : i32
        %mul3A_140 = arith.muli %add3A_138, %mul3A_139 : i32
        %add3A_141 = arith.addi %mul3A_2, %mul3A_140 : i32
        %dma_start3A_142 = arith.constant 0 : i32
        %dma_start3A_143 = tpu.memref_slice %arg2[%add3A_141, %dma_start3A_142] : memref<160000x32xf32, #tpu.memory_space<hbm>> -> memref<125x32xf32, #tpu.memory_space<hbm>>
        %dma_start3A_144 = arith.constant 0 : i32
        %dma_start3A_145 = tpu.memref_slice %arg2[%add3A_141, %dma_start3A_144] : memref<160000x32xf32, #tpu.memory_space<hbm>> -> memref<125x32xf32, #tpu.memory_space<hbm>>
        tpu.enqueue_dma source(%dma_start3A_145 : memref<125x32xf32, #tpu.memory_space<hbm>>) target(%arg7 : memref<125x32xf32, #tpu.memory_space<vmem>>) target_semaphore(%arg11 : memref<!tpu.dma_semaphore, #tpu.memory_space<semaphore_mem>>)
        %dma_wait3A_146 = arith.constant 0 : i32
        %dma_wait3A_147 = arith.constant 0 : i32
        %dma_wait3A_148 = tpu.memref_slice %arg6[%dma_wait3A_146, %dma_wait3A_147] : memref<40x125xi32, #tpu.memory_space<vmem>> -> memref<1x125xi32, #tpu.memory_space<vmem>>
        %dma_wait3A_149 = tpu.memref_squeeze %dma_wait3A_148 : memref<1x125xi32, #tpu.memory_space<vmem>> -> memref<125xi32, #tpu.memory_space<vmem>>
        %dma_wait3A_150 = arith.constant 0 : i32
        %dma_wait3A_151 = arith.constant 0 : i32
        %dma_wait3A_152 = tpu.memref_slice %arg19[%dma_wait3A_150, %dma_wait3A_151] : memref<10000x32xf32, #tpu.memory_space<vmem_shared>> -> memref<10000x32xf32, #tpu.memory_space<vmem_shared>>
        tpu.wait_indirect_dma semaphore(%arg16 : memref<!tpu.dma_semaphore, #tpu.memory_space<semaphore_mem>>) src(%arg8 : memref<125x32xf32, #tpu.memory_space<vmem>>) dst(%dma_wait3A_152 : memref<10000x32xf32, #tpu.memory_space<vmem_shared>>)
        %add3A_153 = arith.constant 1 : i32
        %add3A_154 = arith.addi %scan3A_67, %add3A_153 : i32
        %mul3A_155 = arith.constant 4 : i32
        %mul3A_156 = arith.muli %add3A_154, %mul3A_155 : i32
        %add3A_157 = arith.constant 1 : i32
        %add3A_158 = arith.addi %mul3A_156, %add3A_157 : i32
        %mul3A_159 = arith.constant 125 : i32
        %mul3A_160 = arith.muli %add3A_158, %mul3A_159 : i32
        %add3A_161 = arith.addi %mul3A_2, %mul3A_160 : i32
        %dma_start3A_162 = arith.constant 0 : i32
        %dma_start3A_163 = tpu.memref_slice %arg2[%add3A_161, %dma_start3A_162] : memref<160000x32xf32, #tpu.memory_space<hbm>> -> memref<125x32xf32, #tpu.memory_space<hbm>>
        %dma_start3A_164 = arith.constant 0 : i32
        %dma_start3A_165 = tpu.memref_slice %arg2[%add3A_161, %dma_start3A_164] : memref<160000x32xf32, #tpu.memory_space<hbm>> -> memref<125x32xf32, #tpu.memory_space<hbm>>
        tpu.enqueue_dma source(%dma_start3A_165 : memref<125x32xf32, #tpu.memory_space<hbm>>) target(%arg8 : memref<125x32xf32, #tpu.memory_space<vmem>>) target_semaphore(%arg12 : memref<!tpu.dma_semaphore, #tpu.memory_space<semaphore_mem>>)
        %dma_wait3A_166 = arith.constant 0 : i32
        %dma_wait3A_167 = arith.constant 0 : i32
        %dma_wait3A_168 = tpu.memref_slice %arg6[%dma_wait3A_166, %dma_wait3A_167] : memref<40x125xi32, #tpu.memory_space<vmem>> -> memref<1x125xi32, #tpu.memory_space<vmem>>
        %dma_wait3A_169 = tpu.memref_squeeze %dma_wait3A_168 : memref<1x125xi32, #tpu.memory_space<vmem>> -> memref<125xi32, #tpu.memory_space<vmem>>
        %dma_wait3A_170 = arith.constant 0 : i32
        %dma_wait3A_171 = arith.constant 0 : i32
        %dma_wait3A_172 = tpu.memref_slice %arg19[%dma_wait3A_170, %dma_wait3A_171] : memref<10000x32xf32, #tpu.memory_space<vmem_shared>> -> memref<10000x32xf32, #tpu.memory_space<vmem_shared>>
        tpu.wait_indirect_dma semaphore(%arg17 : memref<!tpu.dma_semaphore, #tpu.memory_space<semaphore_mem>>) src(%arg9 : memref<125x32xf32, #tpu.memory_space<vmem>>) dst(%dma_wait3A_172 : memref<10000x32xf32, #tpu.memory_space<vmem_shared>>)
        %add3A_173 = arith.constant 1 : i32
        %add3A_174 = arith.addi %scan3A_67, %add3A_173 : i32
        %mul3A_175 = arith.constant 4 : i32
        %mul3A_176 = arith.muli %add3A_174, %mul3A_175 : i32
        %add3A_177 = arith.constant 2 : i32
        %add3A_178 = arith.addi %mul3A_176, %add3A_177 : i32
        %mul3A_179 = arith.constant 125 : i32
        %mul3A_180 = arith.muli %add3A_178, %mul3A_179 : i32
        %add3A_181 = arith.addi %mul3A_2, %mul3A_180 : i32
        %dma_start3A_182 = arith.constant 0 : i32
        %dma_start3A_183 = tpu.memref_slice %arg2[%add3A_181, %dma_start3A_182] : memref<160000x32xf32, #tpu.memory_space<hbm>> -> memref<125x32xf32, #tpu.memory_space<hbm>>
        %dma_start3A_184 = arith.constant 0 : i32
        %dma_start3A_185 = tpu.memref_slice %arg2[%add3A_181, %dma_start3A_184] : memref<160000x32xf32, #tpu.memory_space<hbm>> -> memref<125x32xf32, #tpu.memory_space<hbm>>
        tpu.enqueue_dma source(%dma_start3A_185 : memref<125x32xf32, #tpu.memory_space<hbm>>) target(%arg9 : memref<125x32xf32, #tpu.memory_space<vmem>>) target_semaphore(%arg13 : memref<!tpu.dma_semaphore, #tpu.memory_space<semaphore_mem>>)
        %dma_wait3A_186 = arith.constant 0 : i32
        %dma_wait3A_187 = arith.constant 0 : i32
        %dma_wait3A_188 = tpu.memref_slice %arg6[%dma_wait3A_186, %dma_wait3A_187] : memref<40x125xi32, #tpu.memory_space<vmem>> -> memref<1x125xi32, #tpu.memory_space<vmem>>
        %dma_wait3A_189 = tpu.memref_squeeze %dma_wait3A_188 : memref<1x125xi32, #tpu.memory_space<vmem>> -> memref<125xi32, #tpu.memory_space<vmem>>
        %dma_wait3A_190 = arith.constant 0 : i32
        %dma_wait3A_191 = arith.constant 0 : i32
        %dma_wait3A_192 = tpu.memref_slice %arg19[%dma_wait3A_190, %dma_wait3A_191] : memref<10000x32xf32, #tpu.memory_space<vmem_shared>> -> memref<10000x32xf32, #tpu.memory_space<vmem_shared>>
        tpu.wait_indirect_dma semaphore(%arg18 : memref<!tpu.dma_semaphore, #tpu.memory_space<semaphore_mem>>) src(%arg10 : memref<125x32xf32, #tpu.memory_space<vmem>>) dst(%dma_wait3A_192 : memref<10000x32xf32, #tpu.memory_space<vmem_shared>>)
        %add3A_193 = arith.constant 1 : i32
        %add3A_194 = arith.addi %scan3A_67, %add3A_193 : i32
        %mul3A_195 = arith.constant 4 : i32
        %mul3A_196 = arith.muli %add3A_194, %mul3A_195 : i32
        %add3A_197 = arith.constant 3 : i32
        %add3A_198 = arith.addi %mul3A_196, %add3A_197 : i32
        %mul3A_199 = arith.constant 125 : i32
        %mul3A_200 = arith.muli %add3A_198, %mul3A_199 : i32
        %add3A_201 = arith.addi %mul3A_2, %mul3A_200 : i32
        %dma_start3A_202 = arith.constant 0 : i32
        %dma_start3A_203 = tpu.memref_slice %arg2[%add3A_201, %dma_start3A_202] : memref<160000x32xf32, #tpu.memory_space<hbm>> -> memref<125x32xf32, #tpu.memory_space<hbm>>
        %dma_start3A_204 = arith.constant 0 : i32
        %dma_start3A_205 = tpu.memref_slice %arg2[%add3A_201, %dma_start3A_204] : memref<160000x32xf32, #tpu.memory_space<hbm>> -> memref<125x32xf32, #tpu.memory_space<hbm>>
        tpu.enqueue_dma source(%dma_start3A_205 : memref<125x32xf32, #tpu.memory_space<hbm>>) target(%arg10 : memref<125x32xf32, #tpu.memory_space<vmem>>) target_semaphore(%arg14 : memref<!tpu.dma_semaphore, #tpu.memory_space<semaphore_mem>>)
      } else {
      }
    }
    %scan3A_34 = arith.constant 10 : i32
    %dma_wait3A = arith.constant 0 : i32
    %dma_wait3A_35 = arith.constant 0 : i32
    %dma_wait3A_36 = tpu.memref_slice %arg6[%dma_wait3A, %dma_wait3A_35] : memref<40x125xi32, #tpu.memory_space<vmem>> -> memref<1x125xi32, #tpu.memory_space<vmem>>
    %dma_wait3A_37 = tpu.memref_squeeze %dma_wait3A_36 : memref<1x125xi32, #tpu.memory_space<vmem>> -> memref<125xi32, #tpu.memory_space<vmem>>
    %dma_wait3A_38 = arith.constant 0 : i32
    %dma_wait3A_39 = arith.constant 0 : i32
    %dma_wait3A_40 = tpu.memref_slice %arg19[%dma_wait3A_38, %dma_wait3A_39] : memref<10000x32xf32, #tpu.memory_space<vmem_shared>> -> memref<10000x32xf32, #tpu.memory_space<vmem_shared>>
    tpu.wait_indirect_dma semaphore(%arg15 : memref<!tpu.dma_semaphore, #tpu.memory_space<semaphore_mem>>) src(%arg7 : memref<125x32xf32, #tpu.memory_space<vmem>>) dst(%dma_wait3A_40 : memref<10000x32xf32, #tpu.memory_space<vmem_shared>>)
    %dma_wait3A_41 = arith.constant 0 : i32
    %dma_wait3A_42 = arith.constant 0 : i32
    %dma_wait3A_43 = tpu.memref_slice %arg6[%dma_wait3A_41, %dma_wait3A_42] : memref<40x125xi32, #tpu.memory_space<vmem>> -> memref<1x125xi32, #tpu.memory_space<vmem>>
    %dma_wait3A_44 = tpu.memref_squeeze %dma_wait3A_43 : memref<1x125xi32, #tpu.memory_space<vmem>> -> memref<125xi32, #tpu.memory_space<vmem>>
    %dma_wait3A_45 = arith.constant 0 : i32
    %dma_wait3A_46 = arith.constant 0 : i32
    %dma_wait3A_47 = tpu.memref_slice %arg19[%dma_wait3A_45, %dma_wait3A_46] : memref<10000x32xf32, #tpu.memory_space<vmem_shared>> -> memref<10000x32xf32, #tpu.memory_space<vmem_shared>>
    tpu.wait_indirect_dma semaphore(%arg16 : memref<!tpu.dma_semaphore, #tpu.memory_space<semaphore_mem>>) src(%arg8 : memref<125x32xf32, #tpu.memory_space<vmem>>) dst(%dma_wait3A_47 : memref<10000x32xf32, #tpu.memory_space<vmem_shared>>)
    %dma_wait3A_48 = arith.constant 0 : i32
    %dma_wait3A_49 = arith.constant 0 : i32
    %dma_wait3A_50 = tpu.memref_slice %arg6[%dma_wait3A_48, %dma_wait3A_49] : memref<40x125xi32, #tpu.memory_space<vmem>> -> memref<1x125xi32, #tpu.memory_space<vmem>>
    %dma_wait3A_51 = tpu.memref_squeeze %dma_wait3A_50 : memref<1x125xi32, #tpu.memory_space<vmem>> -> memref<125xi32, #tpu.memory_space<vmem>>
    %dma_wait3A_52 = arith.constant 0 : i32
    %dma_wait3A_53 = arith.constant 0 : i32
    %dma_wait3A_54 = tpu.memref_slice %arg19[%dma_wait3A_52, %dma_wait3A_53] : memref<10000x32xf32, #tpu.memory_space<vmem_shared>> -> memref<10000x32xf32, #tpu.memory_space<vmem_shared>>
    tpu.wait_indirect_dma semaphore(%arg17 : memref<!tpu.dma_semaphore, #tpu.memory_space<semaphore_mem>>) src(%arg9 : memref<125x32xf32, #tpu.memory_space<vmem>>) dst(%dma_wait3A_54 : memref<10000x32xf32, #tpu.memory_space<vmem_shared>>)
    %dma_wait3A_55 = arith.constant 0 : i32
    %dma_wait3A_56 = arith.constant 0 : i32
    %dma_wait3A_57 = tpu.memref_slice %arg6[%dma_wait3A_55, %dma_wait3A_56] : memref<40x125xi32, #tpu.memory_space<vmem>> -> memref<1x125xi32, #tpu.memory_space<vmem>>
    %dma_wait3A_58 = tpu.memref_squeeze %dma_wait3A_57 : memref<1x125xi32, #tpu.memory_space<vmem>> -> memref<125xi32, #tpu.memory_space<vmem>>
    %dma_wait3A_59 = arith.constant 0 : i32
    %dma_wait3A_60 = arith.constant 0 : i32
    %dma_wait3A_61 = tpu.memref_slice %arg19[%dma_wait3A_59, %dma_wait3A_60] : memref<10000x32xf32, #tpu.memory_space<vmem_shared>> -> memref<10000x32xf32, #tpu.memory_space<vmem_shared>>
    tpu.wait_indirect_dma semaphore(%arg18 : memref<!tpu.dma_semaphore, #tpu.memory_space<semaphore_mem>>) src(%arg10 : memref<125x32xf32, #tpu.memory_space<vmem>>) dst(%dma_wait3A_61 : memref<10000x32xf32, #tpu.memory_space<vmem_shared>>)
    %barrier3A_62 = arith.constant 0 : index
    tpu.barrier barrier_id(%barrier3A_62)
    %mul3A_63 = arith.constant 625 : i32
    %mul3A_64 = arith.muli %arg1, %mul3A_63 : i32
    %mul3A_65 = arith.constant 625 : i32
    %mul3A_66 = arith.muli %arg1, %mul3A_65 : i32
    "tpu.region"() ({
      %run_scoped3A = tpu.sem_alloc : memref<!tpu.dma_semaphore, #tpu.memory_space<semaphore_mem>>
      %dma_start3A_67 = arith.constant 0 : i32
      %dma_start3A_68 = tpu.memref_slice %arg5[%arg0, %mul3A_66, %dma_start3A_67] : memref<2x10000x32xf32, #tpu.memory_space<hbm>> -> memref<1x625x32xf32, #tpu.memory_space<hbm>>
      %dma_start3A_69 = tpu.memref_squeeze %dma_start3A_68 : memref<1x625x32xf32, #tpu.memory_space<hbm>> -> memref<625x32xf32, #tpu.memory_space<hbm>>
      %dma_start3A_70 = arith.constant 0 : i32
      %dma_start3A_71 = tpu.memref_slice %arg19[%mul3A_64, %dma_start3A_70] : memref<10000x32xf32, #tpu.memory_space<vmem_shared>> -> memref<625x32xf32, #tpu.memory_space<vmem_shared>>
      tpu.enqueue_dma source(%dma_start3A_71 : memref<625x32xf32, #tpu.memory_space<vmem_shared>>) target(%dma_start3A_69 : memref<625x32xf32, #tpu.memory_space<hbm>>) target_semaphore(%run_scoped3A : memref<!tpu.dma_semaphore, #tpu.memory_space<semaphore_mem>>)
      %dma_wait3A_72 = arith.constant 0 : i32
      %dma_wait3A_73 = tpu.memref_slice %arg5[%arg0, %mul3A_66, %dma_wait3A_72] : memref<2x10000x32xf32, #tpu.memory_space<hbm>> -> memref<1x625x32xf32, #tpu.memory_space<hbm>>
      %dma_wait3A_74 = tpu.memref_squeeze %dma_wait3A_73 : memref<1x625x32xf32, #tpu.memory_space<hbm>> -> memref<625x32xf32, #tpu.memory_space<hbm>>
      %dma_wait3A_75 = arith.constant 0 : i32
      %dma_wait3A_76 = tpu.memref_slice %arg19[%mul3A_64, %dma_wait3A_75] : memref<10000x32xf32, #tpu.memory_space<vmem_shared>> -> memref<625x32xf32, #tpu.memory_space<vmem_shared>>
      tpu.wait_dma2 semaphore(%run_scoped3A : memref<!tpu.dma_semaphore, #tpu.memory_space<semaphore_mem>>) src(%dma_wait3A_76 : memref<625x32xf32, #tpu.memory_space<vmem_shared>>) dst(%dma_wait3A_74 : memref<625x32xf32, #tpu.memory_space<hbm>>)
      tpu.yield
    }) : () -> ()
    return
  }
}

#map = affine_map<(d0, d1) -> (0, 0)>
#map1 = affine_map<(d0, d1) -> (0, 0, 0)>
module attributes {stable_mosaic.version = 14 : i64} {
  func.func @_kg_body(%arg0: i32, %arg1: i32, %arg2: memref<10000x32xf32, #tpu.memory_space<hbm>>, %arg3: memref<32x40x125xi32, #tpu.memory_space<hbm>>, %arg4: memref<160000x32xf32, #tpu.memory_space<hbm>>, %arg5: memref<40x125xi32, #tpu.memory_space<vmem>>, %arg6: memref<125x32xf32, #tpu.memory_space<vmem>>, %arg7: memref<125x32xf32, #tpu.memory_space<vmem>>, %arg8: memref<125x32xf32, #tpu.memory_space<vmem>>, %arg9: memref<125x32xf32, #tpu.memory_space<vmem>>, %arg10: memref<!tpu.dma_semaphore, #tpu.memory_space<semaphore_mem>>, %arg11: memref<!tpu.dma_semaphore, #tpu.memory_space<semaphore_mem>>, %arg12: memref<!tpu.dma_semaphore, #tpu.memory_space<semaphore_mem>>, %arg13: memref<!tpu.dma_semaphore, #tpu.memory_space<semaphore_mem>>, %arg14: memref<!tpu.dma_semaphore, #tpu.memory_space<semaphore_mem>>, %arg15: memref<!tpu.dma_semaphore, #tpu.memory_space<semaphore_mem>>, %arg16: memref<!tpu.dma_semaphore, #tpu.memory_space<semaphore_mem>>, %arg17: memref<!tpu.dma_semaphore, #tpu.memory_space<semaphore_mem>>) attributes {dimension_semantics = [#tpu.dimension_semantics<core_parallel>, #tpu.dimension_semantics<subcore_parallel>], iteration_bounds = array<i64: 2, 16>, scalar_prefetch = 0 : i64, scratch_operands = 13 : i64, tpu.core_type = #tpu.core_type<sc_vector_subcore>, window_params = [{transform_indices = #map}, {transform_indices = #map1}, {transform_indices = #map}]} {
    %mul3A = arith.constant 2 : i32
    %mul3A_0 = arith.muli %arg1, %mul3A : i32
    %add3A = arith.addi %mul3A_0, %arg0 : i32
    %mul3A_1 = arith.constant 5000 : i32
    %mul3A_2 = arith.muli %add3A, %mul3A_1 : i32
    "tpu.region"() ({
      %run_scoped3A = tpu.sem_alloc : memref<!tpu.dma_semaphore, #tpu.memory_space<semaphore_mem>>
      %dma_start3A_50 = arith.constant 0 : i32
      %dma_start3A_51 = arith.constant 0 : i32
      %dma_start3A_52 = tpu.memref_slice %arg3[%add3A, %dma_start3A_50, %dma_start3A_51] : memref<32x40x125xi32, #tpu.memory_space<hbm>> -> memref<1x40x125xi32, #tpu.memory_space<hbm>>
      %dma_start3A_53 = tpu.memref_squeeze %dma_start3A_52 : memref<1x40x125xi32, #tpu.memory_space<hbm>> -> memref<40x125xi32, #tpu.memory_space<hbm>>
      %dma_start3A_54 = arith.constant 0 : i32
      %dma_start3A_55 = arith.constant 0 : i32
      %dma_start3A_56 = tpu.memref_slice %arg3[%add3A, %dma_start3A_54, %dma_start3A_55] : memref<32x40x125xi32, #tpu.memory_space<hbm>> -> memref<1x40x125xi32, #tpu.memory_space<hbm>>
      %dma_start3A_57 = tpu.memref_squeeze %dma_start3A_56 : memref<1x40x125xi32, #tpu.memory_space<hbm>> -> memref<40x125xi32, #tpu.memory_space<hbm>>
      tpu.enqueue_dma source(%dma_start3A_57 : memref<40x125xi32, #tpu.memory_space<hbm>>) target(%arg5 : memref<40x125xi32, #tpu.memory_space<vmem>>) target_semaphore(%run_scoped3A : memref<!tpu.dma_semaphore, #tpu.memory_space<semaphore_mem>>)
      %dma_wait3A_58 = arith.constant 0 : i32
      %dma_wait3A_59 = arith.constant 0 : i32
      %dma_wait3A_60 = tpu.memref_slice %arg3[%add3A, %dma_wait3A_58, %dma_wait3A_59] : memref<32x40x125xi32, #tpu.memory_space<hbm>> -> memref<1x40x125xi32, #tpu.memory_space<hbm>>
      %dma_wait3A_61 = tpu.memref_squeeze %dma_wait3A_60 : memref<1x40x125xi32, #tpu.memory_space<hbm>> -> memref<40x125xi32, #tpu.memory_space<hbm>>
      %dma_wait3A_62 = arith.constant 0 : i32
      %dma_wait3A_63 = arith.constant 0 : i32
      %dma_wait3A_64 = tpu.memref_slice %arg3[%add3A, %dma_wait3A_62, %dma_wait3A_63] : memref<32x40x125xi32, #tpu.memory_space<hbm>> -> memref<1x40x125xi32, #tpu.memory_space<hbm>>
      %dma_wait3A_65 = tpu.memref_squeeze %dma_wait3A_64 : memref<1x40x125xi32, #tpu.memory_space<hbm>> -> memref<40x125xi32, #tpu.memory_space<hbm>>
      tpu.wait_dma2 semaphore(%run_scoped3A : memref<!tpu.dma_semaphore, #tpu.memory_space<semaphore_mem>>) src(%dma_wait3A_65 : memref<40x125xi32, #tpu.memory_space<hbm>>) dst(%arg5 : memref<40x125xi32, #tpu.memory_space<vmem>>)
      tpu.yield
    }) : () -> ()
    %dma_start3A = arith.constant 0 : i32
    %dma_start3A_3 = arith.constant 0 : i32
    %dma_start3A_4 = tpu.memref_slice %arg5[%dma_start3A, %dma_start3A_3] : memref<40x125xi32, #tpu.memory_space<vmem>> -> memref<1x125xi32, #tpu.memory_space<vmem>>
    %dma_start3A_5 = tpu.memref_squeeze %dma_start3A_4 : memref<1x125xi32, #tpu.memory_space<vmem>> -> memref<125xi32, #tpu.memory_space<vmem>>
    %dma_start3A_6 = arith.constant 0 : i32
    %dma_start3A_7 = arith.constant 0 : i32
    %dma_start3A_8 = tpu.memref_slice %arg2[%dma_start3A_6, %dma_start3A_7] : memref<10000x32xf32, #tpu.memory_space<hbm>> -> memref<10000x32xf32, #tpu.memory_space<hbm>>
    tpu.enqueue_indirect_dma source(%dma_start3A_8 : memref<10000x32xf32, #tpu.memory_space<hbm>>) target(%arg6 : memref<125x32xf32, #tpu.memory_space<vmem>>) offsets(%dma_start3A_5 : memref<125xi32, #tpu.memory_space<vmem>>) semaphore(%arg10 : memref<!tpu.dma_semaphore, #tpu.memory_space<semaphore_mem>>)
    %dma_start3A_9 = arith.constant 1 : i32
    %dma_start3A_10 = arith.constant 0 : i32
    %dma_start3A_11 = tpu.memref_slice %arg5[%dma_start3A_9, %dma_start3A_10] : memref<40x125xi32, #tpu.memory_space<vmem>> -> memref<1x125xi32, #tpu.memory_space<vmem>>
    %dma_start3A_12 = tpu.memref_squeeze %dma_start3A_11 : memref<1x125xi32, #tpu.memory_space<vmem>> -> memref<125xi32, #tpu.memory_space<vmem>>
    %dma_start3A_13 = arith.constant 0 : i32
    %dma_start3A_14 = arith.constant 0 : i32
    %dma_start3A_15 = tpu.memref_slice %arg2[%dma_start3A_13, %dma_start3A_14] : memref<10000x32xf32, #tpu.memory_space<hbm>> -> memref<10000x32xf32, #tpu.memory_space<hbm>>
    tpu.enqueue_indirect_dma source(%dma_start3A_15 : memref<10000x32xf32, #tpu.memory_space<hbm>>) target(%arg7 : memref<125x32xf32, #tpu.memory_space<vmem>>) offsets(%dma_start3A_12 : memref<125xi32, #tpu.memory_space<vmem>>) semaphore(%arg11 : memref<!tpu.dma_semaphore, #tpu.memory_space<semaphore_mem>>)
    %dma_start3A_16 = arith.constant 2 : i32
    %dma_start3A_17 = arith.constant 0 : i32
    %dma_start3A_18 = tpu.memref_slice %arg5[%dma_start3A_16, %dma_start3A_17] : memref<40x125xi32, #tpu.memory_space<vmem>> -> memref<1x125xi32, #tpu.memory_space<vmem>>
    %dma_start3A_19 = tpu.memref_squeeze %dma_start3A_18 : memref<1x125xi32, #tpu.memory_space<vmem>> -> memref<125xi32, #tpu.memory_space<vmem>>
    %dma_start3A_20 = arith.constant 0 : i32
    %dma_start3A_21 = arith.constant 0 : i32
    %dma_start3A_22 = tpu.memref_slice %arg2[%dma_start3A_20, %dma_start3A_21] : memref<10000x32xf32, #tpu.memory_space<hbm>> -> memref<10000x32xf32, #tpu.memory_space<hbm>>
    tpu.enqueue_indirect_dma source(%dma_start3A_22 : memref<10000x32xf32, #tpu.memory_space<hbm>>) target(%arg8 : memref<125x32xf32, #tpu.memory_space<vmem>>) offsets(%dma_start3A_19 : memref<125xi32, #tpu.memory_space<vmem>>) semaphore(%arg12 : memref<!tpu.dma_semaphore, #tpu.memory_space<semaphore_mem>>)
    %dma_start3A_23 = arith.constant 3 : i32
    %dma_start3A_24 = arith.constant 0 : i32
    %dma_start3A_25 = tpu.memref_slice %arg5[%dma_start3A_23, %dma_start3A_24] : memref<40x125xi32, #tpu.memory_space<vmem>> -> memref<1x125xi32, #tpu.memory_space<vmem>>
    %dma_start3A_26 = tpu.memref_squeeze %dma_start3A_25 : memref<1x125xi32, #tpu.memory_space<vmem>> -> memref<125xi32, #tpu.memory_space<vmem>>
    %dma_start3A_27 = arith.constant 0 : i32
    %dma_start3A_28 = arith.constant 0 : i32
    %dma_start3A_29 = tpu.memref_slice %arg2[%dma_start3A_27, %dma_start3A_28] : memref<10000x32xf32, #tpu.memory_space<hbm>> -> memref<10000x32xf32, #tpu.memory_space<hbm>>
    tpu.enqueue_indirect_dma source(%dma_start3A_29 : memref<10000x32xf32, #tpu.memory_space<hbm>>) target(%arg9 : memref<125x32xf32, #tpu.memory_space<vmem>>) offsets(%dma_start3A_26 : memref<125xi32, #tpu.memory_space<vmem>>) semaphore(%arg13 : memref<!tpu.dma_semaphore, #tpu.memory_space<semaphore_mem>>)
    %scan3A = arith.constant 0 : i32
    %scan3A_30 = arith.constant 0 : i32
    %scan3A_31 = arith.constant 10 : i32
    %scan3A_32 = arith.addi %scan3A_30, %scan3A_31 : i32
    %scan3A_33 = arith.constant 1 : i32
    scf.for %scan3A_50 = %scan3A_30 to %scan3A_32 step %scan3A_33  : i32 {
      %dma_wait3A_51 = arith.constant 0 : i32
      %dma_wait3A_52 = arith.constant 0 : i32
      %dma_wait3A_53 = tpu.memref_slice %arg5[%dma_wait3A_51, %dma_wait3A_52] : memref<40x125xi32, #tpu.memory_space<vmem>> -> memref<1x125xi32, #tpu.memory_space<vmem>>
      %dma_wait3A_54 = tpu.memref_squeeze %dma_wait3A_53 : memref<1x125xi32, #tpu.memory_space<vmem>> -> memref<125xi32, #tpu.memory_space<vmem>>
      %dma_wait3A_55 = arith.constant 0 : i32
      %dma_wait3A_56 = arith.constant 0 : i32
      %dma_wait3A_57 = tpu.memref_slice %arg2[%dma_wait3A_55, %dma_wait3A_56] : memref<10000x32xf32, #tpu.memory_space<hbm>> -> memref<10000x32xf32, #tpu.memory_space<hbm>>
      tpu.wait_indirect_dma semaphore(%arg10 : memref<!tpu.dma_semaphore, #tpu.memory_space<semaphore_mem>>) src(%dma_wait3A_57 : memref<10000x32xf32, #tpu.memory_space<hbm>>) dst(%arg6 : memref<125x32xf32, #tpu.memory_space<vmem>>)
      %mul3A_58 = arith.constant 4 : i32
      %mul3A_59 = arith.muli %scan3A_50, %mul3A_58 : i32
      %add3A_60 = arith.constant 0 : i32
      %add3A_61 = arith.addi %mul3A_59, %add3A_60 : i32
      %mul3A_62 = arith.constant 125 : i32
      %mul3A_63 = arith.muli %add3A_61, %mul3A_62 : i32
      %add3A_64 = arith.addi %mul3A_2, %mul3A_63 : i32
      %dma_start3A_65 = arith.constant 0 : i32
      %dma_start3A_66 = tpu.memref_slice %arg4[%add3A_64, %dma_start3A_65] : memref<160000x32xf32, #tpu.memory_space<hbm>> -> memref<125x32xf32, #tpu.memory_space<hbm>>
      %dma_start3A_67 = arith.constant 0 : i32
      %dma_start3A_68 = tpu.memref_slice %arg4[%add3A_64, %dma_start3A_67] : memref<160000x32xf32, #tpu.memory_space<hbm>> -> memref<125x32xf32, #tpu.memory_space<hbm>>
      tpu.enqueue_dma source(%arg6 : memref<125x32xf32, #tpu.memory_space<vmem>>) target(%dma_start3A_68 : memref<125x32xf32, #tpu.memory_space<hbm>>) target_semaphore(%arg14 : memref<!tpu.dma_semaphore, #tpu.memory_space<semaphore_mem>>)
      %dma_wait3A_69 = arith.constant 0 : i32
      %dma_wait3A_70 = arith.constant 0 : i32
      %dma_wait3A_71 = tpu.memref_slice %arg5[%dma_wait3A_69, %dma_wait3A_70] : memref<40x125xi32, #tpu.memory_space<vmem>> -> memref<1x125xi32, #tpu.memory_space<vmem>>
      %dma_wait3A_72 = tpu.memref_squeeze %dma_wait3A_71 : memref<1x125xi32, #tpu.memory_space<vmem>> -> memref<125xi32, #tpu.memory_space<vmem>>
      %dma_wait3A_73 = arith.constant 0 : i32
      %dma_wait3A_74 = arith.constant 0 : i32
      %dma_wait3A_75 = tpu.memref_slice %arg2[%dma_wait3A_73, %dma_wait3A_74] : memref<10000x32xf32, #tpu.memory_space<hbm>> -> memref<10000x32xf32, #tpu.memory_space<hbm>>
      tpu.wait_indirect_dma semaphore(%arg11 : memref<!tpu.dma_semaphore, #tpu.memory_space<semaphore_mem>>) src(%dma_wait3A_75 : memref<10000x32xf32, #tpu.memory_space<hbm>>) dst(%arg7 : memref<125x32xf32, #tpu.memory_space<vmem>>)
      %mul3A_76 = arith.constant 4 : i32
      %mul3A_77 = arith.muli %scan3A_50, %mul3A_76 : i32
      %add3A_78 = arith.constant 1 : i32
      %add3A_79 = arith.addi %mul3A_77, %add3A_78 : i32
      %mul3A_80 = arith.constant 125 : i32
      %mul3A_81 = arith.muli %add3A_79, %mul3A_80 : i32
      %add3A_82 = arith.addi %mul3A_2, %mul3A_81 : i32
      %dma_start3A_83 = arith.constant 0 : i32
      %dma_start3A_84 = tpu.memref_slice %arg4[%add3A_82, %dma_start3A_83] : memref<160000x32xf32, #tpu.memory_space<hbm>> -> memref<125x32xf32, #tpu.memory_space<hbm>>
      %dma_start3A_85 = arith.constant 0 : i32
      %dma_start3A_86 = tpu.memref_slice %arg4[%add3A_82, %dma_start3A_85] : memref<160000x32xf32, #tpu.memory_space<hbm>> -> memref<125x32xf32, #tpu.memory_space<hbm>>
      tpu.enqueue_dma source(%arg7 : memref<125x32xf32, #tpu.memory_space<vmem>>) target(%dma_start3A_86 : memref<125x32xf32, #tpu.memory_space<hbm>>) target_semaphore(%arg15 : memref<!tpu.dma_semaphore, #tpu.memory_space<semaphore_mem>>)
      %dma_wait3A_87 = arith.constant 0 : i32
      %dma_wait3A_88 = arith.constant 0 : i32
      %dma_wait3A_89 = tpu.memref_slice %arg5[%dma_wait3A_87, %dma_wait3A_88] : memref<40x125xi32, #tpu.memory_space<vmem>> -> memref<1x125xi32, #tpu.memory_space<vmem>>
      %dma_wait3A_90 = tpu.memref_squeeze %dma_wait3A_89 : memref<1x125xi32, #tpu.memory_space<vmem>> -> memref<125xi32, #tpu.memory_space<vmem>>
      %dma_wait3A_91 = arith.constant 0 : i32
      %dma_wait3A_92 = arith.constant 0 : i32
      %dma_wait3A_93 = tpu.memref_slice %arg2[%dma_wait3A_91, %dma_wait3A_92] : memref<10000x32xf32, #tpu.memory_space<hbm>> -> memref<10000x32xf32, #tpu.memory_space<hbm>>
      tpu.wait_indirect_dma semaphore(%arg12 : memref<!tpu.dma_semaphore, #tpu.memory_space<semaphore_mem>>) src(%dma_wait3A_93 : memref<10000x32xf32, #tpu.memory_space<hbm>>) dst(%arg8 : memref<125x32xf32, #tpu.memory_space<vmem>>)
      %mul3A_94 = arith.constant 4 : i32
      %mul3A_95 = arith.muli %scan3A_50, %mul3A_94 : i32
      %add3A_96 = arith.constant 2 : i32
      %add3A_97 = arith.addi %mul3A_95, %add3A_96 : i32
      %mul3A_98 = arith.constant 125 : i32
      %mul3A_99 = arith.muli %add3A_97, %mul3A_98 : i32
      %add3A_100 = arith.addi %mul3A_2, %mul3A_99 : i32
      %dma_start3A_101 = arith.constant 0 : i32
      %dma_start3A_102 = tpu.memref_slice %arg4[%add3A_100, %dma_start3A_101] : memref<160000x32xf32, #tpu.memory_space<hbm>> -> memref<125x32xf32, #tpu.memory_space<hbm>>
      %dma_start3A_103 = arith.constant 0 : i32
      %dma_start3A_104 = tpu.memref_slice %arg4[%add3A_100, %dma_start3A_103] : memref<160000x32xf32, #tpu.memory_space<hbm>> -> memref<125x32xf32, #tpu.memory_space<hbm>>
      tpu.enqueue_dma source(%arg8 : memref<125x32xf32, #tpu.memory_space<vmem>>) target(%dma_start3A_104 : memref<125x32xf32, #tpu.memory_space<hbm>>) target_semaphore(%arg16 : memref<!tpu.dma_semaphore, #tpu.memory_space<semaphore_mem>>)
      %dma_wait3A_105 = arith.constant 0 : i32
      %dma_wait3A_106 = arith.constant 0 : i32
      %dma_wait3A_107 = tpu.memref_slice %arg5[%dma_wait3A_105, %dma_wait3A_106] : memref<40x125xi32, #tpu.memory_space<vmem>> -> memref<1x125xi32, #tpu.memory_space<vmem>>
      %dma_wait3A_108 = tpu.memref_squeeze %dma_wait3A_107 : memref<1x125xi32, #tpu.memory_space<vmem>> -> memref<125xi32, #tpu.memory_space<vmem>>
      %dma_wait3A_109 = arith.constant 0 : i32
      %dma_wait3A_110 = arith.constant 0 : i32
      %dma_wait3A_111 = tpu.memref_slice %arg2[%dma_wait3A_109, %dma_wait3A_110] : memref<10000x32xf32, #tpu.memory_space<hbm>> -> memref<10000x32xf32, #tpu.memory_space<hbm>>
      tpu.wait_indirect_dma semaphore(%arg13 : memref<!tpu.dma_semaphore, #tpu.memory_space<semaphore_mem>>) src(%dma_wait3A_111 : memref<10000x32xf32, #tpu.memory_space<hbm>>) dst(%arg9 : memref<125x32xf32, #tpu.memory_space<vmem>>)
      %mul3A_112 = arith.constant 4 : i32
      %mul3A_113 = arith.muli %scan3A_50, %mul3A_112 : i32
      %add3A_114 = arith.constant 3 : i32
      %add3A_115 = arith.addi %mul3A_113, %add3A_114 : i32
      %mul3A_116 = arith.constant 125 : i32
      %mul3A_117 = arith.muli %add3A_115, %mul3A_116 : i32
      %add3A_118 = arith.addi %mul3A_2, %mul3A_117 : i32
      %dma_start3A_119 = arith.constant 0 : i32
      %dma_start3A_120 = tpu.memref_slice %arg4[%add3A_118, %dma_start3A_119] : memref<160000x32xf32, #tpu.memory_space<hbm>> -> memref<125x32xf32, #tpu.memory_space<hbm>>
      %dma_start3A_121 = arith.constant 0 : i32
      %dma_start3A_122 = tpu.memref_slice %arg4[%add3A_118, %dma_start3A_121] : memref<160000x32xf32, #tpu.memory_space<hbm>> -> memref<125x32xf32, #tpu.memory_space<hbm>>
      tpu.enqueue_dma source(%arg9 : memref<125x32xf32, #tpu.memory_space<vmem>>) target(%dma_start3A_122 : memref<125x32xf32, #tpu.memory_space<hbm>>) target_semaphore(%arg17 : memref<!tpu.dma_semaphore, #tpu.memory_space<semaphore_mem>>)
      %lt3A = arith.constant 9 : i32
      %lt3A_123 = arith.cmpi slt, %scan3A_50, %lt3A : i32
      %convert_element_type3A = arith.extui %lt3A_123 : i1 to i32
      %cond3A = arith.constant 0 : i32
      %cond3A_124 = arith.cmpi ne, %convert_element_type3A, %cond3A : i32
      scf.if %cond3A_124 {
        %dma_wait3A_125 = arith.constant 0 : i32
        %dma_wait3A_126 = tpu.memref_slice %arg4[%mul3A_2, %dma_wait3A_125] : memref<160000x32xf32, #tpu.memory_space<hbm>> -> memref<125x32xf32, #tpu.memory_space<hbm>>
        %dma_wait3A_127 = arith.constant 0 : i32
        %dma_wait3A_128 = tpu.memref_slice %arg4[%mul3A_2, %dma_wait3A_127] : memref<160000x32xf32, #tpu.memory_space<hbm>> -> memref<125x32xf32, #tpu.memory_space<hbm>>
        tpu.wait_dma2 semaphore(%arg14 : memref<!tpu.dma_semaphore, #tpu.memory_space<semaphore_mem>>) src(%arg6 : memref<125x32xf32, #tpu.memory_space<vmem>>) dst(%dma_wait3A_128 : memref<125x32xf32, #tpu.memory_space<hbm>>)
        %add3A_129 = arith.constant 1 : i32
        %add3A_130 = arith.addi %scan3A_50, %add3A_129 : i32
        %mul3A_131 = arith.constant 4 : i32
        %mul3A_132 = arith.muli %add3A_130, %mul3A_131 : i32
        %add3A_133 = arith.constant 0 : i32
        %add3A_134 = arith.addi %mul3A_132, %add3A_133 : i32
        %dma_start3A_135 = arith.constant 0 : i32
        %dma_start3A_136 = tpu.memref_slice %arg5[%add3A_134, %dma_start3A_135] : memref<40x125xi32, #tpu.memory_space<vmem>> -> memref<1x125xi32, #tpu.memory_space<vmem>>
        %dma_start3A_137 = tpu.memref_squeeze %dma_start3A_136 : memref<1x125xi32, #tpu.memory_space<vmem>> -> memref<125xi32, #tpu.memory_space<vmem>>
        %dma_start3A_138 = arith.constant 0 : i32
        %dma_start3A_139 = arith.constant 0 : i32
        %dma_start3A_140 = tpu.memref_slice %arg2[%dma_start3A_138, %dma_start3A_139] : memref<10000x32xf32, #tpu.memory_space<hbm>> -> memref<10000x32xf32, #tpu.memory_space<hbm>>
        tpu.enqueue_indirect_dma source(%dma_start3A_140 : memref<10000x32xf32, #tpu.memory_space<hbm>>) target(%arg6 : memref<125x32xf32, #tpu.memory_space<vmem>>) offsets(%dma_start3A_137 : memref<125xi32, #tpu.memory_space<vmem>>) semaphore(%arg10 : memref<!tpu.dma_semaphore, #tpu.memory_space<semaphore_mem>>)
        %dma_wait3A_141 = arith.constant 0 : i32
        %dma_wait3A_142 = tpu.memref_slice %arg4[%mul3A_2, %dma_wait3A_141] : memref<160000x32xf32, #tpu.memory_space<hbm>> -> memref<125x32xf32, #tpu.memory_space<hbm>>
        %dma_wait3A_143 = arith.constant 0 : i32
        %dma_wait3A_144 = tpu.memref_slice %arg4[%mul3A_2, %dma_wait3A_143] : memref<160000x32xf32, #tpu.memory_space<hbm>> -> memref<125x32xf32, #tpu.memory_space<hbm>>
        tpu.wait_dma2 semaphore(%arg15 : memref<!tpu.dma_semaphore, #tpu.memory_space<semaphore_mem>>) src(%arg7 : memref<125x32xf32, #tpu.memory_space<vmem>>) dst(%dma_wait3A_144 : memref<125x32xf32, #tpu.memory_space<hbm>>)
        %add3A_145 = arith.constant 1 : i32
        %add3A_146 = arith.addi %scan3A_50, %add3A_145 : i32
        %mul3A_147 = arith.constant 4 : i32
        %mul3A_148 = arith.muli %add3A_146, %mul3A_147 : i32
        %add3A_149 = arith.constant 1 : i32
        %add3A_150 = arith.addi %mul3A_148, %add3A_149 : i32
        %dma_start3A_151 = arith.constant 0 : i32
        %dma_start3A_152 = tpu.memref_slice %arg5[%add3A_150, %dma_start3A_151] : memref<40x125xi32, #tpu.memory_space<vmem>> -> memref<1x125xi32, #tpu.memory_space<vmem>>
        %dma_start3A_153 = tpu.memref_squeeze %dma_start3A_152 : memref<1x125xi32, #tpu.memory_space<vmem>> -> memref<125xi32, #tpu.memory_space<vmem>>
        %dma_start3A_154 = arith.constant 0 : i32
        %dma_start3A_155 = arith.constant 0 : i32
        %dma_start3A_156 = tpu.memref_slice %arg2[%dma_start3A_154, %dma_start3A_155] : memref<10000x32xf32, #tpu.memory_space<hbm>> -> memref<10000x32xf32, #tpu.memory_space<hbm>>
        tpu.enqueue_indirect_dma source(%dma_start3A_156 : memref<10000x32xf32, #tpu.memory_space<hbm>>) target(%arg7 : memref<125x32xf32, #tpu.memory_space<vmem>>) offsets(%dma_start3A_153 : memref<125xi32, #tpu.memory_space<vmem>>) semaphore(%arg11 : memref<!tpu.dma_semaphore, #tpu.memory_space<semaphore_mem>>)
        %dma_wait3A_157 = arith.constant 0 : i32
        %dma_wait3A_158 = tpu.memref_slice %arg4[%mul3A_2, %dma_wait3A_157] : memref<160000x32xf32, #tpu.memory_space<hbm>> -> memref<125x32xf32, #tpu.memory_space<hbm>>
        %dma_wait3A_159 = arith.constant 0 : i32
        %dma_wait3A_160 = tpu.memref_slice %arg4[%mul3A_2, %dma_wait3A_159] : memref<160000x32xf32, #tpu.memory_space<hbm>> -> memref<125x32xf32, #tpu.memory_space<hbm>>
        tpu.wait_dma2 semaphore(%arg16 : memref<!tpu.dma_semaphore, #tpu.memory_space<semaphore_mem>>) src(%arg8 : memref<125x32xf32, #tpu.memory_space<vmem>>) dst(%dma_wait3A_160 : memref<125x32xf32, #tpu.memory_space<hbm>>)
        %add3A_161 = arith.constant 1 : i32
        %add3A_162 = arith.addi %scan3A_50, %add3A_161 : i32
        %mul3A_163 = arith.constant 4 : i32
        %mul3A_164 = arith.muli %add3A_162, %mul3A_163 : i32
        %add3A_165 = arith.constant 2 : i32
        %add3A_166 = arith.addi %mul3A_164, %add3A_165 : i32
        %dma_start3A_167 = arith.constant 0 : i32
        %dma_start3A_168 = tpu.memref_slice %arg5[%add3A_166, %dma_start3A_167] : memref<40x125xi32, #tpu.memory_space<vmem>> -> memref<1x125xi32, #tpu.memory_space<vmem>>
        %dma_start3A_169 = tpu.memref_squeeze %dma_start3A_168 : memref<1x125xi32, #tpu.memory_space<vmem>> -> memref<125xi32, #tpu.memory_space<vmem>>
        %dma_start3A_170 = arith.constant 0 : i32
        %dma_start3A_171 = arith.constant 0 : i32
        %dma_start3A_172 = tpu.memref_slice %arg2[%dma_start3A_170, %dma_start3A_171] : memref<10000x32xf32, #tpu.memory_space<hbm>> -> memref<10000x32xf32, #tpu.memory_space<hbm>>
        tpu.enqueue_indirect_dma source(%dma_start3A_172 : memref<10000x32xf32, #tpu.memory_space<hbm>>) target(%arg8 : memref<125x32xf32, #tpu.memory_space<vmem>>) offsets(%dma_start3A_169 : memref<125xi32, #tpu.memory_space<vmem>>) semaphore(%arg12 : memref<!tpu.dma_semaphore, #tpu.memory_space<semaphore_mem>>)
        %dma_wait3A_173 = arith.constant 0 : i32
        %dma_wait3A_174 = tpu.memref_slice %arg4[%mul3A_2, %dma_wait3A_173] : memref<160000x32xf32, #tpu.memory_space<hbm>> -> memref<125x32xf32, #tpu.memory_space<hbm>>
        %dma_wait3A_175 = arith.constant 0 : i32
        %dma_wait3A_176 = tpu.memref_slice %arg4[%mul3A_2, %dma_wait3A_175] : memref<160000x32xf32, #tpu.memory_space<hbm>> -> memref<125x32xf32, #tpu.memory_space<hbm>>
        tpu.wait_dma2 semaphore(%arg17 : memref<!tpu.dma_semaphore, #tpu.memory_space<semaphore_mem>>) src(%arg9 : memref<125x32xf32, #tpu.memory_space<vmem>>) dst(%dma_wait3A_176 : memref<125x32xf32, #tpu.memory_space<hbm>>)
        %add3A_177 = arith.constant 1 : i32
        %add3A_178 = arith.addi %scan3A_50, %add3A_177 : i32
        %mul3A_179 = arith.constant 4 : i32
        %mul3A_180 = arith.muli %add3A_178, %mul3A_179 : i32
        %add3A_181 = arith.constant 3 : i32
        %add3A_182 = arith.addi %mul3A_180, %add3A_181 : i32
        %dma_start3A_183 = arith.constant 0 : i32
        %dma_start3A_184 = tpu.memref_slice %arg5[%add3A_182, %dma_start3A_183] : memref<40x125xi32, #tpu.memory_space<vmem>> -> memref<1x125xi32, #tpu.memory_space<vmem>>
        %dma_start3A_185 = tpu.memref_squeeze %dma_start3A_184 : memref<1x125xi32, #tpu.memory_space<vmem>> -> memref<125xi32, #tpu.memory_space<vmem>>
        %dma_start3A_186 = arith.constant 0 : i32
        %dma_start3A_187 = arith.constant 0 : i32
        %dma_start3A_188 = tpu.memref_slice %arg2[%dma_start3A_186, %dma_start3A_187] : memref<10000x32xf32, #tpu.memory_space<hbm>> -> memref<10000x32xf32, #tpu.memory_space<hbm>>
        tpu.enqueue_indirect_dma source(%dma_start3A_188 : memref<10000x32xf32, #tpu.memory_space<hbm>>) target(%arg9 : memref<125x32xf32, #tpu.memory_space<vmem>>) offsets(%dma_start3A_185 : memref<125xi32, #tpu.memory_space<vmem>>) semaphore(%arg13 : memref<!tpu.dma_semaphore, #tpu.memory_space<semaphore_mem>>)
      } else {
      }
    }
    %scan3A_34 = arith.constant 10 : i32
    %dma_wait3A = arith.constant 0 : i32
    %dma_wait3A_35 = tpu.memref_slice %arg4[%mul3A_2, %dma_wait3A] : memref<160000x32xf32, #tpu.memory_space<hbm>> -> memref<125x32xf32, #tpu.memory_space<hbm>>
    %dma_wait3A_36 = arith.constant 0 : i32
    %dma_wait3A_37 = tpu.memref_slice %arg4[%mul3A_2, %dma_wait3A_36] : memref<160000x32xf32, #tpu.memory_space<hbm>> -> memref<125x32xf32, #tpu.memory_space<hbm>>
    tpu.wait_dma2 semaphore(%arg14 : memref<!tpu.dma_semaphore, #tpu.memory_space<semaphore_mem>>) src(%arg6 : memref<125x32xf32, #tpu.memory_space<vmem>>) dst(%dma_wait3A_37 : memref<125x32xf32, #tpu.memory_space<hbm>>)
    %dma_wait3A_38 = arith.constant 0 : i32
    %dma_wait3A_39 = tpu.memref_slice %arg4[%mul3A_2, %dma_wait3A_38] : memref<160000x32xf32, #tpu.memory_space<hbm>> -> memref<125x32xf32, #tpu.memory_space<hbm>>
    %dma_wait3A_40 = arith.constant 0 : i32
    %dma_wait3A_41 = tpu.memref_slice %arg4[%mul3A_2, %dma_wait3A_40] : memref<160000x32xf32, #tpu.memory_space<hbm>> -> memref<125x32xf32, #tpu.memory_space<hbm>>
    tpu.wait_dma2 semaphore(%arg15 : memref<!tpu.dma_semaphore, #tpu.memory_space<semaphore_mem>>) src(%arg7 : memref<125x32xf32, #tpu.memory_space<vmem>>) dst(%dma_wait3A_41 : memref<125x32xf32, #tpu.memory_space<hbm>>)
    %dma_wait3A_42 = arith.constant 0 : i32
    %dma_wait3A_43 = tpu.memref_slice %arg4[%mul3A_2, %dma_wait3A_42] : memref<160000x32xf32, #tpu.memory_space<hbm>> -> memref<125x32xf32, #tpu.memory_space<hbm>>
    %dma_wait3A_44 = arith.constant 0 : i32
    %dma_wait3A_45 = tpu.memref_slice %arg4[%mul3A_2, %dma_wait3A_44] : memref<160000x32xf32, #tpu.memory_space<hbm>> -> memref<125x32xf32, #tpu.memory_space<hbm>>
    tpu.wait_dma2 semaphore(%arg16 : memref<!tpu.dma_semaphore, #tpu.memory_space<semaphore_mem>>) src(%arg8 : memref<125x32xf32, #tpu.memory_space<vmem>>) dst(%dma_wait3A_45 : memref<125x32xf32, #tpu.memory_space<hbm>>)
    %dma_wait3A_46 = arith.constant 0 : i32
    %dma_wait3A_47 = tpu.memref_slice %arg4[%mul3A_2, %dma_wait3A_46] : memref<160000x32xf32, #tpu.memory_space<hbm>> -> memref<125x32xf32, #tpu.memory_space<hbm>>
    %dma_wait3A_48 = arith.constant 0 : i32
    %dma_wait3A_49 = tpu.memref_slice %arg4[%mul3A_2, %dma_wait3A_48] : memref<160000x32xf32, #tpu.memory_space<hbm>> -> memref<125x32xf32, #tpu.memory_space<hbm>>
    tpu.wait_dma2 semaphore(%arg17 : memref<!tpu.dma_semaphore, #tpu.memory_space<semaphore_mem>>) src(%arg9 : memref<125x32xf32, #tpu.memory_space<vmem>>) dst(%dma_wait3A_49 : memref<125x32xf32, #tpu.memory_space<hbm>>)
    return
  }
}

#map = affine_map<(d0, d1) -> (0, 0)>
#map1 = affine_map<(d0, d1) -> (0, 0, 0)>
module attributes {stable_mosaic.version = 14 : i64} {
  func.func @_ks_body(%arg0: i32, %arg1: i32, %arg2: memref<160000x32xf32, #tpu.memory_space<hbm>>, %arg3: memref<32x40x125xi32, #tpu.memory_space<hbm>>, %arg4: memref<10000x32xf32, #tpu.memory_space<hbm>>, %arg5: memref<2x10000x32xf32, #tpu.memory_space<hbm>>, %arg6: memref<40x125xi32, #tpu.memory_space<vmem>>, %arg7: memref<125x32xf32, #tpu.memory_space<vmem>>, %arg8: memref<125x32xf32, #tpu.memory_space<vmem>>, %arg9: memref<125x32xf32, #tpu.memory_space<vmem>>, %arg10: memref<125x32xf32, #tpu.memory_space<vmem>>, %arg11: memref<!tpu.dma_semaphore, #tpu.memory_space<semaphore_mem>>, %arg12: memref<!tpu.dma_semaphore, #tpu.memory_space<semaphore_mem>>, %arg13: memref<!tpu.dma_semaphore, #tpu.memory_space<semaphore_mem>>, %arg14: memref<!tpu.dma_semaphore, #tpu.memory_space<semaphore_mem>>, %arg15: memref<!tpu.dma_semaphore, #tpu.memory_space<semaphore_mem>>, %arg16: memref<!tpu.dma_semaphore, #tpu.memory_space<semaphore_mem>>, %arg17: memref<!tpu.dma_semaphore, #tpu.memory_space<semaphore_mem>>, %arg18: memref<!tpu.dma_semaphore, #tpu.memory_space<semaphore_mem>>, %arg19: memref<10000x32xf32, #tpu.memory_space<vmem_shared>>) attributes {dimension_semantics = [#tpu.dimension_semantics<core_parallel>, #tpu.dimension_semantics<subcore_parallel>], iteration_bounds = array<i64: 2, 16>, scalar_prefetch = 0 : i64, scratch_operands = 14 : i64, tpu.core_type = #tpu.core_type<sc_vector_subcore>, window_params = [{transform_indices = #map}, {transform_indices = #map1}, {transform_indices = #map}, {transform_indices = #map1}]} {
    %mul3A = arith.constant 2 : i32
    %mul3A_0 = arith.muli %arg1, %mul3A : i32
    %add3A = arith.addi %mul3A_0, %arg0 : i32
    %mul3A_1 = arith.constant 5000 : i32
    %mul3A_2 = arith.muli %add3A, %mul3A_1 : i32
    %mul3A_3 = arith.constant 625 : i32
    %mul3A_4 = arith.muli %arg1, %mul3A_3 : i32
    %mul3A_5 = arith.constant 625 : i32
    %mul3A_6 = arith.muli %arg1, %mul3A_5 : i32
    "tpu.region"() ({
      %run_scoped3A = tpu.sem_alloc : memref<!tpu.dma_semaphore, #tpu.memory_space<semaphore_mem>>
      %dma_start3A_67 = arith.constant 0 : i32
      %dma_start3A_68 = tpu.memref_slice %arg19[%mul3A_6, %dma_start3A_67] : memref<10000x32xf32, #tpu.memory_space<vmem_shared>> -> memref<625x32xf32, #tpu.memory_space<vmem_shared>>
      %dma_start3A_69 = arith.constant 0 : i32
      %dma_start3A_70 = tpu.memref_slice %arg4[%mul3A_4, %dma_start3A_69] : memref<10000x32xf32, #tpu.memory_space<hbm>> -> memref<625x32xf32, #tpu.memory_space<hbm>>
      tpu.enqueue_dma source(%dma_start3A_70 : memref<625x32xf32, #tpu.memory_space<hbm>>) target(%dma_start3A_68 : memref<625x32xf32, #tpu.memory_space<vmem_shared>>) target_semaphore(%run_scoped3A : memref<!tpu.dma_semaphore, #tpu.memory_space<semaphore_mem>>)
      %dma_wait3A_71 = arith.constant 0 : i32
      %dma_wait3A_72 = tpu.memref_slice %arg19[%mul3A_6, %dma_wait3A_71] : memref<10000x32xf32, #tpu.memory_space<vmem_shared>> -> memref<625x32xf32, #tpu.memory_space<vmem_shared>>
      %dma_wait3A_73 = arith.constant 0 : i32
      %dma_wait3A_74 = tpu.memref_slice %arg4[%mul3A_4, %dma_wait3A_73] : memref<10000x32xf32, #tpu.memory_space<hbm>> -> memref<625x32xf32, #tpu.memory_space<hbm>>
      tpu.wait_dma2 semaphore(%run_scoped3A : memref<!tpu.dma_semaphore, #tpu.memory_space<semaphore_mem>>) src(%dma_wait3A_74 : memref<625x32xf32, #tpu.memory_space<hbm>>) dst(%dma_wait3A_72 : memref<625x32xf32, #tpu.memory_space<vmem_shared>>)
      tpu.yield
    }) : () -> ()
    "tpu.region"() ({
      %run_scoped3A = tpu.sem_alloc : memref<!tpu.dma_semaphore, #tpu.memory_space<semaphore_mem>>
      %dma_start3A_67 = arith.constant 0 : i32
      %dma_start3A_68 = arith.constant 0 : i32
      %dma_start3A_69 = tpu.memref_slice %arg3[%add3A, %dma_start3A_67, %dma_start3A_68] : memref<32x40x125xi32, #tpu.memory_space<hbm>> -> memref<1x40x125xi32, #tpu.memory_space<hbm>>
      %dma_start3A_70 = tpu.memref_squeeze %dma_start3A_69 : memref<1x40x125xi32, #tpu.memory_space<hbm>> -> memref<40x125xi32, #tpu.memory_space<hbm>>
      %dma_start3A_71 = arith.constant 0 : i32
      %dma_start3A_72 = arith.constant 0 : i32
      %dma_start3A_73 = tpu.memref_slice %arg3[%add3A, %dma_start3A_71, %dma_start3A_72] : memref<32x40x125xi32, #tpu.memory_space<hbm>> -> memref<1x40x125xi32, #tpu.memory_space<hbm>>
      %dma_start3A_74 = tpu.memref_squeeze %dma_start3A_73 : memref<1x40x125xi32, #tpu.memory_space<hbm>> -> memref<40x125xi32, #tpu.memory_space<hbm>>
      tpu.enqueue_dma source(%dma_start3A_74 : memref<40x125xi32, #tpu.memory_space<hbm>>) target(%arg6 : memref<40x125xi32, #tpu.memory_space<vmem>>) target_semaphore(%run_scoped3A : memref<!tpu.dma_semaphore, #tpu.memory_space<semaphore_mem>>)
      %dma_wait3A_75 = arith.constant 0 : i32
      %dma_wait3A_76 = arith.constant 0 : i32
      %dma_wait3A_77 = tpu.memref_slice %arg3[%add3A, %dma_wait3A_75, %dma_wait3A_76] : memref<32x40x125xi32, #tpu.memory_space<hbm>> -> memref<1x40x125xi32, #tpu.memory_space<hbm>>
      %dma_wait3A_78 = tpu.memref_squeeze %dma_wait3A_77 : memref<1x40x125xi32, #tpu.memory_space<hbm>> -> memref<40x125xi32, #tpu.memory_space<hbm>>
      %dma_wait3A_79 = arith.constant 0 : i32
      %dma_wait3A_80 = arith.constant 0 : i32
      %dma_wait3A_81 = tpu.memref_slice %arg3[%add3A, %dma_wait3A_79, %dma_wait3A_80] : memref<32x40x125xi32, #tpu.memory_space<hbm>> -> memref<1x40x125xi32, #tpu.memory_space<hbm>>
      %dma_wait3A_82 = tpu.memref_squeeze %dma_wait3A_81 : memref<1x40x125xi32, #tpu.memory_space<hbm>> -> memref<40x125xi32, #tpu.memory_space<hbm>>
      tpu.wait_dma2 semaphore(%run_scoped3A : memref<!tpu.dma_semaphore, #tpu.memory_space<semaphore_mem>>) src(%dma_wait3A_82 : memref<40x125xi32, #tpu.memory_space<hbm>>) dst(%arg6 : memref<40x125xi32, #tpu.memory_space<vmem>>)
      tpu.yield
    }) : () -> ()
    %barrier3A = arith.constant 0 : index
    tpu.barrier barrier_id(%barrier3A)
    %add3A_7 = arith.constant 0 : i32
    %add3A_8 = arith.addi %mul3A_2, %add3A_7 : i32
    %dma_start3A = arith.constant 0 : i32
    %dma_start3A_9 = tpu.memref_slice %arg2[%add3A_8, %dma_start3A] : memref<160000x32xf32, #tpu.memory_space<hbm>> -> memref<125x32xf32, #tpu.memory_space<hbm>>
    %dma_start3A_10 = arith.constant 0 : i32
    %dma_start3A_11 = tpu.memref_slice %arg2[%add3A_8, %dma_start3A_10] : memref<160000x32xf32, #tpu.memory_space<hbm>> -> memref<125x32xf32, #tpu.memory_space<hbm>>
    tpu.enqueue_dma source(%dma_start3A_11 : memref<125x32xf32, #tpu.memory_space<hbm>>) target(%arg7 : memref<125x32xf32, #tpu.memory_space<vmem>>) target_semaphore(%arg11 : memref<!tpu.dma_semaphore, #tpu.memory_space<semaphore_mem>>)
    %add3A_12 = arith.constant 125 : i32
    %add3A_13 = arith.addi %mul3A_2, %add3A_12 : i32
    %dma_start3A_14 = arith.constant 0 : i32
    %dma_start3A_15 = tpu.memref_slice %arg2[%add3A_13, %dma_start3A_14] : memref<160000x32xf32, #tpu.memory_space<hbm>> -> memref<125x32xf32, #tpu.memory_space<hbm>>
    %dma_start3A_16 = arith.constant 0 : i32
    %dma_start3A_17 = tpu.memref_slice %arg2[%add3A_13, %dma_start3A_16] : memref<160000x32xf32, #tpu.memory_space<hbm>> -> memref<125x32xf32, #tpu.memory_space<hbm>>
    tpu.enqueue_dma source(%dma_start3A_17 : memref<125x32xf32, #tpu.memory_space<hbm>>) target(%arg8 : memref<125x32xf32, #tpu.memory_space<vmem>>) target_semaphore(%arg12 : memref<!tpu.dma_semaphore, #tpu.memory_space<semaphore_mem>>)
    %add3A_18 = arith.constant 250 : i32
    %add3A_19 = arith.addi %mul3A_2, %add3A_18 : i32
    %dma_start3A_20 = arith.constant 0 : i32
    %dma_start3A_21 = tpu.memref_slice %arg2[%add3A_19, %dma_start3A_20] : memref<160000x32xf32, #tpu.memory_space<hbm>> -> memref<125x32xf32, #tpu.memory_space<hbm>>
    %dma_start3A_22 = arith.constant 0 : i32
    %dma_start3A_23 = tpu.memref_slice %arg2[%add3A_19, %dma_start3A_22] : memref<160000x32xf32, #tpu.memory_space<hbm>> -> memref<125x32xf32, #tpu.memory_space<hbm>>
    tpu.enqueue_dma source(%dma_start3A_23 : memref<125x32xf32, #tpu.memory_space<hbm>>) target(%arg9 : memref<125x32xf32, #tpu.memory_space<vmem>>) target_semaphore(%arg13 : memref<!tpu.dma_semaphore, #tpu.memory_space<semaphore_mem>>)
    %add3A_24 = arith.constant 375 : i32
    %add3A_25 = arith.addi %mul3A_2, %add3A_24 : i32
    %dma_start3A_26 = arith.constant 0 : i32
    %dma_start3A_27 = tpu.memref_slice %arg2[%add3A_25, %dma_start3A_26] : memref<160000x32xf32, #tpu.memory_space<hbm>> -> memref<125x32xf32, #tpu.memory_space<hbm>>
    %dma_start3A_28 = arith.constant 0 : i32
    %dma_start3A_29 = tpu.memref_slice %arg2[%add3A_25, %dma_start3A_28] : memref<160000x32xf32, #tpu.memory_space<hbm>> -> memref<125x32xf32, #tpu.memory_space<hbm>>
    tpu.enqueue_dma source(%dma_start3A_29 : memref<125x32xf32, #tpu.memory_space<hbm>>) target(%arg10 : memref<125x32xf32, #tpu.memory_space<vmem>>) target_semaphore(%arg14 : memref<!tpu.dma_semaphore, #tpu.memory_space<semaphore_mem>>)
    %scan3A = arith.constant 0 : i32
    %scan3A_30 = arith.constant 0 : i32
    %scan3A_31 = arith.constant 10 : i32
    %scan3A_32 = arith.addi %scan3A_30, %scan3A_31 : i32
    %scan3A_33 = arith.constant 1 : i32
    scf.for %scan3A_67 = %scan3A_30 to %scan3A_32 step %scan3A_33  : i32 {
      %dma_wait3A_68 = arith.constant 0 : i32
      %dma_wait3A_69 = tpu.memref_slice %arg2[%mul3A_2, %dma_wait3A_68] : memref<160000x32xf32, #tpu.memory_space<hbm>> -> memref<125x32xf32, #tpu.memory_space<hbm>>
      %dma_wait3A_70 = arith.constant 0 : i32
      %dma_wait3A_71 = tpu.memref_slice %arg2[%mul3A_2, %dma_wait3A_70] : memref<160000x32xf32, #tpu.memory_space<hbm>> -> memref<125x32xf32, #tpu.memory_space<hbm>>
      tpu.wait_dma2 semaphore(%arg11 : memref<!tpu.dma_semaphore, #tpu.memory_space<semaphore_mem>>) src(%dma_wait3A_71 : memref<125x32xf32, #tpu.memory_space<hbm>>) dst(%arg7 : memref<125x32xf32, #tpu.memory_space<vmem>>)
      %mul3A_72 = arith.constant 4 : i32
      %mul3A_73 = arith.muli %scan3A_67, %mul3A_72 : i32
      %add3A_74 = arith.constant 0 : i32
      %add3A_75 = arith.addi %mul3A_73, %add3A_74 : i32
      %dma_start3A_76 = arith.constant 0 : i32
      %dma_start3A_77 = tpu.memref_slice %arg6[%add3A_75, %dma_start3A_76] : memref<40x125xi32, #tpu.memory_space<vmem>> -> memref<1x125xi32, #tpu.memory_space<vmem>>
      %dma_start3A_78 = tpu.memref_squeeze %dma_start3A_77 : memref<1x125xi32, #tpu.memory_space<vmem>> -> memref<125xi32, #tpu.memory_space<vmem>>
      %dma_start3A_79 = arith.constant 0 : i32
      %dma_start3A_80 = arith.constant 0 : i32
      %dma_start3A_81 = tpu.memref_slice %arg19[%dma_start3A_79, %dma_start3A_80] : memref<10000x32xf32, #tpu.memory_space<vmem_shared>> -> memref<10000x32xf32, #tpu.memory_space<vmem_shared>>
      tpu.enqueue_indirect_dma source(%arg7 : memref<125x32xf32, #tpu.memory_space<vmem>>) target(%dma_start3A_81 : memref<10000x32xf32, #tpu.memory_space<vmem_shared>>) offsets(%dma_start3A_78 : memref<125xi32, #tpu.memory_space<vmem>>) semaphore(%arg15 : memref<!tpu.dma_semaphore, #tpu.memory_space<semaphore_mem>>) {add = true}
      %dma_wait3A_82 = arith.constant 0 : i32
      %dma_wait3A_83 = tpu.memref_slice %arg2[%mul3A_2, %dma_wait3A_82] : memref<160000x32xf32, #tpu.memory_space<hbm>> -> memref<125x32xf32, #tpu.memory_space<hbm>>
      %dma_wait3A_84 = arith.constant 0 : i32
      %dma_wait3A_85 = tpu.memref_slice %arg2[%mul3A_2, %dma_wait3A_84] : memref<160000x32xf32, #tpu.memory_space<hbm>> -> memref<125x32xf32, #tpu.memory_space<hbm>>
      tpu.wait_dma2 semaphore(%arg12 : memref<!tpu.dma_semaphore, #tpu.memory_space<semaphore_mem>>) src(%dma_wait3A_85 : memref<125x32xf32, #tpu.memory_space<hbm>>) dst(%arg8 : memref<125x32xf32, #tpu.memory_space<vmem>>)
      %mul3A_86 = arith.constant 4 : i32
      %mul3A_87 = arith.muli %scan3A_67, %mul3A_86 : i32
      %add3A_88 = arith.constant 1 : i32
      %add3A_89 = arith.addi %mul3A_87, %add3A_88 : i32
      %dma_start3A_90 = arith.constant 0 : i32
      %dma_start3A_91 = tpu.memref_slice %arg6[%add3A_89, %dma_start3A_90] : memref<40x125xi32, #tpu.memory_space<vmem>> -> memref<1x125xi32, #tpu.memory_space<vmem>>
      %dma_start3A_92 = tpu.memref_squeeze %dma_start3A_91 : memref<1x125xi32, #tpu.memory_space<vmem>> -> memref<125xi32, #tpu.memory_space<vmem>>
      %dma_start3A_93 = arith.constant 0 : i32
      %dma_start3A_94 = arith.constant 0 : i32
      %dma_start3A_95 = tpu.memref_slice %arg19[%dma_start3A_93, %dma_start3A_94] : memref<10000x32xf32, #tpu.memory_space<vmem_shared>> -> memref<10000x32xf32, #tpu.memory_space<vmem_shared>>
      tpu.enqueue_indirect_dma source(%arg8 : memref<125x32xf32, #tpu.memory_space<vmem>>) target(%dma_start3A_95 : memref<10000x32xf32, #tpu.memory_space<vmem_shared>>) offsets(%dma_start3A_92 : memref<125xi32, #tpu.memory_space<vmem>>) semaphore(%arg16 : memref<!tpu.dma_semaphore, #tpu.memory_space<semaphore_mem>>) {add = true}
      %dma_wait3A_96 = arith.constant 0 : i32
      %dma_wait3A_97 = tpu.memref_slice %arg2[%mul3A_2, %dma_wait3A_96] : memref<160000x32xf32, #tpu.memory_space<hbm>> -> memref<125x32xf32, #tpu.memory_space<hbm>>
      %dma_wait3A_98 = arith.constant 0 : i32
      %dma_wait3A_99 = tpu.memref_slice %arg2[%mul3A_2, %dma_wait3A_98] : memref<160000x32xf32, #tpu.memory_space<hbm>> -> memref<125x32xf32, #tpu.memory_space<hbm>>
      tpu.wait_dma2 semaphore(%arg13 : memref<!tpu.dma_semaphore, #tpu.memory_space<semaphore_mem>>) src(%dma_wait3A_99 : memref<125x32xf32, #tpu.memory_space<hbm>>) dst(%arg9 : memref<125x32xf32, #tpu.memory_space<vmem>>)
      %mul3A_100 = arith.constant 4 : i32
      %mul3A_101 = arith.muli %scan3A_67, %mul3A_100 : i32
      %add3A_102 = arith.constant 2 : i32
      %add3A_103 = arith.addi %mul3A_101, %add3A_102 : i32
      %dma_start3A_104 = arith.constant 0 : i32
      %dma_start3A_105 = tpu.memref_slice %arg6[%add3A_103, %dma_start3A_104] : memref<40x125xi32, #tpu.memory_space<vmem>> -> memref<1x125xi32, #tpu.memory_space<vmem>>
      %dma_start3A_106 = tpu.memref_squeeze %dma_start3A_105 : memref<1x125xi32, #tpu.memory_space<vmem>> -> memref<125xi32, #tpu.memory_space<vmem>>
      %dma_start3A_107 = arith.constant 0 : i32
      %dma_start3A_108 = arith.constant 0 : i32
      %dma_start3A_109 = tpu.memref_slice %arg19[%dma_start3A_107, %dma_start3A_108] : memref<10000x32xf32, #tpu.memory_space<vmem_shared>> -> memref<10000x32xf32, #tpu.memory_space<vmem_shared>>
      tpu.enqueue_indirect_dma source(%arg9 : memref<125x32xf32, #tpu.memory_space<vmem>>) target(%dma_start3A_109 : memref<10000x32xf32, #tpu.memory_space<vmem_shared>>) offsets(%dma_start3A_106 : memref<125xi32, #tpu.memory_space<vmem>>) semaphore(%arg17 : memref<!tpu.dma_semaphore, #tpu.memory_space<semaphore_mem>>) {add = true}
      %dma_wait3A_110 = arith.constant 0 : i32
      %dma_wait3A_111 = tpu.memref_slice %arg2[%mul3A_2, %dma_wait3A_110] : memref<160000x32xf32, #tpu.memory_space<hbm>> -> memref<125x32xf32, #tpu.memory_space<hbm>>
      %dma_wait3A_112 = arith.constant 0 : i32
      %dma_wait3A_113 = tpu.memref_slice %arg2[%mul3A_2, %dma_wait3A_112] : memref<160000x32xf32, #tpu.memory_space<hbm>> -> memref<125x32xf32, #tpu.memory_space<hbm>>
      tpu.wait_dma2 semaphore(%arg14 : memref<!tpu.dma_semaphore, #tpu.memory_space<semaphore_mem>>) src(%dma_wait3A_113 : memref<125x32xf32, #tpu.memory_space<hbm>>) dst(%arg10 : memref<125x32xf32, #tpu.memory_space<vmem>>)
      %mul3A_114 = arith.constant 4 : i32
      %mul3A_115 = arith.muli %scan3A_67, %mul3A_114 : i32
      %add3A_116 = arith.constant 3 : i32
      %add3A_117 = arith.addi %mul3A_115, %add3A_116 : i32
      %dma_start3A_118 = arith.constant 0 : i32
      %dma_start3A_119 = tpu.memref_slice %arg6[%add3A_117, %dma_start3A_118] : memref<40x125xi32, #tpu.memory_space<vmem>> -> memref<1x125xi32, #tpu.memory_space<vmem>>
      %dma_start3A_120 = tpu.memref_squeeze %dma_start3A_119 : memref<1x125xi32, #tpu.memory_space<vmem>> -> memref<125xi32, #tpu.memory_space<vmem>>
      %dma_start3A_121 = arith.constant 0 : i32
      %dma_start3A_122 = arith.constant 0 : i32
      %dma_start3A_123 = tpu.memref_slice %arg19[%dma_start3A_121, %dma_start3A_122] : memref<10000x32xf32, #tpu.memory_space<vmem_shared>> -> memref<10000x32xf32, #tpu.memory_space<vmem_shared>>
      tpu.enqueue_indirect_dma source(%arg10 : memref<125x32xf32, #tpu.memory_space<vmem>>) target(%dma_start3A_123 : memref<10000x32xf32, #tpu.memory_space<vmem_shared>>) offsets(%dma_start3A_120 : memref<125xi32, #tpu.memory_space<vmem>>) semaphore(%arg18 : memref<!tpu.dma_semaphore, #tpu.memory_space<semaphore_mem>>) {add = true}
      %lt3A = arith.constant 9 : i32
      %lt3A_124 = arith.cmpi slt, %scan3A_67, %lt3A : i32
      %convert_element_type3A = arith.extui %lt3A_124 : i1 to i32
      %cond3A = arith.constant 0 : i32
      %cond3A_125 = arith.cmpi ne, %convert_element_type3A, %cond3A : i32
      scf.if %cond3A_125 {
        %dma_wait3A_126 = arith.constant 0 : i32
        %dma_wait3A_127 = arith.constant 0 : i32
        %dma_wait3A_128 = tpu.memref_slice %arg6[%dma_wait3A_126, %dma_wait3A_127] : memref<40x125xi32, #tpu.memory_space<vmem>> -> memref<1x125xi32, #tpu.memory_space<vmem>>
        %dma_wait3A_129 = tpu.memref_squeeze %dma_wait3A_128 : memref<1x125xi32, #tpu.memory_space<vmem>> -> memref<125xi32, #tpu.memory_space<vmem>>
        %dma_wait3A_130 = arith.constant 0 : i32
        %dma_wait3A_131 = arith.constant 0 : i32
        %dma_wait3A_132 = tpu.memref_slice %arg19[%dma_wait3A_130, %dma_wait3A_131] : memref<10000x32xf32, #tpu.memory_space<vmem_shared>> -> memref<10000x32xf32, #tpu.memory_space<vmem_shared>>
        tpu.wait_indirect_dma semaphore(%arg15 : memref<!tpu.dma_semaphore, #tpu.memory_space<semaphore_mem>>) src(%arg7 : memref<125x32xf32, #tpu.memory_space<vmem>>) dst(%dma_wait3A_132 : memref<10000x32xf32, #tpu.memory_space<vmem_shared>>)
        %add3A_133 = arith.constant 1 : i32
        %add3A_134 = arith.addi %scan3A_67, %add3A_133 : i32
        %mul3A_135 = arith.constant 4 : i32
        %mul3A_136 = arith.muli %add3A_134, %mul3A_135 : i32
        %add3A_137 = arith.constant 0 : i32
        %add3A_138 = arith.addi %mul3A_136, %add3A_137 : i32
        %mul3A_139 = arith.constant 125 : i32
        %mul3A_140 = arith.muli %add3A_138, %mul3A_139 : i32
        %add3A_141 = arith.addi %mul3A_2, %mul3A_140 : i32
        %dma_start3A_142 = arith.constant 0 : i32
        %dma_start3A_143 = tpu.memref_slice %arg2[%add3A_141, %dma_start3A_142] : memref<160000x32xf32, #tpu.memory_space<hbm>> -> memref<125x32xf32, #tpu.memory_space<hbm>>
        %dma_start3A_144 = arith.constant 0 : i32
        %dma_start3A_145 = tpu.memref_slice %arg2[%add3A_141, %dma_start3A_144] : memref<160000x32xf32, #tpu.memory_space<hbm>> -> memref<125x32xf32, #tpu.memory_space<hbm>>
        tpu.enqueue_dma source(%dma_start3A_145 : memref<125x32xf32, #tpu.memory_space<hbm>>) target(%arg7 : memref<125x32xf32, #tpu.memory_space<vmem>>) target_semaphore(%arg11 : memref<!tpu.dma_semaphore, #tpu.memory_space<semaphore_mem>>)
        %dma_wait3A_146 = arith.constant 0 : i32
        %dma_wait3A_147 = arith.constant 0 : i32
        %dma_wait3A_148 = tpu.memref_slice %arg6[%dma_wait3A_146, %dma_wait3A_147] : memref<40x125xi32, #tpu.memory_space<vmem>> -> memref<1x125xi32, #tpu.memory_space<vmem>>
        %dma_wait3A_149 = tpu.memref_squeeze %dma_wait3A_148 : memref<1x125xi32, #tpu.memory_space<vmem>> -> memref<125xi32, #tpu.memory_space<vmem>>
        %dma_wait3A_150 = arith.constant 0 : i32
        %dma_wait3A_151 = arith.constant 0 : i32
        %dma_wait3A_152 = tpu.memref_slice %arg19[%dma_wait3A_150, %dma_wait3A_151] : memref<10000x32xf32, #tpu.memory_space<vmem_shared>> -> memref<10000x32xf32, #tpu.memory_space<vmem_shared>>
        tpu.wait_indirect_dma semaphore(%arg16 : memref<!tpu.dma_semaphore, #tpu.memory_space<semaphore_mem>>) src(%arg8 : memref<125x32xf32, #tpu.memory_space<vmem>>) dst(%dma_wait3A_152 : memref<10000x32xf32, #tpu.memory_space<vmem_shared>>)
        %add3A_153 = arith.constant 1 : i32
        %add3A_154 = arith.addi %scan3A_67, %add3A_153 : i32
        %mul3A_155 = arith.constant 4 : i32
        %mul3A_156 = arith.muli %add3A_154, %mul3A_155 : i32
        %add3A_157 = arith.constant 1 : i32
        %add3A_158 = arith.addi %mul3A_156, %add3A_157 : i32
        %mul3A_159 = arith.constant 125 : i32
        %mul3A_160 = arith.muli %add3A_158, %mul3A_159 : i32
        %add3A_161 = arith.addi %mul3A_2, %mul3A_160 : i32
        %dma_start3A_162 = arith.constant 0 : i32
        %dma_start3A_163 = tpu.memref_slice %arg2[%add3A_161, %dma_start3A_162] : memref<160000x32xf32, #tpu.memory_space<hbm>> -> memref<125x32xf32, #tpu.memory_space<hbm>>
        %dma_start3A_164 = arith.constant 0 : i32
        %dma_start3A_165 = tpu.memref_slice %arg2[%add3A_161, %dma_start3A_164] : memref<160000x32xf32, #tpu.memory_space<hbm>> -> memref<125x32xf32, #tpu.memory_space<hbm>>
        tpu.enqueue_dma source(%dma_start3A_165 : memref<125x32xf32, #tpu.memory_space<hbm>>) target(%arg8 : memref<125x32xf32, #tpu.memory_space<vmem>>) target_semaphore(%arg12 : memref<!tpu.dma_semaphore, #tpu.memory_space<semaphore_mem>>)
        %dma_wait3A_166 = arith.constant 0 : i32
        %dma_wait3A_167 = arith.constant 0 : i32
        %dma_wait3A_168 = tpu.memref_slice %arg6[%dma_wait3A_166, %dma_wait3A_167] : memref<40x125xi32, #tpu.memory_space<vmem>> -> memref<1x125xi32, #tpu.memory_space<vmem>>
        %dma_wait3A_169 = tpu.memref_squeeze %dma_wait3A_168 : memref<1x125xi32, #tpu.memory_space<vmem>> -> memref<125xi32, #tpu.memory_space<vmem>>
        %dma_wait3A_170 = arith.constant 0 : i32
        %dma_wait3A_171 = arith.constant 0 : i32
        %dma_wait3A_172 = tpu.memref_slice %arg19[%dma_wait3A_170, %dma_wait3A_171] : memref<10000x32xf32, #tpu.memory_space<vmem_shared>> -> memref<10000x32xf32, #tpu.memory_space<vmem_shared>>
        tpu.wait_indirect_dma semaphore(%arg17 : memref<!tpu.dma_semaphore, #tpu.memory_space<semaphore_mem>>) src(%arg9 : memref<125x32xf32, #tpu.memory_space<vmem>>) dst(%dma_wait3A_172 : memref<10000x32xf32, #tpu.memory_space<vmem_shared>>)
        %add3A_173 = arith.constant 1 : i32
        %add3A_174 = arith.addi %scan3A_67, %add3A_173 : i32
        %mul3A_175 = arith.constant 4 : i32
        %mul3A_176 = arith.muli %add3A_174, %mul3A_175 : i32
        %add3A_177 = arith.constant 2 : i32
        %add3A_178 = arith.addi %mul3A_176, %add3A_177 : i32
        %mul3A_179 = arith.constant 125 : i32
        %mul3A_180 = arith.muli %add3A_178, %mul3A_179 : i32
        %add3A_181 = arith.addi %mul3A_2, %mul3A_180 : i32
        %dma_start3A_182 = arith.constant 0 : i32
        %dma_start3A_183 = tpu.memref_slice %arg2[%add3A_181, %dma_start3A_182] : memref<160000x32xf32, #tpu.memory_space<hbm>> -> memref<125x32xf32, #tpu.memory_space<hbm>>
        %dma_start3A_184 = arith.constant 0 : i32
        %dma_start3A_185 = tpu.memref_slice %arg2[%add3A_181, %dma_start3A_184] : memref<160000x32xf32, #tpu.memory_space<hbm>> -> memref<125x32xf32, #tpu.memory_space<hbm>>
        tpu.enqueue_dma source(%dma_start3A_185 : memref<125x32xf32, #tpu.memory_space<hbm>>) target(%arg9 : memref<125x32xf32, #tpu.memory_space<vmem>>) target_semaphore(%arg13 : memref<!tpu.dma_semaphore, #tpu.memory_space<semaphore_mem>>)
        %dma_wait3A_186 = arith.constant 0 : i32
        %dma_wait3A_187 = arith.constant 0 : i32
        %dma_wait3A_188 = tpu.memref_slice %arg6[%dma_wait3A_186, %dma_wait3A_187] : memref<40x125xi32, #tpu.memory_space<vmem>> -> memref<1x125xi32, #tpu.memory_space<vmem>>
        %dma_wait3A_189 = tpu.memref_squeeze %dma_wait3A_188 : memref<1x125xi32, #tpu.memory_space<vmem>> -> memref<125xi32, #tpu.memory_space<vmem>>
        %dma_wait3A_190 = arith.constant 0 : i32
        %dma_wait3A_191 = arith.constant 0 : i32
        %dma_wait3A_192 = tpu.memref_slice %arg19[%dma_wait3A_190, %dma_wait3A_191] : memref<10000x32xf32, #tpu.memory_space<vmem_shared>> -> memref<10000x32xf32, #tpu.memory_space<vmem_shared>>
        tpu.wait_indirect_dma semaphore(%arg18 : memref<!tpu.dma_semaphore, #tpu.memory_space<semaphore_mem>>) src(%arg10 : memref<125x32xf32, #tpu.memory_space<vmem>>) dst(%dma_wait3A_192 : memref<10000x32xf32, #tpu.memory_space<vmem_shared>>)
        %add3A_193 = arith.constant 1 : i32
        %add3A_194 = arith.addi %scan3A_67, %add3A_193 : i32
        %mul3A_195 = arith.constant 4 : i32
        %mul3A_196 = arith.muli %add3A_194, %mul3A_195 : i32
        %add3A_197 = arith.constant 3 : i32
        %add3A_198 = arith.addi %mul3A_196, %add3A_197 : i32
        %mul3A_199 = arith.constant 125 : i32
        %mul3A_200 = arith.muli %add3A_198, %mul3A_199 : i32
        %add3A_201 = arith.addi %mul3A_2, %mul3A_200 : i32
        %dma_start3A_202 = arith.constant 0 : i32
        %dma_start3A_203 = tpu.memref_slice %arg2[%add3A_201, %dma_start3A_202] : memref<160000x32xf32, #tpu.memory_space<hbm>> -> memref<125x32xf32, #tpu.memory_space<hbm>>
        %dma_start3A_204 = arith.constant 0 : i32
        %dma_start3A_205 = tpu.memref_slice %arg2[%add3A_201, %dma_start3A_204] : memref<160000x32xf32, #tpu.memory_space<hbm>> -> memref<125x32xf32, #tpu.memory_space<hbm>>
        tpu.enqueue_dma source(%dma_start3A_205 : memref<125x32xf32, #tpu.memory_space<hbm>>) target(%arg10 : memref<125x32xf32, #tpu.memory_space<vmem>>) target_semaphore(%arg14 : memref<!tpu.dma_semaphore, #tpu.memory_space<semaphore_mem>>)
      } else {
      }
    }
    %scan3A_34 = arith.constant 10 : i32
    %dma_wait3A = arith.constant 0 : i32
    %dma_wait3A_35 = arith.constant 0 : i32
    %dma_wait3A_36 = tpu.memref_slice %arg6[%dma_wait3A, %dma_wait3A_35] : memref<40x125xi32, #tpu.memory_space<vmem>> -> memref<1x125xi32, #tpu.memory_space<vmem>>
    %dma_wait3A_37 = tpu.memref_squeeze %dma_wait3A_36 : memref<1x125xi32, #tpu.memory_space<vmem>> -> memref<125xi32, #tpu.memory_space<vmem>>
    %dma_wait3A_38 = arith.constant 0 : i32
    %dma_wait3A_39 = arith.constant 0 : i32
    %dma_wait3A_40 = tpu.memref_slice %arg19[%dma_wait3A_38, %dma_wait3A_39] : memref<10000x32xf32, #tpu.memory_space<vmem_shared>> -> memref<10000x32xf32, #tpu.memory_space<vmem_shared>>
    tpu.wait_indirect_dma semaphore(%arg15 : memref<!tpu.dma_semaphore, #tpu.memory_space<semaphore_mem>>) src(%arg7 : memref<125x32xf32, #tpu.memory_space<vmem>>) dst(%dma_wait3A_40 : memref<10000x32xf32, #tpu.memory_space<vmem_shared>>)
    %dma_wait3A_41 = arith.constant 0 : i32
    %dma_wait3A_42 = arith.constant 0 : i32
    %dma_wait3A_43 = tpu.memref_slice %arg6[%dma_wait3A_41, %dma_wait3A_42] : memref<40x125xi32, #tpu.memory_space<vmem>> -> memref<1x125xi32, #tpu.memory_space<vmem>>
    %dma_wait3A_44 = tpu.memref_squeeze %dma_wait3A_43 : memref<1x125xi32, #tpu.memory_space<vmem>> -> memref<125xi32, #tpu.memory_space<vmem>>
    %dma_wait3A_45 = arith.constant 0 : i32
    %dma_wait3A_46 = arith.constant 0 : i32
    %dma_wait3A_47 = tpu.memref_slice %arg19[%dma_wait3A_45, %dma_wait3A_46] : memref<10000x32xf32, #tpu.memory_space<vmem_shared>> -> memref<10000x32xf32, #tpu.memory_space<vmem_shared>>
    tpu.wait_indirect_dma semaphore(%arg16 : memref<!tpu.dma_semaphore, #tpu.memory_space<semaphore_mem>>) src(%arg8 : memref<125x32xf32, #tpu.memory_space<vmem>>) dst(%dma_wait3A_47 : memref<10000x32xf32, #tpu.memory_space<vmem_shared>>)
    %dma_wait3A_48 = arith.constant 0 : i32
    %dma_wait3A_49 = arith.constant 0 : i32
    %dma_wait3A_50 = tpu.memref_slice %arg6[%dma_wait3A_48, %dma_wait3A_49] : memref<40x125xi32, #tpu.memory_space<vmem>> -> memref<1x125xi32, #tpu.memory_space<vmem>>
    %dma_wait3A_51 = tpu.memref_squeeze %dma_wait3A_50 : memref<1x125xi32, #tpu.memory_space<vmem>> -> memref<125xi32, #tpu.memory_space<vmem>>
    %dma_wait3A_52 = arith.constant 0 : i32
    %dma_wait3A_53 = arith.constant 0 : i32
    %dma_wait3A_54 = tpu.memref_slice %arg19[%dma_wait3A_52, %dma_wait3A_53] : memref<10000x32xf32, #tpu.memory_space<vmem_shared>> -> memref<10000x32xf32, #tpu.memory_space<vmem_shared>>
    tpu.wait_indirect_dma semaphore(%arg17 : memref<!tpu.dma_semaphore, #tpu.memory_space<semaphore_mem>>) src(%arg9 : memref<125x32xf32, #tpu.memory_space<vmem>>) dst(%dma_wait3A_54 : memref<10000x32xf32, #tpu.memory_space<vmem_shared>>)
    %dma_wait3A_55 = arith.constant 0 : i32
    %dma_wait3A_56 = arith.constant 0 : i32
    %dma_wait3A_57 = tpu.memref_slice %arg6[%dma_wait3A_55, %dma_wait3A_56] : memref<40x125xi32, #tpu.memory_space<vmem>> -> memref<1x125xi32, #tpu.memory_space<vmem>>
    %dma_wait3A_58 = tpu.memref_squeeze %dma_wait3A_57 : memref<1x125xi32, #tpu.memory_space<vmem>> -> memref<125xi32, #tpu.memory_space<vmem>>
    %dma_wait3A_59 = arith.constant 0 : i32
    %dma_wait3A_60 = arith.constant 0 : i32
    %dma_wait3A_61 = tpu.memref_slice %arg19[%dma_wait3A_59, %dma_wait3A_60] : memref<10000x32xf32, #tpu.memory_space<vmem_shared>> -> memref<10000x32xf32, #tpu.memory_space<vmem_shared>>
    tpu.wait_indirect_dma semaphore(%arg18 : memref<!tpu.dma_semaphore, #tpu.memory_space<semaphore_mem>>) src(%arg10 : memref<125x32xf32, #tpu.memory_space<vmem>>) dst(%dma_wait3A_61 : memref<10000x32xf32, #tpu.memory_space<vmem_shared>>)
    %barrier3A_62 = arith.constant 0 : index
    tpu.barrier barrier_id(%barrier3A_62)
    %mul3A_63 = arith.constant 625 : i32
    %mul3A_64 = arith.muli %arg1, %mul3A_63 : i32
    %mul3A_65 = arith.constant 625 : i32
    %mul3A_66 = arith.muli %arg1, %mul3A_65 : i32
    "tpu.region"() ({
      %run_scoped3A = tpu.sem_alloc : memref<!tpu.dma_semaphore, #tpu.memory_space<semaphore_mem>>
      %dma_start3A_67 = arith.constant 0 : i32
      %dma_start3A_68 = tpu.memref_slice %arg5[%arg0, %mul3A_66, %dma_start3A_67] : memref<2x10000x32xf32, #tpu.memory_space<hbm>> -> memref<1x625x32xf32, #tpu.memory_space<hbm>>
      %dma_start3A_69 = tpu.memref_squeeze %dma_start3A_68 : memref<1x625x32xf32, #tpu.memory_space<hbm>> -> memref<625x32xf32, #tpu.memory_space<hbm>>
      %dma_start3A_70 = arith.constant 0 : i32
      %dma_start3A_71 = tpu.memref_slice %arg19[%mul3A_64, %dma_start3A_70] : memref<10000x32xf32, #tpu.memory_space<vmem_shared>> -> memref<625x32xf32, #tpu.memory_space<vmem_shared>>
      tpu.enqueue_dma source(%dma_start3A_71 : memref<625x32xf32, #tpu.memory_space<vmem_shared>>) target(%dma_start3A_69 : memref<625x32xf32, #tpu.memory_space<hbm>>) target_semaphore(%run_scoped3A : memref<!tpu.dma_semaphore, #tpu.memory_space<semaphore_mem>>)
      %dma_wait3A_72 = arith.constant 0 : i32
      %dma_wait3A_73 = tpu.memref_slice %arg5[%arg0, %mul3A_66, %dma_wait3A_72] : memref<2x10000x32xf32, #tpu.memory_space<hbm>> -> memref<1x625x32xf32, #tpu.memory_space<hbm>>
      %dma_wait3A_74 = tpu.memref_squeeze %dma_wait3A_73 : memref<1x625x32xf32, #tpu.memory_space<hbm>> -> memref<625x32xf32, #tpu.memory_space<hbm>>
      %dma_wait3A_75 = arith.constant 0 : i32
      %dma_wait3A_76 = tpu.memref_slice %arg19[%mul3A_64, %dma_wait3A_75] : memref<10000x32xf32, #tpu.memory_space<vmem_shared>> -> memref<625x32xf32, #tpu.memory_space<vmem_shared>>
      tpu.wait_dma2 semaphore(%run_scoped3A : memref<!tpu.dma_semaphore, #tpu.memory_space<semaphore_mem>>) src(%dma_wait3A_76 : memref<625x32xf32, #tpu.memory_space<vmem_shared>>) dst(%dma_wait3A_74 : memref<625x32xf32, #tpu.memory_space<hbm>>)
      tpu.yield
    }) : () -> ()
    return
  }
}

module attributes {stable_mosaic.version = 14 : i64} {
  func.func @_kx0_body(%arg0: i32, %arg1: memref<2000x128xf32, #tpu.memory_space<vmem>>, %arg2: memref<128x32xf32, #tpu.memory_space<vmem>>, %arg3: memref<1x32xf32, #tpu.memory_space<vmem>>, %arg4: memref<2000x32xf32, #tpu.memory_space<vmem>>) attributes {dimension_semantics = [#tpu.dimension_semantics<arbitrary>], iteration_bounds = array<i64: 5>, scalar_prefetch = 0 : i64, scratch_operands = 0 : i64, tpu.core_type = #tpu.core_type<tc>, window_params = [{transform_indices = @transform_0, window_bounds = array<i64: 2000, 128>}, {pipeline_mode = #tpu.pipeline_mode<synchronous>, transform_indices = @transform_1, window_bounds = array<i64: 128, 32>}, {pipeline_mode = #tpu.pipeline_mode<synchronous>, transform_indices = @transform_2, window_bounds = array<i64: 1, 32>}, {transform_indices = @transform_3, window_bounds = array<i64: 2000, 32>}]} {
    %get3A = arith.constant 0 : index
    %get3A_0 = arith.constant 0 : index
    %get3A_1 = vector.load %arg1[%get3A, %get3A_0] : memref<2000x128xf32, #tpu.memory_space<vmem>>, vector<2000x128xf32>
    %get3A_2 = arith.constant 0 : index
    %get3A_3 = arith.constant 0 : index
    %get3A_4 = vector.load %arg2[%get3A_2, %get3A_3] : memref<128x32xf32, #tpu.memory_space<vmem>>, vector<128x32xf32>
    %dot_general3A = arith.constant dense<0.000000e+00> : vector<2000x32xf32>
    %dot_general3A_5 = tpu.matmul %get3A_1, %get3A_4, %dot_general3A {dimension_numbers = #tpu.dot_dimension_numbers<[1], [0], [0], [1], [0, 0, 1, 1], [], []>, precision = #tpu.contract_precision<fp32>, transpose_lhs_hint = false} : vector<2000x128xf32>, vector<128x32xf32>, vector<2000x32xf32> -> vector<2000x32xf32>
    %get3A_6 = arith.constant 0 : index
    %get3A_7 = arith.constant 0 : index
    %get3A_8 = vector.load %arg3[%get3A_6, %get3A_7] : memref<1x32xf32, #tpu.memory_space<vmem>>, vector<1x32xf32>
    %add3A = vector.broadcast %get3A_8 : vector<1x32xf32> to vector<2000x32xf32>
    %add3A_9 = arith.addf %dot_general3A_5, %add3A : vector<2000x32xf32>
    %max3A = arith.constant 0.000000e+00 : f32
    %max3A_10 = vector.broadcast %max3A : f32 to vector<2000x32xf32>
    %max3A_11 = arith.maximumf %add3A_9, %max3A_10 : vector<2000x32xf32>
    %swap3A = arith.constant 0 : index
    %swap3A_12 = arith.constant 0 : index
    %swap3A_13 = vector.load %arg4[%swap3A, %swap3A_12] : memref<2000x32xf32, #tpu.memory_space<vmem>>, vector<2000x32xf32>
    tpu.vector_store %arg4[%swap3A, %swap3A_12], %max3A_11 {strides = array<i32>} : memref<2000x32xf32, #tpu.memory_space<vmem>>, vector<2000x32xf32>,
    return
  }
  func.func @transform_0(%arg0: i32) -> (i32, i32) {
    %c0_i32 = arith.constant 0 : i32
    %c0_i32_0 = arith.constant 0 : i32
    return %arg0, %c0_i32 : i32, i32
  }
  func.func @transform_1(%arg0: i32) -> (i32, i32) {
    %c0_i32 = arith.constant 0 : i32
    %c0_i32_0 = arith.constant 0 : i32
    %c0_i32_1 = arith.constant 0 : i32
    return %c0_i32, %c0_i32_0 : i32, i32
  }
  func.func @transform_2(%arg0: i32) -> (i32, i32) {
    %c0_i32 = arith.constant 0 : i32
    %c0_i32_0 = arith.constant 0 : i32
    %c0_i32_1 = arith.constant 0 : i32
    return %c0_i32, %c0_i32_0 : i32, i32
  }
  func.func @transform_3(%arg0: i32) -> (i32, i32) {
    %c0_i32 = arith.constant 0 : i32
    %c0_i32_0 = arith.constant 0 : i32
    return %arg0, %c0_i32 : i32, i32
  }
}

module attributes {stable_mosaic.version = 14 : i64} {
  func.func @_km_body(%arg0: i32, %arg1: memref<4000x32xf32, #tpu.memory_space<vmem>>, %arg2: memref<4000x4xf32, #tpu.memory_space<vmem>>, %arg3: memref<4x288xf32, #tpu.memory_space<vmem>>, %arg4: memref<1x288xf32, #tpu.memory_space<vmem>>, %arg5: memref<32x288xf32, #tpu.memory_space<vmem>>, %arg6: memref<4000x32xf32, #tpu.memory_space<vmem>>) attributes {dimension_semantics = [#tpu.dimension_semantics<arbitrary>], iteration_bounds = array<i64: 40>, scalar_prefetch = 0 : i64, scratch_operands = 0 : i64, tpu.core_type = #tpu.core_type<tc>, window_params = [{transform_indices = @transform_0, window_bounds = array<i64: 4000, 32>}, {transform_indices = @transform_1, window_bounds = array<i64: 4000, 4>}, {pipeline_mode = #tpu.pipeline_mode<synchronous>, transform_indices = @transform_2, window_bounds = array<i64: 4, 288>}, {pipeline_mode = #tpu.pipeline_mode<synchronous>, transform_indices = @transform_3, window_bounds = array<i64: 1, 288>}, {pipeline_mode = #tpu.pipeline_mode<synchronous>, transform_indices = @transform_4, window_bounds = array<i64: 32, 288>}, {transform_indices = @transform_5, window_bounds = array<i64: 4000, 32>}]} {
    %get3A = arith.constant 0 : index
    %get3A_0 = arith.constant 0 : index
    %get3A_1 = vector.load %arg2[%get3A, %get3A_0] : memref<4000x4xf32, #tpu.memory_space<vmem>>, vector<4000x4xf32>
    %get3A_2 = arith.constant 0 : index
    %get3A_3 = arith.constant 0 : index
    %get3A_4 = vector.load %arg3[%get3A_2, %get3A_3] : memref<4x288xf32, #tpu.memory_space<vmem>>, vector<4x288xf32>
    %get3A_5 = arith.constant 0 : index
    %get3A_6 = arith.constant 0 : index
    %get3A_7 = vector.load %arg4[%get3A_5, %get3A_6] : memref<1x288xf32, #tpu.memory_space<vmem>>, vector<1x288xf32>
    %slice3A = vector.extract_strided_slice %get3A_1 {offsets = [0, 0], sizes = [4000, 1], strides = [1, 1]} : vector<4000x4xf32> to vector<4000x1xf32>
    %slice3A_8 = vector.extract_strided_slice %get3A_4 {offsets = [0, 0], sizes = [1, 288], strides = [1, 1]} : vector<4x288xf32> to vector<1x288xf32>
    %mul3A = vector.broadcast %slice3A : vector<4000x1xf32> to vector<4000x288xf32>
    %mul3A_9 = vector.broadcast %slice3A_8 : vector<1x288xf32> to vector<4000x288xf32>
    %mul3A_10 = arith.mulf %mul3A, %mul3A_9 : vector<4000x288xf32>
    %add3A = vector.broadcast %get3A_7 : vector<1x288xf32> to vector<4000x288xf32>
    %add3A_11 = arith.addf %add3A, %mul3A_10 : vector<4000x288xf32>
    %slice3A_12 = vector.extract_strided_slice %get3A_1 {offsets = [0, 1], sizes = [4000, 1], strides = [1, 1]} : vector<4000x4xf32> to vector<4000x1xf32>
    %slice3A_13 = vector.extract_strided_slice %get3A_4 {offsets = [1, 0], sizes = [1, 288], strides = [1, 1]} : vector<4x288xf32> to vector<1x288xf32>
    %mul3A_14 = vector.broadcast %slice3A_12 : vector<4000x1xf32> to vector<4000x288xf32>
    %mul3A_15 = vector.broadcast %slice3A_13 : vector<1x288xf32> to vector<4000x288xf32>
    %mul3A_16 = arith.mulf %mul3A_14, %mul3A_15 : vector<4000x288xf32>
    %add3A_17 = arith.addf %add3A_11, %mul3A_16 : vector<4000x288xf32>
    %slice3A_18 = vector.extract_strided_slice %get3A_1 {offsets = [0, 2], sizes = [4000, 1], strides = [1, 1]} : vector<4000x4xf32> to vector<4000x1xf32>
    %slice3A_19 = vector.extract_strided_slice %get3A_4 {offsets = [2, 0], sizes = [1, 288], strides = [1, 1]} : vector<4x288xf32> to vector<1x288xf32>
    %mul3A_20 = vector.broadcast %slice3A_18 : vector<4000x1xf32> to vector<4000x288xf32>
    %mul3A_21 = vector.broadcast %slice3A_19 : vector<1x288xf32> to vector<4000x288xf32>
    %mul3A_22 = arith.mulf %mul3A_20, %mul3A_21 : vector<4000x288xf32>
    %add3A_23 = arith.addf %add3A_17, %mul3A_22 : vector<4000x288xf32>
    %slice3A_24 = vector.extract_strided_slice %get3A_1 {offsets = [0, 3], sizes = [4000, 1], strides = [1, 1]} : vector<4000x4xf32> to vector<4000x1xf32>
    %slice3A_25 = vector.extract_strided_slice %get3A_4 {offsets = [3, 0], sizes = [1, 288], strides = [1, 1]} : vector<4x288xf32> to vector<1x288xf32>
    %mul3A_26 = vector.broadcast %slice3A_24 : vector<4000x1xf32> to vector<4000x288xf32>
    %mul3A_27 = vector.broadcast %slice3A_25 : vector<1x288xf32> to vector<4000x288xf32>
    %mul3A_28 = arith.mulf %mul3A_26, %mul3A_27 : vector<4000x288xf32>
    %add3A_29 = arith.addf %add3A_23, %mul3A_28 : vector<4000x288xf32>
    %max3A = arith.constant 0.000000e+00 : f32
    %max3A_30 = vector.broadcast %max3A : f32 to vector<4000x288xf32>
    %max3A_31 = arith.maximumf %add3A_29, %max3A_30 : vector<4000x288xf32>
    %get3A_32 = arith.constant 0 : index
    %get3A_33 = arith.constant 0 : index
    %get3A_34 = vector.load %arg1[%get3A_32, %get3A_33] : memref<4000x32xf32, #tpu.memory_space<vmem>>, vector<4000x32xf32>
    %get3A_35 = arith.constant 0 : index
    %get3A_36 = arith.constant 0 : index
    %get3A_37 = vector.load %arg5[%get3A_35, %get3A_36] : memref<32x288xf32, #tpu.memory_space<vmem>>, vector<32x288xf32>
    %dot_general3A = arith.constant dense<0.000000e+00> : vector<4000x288xf32>
    %dot_general3A_38 = tpu.matmul %get3A_34, %get3A_37, %dot_general3A {dimension_numbers = #tpu.dot_dimension_numbers<[1], [0], [0], [1], [0, 0, 1, 1], [], []>, precision = #tpu.contract_precision<fp32>, transpose_lhs_hint = false} : vector<4000x32xf32>, vector<32x288xf32>, vector<4000x288xf32> -> vector<4000x288xf32>
    %mul3A_39 = arith.mulf %max3A_31, %dot_general3A_38 : vector<4000x288xf32>
    %slice3A_40 = vector.extract_strided_slice %mul3A_39 {offsets = [0, 0], sizes = [4000, 32], strides = [1, 1]} : vector<4000x288xf32> to vector<4000x32xf32>
    %slice3A_41 = vector.extract_strided_slice %mul3A_39 {offsets = [0, 32], sizes = [4000, 32], strides = [1, 1]} : vector<4000x288xf32> to vector<4000x32xf32>
    %add3A_42 = arith.addf %slice3A_40, %slice3A_41 : vector<4000x32xf32>
    %slice3A_43 = vector.extract_strided_slice %mul3A_39 {offsets = [0, 64], sizes = [4000, 32], strides = [1, 1]} : vector<4000x288xf32> to vector<4000x32xf32>
    %add3A_44 = arith.addf %add3A_42, %slice3A_43 : vector<4000x32xf32>
    %slice3A_45 = vector.extract_strided_slice %mul3A_39 {offsets = [0, 96], sizes = [4000, 32], strides = [1, 1]} : vector<4000x288xf32> to vector<4000x32xf32>
    %add3A_46 = arith.addf %add3A_44, %slice3A_45 : vector<4000x32xf32>
    %slice3A_47 = vector.extract_strided_slice %mul3A_39 {offsets = [0, 128], sizes = [4000, 32], strides = [1, 1]} : vector<4000x288xf32> to vector<4000x32xf32>
    %add3A_48 = arith.addf %add3A_46, %slice3A_47 : vector<4000x32xf32>
    %slice3A_49 = vector.extract_strided_slice %mul3A_39 {offsets = [0, 160], sizes = [4000, 32], strides = [1, 1]} : vector<4000x288xf32> to vector<4000x32xf32>
    %add3A_50 = arith.addf %add3A_48, %slice3A_49 : vector<4000x32xf32>
    %slice3A_51 = vector.extract_strided_slice %mul3A_39 {offsets = [0, 192], sizes = [4000, 32], strides = [1, 1]} : vector<4000x288xf32> to vector<4000x32xf32>
    %add3A_52 = arith.addf %add3A_50, %slice3A_51 : vector<4000x32xf32>
    %slice3A_53 = vector.extract_strided_slice %mul3A_39 {offsets = [0, 224], sizes = [4000, 32], strides = [1, 1]} : vector<4000x288xf32> to vector<4000x32xf32>
    %add3A_54 = arith.addf %add3A_52, %slice3A_53 : vector<4000x32xf32>
    %slice3A_55 = vector.extract_strided_slice %mul3A_39 {offsets = [0, 256], sizes = [4000, 32], strides = [1, 1]} : vector<4000x288xf32> to vector<4000x32xf32>
    %add3A_56 = arith.addf %add3A_54, %slice3A_55 : vector<4000x32xf32>
    %swap3A = arith.constant 0 : index
    %swap3A_57 = arith.constant 0 : index
    %swap3A_58 = vector.load %arg6[%swap3A, %swap3A_57] : memref<4000x32xf32, #tpu.memory_space<vmem>>, vector<4000x32xf32>
    tpu.vector_store %arg6[%swap3A, %swap3A_57], %add3A_56 {strides = array<i32>} : memref<4000x32xf32, #tpu.memory_space<vmem>>, vector<4000x32xf32>,
    return
  }
  func.func @transform_0(%arg0: i32) -> (i32, i32) {
    %c0_i32 = arith.constant 0 : i32
    %c0_i32_0 = arith.constant 0 : i32
    return %arg0, %c0_i32 : i32, i32
  }
  func.func @transform_1(%arg0: i32) -> (i32, i32) {
    %c0_i32 = arith.constant 0 : i32
    %c0_i32_0 = arith.constant 0 : i32
    return %arg0, %c0_i32 : i32, i32
  }
  func.func @transform_2(%arg0: i32) -> (i32, i32) {
    %c0_i32 = arith.constant 0 : i32
    %c0_i32_0 = arith.constant 0 : i32
    %c0_i32_1 = arith.constant 0 : i32
    return %c0_i32, %c0_i32_0 : i32, i32
  }
  func.func @transform_3(%arg0: i32) -> (i32, i32) {
    %c0_i32 = arith.constant 0 : i32
    %c0_i32_0 = arith.constant 0 : i32
    %c0_i32_1 = arith.constant 0 : i32
    return %c0_i32, %c0_i32_0 : i32, i32
  }
  func.func @transform_4(%arg0: i32) -> (i32, i32) {
    %c0_i32 = arith.constant 0 : i32
    %c0_i32_0 = arith.constant 0 : i32
    %c0_i32_1 = arith.constant 0 : i32
    return %c0_i32, %c0_i32_0 : i32, i32
  }
  func.func @transform_5(%arg0: i32) -> (i32, i32) {
    %c0_i32 = arith.constant 0 : i32
    %c0_i32_0 = arith.constant 0 : i32
    return %arg0, %c0_i32 : i32, i32
  }
}

module attributes {stable_mosaic.version = 14 : i64} {
  func.func @_kn_body(%arg0: i32, %arg1: memref<2x2000x32xf32, #tpu.memory_space<vmem>>, %arg2: memref<2x2000x32xf32, #tpu.memory_space<vmem>>, %arg3: memref<2000x32xf32, #tpu.memory_space<vmem>>, %arg4: memref<32x32xf32, #tpu.memory_space<vmem>>, %arg5: memref<1x32xf32, #tpu.memory_space<vmem>>, %arg6: memref<32x96xf32, #tpu.memory_space<vmem>>, %arg7: memref<1x96xf32, #tpu.memory_space<vmem>>, %arg8: memref<32x96xf32, #tpu.memory_space<vmem>>, %arg9: memref<1x96xf32, #tpu.memory_space<vmem>>, %arg10: memref<2000x32xf32, #tpu.memory_space<vmem>>) attributes {dimension_semantics = [#tpu.dimension_semantics<arbitrary>], iteration_bounds = array<i64: 5>, scalar_prefetch = 0 : i64, scratch_operands = 0 : i64, tpu.core_type = #tpu.core_type<tc>, window_params = [{transform_indices = @transform_0, window_bounds = array<i64: 2, 2000, 32>}, {transform_indices = @transform_1, window_bounds = array<i64: 2, 2000, 32>}, {transform_indices = @transform_2, window_bounds = array<i64: 2000, 32>}, {pipeline_mode = #tpu.pipeline_mode<synchronous>, transform_indices = @transform_3, window_bounds = array<i64: 32, 32>}, {pipeline_mode = #tpu.pipeline_mode<synchronous>, transform_indices = @transform_4, window_bounds = array<i64: 1, 32>}, {pipeline_mode = #tpu.pipeline_mode<synchronous>, transform_indices = @transform_5, window_bounds = array<i64: 32, 96>}, {pipeline_mode = #tpu.pipeline_mode<synchronous>, transform_indices = @transform_6, window_bounds = array<i64: 1, 96>}, {pipeline_mode = #tpu.pipeline_mode<synchronous>, transform_indices = @transform_7, window_bounds = array<i64: 32, 96>}, {pipeline_mode = #tpu.pipeline_mode<synchronous>, transform_indices = @transform_8, window_bounds = array<i64: 1, 96>}, {transform_indices = @transform_9, window_bounds = array<i64: 2000, 32>}]} {
    %get3A = arith.constant 0 : index
    %get3A_0 = arith.constant 0 : index
    %get3A_1 = vector.load %arg3[%get3A, %get3A_0] : memref<2000x32xf32, #tpu.memory_space<vmem>>, vector<2000x32xf32>
    %get3A_2 = arith.constant 0 : index
    %get3A_3 = arith.constant 0 : index
    %get3A_4 = arith.constant 0 : index
    %get3A_5 = vector.load %arg2[%get3A_2, %get3A_3, %get3A_4] : memref<2x2000x32xf32, #tpu.memory_space<vmem>>, vector<1x2000x32xf32>
    %get3A_6 = vector.shape_cast %get3A_5 : vector<1x2000x32xf32> to vector<2000x32xf32>
    %get3A_7 = arith.constant 1 : index
    %get3A_8 = arith.constant 0 : index
    %get3A_9 = arith.constant 0 : index
    %get3A_10 = vector.load %arg2[%get3A_7, %get3A_8, %get3A_9] : memref<2x2000x32xf32, #tpu.memory_space<vmem>>, vector<1x2000x32xf32>
    %get3A_11 = vector.shape_cast %get3A_10 : vector<1x2000x32xf32> to vector<2000x32xf32>
    %add3A = arith.addf %get3A_6, %get3A_11 : vector<2000x32xf32>
    %max3A = arith.constant 1.000000e+00 : f32
    %max3A_12 = vector.broadcast %max3A : f32 to vector<2000x32xf32>
    %max3A_13 = arith.maximumf %add3A, %max3A_12 : vector<2000x32xf32>
    %get3A_14 = arith.constant 0 : index
    %get3A_15 = arith.constant 0 : index
    %get3A_16 = arith.constant 0 : index
    %get3A_17 = vector.load %arg1[%get3A_14, %get3A_15, %get3A_16] : memref<2x2000x32xf32, #tpu.memory_space<vmem>>, vector<1x2000x32xf32>
    %get3A_18 = vector.shape_cast %get3A_17 : vector<1x2000x32xf32> to vector<2000x32xf32>
    %get3A_19 = arith.constant 1 : index
    %get3A_20 = arith.constant 0 : index
    %get3A_21 = arith.constant 0 : index
    %get3A_22 = vector.load %arg1[%get3A_19, %get3A_20, %get3A_21] : memref<2x2000x32xf32, #tpu.memory_space<vmem>>, vector<1x2000x32xf32>
    %get3A_23 = vector.shape_cast %get3A_22 : vector<1x2000x32xf32> to vector<2000x32xf32>
    %add3A_24 = arith.addf %get3A_18, %get3A_23 : vector<2000x32xf32>
    %div3A = arith.divf %add3A_24, %max3A_13 : vector<2000x32xf32>
    %get3A_25 = arith.constant 0 : index
    %get3A_26 = arith.constant 0 : index
    %get3A_27 = vector.load %arg4[%get3A_25, %get3A_26] : memref<32x32xf32, #tpu.memory_space<vmem>>, vector<32x32xf32>
    %dot_general3A = arith.constant dense<0.000000e+00> : vector<2000x32xf32>
    %dot_general3A_28 = tpu.matmul %get3A_1, %get3A_27, %dot_general3A {dimension_numbers = #tpu.dot_dimension_numbers<[1], [0], [0], [1], [0, 0, 1, 1], [], []>, precision = #tpu.contract_precision<fp32>, transpose_lhs_hint = false} : vector<2000x32xf32>, vector<32x32xf32>, vector<2000x32xf32> -> vector<2000x32xf32>
    %add3A_29 = arith.addf %div3A, %dot_general3A_28 : vector<2000x32xf32>
    %get3A_30 = arith.constant 0 : index
    %get3A_31 = arith.constant 0 : index
    %get3A_32 = vector.load %arg5[%get3A_30, %get3A_31] : memref<1x32xf32, #tpu.memory_space<vmem>>, vector<1x32xf32>
    %add3A_33 = vector.broadcast %get3A_32 : vector<1x32xf32> to vector<2000x32xf32>
    %add3A_34 = arith.addf %add3A_29, %add3A_33 : vector<2000x32xf32>
    %max3A_35 = arith.constant 0.000000e+00 : f32
    %max3A_36 = vector.broadcast %max3A_35 : f32 to vector<2000x32xf32>
    %max3A_37 = arith.maximumf %add3A_34, %max3A_36 : vector<2000x32xf32>
    %get3A_38 = arith.constant 0 : index
    %get3A_39 = arith.constant 0 : index
    %get3A_40 = vector.load %arg6[%get3A_38, %get3A_39] : memref<32x96xf32, #tpu.memory_space<vmem>>, vector<32x96xf32>
    %dot_general3A_41 = arith.constant dense<0.000000e+00> : vector<2000x96xf32>
    %dot_general3A_42 = tpu.matmul %max3A_37, %get3A_40, %dot_general3A_41 {dimension_numbers = #tpu.dot_dimension_numbers<[1], [0], [0], [1], [0, 0, 1, 1], [], []>, precision = #tpu.contract_precision<fp32>, transpose_lhs_hint = false} : vector<2000x32xf32>, vector<32x96xf32>, vector<2000x96xf32> -> vector<2000x96xf32>
    %get3A_43 = arith.constant 0 : index
    %get3A_44 = arith.constant 0 : index
    %get3A_45 = vector.load %arg7[%get3A_43, %get3A_44] : memref<1x96xf32, #tpu.memory_space<vmem>>, vector<1x96xf32>
    %add3A_46 = vector.broadcast %get3A_45 : vector<1x96xf32> to vector<2000x96xf32>
    %add3A_47 = arith.addf %dot_general3A_42, %add3A_46 : vector<2000x96xf32>
    %get3A_48 = arith.constant 0 : index
    %get3A_49 = arith.constant 0 : index
    %get3A_50 = vector.load %arg8[%get3A_48, %get3A_49] : memref<32x96xf32, #tpu.memory_space<vmem>>, vector<32x96xf32>
    %dot_general3A_51 = arith.constant dense<0.000000e+00> : vector<2000x96xf32>
    %dot_general3A_52 = tpu.matmul %get3A_1, %get3A_50, %dot_general3A_51 {dimension_numbers = #tpu.dot_dimension_numbers<[1], [0], [0], [1], [0, 0, 1, 1], [], []>, precision = #tpu.contract_precision<fp32>, transpose_lhs_hint = false} : vector<2000x32xf32>, vector<32x96xf32>, vector<2000x96xf32> -> vector<2000x96xf32>
    %get3A_53 = arith.constant 0 : index
    %get3A_54 = arith.constant 0 : index
    %get3A_55 = vector.load %arg9[%get3A_53, %get3A_54] : memref<1x96xf32, #tpu.memory_space<vmem>>, vector<1x96xf32>
    %add3A_56 = vector.broadcast %get3A_55 : vector<1x96xf32> to vector<2000x96xf32>
    %add3A_57 = arith.addf %dot_general3A_52, %add3A_56 : vector<2000x96xf32>
    %slice3A = vector.extract_strided_slice %add3A_47 {offsets = [0, 0], sizes = [2000, 32], strides = [1, 1]} : vector<2000x96xf32> to vector<2000x32xf32>
    %slice3A_58 = vector.extract_strided_slice %add3A_57 {offsets = [0, 0], sizes = [2000, 32], strides = [1, 1]} : vector<2000x96xf32> to vector<2000x32xf32>
    %add3A_59 = arith.addf %slice3A, %slice3A_58 : vector<2000x32xf32>
    %logistic3A = arith.negf %add3A_59 : vector<2000x32xf32>
    %logistic3A_60 = math.exp %logistic3A : vector<2000x32xf32>
    %logistic3A_61 = arith.constant 1.000000e+00 : f32
    %logistic3A_62 = vector.broadcast %logistic3A_61 : f32 to vector<2000x32xf32>
    %logistic3A_63 = arith.addf %logistic3A_62, %logistic3A_60 : vector<2000x32xf32>
    %logistic3A_64 = arith.divf %logistic3A_62, %logistic3A_63 : vector<2000x32xf32>
    %slice3A_65 = vector.extract_strided_slice %add3A_47 {offsets = [0, 32], sizes = [2000, 32], strides = [1, 1]} : vector<2000x96xf32> to vector<2000x32xf32>
    %slice3A_66 = vector.extract_strided_slice %add3A_57 {offsets = [0, 32], sizes = [2000, 32], strides = [1, 1]} : vector<2000x96xf32> to vector<2000x32xf32>
    %add3A_67 = arith.addf %slice3A_65, %slice3A_66 : vector<2000x32xf32>
    %logistic3A_68 = arith.negf %add3A_67 : vector<2000x32xf32>
    %logistic3A_69 = math.exp %logistic3A_68 : vector<2000x32xf32>
    %logistic3A_70 = arith.constant 1.000000e+00 : f32
    %logistic3A_71 = vector.broadcast %logistic3A_70 : f32 to vector<2000x32xf32>
    %logistic3A_72 = arith.addf %logistic3A_71, %logistic3A_69 : vector<2000x32xf32>
    %logistic3A_73 = arith.divf %logistic3A_71, %logistic3A_72 : vector<2000x32xf32>
    %slice3A_74 = vector.extract_strided_slice %add3A_47 {offsets = [0, 64], sizes = [2000, 32], strides = [1, 1]} : vector<2000x96xf32> to vector<2000x32xf32>
    %slice3A_75 = vector.extract_strided_slice %add3A_57 {offsets = [0, 64], sizes = [2000, 32], strides = [1, 1]} : vector<2000x96xf32> to vector<2000x32xf32>
    %mul3A = arith.mulf %logistic3A_64, %slice3A_75 : vector<2000x32xf32>
    %add3A_76 = arith.addf %slice3A_74, %mul3A : vector<2000x32xf32>
    %tanh3A = math.tanh %add3A_76 : vector<2000x32xf32>
    %sub3A = arith.constant 1.000000e+00 : f32
    %sub3A_77 = vector.broadcast %sub3A : f32 to vector<2000x32xf32>
    %sub3A_78 = arith.subf %sub3A_77, %logistic3A_73 : vector<2000x32xf32>
    %mul3A_79 = arith.mulf %sub3A_78, %tanh3A : vector<2000x32xf32>
    %mul3A_80 = arith.mulf %logistic3A_73, %get3A_1 : vector<2000x32xf32>
    %add3A_81 = arith.addf %mul3A_79, %mul3A_80 : vector<2000x32xf32>
    %swap3A = arith.constant 0 : index
    %swap3A_82 = arith.constant 0 : index
    %swap3A_83 = vector.load %arg10[%swap3A, %swap3A_82] : memref<2000x32xf32, #tpu.memory_space<vmem>>, vector<2000x32xf32>
    tpu.vector_store %arg10[%swap3A, %swap3A_82], %add3A_81 {strides = array<i32>} : memref<2000x32xf32, #tpu.memory_space<vmem>>, vector<2000x32xf32>,
    return
  }
  func.func @transform_0(%arg0: i32) -> (i32, i32, i32) {
    %c0_i32 = arith.constant 0 : i32
    %c0_i32_0 = arith.constant 0 : i32
    %c0_i32_1 = arith.constant 0 : i32
    return %c0_i32, %arg0, %c0_i32_0 : i32, i32, i32
  }
  func.func @transform_1(%arg0: i32) -> (i32, i32, i32) {
    %c0_i32 = arith.constant 0 : i32
    %c0_i32_0 = arith.constant 0 : i32
    %c0_i32_1 = arith.constant 0 : i32
    return %c0_i32, %arg0, %c0_i32_0 : i32, i32, i32
  }
  func.func @transform_2(%arg0: i32) -> (i32, i32) {
    %c0_i32 = arith.constant 0 : i32
    %c0_i32_0 = arith.constant 0 : i32
    return %arg0, %c0_i32 : i32, i32
  }
  func.func @transform_3(%arg0: i32) -> (i32, i32) {
    %c0_i32 = arith.constant 0 : i32
    %c0_i32_0 = arith.constant 0 : i32
    %c0_i32_1 = arith.constant 0 : i32
    return %c0_i32, %c0_i32_0 : i32, i32
  }
  func.func @transform_4(%arg0: i32) -> (i32, i32) {
    %c0_i32 = arith.constant 0 : i32
    %c0_i32_0 = arith.constant 0 : i32
    %c0_i32_1 = arith.constant 0 : i32
    return %c0_i32, %c0_i32_0 : i32, i32
  }
  func.func @transform_5(%arg0: i32) -> (i32, i32) {
    %c0_i32 = arith.constant 0 : i32
    %c0_i32_0 = arith.constant 0 : i32
    %c0_i32_1 = arith.constant 0 : i32
    return %c0_i32, %c0_i32_0 : i32, i32
  }
  func.func @transform_6(%arg0: i32) -> (i32, i32) {
    %c0_i32 = arith.constant 0 : i32
    %c0_i32_0 = arith.constant 0 : i32
    %c0_i32_1 = arith.constant 0 : i32
    return %c0_i32, %c0_i32_0 : i32, i32
  }
  func.func @transform_7(%arg0: i32) -> (i32, i32) {
    %c0_i32 = arith.constant 0 : i32
    %c0_i32_0 = arith.constant 0 : i32
    %c0_i32_1 = arith.constant 0 : i32
    return %c0_i32, %c0_i32_0 : i32, i32
  }
  func.func @transform_8(%arg0: i32) -> (i32, i32) {
    %c0_i32 = arith.constant 0 : i32
    %c0_i32_0 = arith.constant 0 : i32
    %c0_i32_1 = arith.constant 0 : i32
    return %c0_i32, %c0_i32_0 : i32, i32
  }
  func.func @transform_9(%arg0: i32) -> (i32, i32) {
    %c0_i32 = arith.constant 0 : i32
    %c0_i32_0 = arith.constant 0 : i32
    return %arg0, %c0_i32 : i32, i32
  }
}

module attributes {stable_mosaic.version = 14 : i64} {
  func.func @_khead_body(%arg0: memref<10000x32xf32, #tpu.memory_space<vmem>>, %arg1: memref<32x16xf32, #tpu.memory_space<vmem>>, %arg2: memref<1x16xf32, #tpu.memory_space<vmem>>, %arg3: memref<16x1xf32, #tpu.memory_space<vmem>>, %arg4: memref<1x1xf32, #tpu.memory_space<vmem>>, %arg5: memref<1x1xf32, #tpu.memory_space<vmem>>) attributes {dimension_semantics = [], scalar_prefetch = 0 : i64, scratch_operands = 0 : i64, tpu.core_type = #tpu.core_type<tc>} {
    %get3A = arith.constant 0 : index
    %get3A_0 = arith.constant 0 : index
    %get3A_1 = vector.load %arg0[%get3A, %get3A_0] : memref<10000x32xf32, #tpu.memory_space<vmem>>, vector<10000x32xf32>
    %reduce_sum3A = arith.constant dense<0.000000e+00> : vector<32xf32>
    %reduce_sum3A_2 = vector.multi_reduction <add>, %get3A_1, %reduce_sum3A [0] : vector<10000x32xf32> to vector<32xf32>
    %broadcast_in_dim3A = vector.shape_cast %reduce_sum3A_2 : vector<32xf32> to vector<1x32xf32>
    %div3A = arith.constant 1.000000e+04 : f32
    %div3A_3 = vector.broadcast %div3A : f32 to vector<1x32xf32>
    %div3A_4 = arith.divf %broadcast_in_dim3A, %div3A_3 : vector<1x32xf32>
    %get3A_5 = arith.constant 0 : index
    %get3A_6 = arith.constant 0 : index
    %get3A_7 = vector.load %arg1[%get3A_5, %get3A_6] : memref<32x16xf32, #tpu.memory_space<vmem>>, vector<32x16xf32>
    %dot_general3A = arith.constant dense<0.000000e+00> : vector<1x16xf32>
    %dot_general3A_8 = tpu.matmul %div3A_4, %get3A_7, %dot_general3A {dimension_numbers = #tpu.dot_dimension_numbers<[1], [0], [0], [1], [0, 0, 1, 1], [], []>, precision = #tpu.contract_precision<fp32>, transpose_lhs_hint = false} : vector<1x32xf32>, vector<32x16xf32>, vector<1x16xf32> -> vector<1x16xf32>
    %get3A_9 = arith.constant 0 : index
    %get3A_10 = arith.constant 0 : index
    %get3A_11 = vector.load %arg2[%get3A_9, %get3A_10] : memref<1x16xf32, #tpu.memory_space<vmem>>, vector<1x16xf32>
    %add3A = arith.addf %dot_general3A_8, %get3A_11 : vector<1x16xf32>
    %max3A = arith.constant 0.000000e+00 : f32
    %max3A_12 = vector.broadcast %max3A : f32 to vector<1x16xf32>
    %max3A_13 = arith.maximumf %add3A, %max3A_12 : vector<1x16xf32>
    %get3A_14 = arith.constant 0 : index
    %get3A_15 = arith.constant 0 : index
    %get3A_16 = vector.load %arg3[%get3A_14, %get3A_15] : memref<16x1xf32, #tpu.memory_space<vmem>>, vector<16x1xf32>
    %dot_general3A_17 = arith.constant dense<0.000000e+00> : vector<1x1xf32>
    %dot_general3A_18 = tpu.matmul %max3A_13, %get3A_16, %dot_general3A_17 {dimension_numbers = #tpu.dot_dimension_numbers<[1], [0], [0], [1], [0, 0, 1, 1], [], []>, precision = #tpu.contract_precision<fp32>, transpose_lhs_hint = false} : vector<1x16xf32>, vector<16x1xf32>, vector<1x1xf32> -> vector<1x1xf32>
    %get3A_19 = arith.constant 0 : index
    %get3A_20 = arith.constant 0 : index
    %get3A_21 = vector.load %arg4[%get3A_19, %get3A_20] : memref<1x1xf32, #tpu.memory_space<vmem>>, vector<1x1xf32>
    %add3A_22 = arith.addf %dot_general3A_18, %get3A_21 : vector<1x1xf32>
    %swap3A = arith.constant 0 : index
    %swap3A_23 = arith.constant 0 : index
    %swap3A_24 = vector.load %arg5[%swap3A, %swap3A_23] : memref<1x1xf32, #tpu.memory_space<vmem>>, vector<1x1xf32>
    tpu.vector_store %arg5[%swap3A, %swap3A_23], %add3A_22 {strides = array<i32>} : memref<1x1xf32, #tpu.memory_space<vmem>>, vector<1x1xf32>,
    return
  }
}

</mosaic_0001>

<sc_bundles>
// kernel: kernel.17.cloned.1.call-start
scs
__scs_entry_jumppad:
0x0: {  	(pc) =	sbr.rel $0x88, $3  }
0x1: {  	(tag) =	ssettag $0x0;
	lr =	simm.s32 $0x1  }
0x2: {  	[smem:$0x3F8E] =	sst lr;
	_ =	strace $0xD0000000  }
0x3: {  	_ = 	snop  }
0x4: {  	_ = 	snop  }
0x5: {  	_ = 	snop  }
0x6: {  	_ = 	snop  }
0x7: {  	_ = 	snop  }
__scs_overlays_trampoline_lowered:
0x8: {  	[smem:$0x3F9D] =	sst s0  }
0x9: {  	[smem:$0x3F9E] =	sst s1  }
0xa: {  	[smem:$0x3F9F] =	sst s2  }
0xb: {  	[smem:$0x3FA0] =	sst s3  }
0xc: {  	[smem:$0x3FA1] =	sst s4  }
0xd: {  	[smem:$0x3FA2] =	sst s5  }
0xe: {  	[smem:$0x3FA3] =	sst s6  }
0xf: {  	[smem:$0x3FA4] =	sst s7  }
0x10: {  	[smem:$0x3FA5] =	sst s8  }
0x11: {  	[smem:$0x3FA6] =	sst s9;
	s0 =	simm.s32 @!p0 $0x0  }
0x12: {  	s1 =	sld [smem:$0x3F8C];
	s0 =	simm.s32 @p0 $0x1  }
0x13: {  	[smem:$0x3FA7] =	sst s0;
	s0 =	simm.s32 @!p1 $0x0  }
0x14: {  	s2 =	sld [smem:$0x3F8B];
	s0 =	simm.s32 @p1 $0x1  }
0x15: {  	[smem:$0x3FA8] =	sst s0;
	s0 =	simm.s32 @!p2 $0x0  }
0x16: {  	s3 =	sld [smem:$0x3FDB];
	s0 =	simm.s32 @p2 $0x1  }
0x17: {  	s4 =	simm.s32 $0x1BF5;
	[smem:$0x3FAA] =	sst s0  }
0x18: {  	s0 =	sld [smem:$0x3F8D];
	_ =	swait.ge [sflag:s4], $0x0  }
0x19: {  	s7 =	sld [smem:$0x3F8E]  }
0x1a: {  	s8 =	sadd.s32 $0xFFFFE003, lr  }
0x1b: {  	s9 =	sadd.s32 $0xFFFFFEF7, lr;
	s5 =	simm.s32 $0xFFFFFFFF;
	p2 =	slt.u32 s8, $0xFFFFF086  }
0x1c: {  	p1 =	slt.u32 s9, $0xF7A;
	s5 =	simm.s32 @!p2 $0x0  }
0x1d: {  	s5 =	simm.s32 @p1 $0x1;
	p0 =	seq.s32 s7, s2  }
0x1e: {  	s7 =	smul.u32 @!p0 $0xF7A, s2;
	p2 =	seq.s32 @!p0 s5, $0x0  }
0x1f: {  	s9 =	smul.u32 $0xF7A, s1;
	s8 =	simm.s32 @!p0 $0x1BF5;
	p2 =	por !p2, p0  }
0x20: {  	[sflag:s8] =	ssyncset.s32 @!p0 $0xFFFFF086;
	s6 =	sadd.s32 @!p0 s3, s7;
	s7 =	simm.s32 @!p0 $0x108  }
0x21: {  	s3 =	sadd.s32 s3, s9;
	s6 =	sadd.s32 @!p0 $0x88, s6;
	s7 =	simm.s32 @p2 $0x1082  }
0x22: {  	[simem:s7], [sflag:s8] =	dma.local @!p0 [hbm:s6], $0xF7A  }
0x23: {  	s9 =	sor.u32 $0xD0000000, s2;
	s6 =	simm.s32 $0x108;
	_ =	swait.ge @!p0 [sflag:s8], $0x0  }
0x24: {  	s3 =	sadd.s32 $0x88, s3;
	s6 =	simm.s32 @!p1 $0x1082;
	[sflag:s4] =	ssyncset.s32 $0xFFFFF086  }
0x25: {  	[simem:s6], [sflag:s4] =	dma.local [hbm:s3], $0xF7A  }
0x26: {  	[smem:$0x3F8E] =	sst s1;
	(tag) =	ssettag s2;
	_ =	strace s9  }
0x27: {  	s1 =	sld [smem:$0x3F9E]  }
0x28: {  	s2 =	sld [smem:$0x3F9F]  }
0x29: {  	s4 =	sld [smem:$0x3FA1]  }
0x2a: {  	p0 =	seq.s32 s5, $0x0;
	s5 =	sld [smem:$0x3FA2]  }
0x2b: {  	s6 =	sld [smem:$0x3FA3]  }
0x2c: {  	s7 =	sld [smem:$0x3FA4]  }
0x2d: {  	s3 =	simm.s32 $0x108;
	s8 =	sld [smem:$0x3FA5]  }
0x2e: {  	s3 =	simm.s32 @!p0 $0x1082;
	s9 =	sld [smem:$0x3FA6]  }
0x2f: {  	lr =	sadd.s32 s0, s3;
	s0 =	sld [smem:$0x3F9D]  }
0x30: {  	s3 =	sld [smem:$0x3FA0]  }
0x31: {  	[smem:$0x3FA9] =	sst s10  }
0x32: {  	s10 =	sld [smem:$0x3FA7];
	_ =	sdelay $0x3  }
0x33: {  	p0 =	seq.s32 s10, $0x1;
	s10 =	sld [smem:$0x3FA9];
	_ =	sdelay $0x3  }
0x34: {  	[smem:$0x3FA9] =	sst s10  }
0x35: {  	s10 =	sld [smem:$0x3FA8];
	_ =	sdelay $0x3  }
0x36: {  	p1 =	seq.s32 s10, $0x1;
	s10 =	sld [smem:$0x3FA9];
	_ =	sdelay $0x3  }
0x37: {  	[smem:$0x3FA9] =	sst s10  }
0x38: {  	s10 =	sld [smem:$0x3FAA]  }
0x39: {  	_ = 	snop;
	(pc) =	sbr.ind lr, $3  }
0x3a: {  	_ = 	snop  }
0x3b: {  	_ = 	snop  }
0x3c: {  	p2 =	seq.s32 s10, $0x1;
	s10 =	sld [smem:$0x3FA9]  }
0x3d: {  	_ =	shalt  }
0x3e: {  	_ =	shalt  }
0x3f: {  	_ =	shalt  }
0x40: {  	_ =	shalt  }
0x41: {  	_ =	shalt  }
0x42: {  	_ =	shalt  }
0x43: {  	_ =	shalt  }
0x44: {  	_ =	shalt  }
0x45: {  	_ =	shalt  }
0x46: {  	_ =	shalt  }
0x47: {  	_ =	shalt  }
0x48: {  	_ =	shalt  }
0x49: {  	_ =	shalt  }
0x4a: {  	_ =	shalt  }
0x4b: {  	_ =	shalt  }
0x4c: {  	_ =	shalt  }
0x4d: {  	_ =	shalt  }
0x4e: {  	_ =	shalt  }
0x4f: {  	_ =	shalt  }
0x50: {  	_ =	shalt  }
0x51: {  	_ =	shalt  }
0x52: {  	_ =	shalt  }
0x53: {  	_ =	shalt  }
0x54: {  	_ =	shalt  }
0x55: {  	_ =	shalt  }
0x56: {  	_ =	shalt  }
0x57: {  	_ =	shalt  }
0x58: {  	_ =	shalt  }
0x59: {  	_ =	shalt  }
0x5a: {  	_ =	shalt  }
0x5b: {  	_ =	shalt  }
0x5c: {  	_ =	shalt  }
0x5d: {  	_ =	shalt  }
0x5e: {  	_ =	shalt  }
0x5f: {  	_ =	shalt  }
0x60: {  	_ =	shalt  }
0x61: {  	_ =	shalt  }
0x62: {  	_ =	shalt  }
0x63: {  	_ =	shalt  }
0x64: {  	_ =	shalt  }
0x65: {  	_ =	shalt  }
0x66: {  	_ =	shalt  }
0x67: {  	_ =	shalt  }
0x68: {  	_ =	shalt  }
0x69: {  	_ =	shalt  }
0x6a: {  	_ =	shalt  }
0x6b: {  	_ =	shalt  }
0x6c: {  	_ =	shalt  }
0x6d: {  	_ =	shalt  }
0x6e: {  	_ =	shalt  }
0x6f: {  	_ =	shalt  }
0x70: {  	_ =	shalt  }
0x71: {  	_ =	shalt  }
0x72: {  	_ =	shalt  }
0x73: {  	_ =	shalt  }
0x74: {  	_ =	shalt  }
0x75: {  	_ =	shalt  }
0x76: {  	_ =	shalt  }
0x77: {  	_ =	shalt  }
0x78: {  	_ =	shalt  }
0x79: {  	_ =	shalt  }
0x7a: {  	_ =	shalt  }
0x7b: {  	_ =	shalt  }
0x7c: {  	_ =	shalt  }
0x7d: {  	_ =	shalt  }
0x7e: {  	_ =	shalt  }
0x7f: {  	_ =	shalt  }
0x80: {  	_ =	shalt  }
0x81: {  	_ =	shalt  }
0x82: {  	_ =	shalt  }
0x83: {  	_ =	shalt  }
0x84: {  	_ =	shalt  }
0x85: {  	_ =	shalt  }
0x86: {  	_ =	shalt  }
0x87: {  	_ =	shalt  }
.Lfunc_end0:
.L_simem_size_0:
called_computation_lowered:
.L_overlay_start_0:
0x88: {  	s2 =	sld [smem:$0x3FD9]  }
0x89: {  	s3 =	sld [smem:$0x3FFE];
	_ =	sdelay $0x1  }
0x8a: {  	s1 =	srdreg.scid  }
0x8b: {  	s0 =	sand.u32 $0x1, s1  }
0x8c: {  	s17 =	sshll.u32 s0, $0xA;
	s2 =	sadd.s32 s3, s2  }
0x8d: {  	s2 =	sadd.s32 s2, s17  }
0x8e: {  	[smem:$0x3FB5] =	sst s2  }
0x8f: {  	_ = 	snop  }
0x90: {  	(tm) =	ssettm $0x1  }
0x91: {  	s18 =	sld [smem:$0x3FFB];
	_ =	sdelay $0x3  }
0x92: {  	_ =	strace s18  }
0x93: {  	s2 =	sld [smem:$0x3FFC];
	_ =	sdelay $0x3  }
0x94: {  	_ =	strace s2  }
0x95: {  	s2 =	sld [smem:$0x3FFD];
	_ =	sdelay $0x3  }
0x96: {  	_ =	strace s2  }
0x97: {  	_ =	strace $0x8FFFFFFF  }
0x98: {  	s19 =	sld [smem:$0x3FDB];
	_ =	sdelay $0x1  }
0x99: {  	s20 =	simm.s32 $_scs_section_size  }
0x9a: {  	s4 =	simm.s32 $_size__tile_overlayer_lowered;
	s5 =	simm.s32 $_tile_overlayer_lowered  }
0x9b: {  	s6 =	simm.s32 $0x1BFF;
	s21 =	sshll.u32 s5, $0x1;
	s3 =	sadd.s32 s20, s19  }
0x9c: {  	s22 =	simm.s32 $0x0;
	s4 =	sshll.u32 s4, $0x1;
	s5 =	sadd.s32 s21, s3  }
0x9d: {  	[timem:s22], [sflag:s6] =	dma.local [hbm:s5], s4  }
0x9e: {  	_ =	swait.ge [sflag:s6], s4  }
0x9f: {  	s4 =	ssub.s32 $0x0, s4;
	[sflag:s6] =	ssyncset.done $0x0  }
0xa0: {  	[sflag:s6] =	ssyncadd.s32 s4;
	_ =	sdelay $0x1  }
0xa1: {  	s23 =	simm.s32 $0x1B8B  }
0xa2: {  	_ =	swait.ge [sflag:s23], $0x1  }
0xa3: {  	[sflag:s23] =	ssyncset.done $0x0  }
0xa4: {  	[sflag:s23] =	ssyncadd.s32 $0xFFFFFFFF  }
0xa5: {  	s4 =	sld [smem:$0x0]  }
0xa6: {  	s5 =	sand.u32 $0xFFFFFFFE, s1  }
0xa7: {  	p0 =	sne.s32 s1, s5  }
0xa8: {  	s5 =	sshll.u32 @p0 s5, $0xE  }
0xa9: {  	s5 =	sadd.s32 @p0 $0x11B8D, s5;
	s6 =	sshll.u32 @p0 s4, $0x11  }
0xaa: {  	s5 =	sor.u32 @p0 s6, s5  }
0xab: {  	[sflag:s5] =	ssyncadd.remote.s32 @p0 $0x1;
	_ =	sdelay $0x1  }
0xac: {  	s5 =	simm.s32 @p0 $0x1B8D  }
0xad: {  	_ =	swait.eq @p0 [sflag:s5], $0x1  }
0xae: {  	[sflag:s5] =	ssyncadd.s32 @p0 $0xFFFFFFFF  }
0xaf: {  	s6 =	sshll.u32 @!p0 s1, $0xE  }
0xb0: {  	s6 =	sor.u32 @!p0 $0x4000, s6;
	s5 =	simm.s32 @!p0 $0x1B8D  }
0xb1: {  	s4 =	sshll.u32 @!p0 s4, $0x11;
	s6 =	sadd.s32 @!p0 $0x11B8D, s6;
	_ =	swait.eq @!p0 [sflag:s5], $0x1  }
0xb2: {  	s4 =	sor.u32 @!p0 s4, s6;
	[sflag:s5] =	ssyncadd.s32 @!p0 $0xFFFFFFFF  }
0xb3: {  	s25 =	simm.s32 $0x1B8E;
	s24 =	sld [smem:$0x3FFE];
	[sflag:s4] =	ssyncadd.remote.s32 @!p0 $0x1  }
0xb4: {  	s26 =	simm.s32 $execute0_lowered;
	[smem:$0x3FD2] =	sst s25  }
0xb5: {  	s5 =	sshll.u32 s26, $0x1;
	_ =	strace $0x80000049;
	[dreg:$0x1] =	wrdreg $0xFFFFFFFF  }
0xb6: {  	s28 =	simm.s32 $_size_execute0_lowered;
	s3 =	sadd.s32 s3, s5;
	[dreg:$0x0] =	wrdreg $0x0  }
0xb7: {  	s5 =	sshll.u32 s28, $0x1;
	[dreg:$0x2] =	wrdreg s3  }
0xb8: {  	[dreg:$0x3] =	wrdreg s5  }
0xb9: {  	[dreg:$0x4] =	wrdreg $0xC0  }
0xba: {  	_ =	task [dreg:s22], $0x5FFFF  }
0xbb: {  	[dreg:$0x1] =	wrdreg $0xFFFFFFFF  }
0xbc: {  	[dreg:$0x0] =	wrdreg $0x60  }
0xbd: {  	[dreg:$0x2] =	wrdreg s24  }
0xbe: {  	[dreg:$0x3] =	wrdreg $0x52800  }
0xbf: {  	[dreg:$0x4] =	wrdreg $0x9  }
0xc0: {  	_ =	task.clear_ibuf [dreg:s22], $0x5FFFF;
	_ =	strace $0x90000049  }
0xc1: {  	s29 =	simm.s32 $0x9;
	_ =	strace $0x8000004B  }
0xc2: {  	_ =	swait.ge [sflag:s29], $0x1  }
0xc3: {  	[sflag:s29] =	ssyncadd.s32 $0xFFFFFFFF  }
0xc4: {  	_ =	strace $0x9000004B  }
0xc5: {  	_ =	sfence  }
0xc6: {  	s30 =	sld [smem:$0x0];
	_ =	sdelay $0x2  }
0xc7: {  	s31 =	sshll.u32 s1, $0xD;
	s1 =	sshrl.u32 s1, $0x2  }
0xc8: {  	s4 =	sand.u32 $0x4000, s31;
	s1 =	sadd.s32 s1, s30  }
0xc9: {  	s0 =	sor.u32 s4, s0;
	s1 =	sshll.u32 s1, $0x11  }
0xca: {  	s0 =	sor.u32 s1, s0  }
0xcb: {  	s0 =	sadd.s32 $0x8F2B, s0  }
0xcc: {  	[sflag:s0] =	ssyncadd.remote.s32 $0x1  }
0xcd: {  	_ =	sfence.sel $0xFFFF  }
0xce: {  	[dreg:$0x0] =	wrdreg $0xFFFFFFFF;
	(pc) =	sbr.abs _section_cstart, $3  }
0xcf: {  	[dreg:$0x1] =	wrdreg $0xFFFFFFFF  }
0xd0: {  	_ =	task.clear_ibuf [dreg:s22], $0x2FFFF;
	_ =	strace $0x9FFFFFFF  }
0xd1: {  	(tm) =	ssettm $0x7FFFFFFF  }
tec
execute0_lowered:
.L_overlay_start_1:
0x0: {  	(tag) =	ssettag $0x1  }
0x1: {  	s0 =	srdreg.scid;
	s1 =	rddreg [dreg:$0x0]  }
0x2: {  	s13 =	stileid.u32;
	s2 =	rddreg [dreg:$0x1];
	s18 =	simm.s32 $0x9  }
0x3: {  	s28 =	simm.s32 $0x4;
	s29 =	simm.s32 $0x5;
	s6 =	smul.u32 $0x4E20, s13  }
0x4: {  	s30 =	simm.s32 $0x6;
	s0 =	sand.u32 $0x1, s0;
	s21 =	smul.u32 $0x2710, s13  }
0x5: {  	s31 =	simm.s32 $0x7;
	s3 =	sshll.u32 s13, $0x1;
	s7 =	smul.u32 $0x4E200, s0  }
0x6: {  	s4 =	sor.u32 s0, s3;
	s10 =	ssub.s32 $0x2, s0;
	s0 =	smul.u32 $0x1388, s0  }
0x7: {  	s8 =	sadd.s32 $0xE9200, s1;
	s3 =	simm.s32 $0x0;
	s5 =	smul.u32 $0x280, s4  }
0x8: {  	s22 =	sshll.u32 s13, $0x6;
	[smem:$0x7FF] =	sst s3;
	s12 =	smul.u32 $0x4E20, s4  }
0x9: {  	s19 =	sshrl.u32 s6, $0x3;
	s11 =	sshrl.u32 s10, $0x1;
	s4 =	smul.u32 $0x27100, s4  }
0xa: {  	_ =	strace $0x8000004A;
	s7 =	sadd.s32 s6, s7;
	s20 =	ssub.s32 s10, s11  }
0xb: {  	s6 =	sadd.s32 s6, s2;
	s0 =	sadd.s32 s0, s21;
	s21 =	simm.s32 $0x3340  }
0xc: {  	s9 =	sadd.s32 s5, s1;
	s5 =	sadd.s32 s19, s1;
	s7 =	sshrl.u32 s7, $0x3  }
0xd: {  	s4 =	sshrl.u32 s4, $0x3;
	s23 =	sadd.s32 s8, s12;
	s0 =	sshll.u32 s0, $0x2  }
0xe: {  	s26 =	smax.u32 s20, $0x1;
	s17 =	sshrl.u32 s6, $0x3;
	s19 =	simm.s32 $0x1400  }
0xf: {  	s20 =	simm.s32 $0x23A0;
	s1 =	sadd.s32 s7, s1;
	s5 =	sadd.s32 $0xDF400, s5  }
0x10: {  	s9 =	sadd.s32 $0xDA400, s9;
	s4 =	sadd.s32 s8, s4;
	[dreg:$0x5] =	wrdreg s23  }
0x11: {  	[dreg:$0xa] =	wrdreg s26;
	s0 =	sadd.s32 s8, s0;
	s23 =	simm.s32 $0x1  }
0x12: {  	s26 =	simm.s32 $0x3;
	[dreg:$0x3] =	wrdreg s5;
	s5 =	sor.u32 $0x1C09, s22  }
0x13: {  	[dreg:$0x4] =	wrdreg s9;
	s24 =	sadd.s32 $0x1F4, s4;
	s25 =	sadd.s32 $0x3E8, s4  }
0x14: {  	s4 =	sadd.s32 $0x5DC, s4;
	s1 =	sadd.s32 $0x185600, s1;
	[dreg:$0x6] =	wrdreg s24  }
0x15: {  	s10 =	sadd.s32 $0xDAC, s0;
	s14 =	sadd.s32 $0xBB8, s0;
	[dreg:$0x7] =	wrdreg s25  }
0x16: {  	s15 =	sadd.s32 $0x9C4, s0;
	s16 =	sadd.s32 $0x7D0, s0;
	[dreg:$0x8] =	wrdreg s4  }
0x17: {  	s22 =	simm.s32 $0x42E0;
	s0 =	simm.s32 $0x0;
	[dreg:$0x9] =	wrdreg s1  }
0x18: {  	s24 =	simm.s32 $0x7D;
	s25 =	simm.s32 $0x2;
	s1 =	simm.s32 $0x8  }
.LBB2_1:
0x19: {  	s4 =	rddreg [dreg:$0x3]  }
0x1a: {  	[spmem:s17], [sflag:s5] =	dma.local [hbm:s4], $0x9C4  }
0x1b: {  	_ =	swait.ge [sflag:s18], $0x9C4  }
0x1c: {  	[sflag:s18] =	ssyncset.done $0x0  }
0x1d: {  	s12 =	rddreg [dreg:$0x4];
	[sflag:s18] =	ssyncadd.s32 $0xFFFFF63C  }
0x1e: {  	[tilespmem:s3], [sflag:$0x9] =	stream.linear.gather [hbm4b:s12+s3], $0x1400, $0x38;
	[tilespmem:$0xA0A0] =	vst v63  }
0x1f: {  	_ =	swait.ge [sflag:s18], $0x1400  }
0x20: {  	[sflag:s18] =	ssyncset.done $0x0  }
0x21: {  	[sflag:s18] =	ssyncadd.s32 $0xFFFFEC00  }
0x22: {  	[bflag:$0x0] =	sbarrier.arrive $0xFFFF  }
0x23: {  	s13 =	rddreg [dreg:$0x5]  }
0x24: {  	[tilespmem:s19], [sflag:$0x1] =	stream.linear.gather [hbm4b:s13+s3], $0xFA0, $0x38;
	[tilespmem:$0xA0A0] =	vst v63  }
0x25: {  	s6 =	rddreg [dreg:$0x6]  }
0x26: {  	[tilespmem:s20], [sflag:$0x2] =	stream.linear.gather [hbm4b:s6+s3], $0xFA0, $0x38;
	[tilespmem:$0xA0A0] =	vst v63  }
0x27: {  	s7 =	rddreg [dreg:$0x7]  }
0x28: {  	[tilespmem:s21], [sflag:$0x3] =	stream.linear.gather [hbm4b:s7+s3], $0xFA0, $0x38;
	[tilespmem:$0xA0A0] =	vst v63  }
0x29: {  	s8 =	rddreg [dreg:$0x8]  }
0x2a: {  	[tilespmem:s22], [sflag:$0x4] =	stream.linear.gather [hbm4b:s8+s3], $0xFA0, $0x38;
	[tilespmem:$0xA0A0] =	vst v63  }
0x2b: {  	_ =	swait.ge [sflag:s23], $0xFA0  }
0x2c: {  	[sflag:s23] =	ssyncset.done $0x0  }
0x2d: {  	s9 =	simm.s32 $0x0;
	[sflag:s23] =	ssyncadd.s32 $0xFFFFF060  }
0x2e: {  	[spmem:s2] =	stream.indirect.scatter.add.f32 [tilespmem:s19], [sflag:$0x5], $0x20, s9, s24, $0xb8;
	[tilespmem:$0xA0A0] =	vst v63  }
0x2f: {  	_ =	swait.ge [sflag:s25], $0xFA0  }
0x30: {  	[sflag:s25] =	ssyncset.done $0x0  }
0x31: {  	s11 =	simm.s32 $0x80;
	[sflag:s25] =	ssyncadd.s32 $0xFFFFF060  }
0x32: {  	[spmem:s2] =	stream.indirect.scatter.add.f32 [tilespmem:s20], [sflag:$0x6], $0x20, s11, s24, $0xb8;
	[tilespmem:$0xA0A0] =	vst v63  }
0x33: {  	_ =	swait.ge [sflag:s26], $0xFA0  }
0x34: {  	[sflag:s26] =	ssyncset.done $0x0  }
0x35: {  	s12 =	simm.s32 $0x100;
	[sflag:s26] =	ssyncadd.s32 $0xFFFFF060  }
0x36: {  	[spmem:s2] =	stream.indirect.scatter.add.f32 [tilespmem:s21], [sflag:$0x7], $0x20, s12, s24, $0xb8;
	[tilespmem:$0xA0A0] =	vst v63  }
0x37: {  	_ =	swait.ge [sflag:s28], $0xFA0  }
0x38: {  	[sflag:s28] =	ssyncset.done $0x0  }
0x39: {  	s13 =	simm.s32 $0x180;
	[sflag:s28] =	ssyncadd.s32 $0xFFFFF060  }
0x3a: {  	[spmem:s2] =	stream.indirect.scatter.add.f32 [tilespmem:s22], [sflag:$0x8], $0x20, s13, s24, $0xb8;
	[tilespmem:$0xA0A0] =	vst v63  }
0x3b: {  	_ =	swait.ge [sflag:s29], $0xFA0  }
0x3c: {  	[sflag:s29] =	ssyncset.done $0x0  }
0x3d: {  	[sflag:s29] =	ssyncadd.s32 $0xFFFFF060  }
0x3e: {  	[tilespmem:s19], [sflag:$0x1] =	stream.linear.gather [hbm4b:s16+s3], $0xFA0, $0x38;
	[tilespmem:$0xA0A0] =	vst v63  }
0x3f: {  	_ =	swait.ge [sflag:s30], $0xFA0  }
0x40: {  	[sflag:s30] =	ssyncset.done $0x0  }
0x41: {  	[sflag:s30] =	ssyncadd.s32 $0xFFFFF060  }
0x42: {  	[tilespmem:s20], [sflag:$0x2] =	stream.linear.gather [hbm4b:s15+s3], $0xFA0, $0x38;
	[tilespmem:$0xA0A0] =	vst v63  }
0x43: {  	_ =	swait.ge [sflag:s31], $0xFA0  }
0x44: {  	[sflag:s31] =	ssyncset.done $0x0  }
0x45: {  	[sflag:s31] =	ssyncadd.s32 $0xFFFFF060  }
0x46: {  	[tilespmem:s21], [sflag:$0x3] =	stream.linear.gather [hbm4b:s14+s3], $0xFA0, $0x38;
	[tilespmem:$0xA0A0] =	vst v63  }
0x47: {  	s4 =	simm.s32 $0x800;
	s6 =	sadd.s32 $0x7D0, s15;
	_ =	swait.ge [sflag:s1], $0xFA0  }
0x48: {  	s7 =	sadd.s32 $0x7D0, s16;
	s8 =	sadd.s32 $0x7D0, s10;
	[sflag:s1] =	ssyncset.done $0x0  }
0x49: {  	s9 =	sadd.s32 $0x7D0, s14;
	s13 =	smov.u32 s10;
	[sflag:s1] =	ssyncadd.s32 $0xFFFFF060  }
.LBB2_2:
0x4a: {  	[tilespmem:s22], [sflag:$0x4] =	stream.linear.gather [hbm4b:s13+s3], $0xFA0, $0x38;
	[tilespmem:$0xA0A0] =	vst v63  }
0x4b: {  	s11 =	smov.u32 s4;
	s13 =	smov.u32 s8  }
0x4c: {  	p0 =	sne.s32 s4, $0x4000;
	s4 =	sadd.s32 $0x800, s4;
	_ =	swait.ge [sflag:s23], $0xFA0  }
0x4d: {  	[sflag:s23] =	ssyncset.done $0x0  }
0x4e: {  	s11 =	sshra.s32 s11, $0x2;
	[sflag:s23] =	ssyncadd.s32 $0xFFFFF060  }
0x4f: {  	[spmem:s2] =	stream.indirect.scatter.add.f32 [tilespmem:s19], [sflag:$0x5], $0x20, s11, s24, $0xb8;
	[tilespmem:$0xA0A0] =	vst v63  }
0x50: {  	_ =	swait.ge [sflag:s25], $0xFA0  }
0x51: {  	[sflag:s25] =	ssyncset.done $0x0  }
0x52: {  	s12 =	sadd.s32 $0x80, s11;
	[sflag:s25] =	ssyncadd.s32 $0xFFFFF060  }
0x53: {  	[spmem:s2] =	stream.indirect.scatter.add.f32 [tilespmem:s20], [sflag:$0x6], $0x20, s12, s24, $0xb8;
	[tilespmem:$0xA0A0] =	vst v63  }
0x54: {  	_ =	swait.ge [sflag:s26], $0xFA0  }
0x55: {  	[sflag:s26] =	ssyncset.done $0x0  }
0x56: {  	s12 =	sadd.s32 $0x100, s11;
	[sflag:s26] =	ssyncadd.s32 $0xFFFFF060  }
0x57: {  	[spmem:s2] =	stream.indirect.scatter.add.f32 [tilespmem:s21], [sflag:$0x7], $0x20, s12, s24, $0xb8;
	[tilespmem:$0xA0A0] =	vst v63  }
0x58: {  	_ =	swait.ge [sflag:s28], $0xFA0  }
0x59: {  	[sflag:s28] =	ssyncset.done $0x0  }
0x5a: {  	s11 =	sadd.s32 $0x180, s11;
	[sflag:s28] =	ssyncadd.s32 $0xFFFFF060  }
0x5b: {  	[spmem:s2] =	stream.indirect.scatter.add.f32 [tilespmem:s22], [sflag:$0x8], $0x20, s11, s24, $0xb8;
	[tilespmem:$0xA0A0] =	vst v63  }
0x5c: {  	_ =	swait.ge [sflag:s29], $0xFA0  }
0x5d: {  	[sflag:s29] =	ssyncset.done $0x0  }
0x5e: {  	[sflag:s29] =	ssyncadd.s32 $0xFFFFF060  }
0x5f: {  	[tilespmem:s19], [sflag:$0x1] =	stream.linear.gather [hbm4b:s7+s3], $0xFA0, $0x38;
	[tilespmem:$0xA0A0] =	vst v63  }
0x60: {  	_ =	swait.ge [sflag:s30], $0xFA0  }
0x61: {  	[sflag:s30] =	ssyncset.done $0x0  }
0x62: {  	[sflag:s30] =	ssyncadd.s32 $0xFFFFF060  }
0x63: {  	[tilespmem:s20], [sflag:$0x2] =	stream.linear.gather [hbm4b:s6+s3], $0xFA0, $0x38;
	[tilespmem:$0xA0A0] =	vst v63  }
0x64: {  	_ =	swait.ge [sflag:s31], $0xFA0  }
0x65: {  	[sflag:s31] =	ssyncset.done $0x0  }
.Ltmp0:
0x66: {  	[sflag:s31] =	ssyncadd.s32 $0xFFFFF060;
	(pc) =	sbr.rel @p0 .LBB2_2-.Ltmp0, $4  }
0x67: {  	[tilespmem:s21], [sflag:$0x3] =	stream.linear.gather [hbm4b:s9+s3], $0xFA0, $0x38;
	[tilespmem:$0xA0A0] =	vst v63  }
0x68: {  	_ =	swait.ge [sflag:s1], $0xFA0  }
0x69: {  	s7 =	sadd.s32 $0x7D0, s7;
	s6 =	sadd.s32 $0x7D0, s6;
	[sflag:s1] =	ssyncset.done $0x0  }
0x6a: {  	s8 =	sadd.s32 $0x7D0, s8;
	s9 =	sadd.s32 $0x7D0, s9;
	[sflag:s1] =	ssyncadd.s32 $0xFFFFF060  }
0x6b: {  	[tilespmem:s22], [sflag:$0x4] =	stream.linear.gather [hbm4b:s13+s3], $0xFA0, $0x38;
	[tilespmem:$0xA0A0] =	vst v63  }
0x6c: {  	_ =	swait.ge [sflag:s23], $0xFA0  }
0x6d: {  	[sflag:s23] =	ssyncset.done $0x0  }
0x6e: {  	s4 =	simm.s32 $0x1200;
	[sflag:s23] =	ssyncadd.s32 $0xFFFFF060  }
0x6f: {  	[spmem:s2] =	stream.indirect.scatter.add.f32 [tilespmem:s19], [sflag:$0x5], $0x20, s4, s24, $0xb8;
	[tilespmem:$0xA0A0] =	vst v63  }
0x70: {  	_ =	swait.ge [sflag:s25], $0xFA0  }
0x71: {  	[sflag:s25] =	ssyncset.done $0x0  }
0x72: {  	s8 =	simm.s32 $0x1280;
	[sflag:s25] =	ssyncadd.s32 $0xFFFFF060  }
0x73: {  	[spmem:s2] =	stream.indirect.scatter.add.f32 [tilespmem:s20], [sflag:$0x6], $0x20, s8, s24, $0xb8;
	[tilespmem:$0xA0A0] =	vst v63  }
0x74: {  	_ =	swait.ge [sflag:s26], $0xFA0  }
0x75: {  	[sflag:s26] =	ssyncset.done $0x0  }
0x76: {  	s9 =	simm.s32 $0x1300;
	[sflag:s26] =	ssyncadd.s32 $0xFFFFF060  }
0x77: {  	[spmem:s2] =	stream.indirect.scatter.add.f32 [tilespmem:s21], [sflag:$0x7], $0x20, s9, s24, $0xb8;
	[tilespmem:$0xA0A0] =	vst v63  }
0x78: {  	_ =	swait.ge [sflag:s28], $0xFA0  }
0x79: {  	[sflag:s28] =	ssyncset.done $0x0  }
0x7a: {  	s11 =	simm.s32 $0x1380;
	[sflag:s28] =	ssyncadd.s32 $0xFFFFF060  }
0x7b: {  	[spmem:s2] =	stream.indirect.scatter.add.f32 [tilespmem:s22], [sflag:$0x8], $0x20, s11, s24, $0xb8;
	[tilespmem:$0xA0A0] =	vst v63  }
0x7c: {  	_ =	swait.ge [sflag:s29], $0xFA0  }
0x7d: {  	[sflag:s29] =	ssyncset.done $0x0  }
0x7e: {  	[sflag:s29] =	ssyncadd.s32 $0xFFFFF060  }
0x7f: {  	_ =	swait.ge [sflag:s30], $0xFA0  }
0x80: {  	[sflag:s30] =	ssyncset.done $0x0  }
0x81: {  	[sflag:s30] =	ssyncadd.s32 $0xFFFFF060  }
0x82: {  	_ =	swait.ge [sflag:s31], $0xFA0  }
0x83: {  	[sflag:s31] =	ssyncset.done $0x0  }
0x84: {  	[sflag:s31] =	ssyncadd.s32 $0xFFFFF060  }
0x85: {  	_ =	swait.ge [sflag:s1], $0xFA0  }
0x86: {  	[sflag:s1] =	ssyncset.done $0x0  }
0x87: {  	[sflag:s1] =	ssyncadd.s32 $0xFFFFF060  }
0x88: {  	[bflag:$0x0] =	sbarrier.arrive $0xFFFF  }
0x89: {  	s12 =	rddreg [dreg:$0x9]  }
0x8a: {  	[hbm:s12], [sflag:s5] =	dma.local [spmem:s17], $0x9C4  }
0x8b: {  	_ =	swait.ge [sflag:s18], $0x9C4  }
0x8c: {  	s0 =	sadd.s32 $0x1, s0;
	s13 =	rddreg [dreg:$0xa]  }
0x8d: {  	p0 =	sne.s32 s0, s13  }
.Ltmp1:
0x8e: {  	_ = 	snop;
	(pc) =	sbr.rel @p0 .LBB2_1-.Ltmp1, $3  }
0x8f: {  	_ =	sdelay $0x1  }
0x90: {  	[sflag:s18] =	ssyncset.done $0x0  }
0x91: {  	[sflag:s18] =	ssyncadd.s32 $0xFFFFF63C  }
0x92: {  	_ =	sfence.sel $0x180000  }
0x93: {  	[bflag:$0x0] =	sbarrier.arrive $0xFFFF  }
0x94: {  	_ =	strace $0x9000004A  }
0x95: {  	s0 =	stileid.u32;
	[bflag:$0x2] =	sbarrier.arrive $0xFFFF  }
0x96: {  	p0 =	sne.s32 s0, $0x0;
	s0 =	rddreg [dreg:$0x2]  }
0x97: {  	s0 =	sadd.s32 @!p0 $0x100000, s0  }
0x98: {  	[sflag:s0] =	ssyncadd.tile.s32 @!p0 $0x1;
	_ =	shalt  }
.Lfunc_end2:
_tile_overlayer_lowered:
.L_overlay_start_2:
0x99: {  	(tag) =	ssettag $0x2  }
0x9a: {  	s0 =	rddreg [dreg:$0x0];
	s2 =	stileid.u32  }
0x9b: {  	s1 =	rddreg [dreg:$0x1];
	p0 =	sne.s32 s2, $0x0  }
0x9c: {  	s3 =	rddreg [dreg:$0x2];
	[bflag:$0x3] =	sbarrier.arrive $0xFFFF;
	s2 =	simm.s32 @!p0 $0x1C09  }
0x9d: {  	[timem:s3], [sflag:s2] =	dma.local @!p0 [hbm:s0], s1  }
0x9e: {  	s0 =	simm.s32 @!p0 $0x9  }
0x9f: {  	_ =	swait.ge @!p0 [sflag:s0], s1  }
0xa0: {  	s1 =	ssub.s32 @!p0 $0x0, s1;
	[sflag:s0] =	ssyncset.done @!p0 $0x0  }
0xa1: {  	[sflag:s0] =	ssyncadd.s32 @!p0 s1  }
0xa2: {  	[bflag:$0x3] =	sbarrier.arrive $0xFFFF  }
0xa3: {  	_ =	shalt  }

// kernel: kernel.20.cloned.1.call-start
scs
__scs_entry_jumppad:
0x0: {  	(pc) =	sbr.rel $0x88, $3  }
0x1: {  	(tag) =	ssettag $0x0;
	lr =	simm.s32 $0x1  }
0x2: {  	[smem:$0x3F8E] =	sst lr;
	_ =	strace $0xD0000000  }
0x3: {  	_ = 	snop  }
0x4: {  	_ = 	snop  }
0x5: {  	_ = 	snop  }
0x6: {  	_ = 	snop  }
0x7: {  	_ = 	snop  }
__scs_overlays_trampoline_lowered:
0x8: {  	[smem:$0x3F9D] =	sst s0  }
0x9: {  	[smem:$0x3F9E] =	sst s1  }
0xa: {  	[smem:$0x3F9F] =	sst s2  }
0xb: {  	[smem:$0x3FA0] =	sst s3  }
0xc: {  	[smem:$0x3FA1] =	sst s4  }
0xd: {  	[smem:$0x3FA2] =	sst s5  }
0xe: {  	[smem:$0x3FA3] =	sst s6  }
0xf: {  	[smem:$0x3FA4] =	sst s7  }
0x10: {  	[smem:$0x3FA5] =	sst s8  }
0x11: {  	[smem:$0x3FA6] =	sst s9;
	s0 =	simm.s32 @!p0 $0x0  }
0x12: {  	s1 =	sld [smem:$0x3F8C];
	s0 =	simm.s32 @p0 $0x1  }
0x13: {  	[smem:$0x3FA7] =	sst s0;
	s0 =	simm.s32 @!p1 $0x0  }
0x14: {  	s2 =	sld [smem:$0x3F8B];
	s0 =	simm.s32 @p1 $0x1  }
0x15: {  	[smem:$0x3FA8] =	sst s0;
	s0 =	simm.s32 @!p2 $0x0  }
0x16: {  	s3 =	sld [smem:$0x3FDB];
	s0 =	simm.s32 @p2 $0x1  }
0x17: {  	s4 =	simm.s32 $0x1BF5;
	[smem:$0x3FAA] =	sst s0  }
0x18: {  	s0 =	sld [smem:$0x3F8D];
	_ =	swait.ge [sflag:s4], $0x0  }
0x19: {  	s7 =	sld [smem:$0x3F8E]  }
0x1a: {  	s8 =	sadd.s32 $0xFFFFE003, lr  }
0x1b: {  	s9 =	sadd.s32 $0xFFFFFEF7, lr;
	s5 =	simm.s32 $0xFFFFFFFF;
	p2 =	slt.u32 s8, $0xFFFFF086  }
0x1c: {  	p1 =	slt.u32 s9, $0xF7A;
	s5 =	simm.s32 @!p2 $0x0  }
0x1d: {  	s5 =	simm.s32 @p1 $0x1;
	p0 =	seq.s32 s7, s2  }
0x1e: {  	s7 =	smul.u32 @!p0 $0xF7A, s2;
	p2 =	seq.s32 @!p0 s5, $0x0  }
0x1f: {  	s9 =	smul.u32 $0xF7A, s1;
	s8 =	simm.s32 @!p0 $0x1BF5;
	p2 =	por !p2, p0  }
0x20: {  	[sflag:s8] =	ssyncset.s32 @!p0 $0xFFFFF086;
	s6 =	sadd.s32 @!p0 s3, s7;
	s7 =	simm.s32 @!p0 $0x108  }
0x21: {  	s3 =	sadd.s32 s3, s9;
	s6 =	sadd.s32 @!p0 $0x88, s6;
	s7 =	simm.s32 @p2 $0x1082  }
0x22: {  	[simem:s7], [sflag:s8] =	dma.local @!p0 [hbm:s6], $0xF7A  }
0x23: {  	s9 =	sor.u32 $0xD0000000, s2;
	s6 =	simm.s32 $0x108;
	_ =	swait.ge @!p0 [sflag:s8], $0x0  }
0x24: {  	s3 =	sadd.s32 $0x88, s3;
	s6 =	simm.s32 @!p1 $0x1082;
	[sflag:s4] =	ssyncset.s32 $0xFFFFF086  }
0x25: {  	[simem:s6], [sflag:s4] =	dma.local [hbm:s3], $0xF7A  }
0x26: {  	[smem:$0x3F8E] =	sst s1;
	(tag) =	ssettag s2;
	_ =	strace s9  }
0x27: {  	s1 =	sld [smem:$0x3F9E]  }
0x28: {  	s2 =	sld [smem:$0x3F9F]  }
0x29: {  	s4 =	sld [smem:$0x3FA1]  }
0x2a: {  	p0 =	seq.s32 s5, $0x0;
	s5 =	sld [smem:$0x3FA2]  }
0x2b: {  	s6 =	sld [smem:$0x3FA3]  }
0x2c: {  	s7 =	sld [smem:$0x3FA4]  }
0x2d: {  	s3 =	simm.s32 $0x108;
	s8 =	sld [smem:$0x3FA5]  }
0x2e: {  	s3 =	simm.s32 @!p0 $0x1082;
	s9 =	sld [smem:$0x3FA6]  }
0x2f: {  	lr =	sadd.s32 s0, s3;
	s0 =	sld [smem:$0x3F9D]  }
0x30: {  	s3 =	sld [smem:$0x3FA0]  }
0x31: {  	[smem:$0x3FA9] =	sst s10  }
0x32: {  	s10 =	sld [smem:$0x3FA7];
	_ =	sdelay $0x3  }
0x33: {  	p0 =	seq.s32 s10, $0x1;
	s10 =	sld [smem:$0x3FA9];
	_ =	sdelay $0x3  }
0x34: {  	[smem:$0x3FA9] =	sst s10  }
0x35: {  	s10 =	sld [smem:$0x3FA8];
	_ =	sdelay $0x3  }
0x36: {  	p1 =	seq.s32 s10, $0x1;
	s10 =	sld [smem:$0x3FA9];
	_ =	sdelay $0x3  }
0x37: {  	[smem:$0x3FA9] =	sst s10  }
0x38: {  	s10 =	sld [smem:$0x3FAA]  }
0x39: {  	_ = 	snop;
	(pc) =	sbr.ind lr, $3  }
0x3a: {  	_ = 	snop  }
0x3b: {  	_ = 	snop  }
0x3c: {  	p2 =	seq.s32 s10, $0x1;
	s10 =	sld [smem:$0x3FA9]  }
0x3d: {  	_ =	shalt  }
0x3e: {  	_ =	shalt  }
0x3f: {  	_ =	shalt  }
0x40: {  	_ =	shalt  }
0x41: {  	_ =	shalt  }
0x42: {  	_ =	shalt  }
0x43: {  	_ =	shalt  }
0x44: {  	_ =	shalt  }
0x45: {  	_ =	shalt  }
0x46: {  	_ =	shalt  }
0x47: {  	_ =	shalt  }
0x48: {  	_ =	shalt  }
0x49: {  	_ =	shalt  }
0x4a: {  	_ =	shalt  }
0x4b: {  	_ =	shalt  }
0x4c: {  	_ =	shalt  }
0x4d: {  	_ =	shalt  }
0x4e: {  	_ =	shalt  }
0x4f: {  	_ =	shalt  }
0x50: {  	_ =	shalt  }
0x51: {  	_ =	shalt  }
0x52: {  	_ =	shalt  }
0x53: {  	_ =	shalt  }
0x54: {  	_ =	shalt  }
0x55: {  	_ =	shalt  }
0x56: {  	_ =	shalt  }
0x57: {  	_ =	shalt  }
0x58: {  	_ =	shalt  }
0x59: {  	_ =	shalt  }
0x5a: {  	_ =	shalt  }
0x5b: {  	_ =	shalt  }
0x5c: {  	_ =	shalt  }
0x5d: {  	_ =	shalt  }
0x5e: {  	_ =	shalt  }
0x5f: {  	_ =	shalt  }
0x60: {  	_ =	shalt  }
0x61: {  	_ =	shalt  }
0x62: {  	_ =	shalt  }
0x63: {  	_ =	shalt  }
0x64: {  	_ =	shalt  }
0x65: {  	_ =	shalt  }
0x66: {  	_ =	shalt  }
0x67: {  	_ =	shalt  }
0x68: {  	_ =	shalt  }
0x69: {  	_ =	shalt  }
0x6a: {  	_ =	shalt  }
0x6b: {  	_ =	shalt  }
0x6c: {  	_ =	shalt  }
0x6d: {  	_ =	shalt  }
0x6e: {  	_ =	shalt  }
0x6f: {  	_ =	shalt  }
0x70: {  	_ =	shalt  }
0x71: {  	_ =	shalt  }
0x72: {  	_ =	shalt  }
0x73: {  	_ =	shalt  }
0x74: {  	_ =	shalt  }
0x75: {  	_ =	shalt  }
0x76: {  	_ =	shalt  }
0x77: {  	_ =	shalt  }
0x78: {  	_ =	shalt  }
0x79: {  	_ =	shalt  }
0x7a: {  	_ =	shalt  }
0x7b: {  	_ =	shalt  }
0x7c: {  	_ =	shalt  }
0x7d: {  	_ =	shalt  }
0x7e: {  	_ =	shalt  }
0x7f: {  	_ =	shalt  }
0x80: {  	_ =	shalt  }
0x81: {  	_ =	shalt  }
0x82: {  	_ =	shalt  }
0x83: {  	_ =	shalt  }
0x84: {  	_ =	shalt  }
0x85: {  	_ =	shalt  }
0x86: {  	_ =	shalt  }
0x87: {  	_ =	shalt  }
.Lfunc_end0:
.L_simem_size_0:
called_computation.1_lowered:
.L_overlay_start_0:
0x88: {  	s2 =	sld [smem:$0x3FD9]  }
0x89: {  	s3 =	sld [smem:$0x3FFE];
	_ =	sdelay $0x1  }
0x8a: {  	s1 =	srdreg.scid  }
0x8b: {  	s0 =	sand.u32 $0x1, s1  }
0x8c: {  	s16 =	sshll.u32 s0, $0xA;
	s2 =	sadd.s32 s3, s2  }
0x8d: {  	s2 =	sadd.s32 s2, s16  }
0x8e: {  	[smem:$0x3FB5] =	sst s2  }
0x8f: {  	_ = 	snop  }
0x90: {  	(tm) =	ssettm $0x1  }
0x91: {  	s17 =	sld [smem:$0x3FFB];
	_ =	sdelay $0x3  }
0x92: {  	_ =	strace s17  }
0x93: {  	s2 =	sld [smem:$0x3FFC];
	_ =	sdelay $0x3  }
0x94: {  	_ =	strace s2  }
0x95: {  	s2 =	sld [smem:$0x3FFD];
	_ =	sdelay $0x3  }
0x96: {  	_ =	strace s2  }
0x97: {  	_ =	strace $0x8FFFFFFF  }
0x98: {  	s18 =	sld [smem:$0x3FDB];
	_ =	sdelay $0x1  }
0x99: {  	s19 =	simm.s32 $_scs_section_size  }
0x9a: {  	s4 =	simm.s32 $_size__tile_overlayer_lowered;
	s5 =	simm.s32 $_tile_overlayer_lowered  }
0x9b: {  	s22 =	simm.s32 $0x1BFF;
	s21 =	sshll.u32 s5, $0x1;
	s2 =	sadd.s32 s19, s18  }
0x9c: {  	s6 =	simm.s32 $0x0;
	s20 =	sshll.u32 s4, $0x1;
	s4 =	sadd.s32 s21, s2  }
0x9d: {  	[timem:s6], [sflag:s22] =	dma.local [hbm:s4], s20  }
0x9e: {  	_ =	swait.ge [sflag:s22], s20  }
0x9f: {  	s3 =	ssub.s32 $0x0, s20;
	[sflag:s22] =	ssyncset.done $0x0  }
0xa0: {  	[sflag:s22] =	ssyncadd.s32 s3;
	_ =	sdelay $0x1  }
0xa1: {  	s23 =	simm.s32 $0x1B8B  }
0xa2: {  	_ =	swait.ge [sflag:s23], $0x1  }
0xa3: {  	[sflag:s23] =	ssyncset.done $0x0  }
0xa4: {  	s25 =	simm.s32 $0x1B8E;
	s24 =	sld [smem:$0x3FFE];
	[sflag:s23] =	ssyncadd.s32 $0xFFFFFFFF  }
0xa5: {  	s26 =	simm.s32 $execute0_lowered;
	[smem:$0x3FD2] =	sst s25  }
0xa6: {  	s4 =	sshll.u32 s26, $0x1;
	_ =	strace $0x80000046;
	[dreg:$0x1] =	wrdreg $0xFFFFFFFF  }
0xa7: {  	s28 =	simm.s32 $_size_execute0_lowered;
	s2 =	sadd.s32 s2, s4;
	[dreg:$0x0] =	wrdreg $0x0  }
0xa8: {  	s4 =	sshll.u32 s28, $0x1;
	[dreg:$0x2] =	wrdreg s2  }
0xa9: {  	[dreg:$0x3] =	wrdreg s4  }
0xaa: {  	[dreg:$0x4] =	wrdreg $0xC0  }
0xab: {  	_ =	task [dreg:s6], $0x5FFFF  }
0xac: {  	[dreg:$0x1] =	wrdreg $0xFFFFFFFF  }
0xad: {  	[dreg:$0x0] =	wrdreg $0x60  }
0xae: {  	[dreg:$0x2] =	wrdreg s24  }
0xaf: {  	[dreg:$0x3] =	wrdreg $0xA  }
0xb0: {  	_ =	task.clear_ibuf [dreg:s6], $0x4FFFF;
	_ =	strace $0x90000046  }
0xb1: {  	s29 =	simm.s32 $0xA;
	_ =	strace $0x80000048  }
0xb2: {  	_ =	swait.ge [sflag:s29], $0x1  }
0xb3: {  	[sflag:s29] =	ssyncadd.s32 $0xFFFFFFFF  }
0xb4: {  	_ =	strace $0x90000048  }
0xb5: {  	_ =	sfence  }
0xb6: {  	s30 =	sld [smem:$0x0];
	_ =	sdelay $0x2  }
0xb7: {  	s31 =	sshll.u32 s1, $0xD;
	s1 =	sshrl.u32 s1, $0x2  }
0xb8: {  	s3 =	sand.u32 $0x4000, s31;
	s1 =	sadd.s32 s1, s30  }
0xb9: {  	s0 =	sor.u32 s3, s0;
	s1 =	sshll.u32 s1, $0x11  }
0xba: {  	s0 =	sor.u32 s1, s0  }
0xbb: {  	s0 =	sadd.s32 $0x8F2B, s0  }
0xbc: {  	[sflag:s0] =	ssyncadd.remote.s32 $0x1  }
0xbd: {  	_ =	sfence.sel $0xFFFF  }
0xbe: {  	[dreg:$0x0] =	wrdreg $0xFFFFFFFF;
	(pc) =	sbr.abs _section_cstart, $3  }
0xbf: {  	[dreg:$0x1] =	wrdreg $0xFFFFFFFF  }
0xc0: {  	_ =	task.clear_ibuf [dreg:s6], $0x2FFFF;
	_ =	strace $0x9FFFFFFF  }
0xc1: {  	(tm) =	ssettm $0x7FFFFFFF  }
tec
execute0_lowered:
.L_overlay_start_1:
0x0: {  	(tag) =	ssettag $0x1  }
0x1: {  	s0 =	srdreg.scid  }
0x2: {  	s11 =	stileid.u32;
	s1 =	rddreg [dreg:$0x0];
	s2 =	simm.s32 $0x0  }
0x3: {  	s14 =	simm.s32 $0x9;
	s15 =	simm.s32 $0x7D;
	s16 =	simm.s32 $0x1400  }
0x4: {  	s18 =	simm.s32 $0x23A0;
	s20 =	simm.s32 $0x3340;
	s22 =	simm.s32 $0x42E0  }
0x5: {  	s23 =	simm.s32 $0x1;
	s28 =	simm.s32 $0x5;
	s7 =	smul.u32 $0x2710, s11  }
0x6: {  	s0 =	sand.u32 $0x1, s0;
	s3 =	sshll.u32 s11, $0x1;
	s11 =	smul.u32 $0x9C40, s11  }
0x7: {  	s29 =	simm.s32 $0x6;
	s30 =	simm.s32 $0x7;
	s9 =	smul.u32 $0x1388, s0  }
0x8: {  	s4 =	sor.u32 s0, s3;
	s25 =	ssub.s32 $0x2, s0;
	s0 =	smul.u32 $0x4E20, s0  }
0x9: {  	s31 =	simm.s32 $0x8;
	[smem:$0x7FF] =	sst s2;
	s5 =	smul.u32 $0x280, s4  }
0xa: {  	_ =	strace $0x80000047;
	s3 =	sadd.s32 $0x2F200, s1;
	s6 =	smul.u32 $0x4E20, s4  }
0xb: {  	s8 =	sshrl.u32 s25, $0x1;
	s26 =	sadd.s32 s9, s7;
	s24 =	sadd.s32 s5, s1  }
0xc: {  	s1 =	sadd.s32 $0x3E000, s1;
	s5 =	ssub.s32 s25, s8;
	s9 =	sshll.u32 s26, $0x2  }
0xd: {  	s25 =	simm.s32 $0x3;
	s26 =	simm.s32 $0x4;
	s4 =	sadd.s32 $0x39000, s24  }
0xe: {  	s10 =	sadd.s32 s1, s6;
	s5 =	smax.u32 s5, $0x1;
	s12 =	sadd.s32 s1, s9  }
0xf: {  	s1 =	sadd.s32 s11, s1;
	s24 =	simm.s32 $0x2;
	[dreg:$0x2] =	wrdreg s4  }
0x10: {  	s6 =	sadd.s32 $0x4650, s10;
	s7 =	sadd.s32 $0x4844, s10;
	s8 =	sadd.s32 $0x4A38, s10  }
0x11: {  	s9 =	sadd.s32 $0x4C2C, s10;
	s10 =	sadd.s32 $0x5DC, s12;
	s11 =	sadd.s32 $0x3E8, s12  }
0x12: {  	s12 =	sadd.s32 $0x1F4, s12;
	s13 =	sadd.s32 s0, s1;
	s1 =	simm.s32 $0x0  }
.LBB2_1:
0x13: {  	s0 =	rddreg [dreg:$0x2]  }
0x14: {  	[tilespmem:s2], [sflag:$0x9] =	stream.linear.gather [hbm4b:s0+s2], $0x1400, $0x38;
	[tilespmem:$0x5280] =	vst v63  }
0x15: {  	_ =	swait.ge [sflag:s14], $0x1400  }
0x16: {  	[sflag:s14] =	ssyncset.done $0x0  }
0x17: {  	[sflag:s14] =	ssyncadd.s32 $0xFFFFEC00  }
0x18: {  	[tilespmem:s16], [sflag:$0x1] =	stream.indirect.gather [hbm4b:s3+s15], $0x20, s2, s15, $0xb8;
	[tilespmem:$0x5280] =	vst v63  }
0x19: {  	s19 =	simm.s32 $0x80  }
0x1a: {  	[tilespmem:s18], [sflag:$0x2] =	stream.indirect.gather [hbm4b:s3+s15], $0x20, s19, s15, $0xb8;
	[tilespmem:$0x5280] =	vst v63  }
0x1b: {  	s21 =	simm.s32 $0x100  }
0x1c: {  	[tilespmem:s20], [sflag:$0x3] =	stream.indirect.gather [hbm4b:s3+s15], $0x20, s21, s15, $0xb8;
	[tilespmem:$0x5280] =	vst v63  }
0x1d: {  	s4 =	simm.s32 $0x180  }
0x1e: {  	[tilespmem:s22], [sflag:$0x4] =	stream.indirect.gather [hbm4b:s3+s15], $0x20, s4, s15, $0xb8;
	[tilespmem:$0x5280] =	vst v63  }
0x1f: {  	_ =	swait.ge [sflag:s23], $0xFA0  }
0x20: {  	[sflag:s23] =	ssyncset.done $0x0  }
0x21: {  	s17 =	sadd.s32 $0x0, s13;
	[sflag:s23] =	ssyncadd.s32 $0xFFFFF060  }
0x22: {  	[hbm4b:s17+s2] =	stream.linear.scatter [tilespmem:s16], [sflag:$0x5], $0xFA0, $0x38;
	[tilespmem:$0x5280] =	vst v63  }
0x23: {  	_ =	swait.ge [sflag:s24], $0xFA0  }
0x24: {  	[sflag:s24] =	ssyncset.done $0x0  }
0x25: {  	s19 =	sadd.s32 $0x0, s12;
	[sflag:s24] =	ssyncadd.s32 $0xFFFFF060  }
0x26: {  	[hbm4b:s19+s2] =	stream.linear.scatter [tilespmem:s18], [sflag:$0x6], $0xFA0, $0x38;
	[tilespmem:$0x5280] =	vst v63  }
0x27: {  	_ =	swait.ge [sflag:s25], $0xFA0  }
0x28: {  	[sflag:s25] =	ssyncset.done $0x0  }
0x29: {  	s21 =	sadd.s32 $0x0, s11;
	[sflag:s25] =	ssyncadd.s32 $0xFFFFF060  }
0x2a: {  	[hbm4b:s21+s2] =	stream.linear.scatter [tilespmem:s20], [sflag:$0x7], $0xFA0, $0x38;
	[tilespmem:$0x5280] =	vst v63  }
0x2b: {  	_ =	swait.ge [sflag:s26], $0xFA0  }
0x2c: {  	[sflag:s26] =	ssyncset.done $0x0  }
0x2d: {  	s4 =	sadd.s32 $0x0, s10;
	[sflag:s26] =	ssyncadd.s32 $0xFFFFF060  }
0x2e: {  	[hbm4b:s4+s2] =	stream.linear.scatter [tilespmem:s22], [sflag:$0x8], $0xFA0, $0x38;
	[tilespmem:$0x5280] =	vst v63  }
0x2f: {  	_ =	swait.ge [sflag:s28], $0xFA0  }
0x30: {  	[sflag:s28] =	ssyncset.done $0x0  }
0x31: {  	s17 =	simm.s32 $0x200;
	[sflag:s28] =	ssyncadd.s32 $0xFFFFF060  }
0x32: {  	[tilespmem:s16], [sflag:$0x1] =	stream.indirect.gather [hbm4b:s3+s15], $0x20, s17, s15, $0xb8;
	[tilespmem:$0x5280] =	vst v63  }
0x33: {  	_ =	swait.ge [sflag:s29], $0xFA0  }
0x34: {  	[sflag:s29] =	ssyncset.done $0x0  }
0x35: {  	s19 =	simm.s32 $0x280;
	[sflag:s29] =	ssyncadd.s32 $0xFFFFF060  }
0x36: {  	[tilespmem:s18], [sflag:$0x2] =	stream.indirect.gather [hbm4b:s3+s15], $0x20, s19, s15, $0xb8;
	[tilespmem:$0x5280] =	vst v63  }
0x37: {  	_ =	swait.ge [sflag:s30], $0xFA0  }
0x38: {  	[sflag:s30] =	ssyncset.done $0x0  }
0x39: {  	s21 =	simm.s32 $0x300;
	[sflag:s30] =	ssyncadd.s32 $0xFFFFF060  }
0x3a: {  	[tilespmem:s20], [sflag:$0x3] =	stream.indirect.gather [hbm4b:s3+s15], $0x20, s21, s15, $0xb8;
	[tilespmem:$0x5280] =	vst v63  }
0x3b: {  	_ =	swait.ge [sflag:s31], $0xFA0  }
0x3c: {  	s0 =	simm.s32 $0x380;
	[sflag:s31] =	ssyncset.done $0x0  }
0x3d: {  	s17 =	simm.s32 $0x7D0;
	s19 =	simm.s32 $0x580;
	[sflag:s31] =	ssyncadd.s32 $0xFFFFF060  }
.LBB2_2:
0x3e: {  	[tilespmem:s22], [sflag:$0x4] =	stream.indirect.gather [hbm4b:s3+s15], $0x20, s0, s15, $0xb8;
	[tilespmem:$0x5280] =	vst v63  }
0x3f: {  	s21 =	smov.u32 s17;
	s0 =	smov.u32 s19  }
0x40: {  	p0 =	sne.s32 s17, $0x3E80;
	s17 =	sadd.s32 $0x7D0, s17;
	_ =	swait.ge [sflag:s23], $0xFA0  }
0x41: {  	[sflag:s23] =	ssyncset.done $0x0  }
0x42: {  	s4 =	sadd.s32 s21, s13;
	[sflag:s23] =	ssyncadd.s32 $0xFFFFF060  }
0x43: {  	[hbm4b:s4+s2] =	stream.linear.scatter [tilespmem:s16], [sflag:$0x5], $0xFA0, $0x38;
	[tilespmem:$0x5280] =	vst v63  }
0x44: {  	_ =	swait.ge [sflag:s24], $0xFA0  }
0x45: {  	[sflag:s24] =	ssyncset.done $0x0  }
0x46: {  	s4 =	sadd.s32 s21, s12;
	[sflag:s24] =	ssyncadd.s32 $0xFFFFF060  }
0x47: {  	[hbm4b:s4+s2] =	stream.linear.scatter [tilespmem:s18], [sflag:$0x6], $0xFA0, $0x38;
	[tilespmem:$0x5280] =	vst v63  }
0x48: {  	_ =	swait.ge [sflag:s25], $0xFA0  }
0x49: {  	[sflag:s25] =	ssyncset.done $0x0  }
0x4a: {  	s4 =	sadd.s32 s21, s11;
	[sflag:s25] =	ssyncadd.s32 $0xFFFFF060  }
0x4b: {  	[hbm4b:s4+s2] =	stream.linear.scatter [tilespmem:s20], [sflag:$0x7], $0xFA0, $0x38;
	[tilespmem:$0x5280] =	vst v63  }
0x4c: {  	_ =	swait.ge [sflag:s26], $0xFA0  }
0x4d: {  	[sflag:s26] =	ssyncset.done $0x0  }
0x4e: {  	s4 =	sadd.s32 s21, s10;
	[sflag:s26] =	ssyncadd.s32 $0xFFFFF060  }
0x4f: {  	[hbm4b:s4+s2] =	stream.linear.scatter [tilespmem:s22], [sflag:$0x8], $0xFA0, $0x38;
	[tilespmem:$0x5280] =	vst v63  }
0x50: {  	_ =	swait.ge [sflag:s28], $0xFA0  }
0x51: {  	[sflag:s28] =	ssyncset.done $0x0  }
0x52: {  	s4 =	sadd.s32 $0xFFFFFE80, s19;
	[sflag:s28] =	ssyncadd.s32 $0xFFFFF060  }
0x53: {  	[tilespmem:s16], [sflag:$0x1] =	stream.indirect.gather [hbm4b:s3+s15], $0x20, s4, s15, $0xb8;
	[tilespmem:$0x5280] =	vst v63  }
0x54: {  	_ =	swait.ge [sflag:s29], $0xFA0  }
0x55: {  	[sflag:s29] =	ssyncset.done $0x0  }
0x56: {  	s4 =	sadd.s32 $0xFFFFFF00, s19;
	[sflag:s29] =	ssyncadd.s32 $0xFFFFF060  }
0x57: {  	[tilespmem:s18], [sflag:$0x2] =	stream.indirect.gather [hbm4b:s3+s15], $0x20, s4, s15, $0xb8;
	[tilespmem:$0x5280] =	vst v63  }
0x58: {  	_ =	swait.ge [sflag:s30], $0xFA0  }
0x59: {  	[sflag:s30] =	ssyncset.done $0x0  }
.Ltmp0:
0x5a: {  	s4 =	sadd.s32 $0xFFFFFF80, s19;
	[sflag:s30] =	ssyncadd.s32 $0xFFFFF060;
	(pc) =	sbr.rel @p0 .LBB2_2-.Ltmp0, $4  }
0x5b: {  	[tilespmem:s20], [sflag:$0x3] =	stream.indirect.gather [hbm4b:s3+s15], $0x20, s4, s15, $0xb8;
	[tilespmem:$0x5280] =	vst v63  }
0x5c: {  	_ =	swait.ge [sflag:s31], $0xFA0  }
0x5d: {  	[sflag:s31] =	ssyncset.done $0x0  }
0x5e: {  	s19 =	sadd.s32 $0x200, s19;
	[sflag:s31] =	ssyncadd.s32 $0xFFFFF060  }
0x5f: {  	[tilespmem:s22], [sflag:$0x4] =	stream.indirect.gather [hbm4b:s3+s15], $0x20, s0, s15, $0xb8;
	[tilespmem:$0x5280] =	vst v63  }
0x60: {  	_ =	swait.ge [sflag:s23], $0xFA0  }
0x61: {  	[sflag:s23] =	ssyncset.done $0x0  }
0x62: {  	[sflag:s23] =	ssyncadd.s32 $0xFFFFF060  }
0x63: {  	[hbm4b:s6+s2] =	stream.linear.scatter [tilespmem:s16], [sflag:$0x5], $0xFA0, $0x38;
	[tilespmem:$0x5280] =	vst v63  }
0x64: {  	_ =	swait.ge [sflag:s24], $0xFA0  }
0x65: {  	[sflag:s24] =	ssyncset.done $0x0  }
0x66: {  	[sflag:s24] =	ssyncadd.s32 $0xFFFFF060  }
0x67: {  	[hbm4b:s7+s2] =	stream.linear.scatter [tilespmem:s18], [sflag:$0x6], $0xFA0, $0x38;
	[tilespmem:$0x5280] =	vst v63  }
0x68: {  	_ =	swait.ge [sflag:s25], $0xFA0  }
0x69: {  	[sflag:s25] =	ssyncset.done $0x0  }
0x6a: {  	[sflag:s25] =	ssyncadd.s32 $0xFFFFF060  }
0x6b: {  	[hbm4b:s8+s2] =	stream.linear.scatter [tilespmem:s20], [sflag:$0x7], $0xFA0, $0x38;
	[tilespmem:$0x5280] =	vst v63  }
0x6c: {  	_ =	swait.ge [sflag:s26], $0xFA0  }
0x6d: {  	[sflag:s26] =	ssyncset.done $0x0  }
0x6e: {  	[sflag:s26] =	ssyncadd.s32 $0xFFFFF060  }
0x6f: {  	[hbm4b:s9+s2] =	stream.linear.scatter [tilespmem:s22], [sflag:$0x8], $0xFA0, $0x38;
	[tilespmem:$0x5280] =	vst v63  }
0x70: {  	_ =	swait.ge [sflag:s28], $0xFA0  }
0x71: {  	[sflag:s28] =	ssyncset.done $0x0  }
0x72: {  	[sflag:s28] =	ssyncadd.s32 $0xFFFFF060  }
0x73: {  	_ =	swait.ge [sflag:s29], $0xFA0  }
0x74: {  	[sflag:s29] =	ssyncset.done $0x0  }
0x75: {  	s1 =	sadd.s32 $0x1, s1;
	[sflag:s29] =	ssyncadd.s32 $0xFFFFF060  }
0x76: {  	p0 =	sne.s32 s1, s5;
	_ =	swait.ge [sflag:s30], $0xFA0  }
.Ltmp1:
0x77: {  	[sflag:s30] =	ssyncset.done $0x0;
	(pc) =	sbr.rel @p0 .LBB2_1-.Ltmp1, $4  }
0x78: {  	[sflag:s30] =	ssyncadd.s32 $0xFFFFF060  }
0x79: {  	_ =	swait.ge [sflag:s31], $0xFA0  }
0x7a: {  	[sflag:s31] =	ssyncset.done $0x0  }
0x7b: {  	[sflag:s31] =	ssyncadd.s32 $0xFFFFF060  }
0x7c: {  	_ =	sfence.sel $0x180000  }
0x7d: {  	[bflag:$0x0] =	sbarrier.arrive $0xFFFF  }
0x7e: {  	_ =	strace $0x90000047  }
0x7f: {  	s0 =	stileid.u32;
	[bflag:$0x2] =	sbarrier.arrive $0xFFFF  }
0x80: {  	p0 =	sne.s32 s0, $0x0;
	s0 =	rddreg [dreg:$0x1]  }
0x81: {  	s0 =	sadd.s32 @!p0 $0x100000, s0  }
0x82: {  	[sflag:s0] =	ssyncadd.tile.s32 @!p0 $0x1;
	_ =	shalt  }
.Lfunc_end2:
_tile_overlayer_lowered:
.L_overlay_start_2:
0x83: {  	(tag) =	ssettag $0x2  }
0x84: {  	s0 =	rddreg [dreg:$0x0];
	s2 =	stileid.u32  }
0x85: {  	s1 =	rddreg [dreg:$0x1];
	p0 =	sne.s32 s2, $0x0  }
0x86: {  	s3 =	rddreg [dreg:$0x2];
	[bflag:$0x3] =	sbarrier.arrive $0xFFFF;
	s2 =	simm.s32 @!p0 $0x1C09  }
0x87: {  	[timem:s3], [sflag:s2] =	dma.local @!p0 [hbm:s0], s1  }
0x88: {  	s0 =	simm.s32 @!p0 $0x9  }
0x89: {  	_ =	swait.ge @!p0 [sflag:s0], s1  }
0x8a: {  	s1 =	ssub.s32 @!p0 $0x0, s1;
	[sflag:s0] =	ssyncset.done @!p0 $0x0  }
0x8b: {  	[sflag:s0] =	ssyncadd.s32 @!p0 s1  }
0x8c: {  	[bflag:$0x3] =	sbarrier.arrive $0xFFFF  }
0x8d: {  	_ =	shalt  }

// kernel: kernel.23.cloned.1.call-start
scs
__scs_entry_jumppad:
0x0: {  	(pc) =	sbr.rel $0x88, $3  }
0x1: {  	(tag) =	ssettag $0x0;
	lr =	simm.s32 $0x1  }
0x2: {  	[smem:$0x3F8E] =	sst lr;
	_ =	strace $0xD0000000  }
0x3: {  	_ = 	snop  }
0x4: {  	_ = 	snop  }
0x5: {  	_ = 	snop  }
0x6: {  	_ = 	snop  }
0x7: {  	_ = 	snop  }
__scs_overlays_trampoline_lowered:
0x8: {  	[smem:$0x3F9D] =	sst s0  }
0x9: {  	[smem:$0x3F9E] =	sst s1  }
0xa: {  	[smem:$0x3F9F] =	sst s2  }
0xb: {  	[smem:$0x3FA0] =	sst s3  }
0xc: {  	[smem:$0x3FA1] =	sst s4  }
0xd: {  	[smem:$0x3FA2] =	sst s5  }
0xe: {  	[smem:$0x3FA3] =	sst s6  }
0xf: {  	[smem:$0x3FA4] =	sst s7  }
0x10: {  	[smem:$0x3FA5] =	sst s8  }
0x11: {  	[smem:$0x3FA6] =	sst s9;
	s0 =	simm.s32 @!p0 $0x0  }
0x12: {  	s1 =	sld [smem:$0x3F8C];
	s0 =	simm.s32 @p0 $0x1  }
0x13: {  	[smem:$0x3FA7] =	sst s0;
	s0 =	simm.s32 @!p1 $0x0  }
0x14: {  	s2 =	sld [smem:$0x3F8B];
	s0 =	simm.s32 @p1 $0x1  }
0x15: {  	[smem:$0x3FA8] =	sst s0;
	s0 =	simm.s32 @!p2 $0x0  }
0x16: {  	s3 =	sld [smem:$0x3FDB];
	s0 =	simm.s32 @p2 $0x1  }
0x17: {  	s4 =	simm.s32 $0x1BF5;
	[smem:$0x3FAA] =	sst s0  }
0x18: {  	s0 =	sld [smem:$0x3F8D];
	_ =	swait.ge [sflag:s4], $0x0  }
0x19: {  	s7 =	sld [smem:$0x3F8E]  }
0x1a: {  	s8 =	sadd.s32 $0xFFFFE003, lr  }
0x1b: {  	s9 =	sadd.s32 $0xFFFFFEF7, lr;
	s5 =	simm.s32 $0xFFFFFFFF;
	p2 =	slt.u32 s8, $0xFFFFF086  }
0x1c: {  	p1 =	slt.u32 s9, $0xF7A;
	s5 =	simm.s32 @!p2 $0x0  }
0x1d: {  	s5 =	simm.s32 @p1 $0x1;
	p0 =	seq.s32 s7, s2  }
0x1e: {  	s7 =	smul.u32 @!p0 $0xF7A, s2;
	p2 =	seq.s32 @!p0 s5, $0x0  }
0x1f: {  	s9 =	smul.u32 $0xF7A, s1;
	s8 =	simm.s32 @!p0 $0x1BF5;
	p2 =	por !p2, p0  }
0x20: {  	[sflag:s8] =	ssyncset.s32 @!p0 $0xFFFFF086;
	s6 =	sadd.s32 @!p0 s3, s7;
	s7 =	simm.s32 @!p0 $0x108  }
0x21: {  	s3 =	sadd.s32 s3, s9;
	s6 =	sadd.s32 @!p0 $0x88, s6;
	s7 =	simm.s32 @p2 $0x1082  }
0x22: {  	[simem:s7], [sflag:s8] =	dma.local @!p0 [hbm:s6], $0xF7A  }
0x23: {  	s9 =	sor.u32 $0xD0000000, s2;
	s6 =	simm.s32 $0x108;
	_ =	swait.ge @!p0 [sflag:s8], $0x0  }
0x24: {  	s3 =	sadd.s32 $0x88, s3;
	s6 =	simm.s32 @!p1 $0x1082;
	[sflag:s4] =	ssyncset.s32 $0xFFFFF086  }
0x25: {  	[simem:s6], [sflag:s4] =	dma.local [hbm:s3], $0xF7A  }
0x26: {  	[smem:$0x3F8E] =	sst s1;
	(tag) =	ssettag s2;
	_ =	strace s9  }
0x27: {  	s1 =	sld [smem:$0x3F9E]  }
0x28: {  	s2 =	sld [smem:$0x3F9F]  }
0x29: {  	s4 =	sld [smem:$0x3FA1]  }
0x2a: {  	p0 =	seq.s32 s5, $0x0;
	s5 =	sld [smem:$0x3FA2]  }
0x2b: {  	s6 =	sld [smem:$0x3FA3]  }
0x2c: {  	s7 =	sld [smem:$0x3FA4]  }
0x2d: {  	s3 =	simm.s32 $0x108;
	s8 =	sld [smem:$0x3FA5]  }
0x2e: {  	s3 =	simm.s32 @!p0 $0x1082;
	s9 =	sld [smem:$0x3FA6]  }
0x2f: {  	lr =	sadd.s32 s0, s3;
	s0 =	sld [smem:$0x3F9D]  }
0x30: {  	s3 =	sld [smem:$0x3FA0]  }
0x31: {  	[smem:$0x3FA9] =	sst s10  }
0x32: {  	s10 =	sld [smem:$0x3FA7];
	_ =	sdelay $0x3  }
0x33: {  	p0 =	seq.s32 s10, $0x1;
	s10 =	sld [smem:$0x3FA9];
	_ =	sdelay $0x3  }
0x34: {  	[smem:$0x3FA9] =	sst s10  }
0x35: {  	s10 =	sld [smem:$0x3FA8];
	_ =	sdelay $0x3  }
0x36: {  	p1 =	seq.s32 s10, $0x1;
	s10 =	sld [smem:$0x3FA9];
	_ =	sdelay $0x3  }
0x37: {  	[smem:$0x3FA9] =	sst s10  }
0x38: {  	s10 =	sld [smem:$0x3FAA]  }
0x39: {  	_ = 	snop;
	(pc) =	sbr.ind lr, $3  }
0x3a: {  	_ = 	snop  }
0x3b: {  	_ = 	snop  }
0x3c: {  	p2 =	seq.s32 s10, $0x1;
	s10 =	sld [smem:$0x3FA9]  }
0x3d: {  	_ =	shalt  }
0x3e: {  	_ =	shalt  }
0x3f: {  	_ =	shalt  }
0x40: {  	_ =	shalt  }
0x41: {  	_ =	shalt  }
0x42: {  	_ =	shalt  }
0x43: {  	_ =	shalt  }
0x44: {  	_ =	shalt  }
0x45: {  	_ =	shalt  }
0x46: {  	_ =	shalt  }
0x47: {  	_ =	shalt  }
0x48: {  	_ =	shalt  }
0x49: {  	_ =	shalt  }
0x4a: {  	_ =	shalt  }
0x4b: {  	_ =	shalt  }
0x4c: {  	_ =	shalt  }
0x4d: {  	_ =	shalt  }
0x4e: {  	_ =	shalt  }
0x4f: {  	_ =	shalt  }
0x50: {  	_ =	shalt  }
0x51: {  	_ =	shalt  }
0x52: {  	_ =	shalt  }
0x53: {  	_ =	shalt  }
0x54: {  	_ =	shalt  }
0x55: {  	_ =	shalt  }
0x56: {  	_ =	shalt  }
0x57: {  	_ =	shalt  }
0x58: {  	_ =	shalt  }
0x59: {  	_ =	shalt  }
0x5a: {  	_ =	shalt  }
0x5b: {  	_ =	shalt  }
0x5c: {  	_ =	shalt  }
0x5d: {  	_ =	shalt  }
0x5e: {  	_ =	shalt  }
0x5f: {  	_ =	shalt  }
0x60: {  	_ =	shalt  }
0x61: {  	_ =	shalt  }
0x62: {  	_ =	shalt  }
0x63: {  	_ =	shalt  }
0x64: {  	_ =	shalt  }
0x65: {  	_ =	shalt  }
0x66: {  	_ =	shalt  }
0x67: {  	_ =	shalt  }
0x68: {  	_ =	shalt  }
0x69: {  	_ =	shalt  }
0x6a: {  	_ =	shalt  }
0x6b: {  	_ =	shalt  }
0x6c: {  	_ =	shalt  }
0x6d: {  	_ =	shalt  }
0x6e: {  	_ =	shalt  }
0x6f: {  	_ =	shalt  }
0x70: {  	_ =	shalt  }
0x71: {  	_ =	shalt  }
0x72: {  	_ =	shalt  }
0x73: {  	_ =	shalt  }
0x74: {  	_ =	shalt  }
0x75: {  	_ =	shalt  }
0x76: {  	_ =	shalt  }
0x77: {  	_ =	shalt  }
0x78: {  	_ =	shalt  }
0x79: {  	_ =	shalt  }
0x7a: {  	_ =	shalt  }
0x7b: {  	_ =	shalt  }
0x7c: {  	_ =	shalt  }
0x7d: {  	_ =	shalt  }
0x7e: {  	_ =	shalt  }
0x7f: {  	_ =	shalt  }
0x80: {  	_ =	shalt  }
0x81: {  	_ =	shalt  }
0x82: {  	_ =	shalt  }
0x83: {  	_ =	shalt  }
0x84: {  	_ =	shalt  }
0x85: {  	_ =	shalt  }
0x86: {  	_ =	shalt  }
0x87: {  	_ =	shalt  }
.Lfunc_end0:
.L_simem_size_0:
called_computation.2_lowered:
.L_overlay_start_0:
0x88: {  	s2 =	sld [smem:$0x3FD9]  }
0x89: {  	s3 =	sld [smem:$0x3FFE];
	_ =	sdelay $0x1  }
0x8a: {  	s1 =	srdreg.scid  }
0x8b: {  	s0 =	sand.u32 $0x1, s1  }
0x8c: {  	s17 =	sshll.u32 s0, $0xA;
	s2 =	sadd.s32 s3, s2  }
0x8d: {  	s2 =	sadd.s32 s2, s17  }
0x8e: {  	[smem:$0x3FB5] =	sst s2  }
0x8f: {  	_ = 	snop  }
0x90: {  	(tm) =	ssettm $0x1  }
0x91: {  	s18 =	sld [smem:$0x3FFB];
	_ =	sdelay $0x3  }
0x92: {  	_ =	strace s18  }
0x93: {  	s2 =	sld [smem:$0x3FFC];
	_ =	sdelay $0x3  }
0x94: {  	_ =	strace s2  }
0x95: {  	s2 =	sld [smem:$0x3FFD];
	_ =	sdelay $0x3  }
0x96: {  	_ =	strace s2  }
0x97: {  	_ =	strace $0x8FFFFFFF  }
0x98: {  	s19 =	sld [smem:$0x3FDB];
	_ =	sdelay $0x1  }
0x99: {  	s20 =	simm.s32 $_scs_section_size  }
0x9a: {  	s4 =	simm.s32 $_size__tile_overlayer_lowered;
	s5 =	simm.s32 $_tile_overlayer_lowered  }
0x9b: {  	s6 =	simm.s32 $0x1BFF;
	s21 =	sshll.u32 s5, $0x1;
	s3 =	sadd.s32 s20, s19  }
0x9c: {  	s22 =	simm.s32 $0x0;
	s4 =	sshll.u32 s4, $0x1;
	s5 =	sadd.s32 s21, s3  }
0x9d: {  	[timem:s22], [sflag:s6] =	dma.local [hbm:s5], s4  }
0x9e: {  	_ =	swait.ge [sflag:s6], s4  }
0x9f: {  	s4 =	ssub.s32 $0x0, s4;
	[sflag:s6] =	ssyncset.done $0x0  }
0xa0: {  	[sflag:s6] =	ssyncadd.s32 s4;
	_ =	sdelay $0x1  }
0xa1: {  	s23 =	simm.s32 $0x1B8B  }
0xa2: {  	_ =	swait.ge [sflag:s23], $0x1  }
0xa3: {  	[sflag:s23] =	ssyncset.done $0x0  }
0xa4: {  	[sflag:s23] =	ssyncadd.s32 $0xFFFFFFFF  }
0xa5: {  	s4 =	sld [smem:$0x0]  }
0xa6: {  	s5 =	sand.u32 $0xFFFFFFFE, s1  }
0xa7: {  	p0 =	sne.s32 s1, s5  }
0xa8: {  	s5 =	sshll.u32 @p0 s5, $0xE  }
0xa9: {  	s5 =	sadd.s32 @p0 $0x11B8D, s5;
	s6 =	sshll.u32 @p0 s4, $0x11  }
0xaa: {  	s5 =	sor.u32 @p0 s6, s5  }
0xab: {  	[sflag:s5] =	ssyncadd.remote.s32 @p0 $0x1;
	_ =	sdelay $0x1  }
0xac: {  	s5 =	simm.s32 @p0 $0x1B8D  }
0xad: {  	_ =	swait.eq @p0 [sflag:s5], $0x1  }
0xae: {  	[sflag:s5] =	ssyncadd.s32 @p0 $0xFFFFFFFF  }
0xaf: {  	s6 =	sshll.u32 @!p0 s1, $0xE  }
0xb0: {  	s6 =	sor.u32 @!p0 $0x4000, s6;
	s5 =	simm.s32 @!p0 $0x1B8D  }
0xb1: {  	s4 =	sshll.u32 @!p0 s4, $0x11;
	s6 =	sadd.s32 @!p0 $0x11B8D, s6;
	_ =	swait.eq @!p0 [sflag:s5], $0x1  }
0xb2: {  	s4 =	sor.u32 @!p0 s4, s6;
	[sflag:s5] =	ssyncadd.s32 @!p0 $0xFFFFFFFF  }
0xb3: {  	s25 =	simm.s32 $0x1B8E;
	s24 =	sld [smem:$0x3FFE];
	[sflag:s4] =	ssyncadd.remote.s32 @!p0 $0x1  }
0xb4: {  	s26 =	simm.s32 $execute0_lowered;
	[smem:$0x3FD2] =	sst s25  }
0xb5: {  	s5 =	sshll.u32 s26, $0x1;
	_ =	strace $0x8000004C;
	[dreg:$0x1] =	wrdreg $0xFFFFFFFF  }
0xb6: {  	s28 =	simm.s32 $_size_execute0_lowered;
	s3 =	sadd.s32 s3, s5;
	[dreg:$0x0] =	wrdreg $0x0  }
0xb7: {  	s5 =	sshll.u32 s28, $0x1;
	[dreg:$0x2] =	wrdreg s3  }
0xb8: {  	[dreg:$0x3] =	wrdreg s5  }
0xb9: {  	[dreg:$0x4] =	wrdreg $0xC0  }
0xba: {  	_ =	task [dreg:s22], $0x5FFFF  }
0xbb: {  	[dreg:$0x1] =	wrdreg $0xFFFFFFFF  }
0xbc: {  	[dreg:$0x0] =	wrdreg $0x60  }
0xbd: {  	[dreg:$0x2] =	wrdreg s24  }
0xbe: {  	[dreg:$0x3] =	wrdreg $0x52800  }
0xbf: {  	[dreg:$0x4] =	wrdreg $0xA  }
0xc0: {  	_ =	task.clear_ibuf [dreg:s22], $0x5FFFF;
	_ =	strace $0x9000004C  }
0xc1: {  	s29 =	simm.s32 $0xA;
	_ =	strace $0x8000004E  }
0xc2: {  	_ =	swait.ge [sflag:s29], $0x1  }
0xc3: {  	[sflag:s29] =	ssyncadd.s32 $0xFFFFFFFF  }
0xc4: {  	_ =	strace $0x9000004E  }
0xc5: {  	_ =	sfence  }
0xc6: {  	s30 =	sld [smem:$0x0];
	_ =	sdelay $0x2  }
0xc7: {  	s31 =	sshll.u32 s1, $0xD;
	s1 =	sshrl.u32 s1, $0x2  }
0xc8: {  	s4 =	sand.u32 $0x4000, s31;
	s1 =	sadd.s32 s1, s30  }
0xc9: {  	s0 =	sor.u32 s4, s0;
	s1 =	sshll.u32 s1, $0x11  }
0xca: {  	s0 =	sor.u32 s1, s0  }
0xcb: {  	s0 =	sadd.s32 $0x8F2B, s0  }
0xcc: {  	[sflag:s0] =	ssyncadd.remote.s32 $0x1  }
0xcd: {  	_ =	sfence.sel $0xFFFF  }
0xce: {  	[dreg:$0x0] =	wrdreg $0xFFFFFFFF;
	(pc) =	sbr.abs _section_cstart, $3  }
0xcf: {  	[dreg:$0x1] =	wrdreg $0xFFFFFFFF  }
0xd0: {  	_ =	task.clear_ibuf [dreg:s22], $0x2FFFF;
	_ =	strace $0x9FFFFFFF  }
0xd1: {  	(tm) =	ssettm $0x7FFFFFFF  }
tec
execute0_lowered:
.L_overlay_start_1:
0x0: {  	(tag) =	ssettag $0x1  }
0x1: {  	s0 =	srdreg.scid;
	s1 =	rddreg [dreg:$0x0]  }
0x2: {  	s13 =	stileid.u32;
	s2 =	rddreg [dreg:$0x1];
	s18 =	simm.s32 $0x9  }
0x3: {  	s28 =	simm.s32 $0x4;
	s29 =	simm.s32 $0x5;
	s6 =	smul.u32 $0x4E20, s13  }
0x4: {  	s30 =	simm.s32 $0x6;
	s0 =	sand.u32 $0x1, s0;
	s21 =	smul.u32 $0x2710, s13  }
0x5: {  	s31 =	simm.s32 $0x7;
	s3 =	sshll.u32 s13, $0x1;
	s7 =	smul.u32 $0x4E200, s0  }
0x6: {  	s4 =	sor.u32 s0, s3;
	s10 =	ssub.s32 $0x2, s0;
	s0 =	smul.u32 $0x1388, s0  }
0x7: {  	s8 =	sadd.s32 $0x3E000, s1;
	s3 =	simm.s32 $0x0;
	s5 =	smul.u32 $0x280, s4  }
0x8: {  	s22 =	sshll.u32 s13, $0x6;
	[smem:$0x7FF] =	sst s3;
	s12 =	smul.u32 $0x4E20, s4  }
0x9: {  	s19 =	sshrl.u32 s6, $0x3;
	s11 =	sshrl.u32 s10, $0x1;
	s4 =	smul.u32 $0x27100, s4  }
0xa: {  	_ =	strace $0x8000004D;
	s7 =	sadd.s32 s6, s7;
	s20 =	ssub.s32 s10, s11  }
0xb: {  	s6 =	sadd.s32 s6, s2;
	s0 =	sadd.s32 s0, s21;
	s21 =	simm.s32 $0x3340  }
0xc: {  	s9 =	sadd.s32 s5, s1;
	s5 =	sadd.s32 s19, s1;
	s7 =	sshrl.u32 s7, $0x3  }
0xd: {  	s4 =	sshrl.u32 s4, $0x3;
	s23 =	sadd.s32 s8, s12;
	s0 =	sshll.u32 s0, $0x2  }
0xe: {  	s26 =	smax.u32 s20, $0x1;
	s17 =	sshrl.u32 s6, $0x3;
	s19 =	simm.s32 $0x1400  }
0xf: {  	s20 =	simm.s32 $0x23A0;
	s1 =	sadd.s32 s7, s1;
	s5 =	sadd.s32 $0xDF400, s5  }
0x10: {  	s9 =	sadd.s32 $0xDA400, s9;
	s4 =	sadd.s32 s8, s4;
	[dreg:$0x5] =	wrdreg s23  }
0x11: {  	[dreg:$0xa] =	wrdreg s26;
	s0 =	sadd.s32 s8, s0;
	s23 =	simm.s32 $0x1  }
0x12: {  	s26 =	simm.s32 $0x3;
	[dreg:$0x3] =	wrdreg s5;
	s5 =	sor.u32 $0x1C09, s22  }
0x13: {  	[dreg:$0x4] =	wrdreg s9;
	s24 =	sadd.s32 $0x1F4, s4;
	s25 =	sadd.s32 $0x3E8, s4  }
0x14: {  	s4 =	sadd.s32 $0x5DC, s4;
	s1 =	sadd.s32 $0x40D600, s1;
	[dreg:$0x6] =	wrdreg s24  }
0x15: {  	s10 =	sadd.s32 $0xDAC, s0;
	s14 =	sadd.s32 $0xBB8, s0;
	[dreg:$0x7] =	wrdreg s25  }
0x16: {  	s15 =	sadd.s32 $0x9C4, s0;
	s16 =	sadd.s32 $0x7D0, s0;
	[dreg:$0x8] =	wrdreg s4  }
0x17: {  	s22 =	simm.s32 $0x42E0;
	s0 =	simm.s32 $0x0;
	[dreg:$0x9] =	wrdreg s1  }
0x18: {  	s24 =	simm.s32 $0x7D;
	s25 =	simm.s32 $0x2;
	s1 =	simm.s32 $0x8  }
.LBB2_1:
0x19: {  	s4 =	rddreg [dreg:$0x3]  }
0x1a: {  	[spmem:s17], [sflag:s5] =	dma.local [hbm:s4], $0x9C4  }
0x1b: {  	_ =	swait.ge [sflag:s18], $0x9C4  }
0x1c: {  	[sflag:s18] =	ssyncset.done $0x0  }
0x1d: {  	s12 =	rddreg [dreg:$0x4];
	[sflag:s18] =	ssyncadd.s32 $0xFFFFF63C  }
0x1e: {  	[tilespmem:s3], [sflag:$0x9] =	stream.linear.gather [hbm4b:s12+s3], $0x1400, $0x38;
	[tilespmem:$0xA0A0] =	vst v63  }
0x1f: {  	_ =	swait.ge [sflag:s18], $0x1400  }
0x20: {  	[sflag:s18] =	ssyncset.done $0x0  }
0x21: {  	[sflag:s18] =	ssyncadd.s32 $0xFFFFEC00  }
0x22: {  	[bflag:$0x0] =	sbarrier.arrive $0xFFFF  }
0x23: {  	s13 =	rddreg [dreg:$0x5]  }
0x24: {  	[tilespmem:s19], [sflag:$0x1] =	stream.linear.gather [hbm4b:s13+s3], $0xFA0, $0x38;
	[tilespmem:$0xA0A0] =	vst v63  }
0x25: {  	s6 =	rddreg [dreg:$0x6]  }
0x26: {  	[tilespmem:s20], [sflag:$0x2] =	stream.linear.gather [hbm4b:s6+s3], $0xFA0, $0x38;
	[tilespmem:$0xA0A0] =	vst v63  }
0x27: {  	s7 =	rddreg [dreg:$0x7]  }
0x28: {  	[tilespmem:s21], [sflag:$0x3] =	stream.linear.gather [hbm4b:s7+s3], $0xFA0, $0x38;
	[tilespmem:$0xA0A0] =	vst v63  }
0x29: {  	s8 =	rddreg [dreg:$0x8]  }
0x2a: {  	[tilespmem:s22], [sflag:$0x4] =	stream.linear.gather [hbm4b:s8+s3], $0xFA0, $0x38;
	[tilespmem:$0xA0A0] =	vst v63  }
0x2b: {  	_ =	swait.ge [sflag:s23], $0xFA0  }
0x2c: {  	[sflag:s23] =	ssyncset.done $0x0  }
0x2d: {  	s9 =	simm.s32 $0x0;
	[sflag:s23] =	ssyncadd.s32 $0xFFFFF060  }
0x2e: {  	[spmem:s2] =	stream.indirect.scatter.add.f32 [tilespmem:s19], [sflag:$0x5], $0x20, s9, s24, $0xb8;
	[tilespmem:$0xA0A0] =	vst v63  }
0x2f: {  	_ =	swait.ge [sflag:s25], $0xFA0  }
0x30: {  	[sflag:s25] =	ssyncset.done $0x0  }
0x31: {  	s11 =	simm.s32 $0x80;
	[sflag:s25] =	ssyncadd.s32 $0xFFFFF060  }
0x32: {  	[spmem:s2] =	stream.indirect.scatter.add.f32 [tilespmem:s20], [sflag:$0x6], $0x20, s11, s24, $0xb8;
	[tilespmem:$0xA0A0] =	vst v63  }
0x33: {  	_ =	swait.ge [sflag:s26], $0xFA0  }
0x34: {  	[sflag:s26] =	ssyncset.done $0x0  }
0x35: {  	s12 =	simm.s32 $0x100;
	[sflag:s26] =	ssyncadd.s32 $0xFFFFF060  }
0x36: {  	[spmem:s2] =	stream.indirect.scatter.add.f32 [tilespmem:s21], [sflag:$0x7], $0x20, s12, s24, $0xb8;
	[tilespmem:$0xA0A0] =	vst v63  }
0x37: {  	_ =	swait.ge [sflag:s28], $0xFA0  }
0x38: {  	[sflag:s28] =	ssyncset.done $0x0  }
0x39: {  	s13 =	simm.s32 $0x180;
	[sflag:s28] =	ssyncadd.s32 $0xFFFFF060  }
0x3a: {  	[spmem:s2] =	stream.indirect.scatter.add.f32 [tilespmem:s22], [sflag:$0x8], $0x20, s13, s24, $0xb8;
	[tilespmem:$0xA0A0] =	vst v63  }
0x3b: {  	_ =	swait.ge [sflag:s29], $0xFA0  }
0x3c: {  	[sflag:s29] =	ssyncset.done $0x0  }
0x3d: {  	[sflag:s29] =	ssyncadd.s32 $0xFFFFF060  }
0x3e: {  	[tilespmem:s19], [sflag:$0x1] =	stream.linear.gather [hbm4b:s16+s3], $0xFA0, $0x38;
	[tilespmem:$0xA0A0] =	vst v63  }
0x3f: {  	_ =	swait.ge [sflag:s30], $0xFA0  }
0x40: {  	[sflag:s30] =	ssyncset.done $0x0  }
0x41: {  	[sflag:s30] =	ssyncadd.s32 $0xFFFFF060  }
0x42: {  	[tilespmem:s20], [sflag:$0x2] =	stream.linear.gather [hbm4b:s15+s3], $0xFA0, $0x38;
	[tilespmem:$0xA0A0] =	vst v63  }
0x43: {  	_ =	swait.ge [sflag:s31], $0xFA0  }
0x44: {  	[sflag:s31] =	ssyncset.done $0x0  }
0x45: {  	[sflag:s31] =	ssyncadd.s32 $0xFFFFF060  }
0x46: {  	[tilespmem:s21], [sflag:$0x3] =	stream.linear.gather [hbm4b:s14+s3], $0xFA0, $0x38;
	[tilespmem:$0xA0A0] =	vst v63  }
0x47: {  	s4 =	simm.s32 $0x800;
	s6 =	sadd.s32 $0x7D0, s15;
	_ =	swait.ge [sflag:s1], $0xFA0  }
0x48: {  	s7 =	sadd.s32 $0x7D0, s16;
	s8 =	sadd.s32 $0x7D0, s10;
	[sflag:s1] =	ssyncset.done $0x0  }
0x49: {  	s9 =	sadd.s32 $0x7D0, s14;
	s13 =	smov.u32 s10;
	[sflag:s1] =	ssyncadd.s32 $0xFFFFF060  }
.LBB2_2:
0x4a: {  	[tilespmem:s22], [sflag:$0x4] =	stream.linear.gather [hbm4b:s13+s3], $0xFA0, $0x38;
	[tilespmem:$0xA0A0] =	vst v63  }
0x4b: {  	s11 =	smov.u32 s4;
	s13 =	smov.u32 s8  }
0x4c: {  	p0 =	sne.s32 s4, $0x4000;
	s4 =	sadd.s32 $0x800, s4;
	_ =	swait.ge [sflag:s23], $0xFA0  }
0x4d: {  	[sflag:s23] =	ssyncset.done $0x0  }
0x4e: {  	s11 =	sshra.s32 s11, $0x2;
	[sflag:s23] =	ssyncadd.s32 $0xFFFFF060  }
0x4f: {  	[spmem:s2] =	stream.indirect.scatter.add.f32 [tilespmem:s19], [sflag:$0x5], $0x20, s11, s24, $0xb8;
	[tilespmem:$0xA0A0] =	vst v63  }
0x50: {  	_ =	swait.ge [sflag:s25], $0xFA0  }
0x51: {  	[sflag:s25] =	ssyncset.done $0x0  }
0x52: {  	s12 =	sadd.s32 $0x80, s11;
	[sflag:s25] =	ssyncadd.s32 $0xFFFFF060  }
0x53: {  	[spmem:s2] =	stream.indirect.scatter.add.f32 [tilespmem:s20], [sflag:$0x6], $0x20, s12, s24, $0xb8;
	[tilespmem:$0xA0A0] =	vst v63  }
0x54: {  	_ =	swait.ge [sflag:s26], $0xFA0  }
0x55: {  	[sflag:s26] =	ssyncset.done $0x0  }
0x56: {  	s12 =	sadd.s32 $0x100, s11;
	[sflag:s26] =	ssyncadd.s32 $0xFFFFF060  }
0x57: {  	[spmem:s2] =	stream.indirect.scatter.add.f32 [tilespmem:s21], [sflag:$0x7], $0x20, s12, s24, $0xb8;
	[tilespmem:$0xA0A0] =	vst v63  }
0x58: {  	_ =	swait.ge [sflag:s28], $0xFA0  }
0x59: {  	[sflag:s28] =	ssyncset.done $0x0  }
0x5a: {  	s11 =	sadd.s32 $0x180, s11;
	[sflag:s28] =	ssyncadd.s32 $0xFFFFF060  }
0x5b: {  	[spmem:s2] =	stream.indirect.scatter.add.f32 [tilespmem:s22], [sflag:$0x8], $0x20, s11, s24, $0xb8;
	[tilespmem:$0xA0A0] =	vst v63  }
0x5c: {  	_ =	swait.ge [sflag:s29], $0xFA0  }
0x5d: {  	[sflag:s29] =	ssyncset.done $0x0  }
0x5e: {  	[sflag:s29] =	ssyncadd.s32 $0xFFFFF060  }
0x5f: {  	[tilespmem:s19], [sflag:$0x1] =	stream.linear.gather [hbm4b:s7+s3], $0xFA0, $0x38;
	[tilespmem:$0xA0A0] =	vst v63  }
0x60: {  	_ =	swait.ge [sflag:s30], $0xFA0  }
0x61: {  	[sflag:s30] =	ssyncset.done $0x0  }
0x62: {  	[sflag:s30] =	ssyncadd.s32 $0xFFFFF060  }
0x63: {  	[tilespmem:s20], [sflag:$0x2] =	stream.linear.gather [hbm4b:s6+s3], $0xFA0, $0x38;
	[tilespmem:$0xA0A0] =	vst v63  }
0x64: {  	_ =	swait.ge [sflag:s31], $0xFA0  }
0x65: {  	[sflag:s31] =	ssyncset.done $0x0  }
.Ltmp0:
0x66: {  	[sflag:s31] =	ssyncadd.s32 $0xFFFFF060;
	(pc) =	sbr.rel @p0 .LBB2_2-.Ltmp0, $4  }
0x67: {  	[tilespmem:s21], [sflag:$0x3] =	stream.linear.gather [hbm4b:s9+s3], $0xFA0, $0x38;
	[tilespmem:$0xA0A0] =	vst v63  }
0x68: {  	_ =	swait.ge [sflag:s1], $0xFA0  }
0x69: {  	s7 =	sadd.s32 $0x7D0, s7;
	s6 =	sadd.s32 $0x7D0, s6;
	[sflag:s1] =	ssyncset.done $0x0  }
0x6a: {  	s8 =	sadd.s32 $0x7D0, s8;
	s9 =	sadd.s32 $0x7D0, s9;
	[sflag:s1] =	ssyncadd.s32 $0xFFFFF060  }
0x6b: {  	[tilespmem:s22], [sflag:$0x4] =	stream.linear.gather [hbm4b:s13+s3], $0xFA0, $0x38;
	[tilespmem:$0xA0A0] =	vst v63  }
0x6c: {  	_ =	swait.ge [sflag:s23], $0xFA0  }
0x6d: {  	[sflag:s23] =	ssyncset.done $0x0  }
0x6e: {  	s4 =	simm.s32 $0x1200;
	[sflag:s23] =	ssyncadd.s32 $0xFFFFF060  }
0x6f: {  	[spmem:s2] =	stream.indirect.scatter.add.f32 [tilespmem:s19], [sflag:$0x5], $0x20, s4, s24, $0xb8;
	[tilespmem:$0xA0A0] =	vst v63  }
0x70: {  	_ =	swait.ge [sflag:s25], $0xFA0  }
0x71: {  	[sflag:s25] =	ssyncset.done $0x0  }
0x72: {  	s8 =	simm.s32 $0x1280;
	[sflag:s25] =	ssyncadd.s32 $0xFFFFF060  }
0x73: {  	[spmem:s2] =	stream.indirect.scatter.add.f32 [tilespmem:s20], [sflag:$0x6], $0x20, s8, s24, $0xb8;
	[tilespmem:$0xA0A0] =	vst v63  }
0x74: {  	_ =	swait.ge [sflag:s26], $0xFA0  }
0x75: {  	[sflag:s26] =	ssyncset.done $0x0  }
0x76: {  	s9 =	simm.s32 $0x1300;
	[sflag:s26] =	ssyncadd.s32 $0xFFFFF060  }
0x77: {  	[spmem:s2] =	stream.indirect.scatter.add.f32 [tilespmem:s21], [sflag:$0x7], $0x20, s9, s24, $0xb8;
	[tilespmem:$0xA0A0] =	vst v63  }
0x78: {  	_ =	swait.ge [sflag:s28], $0xFA0  }
0x79: {  	[sflag:s28] =	ssyncset.done $0x0  }
0x7a: {  	s11 =	simm.s32 $0x1380;
	[sflag:s28] =	ssyncadd.s32 $0xFFFFF060  }
0x7b: {  	[spmem:s2] =	stream.indirect.scatter.add.f32 [tilespmem:s22], [sflag:$0x8], $0x20, s11, s24, $0xb8;
	[tilespmem:$0xA0A0] =	vst v63  }
0x7c: {  	_ =	swait.ge [sflag:s29], $0xFA0  }
0x7d: {  	[sflag:s29] =	ssyncset.done $0x0  }
0x7e: {  	[sflag:s29] =	ssyncadd.s32 $0xFFFFF060  }
0x7f: {  	_ =	swait.ge [sflag:s30], $0xFA0  }
0x80: {  	[sflag:s30] =	ssyncset.done $0x0  }
0x81: {  	[sflag:s30] =	ssyncadd.s32 $0xFFFFF060  }
0x82: {  	_ =	swait.ge [sflag:s31], $0xFA0  }
0x83: {  	[sflag:s31] =	ssyncset.done $0x0  }
0x84: {  	[sflag:s31] =	ssyncadd.s32 $0xFFFFF060  }
0x85: {  	_ =	swait.ge [sflag:s1], $0xFA0  }
0x86: {  	[sflag:s1] =	ssyncset.done $0x0  }
0x87: {  	[sflag:s1] =	ssyncadd.s32 $0xFFFFF060  }
0x88: {  	[bflag:$0x0] =	sbarrier.arrive $0xFFFF  }
0x89: {  	s12 =	rddreg [dreg:$0x9]  }
0x8a: {  	[hbm:s12], [sflag:s5] =	dma.local [spmem:s17], $0x9C4  }
0x8b: {  	_ =	swait.ge [sflag:s18], $0x9C4  }
0x8c: {  	s0 =	sadd.s32 $0x1, s0;
	s13 =	rddreg [dreg:$0xa]  }
0x8d: {  	p0 =	sne.s32 s0, s13  }
.Ltmp1:
0x8e: {  	_ = 	snop;
	(pc) =	sbr.rel @p0 .LBB2_1-.Ltmp1, $3  }
0x8f: {  	_ =	sdelay $0x1  }
0x90: {  	[sflag:s18] =	ssyncset.done $0x0  }
0x91: {  	[sflag:s18] =	ssyncadd.s32 $0xFFFFF63C  }
0x92: {  	_ =	sfence.sel $0x180000  }
0x93: {  	[bflag:$0x0] =	sbarrier.arrive $0xFFFF  }
0x94: {  	_ =	strace $0x9000004D  }
0x95: {  	s0 =	stileid.u32;
	[bflag:$0x2] =	sbarrier.arrive $0xFFFF  }
0x96: {  	p0 =	sne.s32 s0, $0x0;
	s0 =	rddreg [dreg:$0x2]  }
0x97: {  	s0 =	sadd.s32 @!p0 $0x100000, s0  }
0x98: {  	[sflag:s0] =	ssyncadd.tile.s32 @!p0 $0x1;
	_ =	shalt  }
.Lfunc_end2:
_tile_overlayer_lowered:
.L_overlay_start_2:
0x99: {  	(tag) =	ssettag $0x2  }
0x9a: {  	s0 =	rddreg [dreg:$0x0];
	s2 =	stileid.u32  }
0x9b: {  	s1 =	rddreg [dreg:$0x1];
	p0 =	sne.s32 s2, $0x0  }
0x9c: {  	s3 =	rddreg [dreg:$0x2];
	[bflag:$0x3] =	sbarrier.arrive $0xFFFF;
	s2 =	simm.s32 @!p0 $0x1C09  }
0x9d: {  	[timem:s3], [sflag:s2] =	dma.local @!p0 [hbm:s0], s1  }
0x9e: {  	s0 =	simm.s32 @!p0 $0x9  }
0x9f: {  	_ =	swait.ge @!p0 [sflag:s0], s1  }
0xa0: {  	s1 =	ssub.s32 @!p0 $0x0, s1;
	[sflag:s0] =	ssyncset.done @!p0 $0x0  }
0xa1: {  	[sflag:s0] =	ssyncadd.s32 @!p0 s1  }
0xa2: {  	[bflag:$0x3] =	sbarrier.arrive $0xFFFF  }
0xa3: {  	_ =	shalt  }

// kernel: kernel.26.cloned.1.call-start
scs
__scs_entry_jumppad:
0x0: {  	(pc) =	sbr.rel $0x88, $3  }
0x1: {  	(tag) =	ssettag $0x0;
	lr =	simm.s32 $0x1  }
0x2: {  	[smem:$0x3F8E] =	sst lr;
	_ =	strace $0xD0000000  }
0x3: {  	_ = 	snop  }
0x4: {  	_ = 	snop  }
0x5: {  	_ = 	snop  }
0x6: {  	_ = 	snop  }
0x7: {  	_ = 	snop  }
__scs_overlays_trampoline_lowered:
0x8: {  	[smem:$0x3F9D] =	sst s0  }
0x9: {  	[smem:$0x3F9E] =	sst s1  }
0xa: {  	[smem:$0x3F9F] =	sst s2  }
0xb: {  	[smem:$0x3FA0] =	sst s3  }
0xc: {  	[smem:$0x3FA1] =	sst s4  }
0xd: {  	[smem:$0x3FA2] =	sst s5  }
0xe: {  	[smem:$0x3FA3] =	sst s6  }
0xf: {  	[smem:$0x3FA4] =	sst s7  }
0x10: {  	[smem:$0x3FA5] =	sst s8  }
0x11: {  	[smem:$0x3FA6] =	sst s9;
	s0 =	simm.s32 @!p0 $0x0  }
0x12: {  	s1 =	sld [smem:$0x3F8C];
	s0 =	simm.s32 @p0 $0x1  }
0x13: {  	[smem:$0x3FA7] =	sst s0;
	s0 =	simm.s32 @!p1 $0x0  }
0x14: {  	s2 =	sld [smem:$0x3F8B];
	s0 =	simm.s32 @p1 $0x1  }
0x15: {  	[smem:$0x3FA8] =	sst s0;
	s0 =	simm.s32 @!p2 $0x0  }
0x16: {  	s3 =	sld [smem:$0x3FDB];
	s0 =	simm.s32 @p2 $0x1  }
0x17: {  	s4 =	simm.s32 $0x1BF5;
	[smem:$0x3FAA] =	sst s0  }
0x18: {  	s0 =	sld [smem:$0x3F8D];
	_ =	swait.ge [sflag:s4], $0x0  }
0x19: {  	s7 =	sld [smem:$0x3F8E]  }
0x1a: {  	s8 =	sadd.s32 $0xFFFFE003, lr  }
0x1b: {  	s9 =	sadd.s32 $0xFFFFFEF7, lr;
	s5 =	simm.s32 $0xFFFFFFFF;
	p2 =	slt.u32 s8, $0xFFFFF086  }
0x1c: {  	p1 =	slt.u32 s9, $0xF7A;
	s5 =	simm.s32 @!p2 $0x0  }
0x1d: {  	s5 =	simm.s32 @p1 $0x1;
	p0 =	seq.s32 s7, s2  }
0x1e: {  	s7 =	smul.u32 @!p0 $0xF7A, s2;
	p2 =	seq.s32 @!p0 s5, $0x0  }
0x1f: {  	s9 =	smul.u32 $0xF7A, s1;
	s8 =	simm.s32 @!p0 $0x1BF5;
	p2 =	por !p2, p0  }
0x20: {  	[sflag:s8] =	ssyncset.s32 @!p0 $0xFFFFF086;
	s6 =	sadd.s32 @!p0 s3, s7;
	s7 =	simm.s32 @!p0 $0x108  }
0x21: {  	s3 =	sadd.s32 s3, s9;
	s6 =	sadd.s32 @!p0 $0x88, s6;
	s7 =	simm.s32 @p2 $0x1082  }
0x22: {  	[simem:s7], [sflag:s8] =	dma.local @!p0 [hbm:s6], $0xF7A  }
0x23: {  	s9 =	sor.u32 $0xD0000000, s2;
	s6 =	simm.s32 $0x108;
	_ =	swait.ge @!p0 [sflag:s8], $0x0  }
0x24: {  	s3 =	sadd.s32 $0x88, s3;
	s6 =	simm.s32 @!p1 $0x1082;
	[sflag:s4] =	ssyncset.s32 $0xFFFFF086  }
0x25: {  	[simem:s6], [sflag:s4] =	dma.local [hbm:s3], $0xF7A  }
0x26: {  	[smem:$0x3F8E] =	sst s1;
	(tag) =	ssettag s2;
	_ =	strace s9  }
0x27: {  	s1 =	sld [smem:$0x3F9E]  }
0x28: {  	s2 =	sld [smem:$0x3F9F]  }
0x29: {  	s4 =	sld [smem:$0x3FA1]  }
0x2a: {  	p0 =	seq.s32 s5, $0x0;
	s5 =	sld [smem:$0x3FA2]  }
0x2b: {  	s6 =	sld [smem:$0x3FA3]  }
0x2c: {  	s7 =	sld [smem:$0x3FA4]  }
0x2d: {  	s3 =	simm.s32 $0x108;
	s8 =	sld [smem:$0x3FA5]  }
0x2e: {  	s3 =	simm.s32 @!p0 $0x1082;
	s9 =	sld [smem:$0x3FA6]  }
0x2f: {  	lr =	sadd.s32 s0, s3;
	s0 =	sld [smem:$0x3F9D]  }
0x30: {  	s3 =	sld [smem:$0x3FA0]  }
0x31: {  	[smem:$0x3FA9] =	sst s10  }
0x32: {  	s10 =	sld [smem:$0x3FA7];
	_ =	sdelay $0x3  }
0x33: {  	p0 =	seq.s32 s10, $0x1;
	s10 =	sld [smem:$0x3FA9];
	_ =	sdelay $0x3  }
0x34: {  	[smem:$0x3FA9] =	sst s10  }
0x35: {  	s10 =	sld [smem:$0x3FA8];
	_ =	sdelay $0x3  }
0x36: {  	p1 =	seq.s32 s10, $0x1;
	s10 =	sld [smem:$0x3FA9];
	_ =	sdelay $0x3  }
0x37: {  	[smem:$0x3FA9] =	sst s10  }
0x38: {  	s10 =	sld [smem:$0x3FAA]  }
0x39: {  	_ = 	snop;
	(pc) =	sbr.ind lr, $3  }
0x3a: {  	_ = 	snop  }
0x3b: {  	_ = 	snop  }
0x3c: {  	p2 =	seq.s32 s10, $0x1;
	s10 =	sld [smem:$0x3FA9]  }
0x3d: {  	_ =	shalt  }
0x3e: {  	_ =	shalt  }
0x3f: {  	_ =	shalt  }
0x40: {  	_ =	shalt  }
0x41: {  	_ =	shalt  }
0x42: {  	_ =	shalt  }
0x43: {  	_ =	shalt  }
0x44: {  	_ =	shalt  }
0x45: {  	_ =	shalt  }
0x46: {  	_ =	shalt  }
0x47: {  	_ =	shalt  }
0x48: {  	_ =	shalt  }
0x49: {  	_ =	shalt  }
0x4a: {  	_ =	shalt  }
0x4b: {  	_ =	shalt  }
0x4c: {  	_ =	shalt  }
0x4d: {  	_ =	shalt  }
0x4e: {  	_ =	shalt  }
0x4f: {  	_ =	shalt  }
0x50: {  	_ =	shalt  }
0x51: {  	_ =	shalt  }
0x52: {  	_ =	shalt  }
0x53: {  	_ =	shalt  }
0x54: {  	_ =	shalt  }
0x55: {  	_ =	shalt  }
0x56: {  	_ =	shalt  }
0x57: {  	_ =	shalt  }
0x58: {  	_ =	shalt  }
0x59: {  	_ =	shalt  }
0x5a: {  	_ =	shalt  }
0x5b: {  	_ =	shalt  }
0x5c: {  	_ =	shalt  }
0x5d: {  	_ =	shalt  }
0x5e: {  	_ =	shalt  }
0x5f: {  	_ =	shalt  }
0x60: {  	_ =	shalt  }
0x61: {  	_ =	shalt  }
0x62: {  	_ =	shalt  }
0x63: {  	_ =	shalt  }
0x64: {  	_ =	shalt  }
0x65: {  	_ =	shalt  }
0x66: {  	_ =	shalt  }
0x67: {  	_ =	shalt  }
0x68: {  	_ =	shalt  }
0x69: {  	_ =	shalt  }
0x6a: {  	_ =	shalt  }
0x6b: {  	_ =	shalt  }
0x6c: {  	_ =	shalt  }
0x6d: {  	_ =	shalt  }
0x6e: {  	_ =	shalt  }
0x6f: {  	_ =	shalt  }
0x70: {  	_ =	shalt  }
0x71: {  	_ =	shalt  }
0x72: {  	_ =	shalt  }
0x73: {  	_ =	shalt  }
0x74: {  	_ =	shalt  }
0x75: {  	_ =	shalt  }
0x76: {  	_ =	shalt  }
0x77: {  	_ =	shalt  }
0x78: {  	_ =	shalt  }
0x79: {  	_ =	shalt  }
0x7a: {  	_ =	shalt  }
0x7b: {  	_ =	shalt  }
0x7c: {  	_ =	shalt  }
0x7d: {  	_ =	shalt  }
0x7e: {  	_ =	shalt  }
0x7f: {  	_ =	shalt  }
0x80: {  	_ =	shalt  }
0x81: {  	_ =	shalt  }
0x82: {  	_ =	shalt  }
0x83: {  	_ =	shalt  }
0x84: {  	_ =	shalt  }
0x85: {  	_ =	shalt  }
0x86: {  	_ =	shalt  }
0x87: {  	_ =	shalt  }
.Lfunc_end0:
.L_simem_size_0:
called_computation.3_lowered:
.L_overlay_start_0:
0x88: {  	s2 =	sld [smem:$0x3FD9]  }
0x89: {  	s3 =	sld [smem:$0x3FFE];
	_ =	sdelay $0x1  }
0x8a: {  	s1 =	srdreg.scid  }
0x8b: {  	s0 =	sand.u32 $0x1, s1  }
0x8c: {  	s16 =	sshll.u32 s0, $0xA;
	s2 =	sadd.s32 s3, s2  }
0x8d: {  	s2 =	sadd.s32 s2, s16  }
0x8e: {  	[smem:$0x3FB5] =	sst s2  }
0x8f: {  	_ = 	snop  }
0x90: {  	(tm) =	ssettm $0x1  }
0x91: {  	s17 =	sld [smem:$0x3FFB];
	_ =	sdelay $0x3  }
0x92: {  	_ =	strace s17  }
0x93: {  	s2 =	sld [smem:$0x3FFC];
	_ =	sdelay $0x3  }
0x94: {  	_ =	strace s2  }
0x95: {  	s2 =	sld [smem:$0x3FFD];
	_ =	sdelay $0x3  }
0x96: {  	_ =	strace s2  }
0x97: {  	_ =	strace $0x8FFFFFFF  }
0x98: {  	s18 =	sld [smem:$0x3FDB];
	_ =	sdelay $0x1  }
0x99: {  	s19 =	simm.s32 $_scs_section_size  }
0x9a: {  	s4 =	simm.s32 $_size__tile_overlayer_lowered;
	s5 =	simm.s32 $_tile_overlayer_lowered  }
0x9b: {  	s22 =	simm.s32 $0x1BFF;
	s21 =	sshll.u32 s5, $0x1;
	s2 =	sadd.s32 s19, s18  }
0x9c: {  	s6 =	simm.s32 $0x0;
	s20 =	sshll.u32 s4, $0x1;
	s4 =	sadd.s32 s21, s2  }
0x9d: {  	[timem:s6], [sflag:s22] =	dma.local [hbm:s4], s20  }
0x9e: {  	_ =	swait.ge [sflag:s22], s20  }
0x9f: {  	s3 =	ssub.s32 $0x0, s20;
	[sflag:s22] =	ssyncset.done $0x0  }
0xa0: {  	[sflag:s22] =	ssyncadd.s32 s3;
	_ =	sdelay $0x1  }
0xa1: {  	s23 =	simm.s32 $0x1B8B  }
0xa2: {  	_ =	swait.ge [sflag:s23], $0x1  }
0xa3: {  	[sflag:s23] =	ssyncset.done $0x0  }
0xa4: {  	s25 =	simm.s32 $0x1B8E;
	s24 =	sld [smem:$0x3FFE];
	[sflag:s23] =	ssyncadd.s32 $0xFFFFFFFF  }
0xa5: {  	s26 =	simm.s32 $execute0_lowered;
	[smem:$0x3FD2] =	sst s25  }
0xa6: {  	s4 =	sshll.u32 s26, $0x1;
	_ =	strace $0x8000004F;
	[dreg:$0x1] =	wrdreg $0xFFFFFFFF  }
0xa7: {  	s28 =	simm.s32 $_size_execute0_lowered;
	s2 =	sadd.s32 s2, s4;
	[dreg:$0x0] =	wrdreg $0x0  }
0xa8: {  	s4 =	sshll.u32 s28, $0x1;
	[dreg:$0x2] =	wrdreg s2  }
0xa9: {  	[dreg:$0x3] =	wrdreg s4  }
0xaa: {  	[dreg:$0x4] =	wrdreg $0xC0  }
0xab: {  	_ =	task [dreg:s6], $0x5FFFF  }
0xac: {  	[dreg:$0x1] =	wrdreg $0xFFFFFFFF  }
0xad: {  	[dreg:$0x0] =	wrdreg $0x60  }
0xae: {  	[dreg:$0x2] =	wrdreg s24  }
0xaf: {  	[dreg:$0x3] =	wrdreg $0x9  }
0xb0: {  	_ =	task.clear_ibuf [dreg:s6], $0x4FFFF;
	_ =	strace $0x9000004F  }
0xb1: {  	s29 =	simm.s32 $0x9;
	_ =	strace $0x80000051  }
0xb2: {  	_ =	swait.ge [sflag:s29], $0x1  }
0xb3: {  	[sflag:s29] =	ssyncadd.s32 $0xFFFFFFFF  }
0xb4: {  	_ =	strace $0x90000051  }
0xb5: {  	_ =	sfence  }
0xb6: {  	s30 =	sld [smem:$0x0];
	_ =	sdelay $0x2  }
0xb7: {  	s31 =	sshll.u32 s1, $0xD;
	s1 =	sshrl.u32 s1, $0x2  }
0xb8: {  	s3 =	sand.u32 $0x4000, s31;
	s1 =	sadd.s32 s1, s30  }
0xb9: {  	s0 =	sor.u32 s3, s0;
	s1 =	sshll.u32 s1, $0x11  }
0xba: {  	s0 =	sor.u32 s1, s0  }
0xbb: {  	s0 =	sadd.s32 $0x8F2B, s0  }
0xbc: {  	[sflag:s0] =	ssyncadd.remote.s32 $0x1  }
0xbd: {  	_ =	sfence.sel $0xFFFF  }
0xbe: {  	[dreg:$0x0] =	wrdreg $0xFFFFFFFF;
	(pc) =	sbr.abs _section_cstart, $3  }
0xbf: {  	[dreg:$0x1] =	wrdreg $0xFFFFFFFF  }
0xc0: {  	_ =	task.clear_ibuf [dreg:s6], $0x2FFFF;
	_ =	strace $0x9FFFFFFF  }
0xc1: {  	(tm) =	ssettm $0x7FFFFFFF  }
tec
execute0_lowered:
.L_overlay_start_1:
0x0: {  	(tag) =	ssettag $0x1  }
0x1: {  	s0 =	rddreg [dreg:$0x0]  }
0x2: {  	s1 =	srdreg.scid;
	s11 =	stileid.u32;
	s2 =	simm.s32 $0x0  }
0x3: {  	s14 =	simm.s32 $0x9;
	s15 =	simm.s32 $0x7D;
	s16 =	simm.s32 $0x1400  }
0x4: {  	s18 =	simm.s32 $0x23A0;
	s20 =	simm.s32 $0x3340;
	s22 =	simm.s32 $0x42E0  }
0x5: {  	s23 =	simm.s32 $0x1;
	s28 =	simm.s32 $0x5;
	s7 =	smul.u32 $0x2710, s11  }
0x6: {  	s1 =	sand.u32 $0x1, s1;
	s3 =	sshll.u32 s11, $0x1;
	s11 =	smul.u32 $0x9C40, s11  }
0x7: {  	s29 =	simm.s32 $0x6;
	[smem:$0x7FF] =	sst s2;
	s9 =	smul.u32 $0x1388, s1  }
0x8: {  	s4 =	sor.u32 s1, s3;
	s25 =	ssub.s32 $0x2, s1;
	s1 =	smul.u32 $0x4E20, s1  }
0x9: {  	s30 =	simm.s32 $0x7;
	_ =	strace $0x80000050;
	s5 =	smul.u32 $0x280, s4  }
0xa: {  	s31 =	simm.s32 $0x8;
	s3 =	sadd.s32 $0x137400, s0;
	s6 =	smul.u32 $0x4E20, s4  }
0xb: {  	s8 =	sshrl.u32 s25, $0x1;
	s26 =	sadd.s32 s9, s7;
	s24 =	sadd.s32 s5, s0  }
0xc: {  	s0 =	sadd.s32 $0x3E000, s0;
	s5 =	ssub.s32 s25, s8;
	s9 =	sshll.u32 s26, $0x2  }
0xd: {  	s25 =	simm.s32 $0x3;
	s26 =	simm.s32 $0x4;
	s4 =	sadd.s32 $0x39000, s24  }
0xe: {  	s10 =	sadd.s32 s0, s6;
	s5 =	smax.u32 s5, $0x1;
	s12 =	sadd.s32 s0, s9  }
0xf: {  	s0 =	sadd.s32 s11, s0;
	s24 =	simm.s32 $0x2;
	[dreg:$0x2] =	wrdreg s4  }
0x10: {  	s6 =	sadd.s32 $0x4650, s10;
	s7 =	sadd.s32 $0x4844, s10;
	s8 =	sadd.s32 $0x4A38, s10  }
0x11: {  	s9 =	sadd.s32 $0x4C2C, s10;
	s10 =	sadd.s32 $0x5DC, s12;
	s11 =	sadd.s32 $0x3E8, s12  }
0x12: {  	s12 =	sadd.s32 $0x1F4, s12;
	s13 =	sadd.s32 s1, s0;
	s0 =	simm.s32 $0x0  }
.LBB2_1:
0x13: {  	s1 =	rddreg [dreg:$0x2]  }
0x14: {  	[tilespmem:s2], [sflag:$0x9] =	stream.linear.gather [hbm4b:s1+s2], $0x1400, $0x38;
	[tilespmem:$0x5280] =	vst v63  }
0x15: {  	_ =	swait.ge [sflag:s14], $0x1400  }
0x16: {  	[sflag:s14] =	ssyncset.done $0x0  }
0x17: {  	[sflag:s14] =	ssyncadd.s32 $0xFFFFEC00  }
0x18: {  	[tilespmem:s16], [sflag:$0x1] =	stream.indirect.gather [hbm4b:s3+s15], $0x20, s2, s15, $0xb8;
	[tilespmem:$0x5280] =	vst v63  }
0x19: {  	s19 =	simm.s32 $0x80  }
0x1a: {  	[tilespmem:s18], [sflag:$0x2] =	stream.indirect.gather [hbm4b:s3+s15], $0x20, s19, s15, $0xb8;
	[tilespmem:$0x5280] =	vst v63  }
0x1b: {  	s21 =	simm.s32 $0x100  }
0x1c: {  	[tilespmem:s20], [sflag:$0x3] =	stream.indirect.gather [hbm4b:s3+s15], $0x20, s21, s15, $0xb8;
	[tilespmem:$0x5280] =	vst v63  }
0x1d: {  	s4 =	simm.s32 $0x180  }
0x1e: {  	[tilespmem:s22], [sflag:$0x4] =	stream.indirect.gather [hbm4b:s3+s15], $0x20, s4, s15, $0xb8;
	[tilespmem:$0x5280] =	vst v63  }
0x1f: {  	_ =	swait.ge [sflag:s23], $0xFA0  }
0x20: {  	[sflag:s23] =	ssyncset.done $0x0  }
0x21: {  	s17 =	sadd.s32 $0x0, s13;
	[sflag:s23] =	ssyncadd.s32 $0xFFFFF060  }
0x22: {  	[hbm4b:s17+s2] =	stream.linear.scatter [tilespmem:s16], [sflag:$0x5], $0xFA0, $0x38;
	[tilespmem:$0x5280] =	vst v63  }
0x23: {  	_ =	swait.ge [sflag:s24], $0xFA0  }
0x24: {  	[sflag:s24] =	ssyncset.done $0x0  }
0x25: {  	s19 =	sadd.s32 $0x0, s12;
	[sflag:s24] =	ssyncadd.s32 $0xFFFFF060  }
0x26: {  	[hbm4b:s19+s2] =	stream.linear.scatter [tilespmem:s18], [sflag:$0x6], $0xFA0, $0x38;
	[tilespmem:$0x5280] =	vst v63  }
0x27: {  	_ =	swait.ge [sflag:s25], $0xFA0  }
0x28: {  	[sflag:s25] =	ssyncset.done $0x0  }
0x29: {  	s21 =	sadd.s32 $0x0, s11;
	[sflag:s25] =	ssyncadd.s32 $0xFFFFF060  }
0x2a: {  	[hbm4b:s21+s2] =	stream.linear.scatter [tilespmem:s20], [sflag:$0x7], $0xFA0, $0x38;
	[tilespmem:$0x5280] =	vst v63  }
0x2b: {  	_ =	swait.ge [sflag:s26], $0xFA0  }
0x2c: {  	[sflag:s26] =	ssyncset.done $0x0  }
0x2d: {  	s4 =	sadd.s32 $0x0, s10;
	[sflag:s26] =	ssyncadd.s32 $0xFFFFF060  }
0x2e: {  	[hbm4b:s4+s2] =	stream.linear.scatter [tilespmem:s22], [sflag:$0x8], $0xFA0, $0x38;
	[tilespmem:$0x5280] =	vst v63  }
0x2f: {  	_ =	swait.ge [sflag:s28], $0xFA0  }
0x30: {  	[sflag:s28] =	ssyncset.done $0x0  }
0x31: {  	s17 =	simm.s32 $0x200;
	[sflag:s28] =	ssyncadd.s32 $0xFFFFF060  }
0x32: {  	[tilespmem:s16], [sflag:$0x1] =	stream.indirect.gather [hbm4b:s3+s15], $0x20, s17, s15, $0xb8;
	[tilespmem:$0x5280] =	vst v63  }
0x33: {  	_ =	swait.ge [sflag:s29], $0xFA0  }
0x34: {  	[sflag:s29] =	ssyncset.done $0x0  }
0x35: {  	s19 =	simm.s32 $0x280;
	[sflag:s29] =	ssyncadd.s32 $0xFFFFF060  }
0x36: {  	[tilespmem:s18], [sflag:$0x2] =	stream.indirect.gather [hbm4b:s3+s15], $0x20, s19, s15, $0xb8;
	[tilespmem:$0x5280] =	vst v63  }
0x37: {  	_ =	swait.ge [sflag:s30], $0xFA0  }
0x38: {  	[sflag:s30] =	ssyncset.done $0x0  }
0x39: {  	s21 =	simm.s32 $0x300;
	[sflag:s30] =	ssyncadd.s32 $0xFFFFF060  }
0x3a: {  	[tilespmem:s20], [sflag:$0x3] =	stream.indirect.gather [hbm4b:s3+s15], $0x20, s21, s15, $0xb8;
	[tilespmem:$0x5280] =	vst v63  }
0x3b: {  	_ =	swait.ge [sflag:s31], $0xFA0  }
0x3c: {  	s1 =	simm.s32 $0x380;
	[sflag:s31] =	ssyncset.done $0x0  }
0x3d: {  	s17 =	simm.s32 $0x7D0;
	s19 =	simm.s32 $0x580;
	[sflag:s31] =	ssyncadd.s32 $0xFFFFF060  }
.LBB2_2:
0x3e: {  	[tilespmem:s22], [sflag:$0x4] =	stream.indirect.gather [hbm4b:s3+s15], $0x20, s1, s15, $0xb8;
	[tilespmem:$0x5280] =	vst v63  }
0x3f: {  	s21 =	smov.u32 s17;
	s1 =	smov.u32 s19  }
0x40: {  	p0 =	sne.s32 s17, $0x3E80;
	s17 =	sadd.s32 $0x7D0, s17;
	_ =	swait.ge [sflag:s23], $0xFA0  }
0x41: {  	[sflag:s23] =	ssyncset.done $0x0  }
0x42: {  	s4 =	sadd.s32 s21, s13;
	[sflag:s23] =	ssyncadd.s32 $0xFFFFF060  }
0x43: {  	[hbm4b:s4+s2] =	stream.linear.scatter [tilespmem:s16], [sflag:$0x5], $0xFA0, $0x38;
	[tilespmem:$0x5280] =	vst v63  }
0x44: {  	_ =	swait.ge [sflag:s24], $0xFA0  }
0x45: {  	[sflag:s24] =	ssyncset.done $0x0  }
0x46: {  	s4 =	sadd.s32 s21, s12;
	[sflag:s24] =	ssyncadd.s32 $0xFFFFF060  }
0x47: {  	[hbm4b:s4+s2] =	stream.linear.scatter [tilespmem:s18], [sflag:$0x6], $0xFA0, $0x38;
	[tilespmem:$0x5280] =	vst v63  }
0x48: {  	_ =	swait.ge [sflag:s25], $0xFA0  }
0x49: {  	[sflag:s25] =	ssyncset.done $0x0  }
0x4a: {  	s4 =	sadd.s32 s21, s11;
	[sflag:s25] =	ssyncadd.s32 $0xFFFFF060  }
0x4b: {  	[hbm4b:s4+s2] =	stream.linear.scatter [tilespmem:s20], [sflag:$0x7], $0xFA0, $0x38;
	[tilespmem:$0x5280] =	vst v63  }
0x4c: {  	_ =	swait.ge [sflag:s26], $0xFA0  }
0x4d: {  	[sflag:s26] =	ssyncset.done $0x0  }
0x4e: {  	s4 =	sadd.s32 s21, s10;
	[sflag:s26] =	ssyncadd.s32 $0xFFFFF060  }
0x4f: {  	[hbm4b:s4+s2] =	stream.linear.scatter [tilespmem:s22], [sflag:$0x8], $0xFA0, $0x38;
	[tilespmem:$0x5280] =	vst v63  }
0x50: {  	_ =	swait.ge [sflag:s28], $0xFA0  }
0x51: {  	[sflag:s28] =	ssyncset.done $0x0  }
0x52: {  	s4 =	sadd.s32 $0xFFFFFE80, s19;
	[sflag:s28] =	ssyncadd.s32 $0xFFFFF060  }
0x53: {  	[tilespmem:s16], [sflag:$0x1] =	stream.indirect.gather [hbm4b:s3+s15], $0x20, s4, s15, $0xb8;
	[tilespmem:$0x5280] =	vst v63  }
0x54: {  	_ =	swait.ge [sflag:s29], $0xFA0  }
0x55: {  	[sflag:s29] =	ssyncset.done $0x0  }
0x56: {  	s4 =	sadd.s32 $0xFFFFFF00, s19;
	[sflag:s29] =	ssyncadd.s32 $0xFFFFF060  }
0x57: {  	[tilespmem:s18], [sflag:$0x2] =	stream.indirect.gather [hbm4b:s3+s15], $0x20, s4, s15, $0xb8;
	[tilespmem:$0x5280] =	vst v63  }
0x58: {  	_ =	swait.ge [sflag:s30], $0xFA0  }
0x59: {  	[sflag:s30] =	ssyncset.done $0x0  }
.Ltmp0:
0x5a: {  	s4 =	sadd.s32 $0xFFFFFF80, s19;
	[sflag:s30] =	ssyncadd.s32 $0xFFFFF060;
	(pc) =	sbr.rel @p0 .LBB2_2-.Ltmp0, $4  }
0x5b: {  	[tilespmem:s20], [sflag:$0x3] =	stream.indirect.gather [hbm4b:s3+s15], $0x20, s4, s15, $0xb8;
	[tilespmem:$0x5280] =	vst v63  }
0x5c: {  	_ =	swait.ge [sflag:s31], $0xFA0  }
0x5d: {  	[sflag:s31] =	ssyncset.done $0x0  }
0x5e: {  	s19 =	sadd.s32 $0x200, s19;
	[sflag:s31] =	ssyncadd.s32 $0xFFFFF060  }
0x5f: {  	[tilespmem:s22], [sflag:$0x4] =	stream.indirect.gather [hbm4b:s3+s15], $0x20, s1, s15, $0xb8;
	[tilespmem:$0x5280] =	vst v63  }
0x60: {  	_ =	swait.ge [sflag:s23], $0xFA0  }
0x61: {  	[sflag:s23] =	ssyncset.done $0x0  }
0x62: {  	[sflag:s23] =	ssyncadd.s32 $0xFFFFF060  }
0x63: {  	[hbm4b:s6+s2] =	stream.linear.scatter [tilespmem:s16], [sflag:$0x5], $0xFA0, $0x38;
	[tilespmem:$0x5280] =	vst v63  }
0x64: {  	_ =	swait.ge [sflag:s24], $0xFA0  }
0x65: {  	[sflag:s24] =	ssyncset.done $0x0  }
0x66: {  	[sflag:s24] =	ssyncadd.s32 $0xFFFFF060  }
0x67: {  	[hbm4b:s7+s2] =	stream.linear.scatter [tilespmem:s18], [sflag:$0x6], $0xFA0, $0x38;
	[tilespmem:$0x5280] =	vst v63  }
0x68: {  	_ =	swait.ge [sflag:s25], $0xFA0  }
0x69: {  	[sflag:s25] =	ssyncset.done $0x0  }
0x6a: {  	[sflag:s25] =	ssyncadd.s32 $0xFFFFF060  }
0x6b: {  	[hbm4b:s8+s2] =	stream.linear.scatter [tilespmem:s20], [sflag:$0x7], $0xFA0, $0x38;
	[tilespmem:$0x5280] =	vst v63  }
0x6c: {  	_ =	swait.ge [sflag:s26], $0xFA0  }
0x6d: {  	[sflag:s26] =	ssyncset.done $0x0  }
0x6e: {  	[sflag:s26] =	ssyncadd.s32 $0xFFFFF060  }
0x6f: {  	[hbm4b:s9+s2] =	stream.linear.scatter [tilespmem:s22], [sflag:$0x8], $0xFA0, $0x38;
	[tilespmem:$0x5280] =	vst v63  }
0x70: {  	_ =	swait.ge [sflag:s28], $0xFA0  }
0x71: {  	[sflag:s28] =	ssyncset.done $0x0  }
0x72: {  	[sflag:s28] =	ssyncadd.s32 $0xFFFFF060  }
0x73: {  	_ =	swait.ge [sflag:s29], $0xFA0  }
0x74: {  	[sflag:s29] =	ssyncset.done $0x0  }
0x75: {  	s0 =	sadd.s32 $0x1, s0;
	[sflag:s29] =	ssyncadd.s32 $0xFFFFF060  }
0x76: {  	p0 =	sne.s32 s0, s5;
	_ =	swait.ge [sflag:s30], $0xFA0  }
.Ltmp1:
0x77: {  	[sflag:s30] =	ssyncset.done $0x0;
	(pc) =	sbr.rel @p0 .LBB2_1-.Ltmp1, $4  }
0x78: {  	[sflag:s30] =	ssyncadd.s32 $0xFFFFF060  }
0x79: {  	_ =	swait.ge [sflag:s31], $0xFA0  }
0x7a: {  	[sflag:s31] =	ssyncset.done $0x0  }
0x7b: {  	[sflag:s31] =	ssyncadd.s32 $0xFFFFF060  }
0x7c: {  	_ =	sfence.sel $0x180000  }
0x7d: {  	[bflag:$0x0] =	sbarrier.arrive $0xFFFF  }
0x7e: {  	_ =	strace $0x90000050  }
0x7f: {  	s0 =	stileid.u32;
	[bflag:$0x2] =	sbarrier.arrive $0xFFFF  }
0x80: {  	p0 =	sne.s32 s0, $0x0;
	s0 =	rddreg [dreg:$0x1]  }
0x81: {  	s0 =	sadd.s32 @!p0 $0x100000, s0  }
0x82: {  	[sflag:s0] =	ssyncadd.tile.s32 @!p0 $0x1;
	_ =	shalt  }
.Lfunc_end2:
_tile_overlayer_lowered:
.L_overlay_start_2:
0x83: {  	(tag) =	ssettag $0x2  }
0x84: {  	s0 =	rddreg [dreg:$0x0];
	s2 =	stileid.u32  }
0x85: {  	s1 =	rddreg [dreg:$0x1];
	p0 =	sne.s32 s2, $0x0  }
0x86: {  	s3 =	rddreg [dreg:$0x2];
	[bflag:$0x3] =	sbarrier.arrive $0xFFFF;
	s2 =	simm.s32 @!p0 $0x1C09  }
0x87: {  	[timem:s3], [sflag:s2] =	dma.local @!p0 [hbm:s0], s1  }
0x88: {  	s0 =	simm.s32 @!p0 $0x9  }
0x89: {  	_ =	swait.ge @!p0 [sflag:s0], s1  }
0x8a: {  	s1 =	ssub.s32 @!p0 $0x0, s1;
	[sflag:s0] =	ssyncset.done @!p0 $0x0  }
0x8b: {  	[sflag:s0] =	ssyncadd.s32 @!p0 s1  }
0x8c: {  	[bflag:$0x3] =	sbarrier.arrive $0xFFFF  }
0x8d: {  	_ =	shalt  }

// kernel: kernel.29.cloned.1.call-start
scs
__scs_entry_jumppad:
0x0: {  	(pc) =	sbr.rel $0x88, $3  }
0x1: {  	(tag) =	ssettag $0x0;
	lr =	simm.s32 $0x1  }
0x2: {  	[smem:$0x3F8E] =	sst lr;
	_ =	strace $0xD0000000  }
0x3: {  	_ = 	snop  }
0x4: {  	_ = 	snop  }
0x5: {  	_ = 	snop  }
0x6: {  	_ = 	snop  }
0x7: {  	_ = 	snop  }
__scs_overlays_trampoline_lowered:
0x8: {  	[smem:$0x3F9D] =	sst s0  }
0x9: {  	[smem:$0x3F9E] =	sst s1  }
0xa: {  	[smem:$0x3F9F] =	sst s2  }
0xb: {  	[smem:$0x3FA0] =	sst s3  }
0xc: {  	[smem:$0x3FA1] =	sst s4  }
0xd: {  	[smem:$0x3FA2] =	sst s5  }
0xe: {  	[smem:$0x3FA3] =	sst s6  }
0xf: {  	[smem:$0x3FA4] =	sst s7  }
0x10: {  	[smem:$0x3FA5] =	sst s8  }
0x11: {  	[smem:$0x3FA6] =	sst s9;
	s0 =	simm.s32 @!p0 $0x0  }
0x12: {  	s1 =	sld [smem:$0x3F8C];
	s0 =	simm.s32 @p0 $0x1  }
0x13: {  	[smem:$0x3FA7] =	sst s0;
	s0 =	simm.s32 @!p1 $0x0  }
0x14: {  	s2 =	sld [smem:$0x3F8B];
	s0 =	simm.s32 @p1 $0x1  }
0x15: {  	[smem:$0x3FA8] =	sst s0;
	s0 =	simm.s32 @!p2 $0x0  }
0x16: {  	s3 =	sld [smem:$0x3FDB];
	s0 =	simm.s32 @p2 $0x1  }
0x17: {  	s4 =	simm.s32 $0x1BF5;
	[smem:$0x3FAA] =	sst s0  }
0x18: {  	s0 =	sld [smem:$0x3F8D];
	_ =	swait.ge [sflag:s4], $0x0  }
0x19: {  	s7 =	sld [smem:$0x3F8E]  }
0x1a: {  	s8 =	sadd.s32 $0xFFFFE003, lr  }
0x1b: {  	s9 =	sadd.s32 $0xFFFFFEF7, lr;
	s5 =	simm.s32 $0xFFFFFFFF;
	p2 =	slt.u32 s8, $0xFFFFF086  }
0x1c: {  	p1 =	slt.u32 s9, $0xF7A;
	s5 =	simm.s32 @!p2 $0x0  }
0x1d: {  	s5 =	simm.s32 @p1 $0x1;
	p0 =	seq.s32 s7, s2  }
0x1e: {  	s7 =	smul.u32 @!p0 $0xF7A, s2;
	p2 =	seq.s32 @!p0 s5, $0x0  }
0x1f: {  	s9 =	smul.u32 $0xF7A, s1;
	s8 =	simm.s32 @!p0 $0x1BF5;
	p2 =	por !p2, p0  }
0x20: {  	[sflag:s8] =	ssyncset.s32 @!p0 $0xFFFFF086;
	s6 =	sadd.s32 @!p0 s3, s7;
	s7 =	simm.s32 @!p0 $0x108  }
0x21: {  	s3 =	sadd.s32 s3, s9;
	s6 =	sadd.s32 @!p0 $0x88, s6;
	s7 =	simm.s32 @p2 $0x1082  }
0x22: {  	[simem:s7], [sflag:s8] =	dma.local @!p0 [hbm:s6], $0xF7A  }
0x23: {  	s9 =	sor.u32 $0xD0000000, s2;
	s6 =	simm.s32 $0x108;
	_ =	swait.ge @!p0 [sflag:s8], $0x0  }
0x24: {  	s3 =	sadd.s32 $0x88, s3;
	s6 =	simm.s32 @!p1 $0x1082;
	[sflag:s4] =	ssyncset.s32 $0xFFFFF086  }
0x25: {  	[simem:s6], [sflag:s4] =	dma.local [hbm:s3], $0xF7A  }
0x26: {  	[smem:$0x3F8E] =	sst s1;
	(tag) =	ssettag s2;
	_ =	strace s9  }
0x27: {  	s1 =	sld [smem:$0x3F9E]  }
0x28: {  	s2 =	sld [smem:$0x3F9F]  }
0x29: {  	s4 =	sld [smem:$0x3FA1]  }
0x2a: {  	p0 =	seq.s32 s5, $0x0;
	s5 =	sld [smem:$0x3FA2]  }
0x2b: {  	s6 =	sld [smem:$0x3FA3]  }
0x2c: {  	s7 =	sld [smem:$0x3FA4]  }
0x2d: {  	s3 =	simm.s32 $0x108;
	s8 =	sld [smem:$0x3FA5]  }
0x2e: {  	s3 =	simm.s32 @!p0 $0x1082;
	s9 =	sld [smem:$0x3FA6]  }
0x2f: {  	lr =	sadd.s32 s0, s3;
	s0 =	sld [smem:$0x3F9D]  }
0x30: {  	s3 =	sld [smem:$0x3FA0]  }
0x31: {  	[smem:$0x3FA9] =	sst s10  }
0x32: {  	s10 =	sld [smem:$0x3FA7];
	_ =	sdelay $0x3  }
0x33: {  	p0 =	seq.s32 s10, $0x1;
	s10 =	sld [smem:$0x3FA9];
	_ =	sdelay $0x3  }
0x34: {  	[smem:$0x3FA9] =	sst s10  }
0x35: {  	s10 =	sld [smem:$0x3FA8];
	_ =	sdelay $0x3  }
0x36: {  	p1 =	seq.s32 s10, $0x1;
	s10 =	sld [smem:$0x3FA9];
	_ =	sdelay $0x3  }
0x37: {  	[smem:$0x3FA9] =	sst s10  }
0x38: {  	s10 =	sld [smem:$0x3FAA]  }
0x39: {  	_ = 	snop;
	(pc) =	sbr.ind lr, $3  }
0x3a: {  	_ = 	snop  }
0x3b: {  	_ = 	snop  }
0x3c: {  	p2 =	seq.s32 s10, $0x1;
	s10 =	sld [smem:$0x3FA9]  }
0x3d: {  	_ =	shalt  }
0x3e: {  	_ =	shalt  }
0x3f: {  	_ =	shalt  }
0x40: {  	_ =	shalt  }
0x41: {  	_ =	shalt  }
0x42: {  	_ =	shalt  }
0x43: {  	_ =	shalt  }
0x44: {  	_ =	shalt  }
0x45: {  	_ =	shalt  }
0x46: {  	_ =	shalt  }
0x47: {  	_ =	shalt  }
0x48: {  	_ =	shalt  }
0x49: {  	_ =	shalt  }
0x4a: {  	_ =	shalt  }
0x4b: {  	_ =	shalt  }
0x4c: {  	_ =	shalt  }
0x4d: {  	_ =	shalt  }
0x4e: {  	_ =	shalt  }
0x4f: {  	_ =	shalt  }
0x50: {  	_ =	shalt  }
0x51: {  	_ =	shalt  }
0x52: {  	_ =	shalt  }
0x53: {  	_ =	shalt  }
0x54: {  	_ =	shalt  }
0x55: {  	_ =	shalt  }
0x56: {  	_ =	shalt  }
0x57: {  	_ =	shalt  }
0x58: {  	_ =	shalt  }
0x59: {  	_ =	shalt  }
0x5a: {  	_ =	shalt  }
0x5b: {  	_ =	shalt  }
0x5c: {  	_ =	shalt  }
0x5d: {  	_ =	shalt  }
0x5e: {  	_ =	shalt  }
0x5f: {  	_ =	shalt  }
0x60: {  	_ =	shalt  }
0x61: {  	_ =	shalt  }
0x62: {  	_ =	shalt  }
0x63: {  	_ =	shalt  }
0x64: {  	_ =	shalt  }
0x65: {  	_ =	shalt  }
0x66: {  	_ =	shalt  }
0x67: {  	_ =	shalt  }
0x68: {  	_ =	shalt  }
0x69: {  	_ =	shalt  }
0x6a: {  	_ =	shalt  }
0x6b: {  	_ =	shalt  }
0x6c: {  	_ =	shalt  }
0x6d: {  	_ =	shalt  }
0x6e: {  	_ =	shalt  }
0x6f: {  	_ =	shalt  }
0x70: {  	_ =	shalt  }
0x71: {  	_ =	shalt  }
0x72: {  	_ =	shalt  }
0x73: {  	_ =	shalt  }
0x74: {  	_ =	shalt  }
0x75: {  	_ =	shalt  }
0x76: {  	_ =	shalt  }
0x77: {  	_ =	shalt  }
0x78: {  	_ =	shalt  }
0x79: {  	_ =	shalt  }
0x7a: {  	_ =	shalt  }
0x7b: {  	_ =	shalt  }
0x7c: {  	_ =	shalt  }
0x7d: {  	_ =	shalt  }
0x7e: {  	_ =	shalt  }
0x7f: {  	_ =	shalt  }
0x80: {  	_ =	shalt  }
0x81: {  	_ =	shalt  }
0x82: {  	_ =	shalt  }
0x83: {  	_ =	shalt  }
0x84: {  	_ =	shalt  }
0x85: {  	_ =	shalt  }
0x86: {  	_ =	shalt  }
0x87: {  	_ =	shalt  }
.Lfunc_end0:
.L_simem_size_0:
called_computation.4_lowered:
.L_overlay_start_0:
0x88: {  	s2 =	sld [smem:$0x3FD9]  }
0x89: {  	s3 =	sld [smem:$0x3FFE];
	_ =	sdelay $0x1  }
0x8a: {  	s1 =	srdreg.scid  }
0x8b: {  	s0 =	sand.u32 $0x1, s1  }
0x8c: {  	s16 =	sshll.u32 s0, $0xA;
	s2 =	sadd.s32 s3, s2  }
0x8d: {  	s2 =	sadd.s32 s2, s16  }
0x8e: {  	[smem:$0x3FB5] =	sst s2  }
0x8f: {  	_ = 	snop  }
0x90: {  	(tm) =	ssettm $0x1  }
0x91: {  	s17 =	sld [smem:$0x3FFB];
	_ =	sdelay $0x3  }
0x92: {  	_ =	strace s17  }
0x93: {  	s2 =	sld [smem:$0x3FFC];
	_ =	sdelay $0x3  }
0x94: {  	_ =	strace s2  }
0x95: {  	s2 =	sld [smem:$0x3FFD];
	_ =	sdelay $0x3  }
0x96: {  	_ =	strace s2  }
0x97: {  	_ =	strace $0x8FFFFFFF  }
0x98: {  	s18 =	sld [smem:$0x3FDB];
	_ =	sdelay $0x1  }
0x99: {  	s19 =	simm.s32 $_scs_section_size  }
0x9a: {  	s4 =	simm.s32 $_size__tile_overlayer_lowered;
	s5 =	simm.s32 $_tile_overlayer_lowered  }
0x9b: {  	s22 =	simm.s32 $0x1BFF;
	s21 =	sshll.u32 s5, $0x1;
	s2 =	sadd.s32 s19, s18  }
0x9c: {  	s6 =	simm.s32 $0x0;
	s20 =	sshll.u32 s4, $0x1;
	s4 =	sadd.s32 s21, s2  }
0x9d: {  	[timem:s6], [sflag:s22] =	dma.local [hbm:s4], s20  }
0x9e: {  	_ =	swait.ge [sflag:s22], s20  }
0x9f: {  	s3 =	ssub.s32 $0x0, s20;
	[sflag:s22] =	ssyncset.done $0x0  }
0xa0: {  	[sflag:s22] =	ssyncadd.s32 s3;
	_ =	sdelay $0x1  }
0xa1: {  	s23 =	simm.s32 $0x1B8B  }
0xa2: {  	_ =	swait.ge [sflag:s23], $0x1  }
0xa3: {  	[sflag:s23] =	ssyncset.done $0x0  }
0xa4: {  	s25 =	simm.s32 $0x1B8E;
	s24 =	sld [smem:$0x3FFE];
	[sflag:s23] =	ssyncadd.s32 $0xFFFFFFFF  }
0xa5: {  	s26 =	simm.s32 $execute0_lowered;
	[smem:$0x3FD2] =	sst s25  }
0xa6: {  	s4 =	sshll.u32 s26, $0x1;
	_ =	strace $0x80000052;
	[dreg:$0x1] =	wrdreg $0xFFFFFFFF  }
0xa7: {  	s28 =	simm.s32 $_size_execute0_lowered;
	s2 =	sadd.s32 s2, s4;
	[dreg:$0x0] =	wrdreg $0x0  }
0xa8: {  	s4 =	sshll.u32 s28, $0x1;
	[dreg:$0x2] =	wrdreg s2  }
0xa9: {  	[dreg:$0x3] =	wrdreg s4  }
0xaa: {  	[dreg:$0x4] =	wrdreg $0xC0  }
0xab: {  	_ =	task [dreg:s6], $0x5FFFF  }
0xac: {  	[dreg:$0x1] =	wrdreg $0xFFFFFFFF  }
0xad: {  	[dreg:$0x0] =	wrdreg $0x60  }
0xae: {  	[dreg:$0x2] =	wrdreg s24  }
0xaf: {  	[dreg:$0x3] =	wrdreg $0x52800  }
0xb0: {  	[dreg:$0x4] =	wrdreg $0x9  }
0xb1: {  	_ =	task.clear_ibuf [dreg:s6], $0x5FFFF;
	_ =	strace $0x90000052  }
0xb2: {  	s29 =	simm.s32 $0x9;
	_ =	strace $0x80000054  }
0xb3: {  	_ =	swait.ge [sflag:s29], $0x1  }
0xb4: {  	[sflag:s29] =	ssyncadd.s32 $0xFFFFFFFF  }
0xb5: {  	_ =	strace $0x90000054  }
0xb6: {  	_ =	sfence  }
0xb7: {  	s30 =	sld [smem:$0x0];
	_ =	sdelay $0x2  }
0xb8: {  	s31 =	sshll.u32 s1, $0xD;
	s1 =	sshrl.u32 s1, $0x2  }
0xb9: {  	s3 =	sand.u32 $0x4000, s31;
	s1 =	sadd.s32 s1, s30  }
0xba: {  	s0 =	sor.u32 s3, s0;
	s1 =	sshll.u32 s1, $0x11  }
0xbb: {  	s0 =	sor.u32 s1, s0  }
0xbc: {  	s0 =	sadd.s32 $0x8F2B, s0  }
0xbd: {  	[sflag:s0] =	ssyncadd.remote.s32 $0x1  }
0xbe: {  	_ =	sfence.sel $0xFFFF  }
0xbf: {  	[dreg:$0x0] =	wrdreg $0xFFFFFFFF;
	(pc) =	sbr.abs _section_cstart, $3  }
0xc0: {  	[dreg:$0x1] =	wrdreg $0xFFFFFFFF  }
0xc1: {  	_ =	task.clear_ibuf [dreg:s6], $0x2FFFF;
	_ =	strace $0x9FFFFFFF  }
0xc2: {  	(tm) =	ssettm $0x7FFFFFFF  }
0xc3: {  	_ =	shalt  }
tec
execute0_lowered:
.L_overlay_start_1:
0x0: {  	(tag) =	ssettag $0x1  }
0x1: {  	s0 =	srdreg.scid;
	s1 =	rddreg [dreg:$0x0]  }
0x2: {  	s13 =	stileid.u32;
	s2 =	rddreg [dreg:$0x1];
	s18 =	simm.s32 $0x9  }
0x3: {  	s28 =	simm.s32 $0x4;
	s29 =	simm.s32 $0x5;
	s6 =	smul.u32 $0x4E20, s13  }
0x4: {  	s30 =	simm.s32 $0x6;
	s0 =	sand.u32 $0x1, s0;
	s21 =	smul.u32 $0x2710, s13  }
0x5: {  	s31 =	simm.s32 $0x7;
	s3 =	sshll.u32 s13, $0x1;
	s7 =	smul.u32 $0x4E200, s0  }
0x6: {  	s4 =	sor.u32 s0, s3;
	s10 =	ssub.s32 $0x2, s0;
	s0 =	smul.u32 $0x1388, s0  }
0x7: {  	s8 =	sadd.s32 $0x3E000, s1;
	s3 =	simm.s32 $0x0;
	s5 =	smul.u32 $0x280, s4  }
0x8: {  	s22 =	sshll.u32 s13, $0x6;
	[smem:$0x7FF] =	sst s3;
	s12 =	smul.u32 $0x4E20, s4  }
0x9: {  	s19 =	sshrl.u32 s6, $0x3;
	s11 =	sshrl.u32 s10, $0x1;
	s4 =	smul.u32 $0x27100, s4  }
0xa: {  	_ =	strace $0x80000053;
	s7 =	sadd.s32 s6, s7;
	s20 =	ssub.s32 s10, s11  }
0xb: {  	s6 =	sadd.s32 s6, s2;
	s0 =	sadd.s32 s0, s21;
	s21 =	simm.s32 $0x3340  }
0xc: {  	s9 =	sadd.s32 s5, s1;
	s5 =	sadd.s32 s19, s1;
	s7 =	sshrl.u32 s7, $0x3  }
0xd: {  	s4 =	sshrl.u32 s4, $0x3;
	s23 =	sadd.s32 s8, s12;
	s0 =	sshll.u32 s0, $0x2  }
0xe: {  	s26 =	smax.u32 s20, $0x1;
	s17 =	sshrl.u32 s6, $0x3;
	s19 =	simm.s32 $0x1400  }
0xf: {  	s20 =	simm.s32 $0x23A0;
	s1 =	sadd.s32 s7, s1;
	s5 =	sadd.s32 $0xDF400, s5  }
0x10: {  	s9 =	sadd.s32 $0xDA400, s9;
	s4 =	sadd.s32 s8, s4;
	[dreg:$0x5] =	wrdreg s23  }
0x11: {  	[dreg:$0xa] =	wrdreg s26;
	s0 =	sadd.s32 s8, s0;
	s23 =	simm.s32 $0x1  }
0x12: {  	s26 =	simm.s32 $0x3;
	[dreg:$0x3] =	wrdreg s5;
	s5 =	sor.u32 $0x1C09, s22  }
0x13: {  	[dreg:$0x4] =	wrdreg s9;
	s24 =	sadd.s32 $0x1F4, s4;
	s25 =	sadd.s32 $0x3E8, s4  }
0x14: {  	s4 =	sadd.s32 $0x5DC, s4;
	s1 =	sadd.s32 $0x137400, s1;
	[dreg:$0x6] =	wrdreg s24  }
0x15: {  	s10 =	sadd.s32 $0xDAC, s0;
	s14 =	sadd.s32 $0xBB8, s0;
	[dreg:$0x7] =	wrdreg s25  }
0x16: {  	s15 =	sadd.s32 $0x9C4, s0;
	s16 =	sadd.s32 $0x7D0, s0;
	[dreg:$0x8] =	wrdreg s4  }
0x17: {  	s22 =	simm.s32 $0x42E0;
	s0 =	simm.s32 $0x0;
	[dreg:$0x9] =	wrdreg s1  }
0x18: {  	s24 =	simm.s32 $0x7D;
	s25 =	simm.s32 $0x2;
	s1 =	simm.s32 $0x8  }
.LBB2_1:
0x19: {  	s4 =	rddreg [dreg:$0x3]  }
0x1a: {  	[spmem:s17], [sflag:s5] =	dma.local [hbm:s4], $0x9C4  }
0x1b: {  	_ =	swait.ge [sflag:s18], $0x9C4  }
0x1c: {  	[sflag:s18] =	ssyncset.done $0x0  }
0x1d: {  	s12 =	rddreg [dreg:$0x4];
	[sflag:s18] =	ssyncadd.s32 $0xFFFFF63C  }
0x1e: {  	[tilespmem:s3], [sflag:$0x9] =	stream.linear.gather [hbm4b:s12+s3], $0x1400, $0x38;
	[tilespmem:$0xA0A0] =	vst v63  }
0x1f: {  	_ =	swait.ge [sflag:s18], $0x1400  }
0x20: {  	[sflag:s18] =	ssyncset.done $0x0  }
0x21: {  	[sflag:s18] =	ssyncadd.s32 $0xFFFFEC00  }
0x22: {  	[bflag:$0x0] =	sbarrier.arrive $0xFFFF  }
0x23: {  	s13 =	rddreg [dreg:$0x5]  }
0x24: {  	[tilespmem:s19], [sflag:$0x1] =	stream.linear.gather [hbm4b:s13+s3], $0xFA0, $0x38;
	[tilespmem:$0xA0A0] =	vst v63  }
0x25: {  	s6 =	rddreg [dreg:$0x6]  }
0x26: {  	[tilespmem:s20], [sflag:$0x2] =	stream.linear.gather [hbm4b:s6+s3], $0xFA0, $0x38;
	[tilespmem:$0xA0A0] =	vst v63  }
0x27: {  	s7 =	rddreg [dreg:$0x7]  }
0x28: {  	[tilespmem:s21], [sflag:$0x3] =	stream.linear.gather [hbm4b:s7+s3], $0xFA0, $0x38;
	[tilespmem:$0xA0A0] =	vst v63  }
0x29: {  	s8 =	rddreg [dreg:$0x8]  }
0x2a: {  	[tilespmem:s22], [sflag:$0x4] =	stream.linear.gather [hbm4b:s8+s3], $0xFA0, $0x38;
	[tilespmem:$0xA0A0] =	vst v63  }
0x2b: {  	_ =	swait.ge [sflag:s23], $0xFA0  }
0x2c: {  	[sflag:s23] =	ssyncset.done $0x0  }
0x2d: {  	s9 =	simm.s32 $0x0;
	[sflag:s23] =	ssyncadd.s32 $0xFFFFF060  }
0x2e: {  	[spmem:s2] =	stream.indirect.scatter.add.f32 [tilespmem:s19], [sflag:$0x5], $0x20, s9, s24, $0xb8;
	[tilespmem:$0xA0A0] =	vst v63  }
0x2f: {  	_ =	swait.ge [sflag:s25], $0xFA0  }
0x30: {  	[sflag:s25] =	ssyncset.done $0x0  }
0x31: {  	s11 =	simm.s32 $0x80;
	[sflag:s25] =	ssyncadd.s32 $0xFFFFF060  }
0x32: {  	[spmem:s2] =	stream.indirect.scatter.add.f32 [tilespmem:s20], [sflag:$0x6], $0x20, s11, s24, $0xb8;
	[tilespmem:$0xA0A0] =	vst v63  }
0x33: {  	_ =	swait.ge [sflag:s26], $0xFA0  }
0x34: {  	[sflag:s26] =	ssyncset.done $0x0  }
0x35: {  	s12 =	simm.s32 $0x100;
	[sflag:s26] =	ssyncadd.s32 $0xFFFFF060  }
0x36: {  	[spmem:s2] =	stream.indirect.scatter.add.f32 [tilespmem:s21], [sflag:$0x7], $0x20, s12, s24, $0xb8;
	[tilespmem:$0xA0A0] =	vst v63  }
0x37: {  	_ =	swait.ge [sflag:s28], $0xFA0  }
0x38: {  	[sflag:s28] =	ssyncset.done $0x0  }
0x39: {  	s13 =	simm.s32 $0x180;
	[sflag:s28] =	ssyncadd.s32 $0xFFFFF060  }
0x3a: {  	[spmem:s2] =	stream.indirect.scatter.add.f32 [tilespmem:s22], [sflag:$0x8], $0x20, s13, s24, $0xb8;
	[tilespmem:$0xA0A0] =	vst v63  }
0x3b: {  	_ =	swait.ge [sflag:s29], $0xFA0  }
0x3c: {  	[sflag:s29] =	ssyncset.done $0x0  }
0x3d: {  	[sflag:s29] =	ssyncadd.s32 $0xFFFFF060  }
0x3e: {  	[tilespmem:s19], [sflag:$0x1] =	stream.linear.gather [hbm4b:s16+s3], $0xFA0, $0x38;
	[tilespmem:$0xA0A0] =	vst v63  }
0x3f: {  	_ =	swait.ge [sflag:s30], $0xFA0  }
0x40: {  	[sflag:s30] =	ssyncset.done $0x0  }
0x41: {  	[sflag:s30] =	ssyncadd.s32 $0xFFFFF060  }
0x42: {  	[tilespmem:s20], [sflag:$0x2] =	stream.linear.gather [hbm4b:s15+s3], $0xFA0, $0x38;
	[tilespmem:$0xA0A0] =	vst v63  }
0x43: {  	_ =	swait.ge [sflag:s31], $0xFA0  }
0x44: {  	[sflag:s31] =	ssyncset.done $0x0  }
0x45: {  	[sflag:s31] =	ssyncadd.s32 $0xFFFFF060  }
0x46: {  	[tilespmem:s21], [sflag:$0x3] =	stream.linear.gather [hbm4b:s14+s3], $0xFA0, $0x38;
	[tilespmem:$0xA0A0] =	vst v63  }
0x47: {  	s4 =	simm.s32 $0x800;
	s6 =	sadd.s32 $0x7D0, s15;
	_ =	swait.ge [sflag:s1], $0xFA0  }
0x48: {  	s7 =	sadd.s32 $0x7D0, s16;
	s8 =	sadd.s32 $0x7D0, s10;
	[sflag:s1] =	ssyncset.done $0x0  }
0x49: {  	s9 =	sadd.s32 $0x7D0, s14;
	s13 =	smov.u32 s10;
	[sflag:s1] =	ssyncadd.s32 $0xFFFFF060  }
.LBB2_2:
0x4a: {  	[tilespmem:s22], [sflag:$0x4] =	stream.linear.gather [hbm4b:s13+s3], $0xFA0, $0x38;
	[tilespmem:$0xA0A0] =	vst v63  }
0x4b: {  	s11 =	smov.u32 s4;
	s13 =	smov.u32 s8  }
0x4c: {  	p0 =	sne.s32 s4, $0x4000;
	s4 =	sadd.s32 $0x800, s4;
	_ =	swait.ge [sflag:s23], $0xFA0  }
0x4d: {  	[sflag:s23] =	ssyncset.done $0x0  }
0x4e: {  	s11 =	sshra.s32 s11, $0x2;
	[sflag:s23] =	ssyncadd.s32 $0xFFFFF060  }
0x4f: {  	[spmem:s2] =	stream.indirect.scatter.add.f32 [tilespmem:s19], [sflag:$0x5], $0x20, s11, s24, $0xb8;
	[tilespmem:$0xA0A0] =	vst v63  }
0x50: {  	_ =	swait.ge [sflag:s25], $0xFA0  }
0x51: {  	[sflag:s25] =	ssyncset.done $0x0  }
0x52: {  	s12 =	sadd.s32 $0x80, s11;
	[sflag:s25] =	ssyncadd.s32 $0xFFFFF060  }
0x53: {  	[spmem:s2] =	stream.indirect.scatter.add.f32 [tilespmem:s20], [sflag:$0x6], $0x20, s12, s24, $0xb8;
	[tilespmem:$0xA0A0] =	vst v63  }
0x54: {  	_ =	swait.ge [sflag:s26], $0xFA0  }
0x55: {  	[sflag:s26] =	ssyncset.done $0x0  }
0x56: {  	s12 =	sadd.s32 $0x100, s11;
	[sflag:s26] =	ssyncadd.s32 $0xFFFFF060  }
0x57: {  	[spmem:s2] =	stream.indirect.scatter.add.f32 [tilespmem:s21], [sflag:$0x7], $0x20, s12, s24, $0xb8;
	[tilespmem:$0xA0A0] =	vst v63  }
0x58: {  	_ =	swait.ge [sflag:s28], $0xFA0  }
0x59: {  	[sflag:s28] =	ssyncset.done $0x0  }
0x5a: {  	s11 =	sadd.s32 $0x180, s11;
	[sflag:s28] =	ssyncadd.s32 $0xFFFFF060  }
0x5b: {  	[spmem:s2] =	stream.indirect.scatter.add.f32 [tilespmem:s22], [sflag:$0x8], $0x20, s11, s24, $0xb8;
	[tilespmem:$0xA0A0] =	vst v63  }
0x5c: {  	_ =	swait.ge [sflag:s29], $0xFA0  }
0x5d: {  	[sflag:s29] =	ssyncset.done $0x0  }
0x5e: {  	[sflag:s29] =	ssyncadd.s32 $0xFFFFF060  }
0x5f: {  	[tilespmem:s19], [sflag:$0x1] =	stream.linear.gather [hbm4b:s7+s3], $0xFA0, $0x38;
	[tilespmem:$0xA0A0] =	vst v63  }
0x60: {  	_ =	swait.ge [sflag:s30], $0xFA0  }
0x61: {  	[sflag:s30] =	ssyncset.done $0x0  }
0x62: {  	[sflag:s30] =	ssyncadd.s32 $0xFFFFF060  }
0x63: {  	[tilespmem:s20], [sflag:$0x2] =	stream.linear.gather [hbm4b:s6+s3], $0xFA0, $0x38;
	[tilespmem:$0xA0A0] =	vst v63  }
0x64: {  	_ =	swait.ge [sflag:s31], $0xFA0  }
0x65: {  	[sflag:s31] =	ssyncset.done $0x0  }
.Ltmp0:
0x66: {  	[sflag:s31] =	ssyncadd.s32 $0xFFFFF060;
	(pc) =	sbr.rel @p0 .LBB2_2-.Ltmp0, $4  }
0x67: {  	[tilespmem:s21], [sflag:$0x3] =	stream.linear.gather [hbm4b:s9+s3], $0xFA0, $0x38;
	[tilespmem:$0xA0A0] =	vst v63  }
0x68: {  	_ =	swait.ge [sflag:s1], $0xFA0  }
0x69: {  	s7 =	sadd.s32 $0x7D0, s7;
	s6 =	sadd.s32 $0x7D0, s6;
	[sflag:s1] =	ssyncset.done $0x0  }
0x6a: {  	s8 =	sadd.s32 $0x7D0, s8;
	s9 =	sadd.s32 $0x7D0, s9;
	[sflag:s1] =	ssyncadd.s32 $0xFFFFF060  }
0x6b: {  	[tilespmem:s22], [sflag:$0x4] =	stream.linear.gather [hbm4b:s13+s3], $0xFA0, $0x38;
	[tilespmem:$0xA0A0] =	vst v63  }
0x6c: {  	_ =	swait.ge [sflag:s23], $0xFA0  }
0x6d: {  	[sflag:s23] =	ssyncset.done $0x0  }
0x6e: {  	s4 =	simm.s32 $0x1200;
	[sflag:s23] =	ssyncadd.s32 $0xFFFFF060  }
0x6f: {  	[spmem:s2] =	stream.indirect.scatter.add.f32 [tilespmem:s19], [sflag:$0x5], $0x20, s4, s24, $0xb8;
	[tilespmem:$0xA0A0] =	vst v63  }
0x70: {  	_ =	swait.ge [sflag:s25], $0xFA0  }
0x71: {  	[sflag:s25] =	ssyncset.done $0x0  }
0x72: {  	s8 =	simm.s32 $0x1280;
	[sflag:s25] =	ssyncadd.s32 $0xFFFFF060  }
0x73: {  	[spmem:s2] =	stream.indirect.scatter.add.f32 [tilespmem:s20], [sflag:$0x6], $0x20, s8, s24, $0xb8;
	[tilespmem:$0xA0A0] =	vst v63  }
0x74: {  	_ =	swait.ge [sflag:s26], $0xFA0  }
0x75: {  	[sflag:s26] =	ssyncset.done $0x0  }
0x76: {  	s9 =	simm.s32 $0x1300;
	[sflag:s26] =	ssyncadd.s32 $0xFFFFF060  }
0x77: {  	[spmem:s2] =	stream.indirect.scatter.add.f32 [tilespmem:s21], [sflag:$0x7], $0x20, s9, s24, $0xb8;
	[tilespmem:$0xA0A0] =	vst v63  }
0x78: {  	_ =	swait.ge [sflag:s28], $0xFA0  }
0x79: {  	[sflag:s28] =	ssyncset.done $0x0  }
0x7a: {  	s11 =	simm.s32 $0x1380;
	[sflag:s28] =	ssyncadd.s32 $0xFFFFF060  }
0x7b: {  	[spmem:s2] =	stream.indirect.scatter.add.f32 [tilespmem:s22], [sflag:$0x8], $0x20, s11, s24, $0xb8;
	[tilespmem:$0xA0A0] =	vst v63  }
0x7c: {  	_ =	swait.ge [sflag:s29], $0xFA0  }
0x7d: {  	[sflag:s29] =	ssyncset.done $0x0  }
0x7e: {  	[sflag:s29] =	ssyncadd.s32 $0xFFFFF060  }
0x7f: {  	_ =	swait.ge [sflag:s30], $0xFA0  }
0x80: {  	[sflag:s30] =	ssyncset.done $0x0  }
0x81: {  	[sflag:s30] =	ssyncadd.s32 $0xFFFFF060  }
0x82: {  	_ =	swait.ge [sflag:s31], $0xFA0  }
0x83: {  	[sflag:s31] =	ssyncset.done $0x0  }
0x84: {  	[sflag:s31] =	ssyncadd.s32 $0xFFFFF060  }
0x85: {  	_ =	swait.ge [sflag:s1], $0xFA0  }
0x86: {  	[sflag:s1] =	ssyncset.done $0x0  }
0x87: {  	[sflag:s1] =	ssyncadd.s32 $0xFFFFF060  }
0x88: {  	[bflag:$0x0] =	sbarrier.arrive $0xFFFF  }
0x89: {  	s12 =	rddreg [dreg:$0x9]  }
0x8a: {  	[hbm:s12], [sflag:s5] =	dma.local [spmem:s17], $0x9C4  }
0x8b: {  	_ =	swait.ge [sflag:s18], $0x9C4  }
0x8c: {  	s0 =	sadd.s32 $0x1, s0;
	s13 =	rddreg [dreg:$0xa]  }
0x8d: {  	p0 =	sne.s32 s0, s13  }
.Ltmp1:
0x8e: {  	_ = 	snop;
	(pc) =	sbr.rel @p0 .LBB2_1-.Ltmp1, $3  }
0x8f: {  	_ =	sdelay $0x1  }
0x90: {  	[sflag:s18] =	ssyncset.done $0x0  }
0x91: {  	[sflag:s18] =	ssyncadd.s32 $0xFFFFF63C  }
0x92: {  	_ =	sfence.sel $0x180000  }
0x93: {  	[bflag:$0x0] =	sbarrier.arrive $0xFFFF  }
0x94: {  	_ =	strace $0x90000053  }
0x95: {  	s0 =	stileid.u32;
	[bflag:$0x2] =	sbarrier.arrive $0xFFFF  }
0x96: {  	p0 =	sne.s32 s0, $0x0;
	s0 =	rddreg [dreg:$0x2]  }
0x97: {  	s0 =	sadd.s32 @!p0 $0x100000, s0  }
0x98: {  	[sflag:s0] =	ssyncadd.tile.s32 @!p0 $0x1;
	_ =	shalt  }
.Lfunc_end2:
_tile_overlayer_lowered:
.L_overlay_start_2:
0x99: {  	(tag) =	ssettag $0x2  }
0x9a: {  	s0 =	rddreg [dreg:$0x0];
	s2 =	stileid.u32  }
0x9b: {  	s1 =	rddreg [dreg:$0x1];
	p0 =	sne.s32 s2, $0x0  }
0x9c: {  	s3 =	rddreg [dreg:$0x2];
	[bflag:$0x3] =	sbarrier.arrive $0xFFFF;
	s2 =	simm.s32 @!p0 $0x1C09  }
0x9d: {  	[timem:s3], [sflag:s2] =	dma.local @!p0 [hbm:s0], s1  }
0x9e: {  	s0 =	simm.s32 @!p0 $0x9  }
0x9f: {  	_ =	swait.ge @!p0 [sflag:s0], s1  }
0xa0: {  	s1 =	ssub.s32 @!p0 $0x0, s1;
	[sflag:s0] =	ssyncset.done @!p0 $0x0  }
0xa1: {  	[sflag:s0] =	ssyncadd.s32 @!p0 s1  }
0xa2: {  	[bflag:$0x3] =	sbarrier.arrive $0xFFFF  }
0xa3: {  	_ =	shalt  }

// kernel: kernel.32.cloned.1.call-start
scs
__scs_entry_jumppad:
0x0: {  	(pc) =	sbr.rel $0x88, $3  }
0x1: {  	(tag) =	ssettag $0x0;
	lr =	simm.s32 $0x1  }
0x2: {  	[smem:$0x3F8E] =	sst lr;
	_ =	strace $0xD0000000  }
0x3: {  	_ = 	snop  }
0x4: {  	_ = 	snop  }
0x5: {  	_ = 	snop  }
0x6: {  	_ = 	snop  }
0x7: {  	_ = 	snop  }
__scs_overlays_trampoline_lowered:
0x8: {  	[smem:$0x3F9D] =	sst s0  }
0x9: {  	[smem:$0x3F9E] =	sst s1  }
0xa: {  	[smem:$0x3F9F] =	sst s2  }
0xb: {  	[smem:$0x3FA0] =	sst s3  }
0xc: {  	[smem:$0x3FA1] =	sst s4  }
0xd: {  	[smem:$0x3FA2] =	sst s5  }
0xe: {  	[smem:$0x3FA3] =	sst s6  }
0xf: {  	[smem:$0x3FA4] =	sst s7  }
0x10: {  	[smem:$0x3FA5] =	sst s8  }
0x11: {  	[smem:$0x3FA6] =	sst s9;
	s0 =	simm.s32 @!p0 $0x0  }
0x12: {  	s1 =	sld [smem:$0x3F8C];
	s0 =	simm.s32 @p0 $0x1  }
0x13: {  	[smem:$0x3FA7] =	sst s0;
	s0 =	simm.s32 @!p1 $0x0  }
0x14: {  	s2 =	sld [smem:$0x3F8B];
	s0 =	simm.s32 @p1 $0x1  }
0x15: {  	[smem:$0x3FA8] =	sst s0;
	s0 =	simm.s32 @!p2 $0x0  }
0x16: {  	s3 =	sld [smem:$0x3FDB];
	s0 =	simm.s32 @p2 $0x1  }
0x17: {  	s4 =	simm.s32 $0x1BF5;
	[smem:$0x3FAA] =	sst s0  }
0x18: {  	s0 =	sld [smem:$0x3F8D];
	_ =	swait.ge [sflag:s4], $0x0  }
0x19: {  	s7 =	sld [smem:$0x3F8E]  }
0x1a: {  	s8 =	sadd.s32 $0xFFFFE003, lr  }
0x1b: {  	s9 =	sadd.s32 $0xFFFFFEF7, lr;
	s5 =	simm.s32 $0xFFFFFFFF;
	p2 =	slt.u32 s8, $0xFFFFF086  }
0x1c: {  	p1 =	slt.u32 s9, $0xF7A;
	s5 =	simm.s32 @!p2 $0x0  }
0x1d: {  	s5 =	simm.s32 @p1 $0x1;
	p0 =	seq.s32 s7, s2  }
0x1e: {  	s7 =	smul.u32 @!p0 $0xF7A, s2;
	p2 =	seq.s32 @!p0 s5, $0x0  }
0x1f: {  	s9 =	smul.u32 $0xF7A, s1;
	s8 =	simm.s32 @!p0 $0x1BF5;
	p2 =	por !p2, p0  }
0x20: {  	[sflag:s8] =	ssyncset.s32 @!p0 $0xFFFFF086;
	s6 =	sadd.s32 @!p0 s3, s7;
	s7 =	simm.s32 @!p0 $0x108  }
0x21: {  	s3 =	sadd.s32 s3, s9;
	s6 =	sadd.s32 @!p0 $0x88, s6;
	s7 =	simm.s32 @p2 $0x1082  }
0x22: {  	[simem:s7], [sflag:s8] =	dma.local @!p0 [hbm:s6], $0xF7A  }
0x23: {  	s9 =	sor.u32 $0xD0000000, s2;
	s6 =	simm.s32 $0x108;
	_ =	swait.ge @!p0 [sflag:s8], $0x0  }
0x24: {  	s3 =	sadd.s32 $0x88, s3;
	s6 =	simm.s32 @!p1 $0x1082;
	[sflag:s4] =	ssyncset.s32 $0xFFFFF086  }
0x25: {  	[simem:s6], [sflag:s4] =	dma.local [hbm:s3], $0xF7A  }
0x26: {  	[smem:$0x3F8E] =	sst s1;
	(tag) =	ssettag s2;
	_ =	strace s9  }
0x27: {  	s1 =	sld [smem:$0x3F9E]  }
0x28: {  	s2 =	sld [smem:$0x3F9F]  }
0x29: {  	s4 =	sld [smem:$0x3FA1]  }
0x2a: {  	p0 =	seq.s32 s5, $0x0;
	s5 =	sld [smem:$0x3FA2]  }
0x2b: {  	s6 =	sld [smem:$0x3FA3]  }
0x2c: {  	s7 =	sld [smem:$0x3FA4]  }
0x2d: {  	s3 =	simm.s32 $0x108;
	s8 =	sld [smem:$0x3FA5]  }
0x2e: {  	s3 =	simm.s32 @!p0 $0x1082;
	s9 =	sld [smem:$0x3FA6]  }
0x2f: {  	lr =	sadd.s32 s0, s3;
	s0 =	sld [smem:$0x3F9D]  }
0x30: {  	s3 =	sld [smem:$0x3FA0]  }
0x31: {  	[smem:$0x3FA9] =	sst s10  }
0x32: {  	s10 =	sld [smem:$0x3FA7];
	_ =	sdelay $0x3  }
0x33: {  	p0 =	seq.s32 s10, $0x1;
	s10 =	sld [smem:$0x3FA9];
	_ =	sdelay $0x3  }
0x34: {  	[smem:$0x3FA9] =	sst s10  }
0x35: {  	s10 =	sld [smem:$0x3FA8];
	_ =	sdelay $0x3  }
0x36: {  	p1 =	seq.s32 s10, $0x1;
	s10 =	sld [smem:$0x3FA9];
	_ =	sdelay $0x3  }
0x37: {  	[smem:$0x3FA9] =	sst s10  }
0x38: {  	s10 =	sld [smem:$0x3FAA]  }
0x39: {  	_ = 	snop;
	(pc) =	sbr.ind lr, $3  }
0x3a: {  	_ = 	snop  }
0x3b: {  	_ = 	snop  }
0x3c: {  	p2 =	seq.s32 s10, $0x1;
	s10 =	sld [smem:$0x3FA9]  }
0x3d: {  	_ =	shalt  }
0x3e: {  	_ =	shalt  }
0x3f: {  	_ =	shalt  }
0x40: {  	_ =	shalt  }
0x41: {  	_ =	shalt  }
0x42: {  	_ =	shalt  }
0x43: {  	_ =	shalt  }
0x44: {  	_ =	shalt  }
0x45: {  	_ =	shalt  }
0x46: {  	_ =	shalt  }
0x47: {  	_ =	shalt  }
0x48: {  	_ =	shalt  }
0x49: {  	_ =	shalt  }
0x4a: {  	_ =	shalt  }
0x4b: {  	_ =	shalt  }
0x4c: {  	_ =	shalt  }
0x4d: {  	_ =	shalt  }
0x4e: {  	_ =	shalt  }
0x4f: {  	_ =	shalt  }
0x50: {  	_ =	shalt  }
0x51: {  	_ =	shalt  }
0x52: {  	_ =	shalt  }
0x53: {  	_ =	shalt  }
0x54: {  	_ =	shalt  }
0x55: {  	_ =	shalt  }
0x56: {  	_ =	shalt  }
0x57: {  	_ =	shalt  }
0x58: {  	_ =	shalt  }
0x59: {  	_ =	shalt  }
0x5a: {  	_ =	shalt  }
0x5b: {  	_ =	shalt  }
0x5c: {  	_ =	shalt  }
0x5d: {  	_ =	shalt  }
0x5e: {  	_ =	shalt  }
0x5f: {  	_ =	shalt  }
0x60: {  	_ =	shalt  }
0x61: {  	_ =	shalt  }
0x62: {  	_ =	shalt  }
0x63: {  	_ =	shalt  }
0x64: {  	_ =	shalt  }
0x65: {  	_ =	shalt  }
0x66: {  	_ =	shalt  }
0x67: {  	_ =	shalt  }
0x68: {  	_ =	shalt  }
0x69: {  	_ =	shalt  }
0x6a: {  	_ =	shalt  }
0x6b: {  	_ =	shalt  }
0x6c: {  	_ =	shalt  }
0x6d: {  	_ =	shalt  }
0x6e: {  	_ =	shalt  }
0x6f: {  	_ =	shalt  }
0x70: {  	_ =	shalt  }
0x71: {  	_ =	shalt  }
0x72: {  	_ =	shalt  }
0x73: {  	_ =	shalt  }
0x74: {  	_ =	shalt  }
0x75: {  	_ =	shalt  }
0x76: {  	_ =	shalt  }
0x77: {  	_ =	shalt  }
0x78: {  	_ =	shalt  }
0x79: {  	_ =	shalt  }
0x7a: {  	_ =	shalt  }
0x7b: {  	_ =	shalt  }
0x7c: {  	_ =	shalt  }
0x7d: {  	_ =	shalt  }
0x7e: {  	_ =	shalt  }
0x7f: {  	_ =	shalt  }
0x80: {  	_ =	shalt  }
0x81: {  	_ =	shalt  }
0x82: {  	_ =	shalt  }
0x83: {  	_ =	shalt  }
0x84: {  	_ =	shalt  }
0x85: {  	_ =	shalt  }
0x86: {  	_ =	shalt  }
0x87: {  	_ =	shalt  }
.Lfunc_end0:
.L_simem_size_0:
called_computation.5_lowered:
.L_overlay_start_0:
0x88: {  	s2 =	sld [smem:$0x3FD9]  }
0x89: {  	s3 =	sld [smem:$0x3FFE];
	_ =	sdelay $0x1  }
0x8a: {  	s1 =	srdreg.scid  }
0x8b: {  	s0 =	sand.u32 $0x1, s1  }
0x8c: {  	s16 =	sshll.u32 s0, $0xA;
	s2 =	sadd.s32 s3, s2  }
0x8d: {  	s2 =	sadd.s32 s2, s16  }
0x8e: {  	[smem:$0x3FB5] =	sst s2  }
0x8f: {  	_ = 	snop  }
0x90: {  	(tm) =	ssettm $0x1  }
0x91: {  	s17 =	sld [smem:$0x3FFB];
	_ =	sdelay $0x3  }
0x92: {  	_ =	strace s17  }
0x93: {  	s2 =	sld [smem:$0x3FFC];
	_ =	sdelay $0x3  }
0x94: {  	_ =	strace s2  }
0x95: {  	s2 =	sld [smem:$0x3FFD];
	_ =	sdelay $0x3  }
0x96: {  	_ =	strace s2  }
0x97: {  	_ =	strace $0x8FFFFFFF  }
0x98: {  	s18 =	sld [smem:$0x3FDB];
	_ =	sdelay $0x1  }
0x99: {  	s19 =	simm.s32 $_scs_section_size  }
0x9a: {  	s4 =	simm.s32 $_size__tile_overlayer_lowered;
	s5 =	simm.s32 $_tile_overlayer_lowered  }
0x9b: {  	s22 =	simm.s32 $0x1BFF;
	s21 =	sshll.u32 s5, $0x1;
	s2 =	sadd.s32 s19, s18  }
0x9c: {  	s6 =	simm.s32 $0x0;
	s20 =	sshll.u32 s4, $0x1;
	s4 =	sadd.s32 s21, s2  }
0x9d: {  	[timem:s6], [sflag:s22] =	dma.local [hbm:s4], s20  }
0x9e: {  	_ =	swait.ge [sflag:s22], s20  }
0x9f: {  	s3 =	ssub.s32 $0x0, s20;
	[sflag:s22] =	ssyncset.done $0x0  }
0xa0: {  	[sflag:s22] =	ssyncadd.s32 s3;
	_ =	sdelay $0x1  }
0xa1: {  	s23 =	simm.s32 $0x1B8B  }
0xa2: {  	_ =	swait.ge [sflag:s23], $0x1  }
0xa3: {  	[sflag:s23] =	ssyncset.done $0x0  }
0xa4: {  	s25 =	simm.s32 $0x1B8E;
	s24 =	sld [smem:$0x3FFE];
	[sflag:s23] =	ssyncadd.s32 $0xFFFFFFFF  }
0xa5: {  	s26 =	simm.s32 $execute0_lowered;
	[smem:$0x3FD2] =	sst s25  }
0xa6: {  	s4 =	sshll.u32 s26, $0x1;
	_ =	strace $0x80000055;
	[dreg:$0x1] =	wrdreg $0xFFFFFFFF  }
0xa7: {  	s28 =	simm.s32 $_size_execute0_lowered;
	s2 =	sadd.s32 s2, s4;
	[dreg:$0x0] =	wrdreg $0x0  }
0xa8: {  	s4 =	sshll.u32 s28, $0x1;
	[dreg:$0x2] =	wrdreg s2  }
0xa9: {  	[dreg:$0x3] =	wrdreg s4  }
0xaa: {  	[dreg:$0x4] =	wrdreg $0xC0  }
0xab: {  	_ =	task [dreg:s6], $0x5FFFF  }
0xac: {  	[dreg:$0x1] =	wrdreg $0xFFFFFFFF  }
0xad: {  	[dreg:$0x0] =	wrdreg $0x60  }
0xae: {  	[dreg:$0x2] =	wrdreg s24  }
0xaf: {  	[dreg:$0x3] =	wrdreg $0x9  }
0xb0: {  	_ =	task.clear_ibuf [dreg:s6], $0x4FFFF;
	_ =	strace $0x90000055  }
0xb1: {  	s29 =	simm.s32 $0x9;
	_ =	strace $0x80000057  }
0xb2: {  	_ =	swait.ge [sflag:s29], $0x1  }
0xb3: {  	[sflag:s29] =	ssyncadd.s32 $0xFFFFFFFF  }
0xb4: {  	_ =	strace $0x90000057  }
0xb5: {  	_ =	sfence  }
0xb6: {  	s30 =	sld [smem:$0x0];
	_ =	sdelay $0x2  }
0xb7: {  	s31 =	sshll.u32 s1, $0xD;
	s1 =	sshrl.u32 s1, $0x2  }
0xb8: {  	s3 =	sand.u32 $0x4000, s31;
	s1 =	sadd.s32 s1, s30  }
0xb9: {  	s0 =	sor.u32 s3, s0;
	s1 =	sshll.u32 s1, $0x11  }
0xba: {  	s0 =	sor.u32 s1, s0  }
0xbb: {  	s0 =	sadd.s32 $0x8F2B, s0  }
0xbc: {  	[sflag:s0] =	ssyncadd.remote.s32 $0x1  }
0xbd: {  	_ =	sfence.sel $0xFFFF  }
0xbe: {  	[dreg:$0x0] =	wrdreg $0xFFFFFFFF;
	(pc) =	sbr.abs _section_cstart, $3  }
0xbf: {  	[dreg:$0x1] =	wrdreg $0xFFFFFFFF  }
0xc0: {  	_ =	task.clear_ibuf [dreg:s6], $0x2FFFF;
	_ =	strace $0x9FFFFFFF  }
0xc1: {  	(tm) =	ssettm $0x7FFFFFFF  }
tec
execute0_lowered:
.L_overlay_start_1:
0x0: {  	(tag) =	ssettag $0x1  }
0x1: {  	s0 =	rddreg [dreg:$0x0]  }
0x2: {  	s1 =	srdreg.scid;
	s11 =	stileid.u32;
	s2 =	simm.s32 $0x0  }
0x3: {  	s14 =	simm.s32 $0x9;
	s15 =	simm.s32 $0x7D;
	s16 =	simm.s32 $0x1400  }
0x4: {  	s18 =	simm.s32 $0x23A0;
	s20 =	simm.s32 $0x3340;
	s22 =	simm.s32 $0x42E0  }
0x5: {  	s23 =	simm.s32 $0x1;
	s28 =	simm.s32 $0x5;
	s7 =	smul.u32 $0x2710, s11  }
0x6: {  	s1 =	sand.u32 $0x1, s1;
	s3 =	sshll.u32 s11, $0x1;
	s11 =	smul.u32 $0x9C40, s11  }
0x7: {  	s29 =	simm.s32 $0x6;
	[smem:$0x7FF] =	sst s2;
	s9 =	smul.u32 $0x1388, s1  }
0x8: {  	s4 =	sor.u32 s1, s3;
	s25 =	ssub.s32 $0x2, s1;
	s1 =	smul.u32 $0x4E20, s1  }
0x9: {  	s30 =	simm.s32 $0x7;
	_ =	strace $0x80000056;
	s5 =	smul.u32 $0x280, s4  }
0xa: {  	s31 =	simm.s32 $0x8;
	s3 =	sadd.s32 $0x137400, s0;
	s6 =	smul.u32 $0x4E20, s4  }
0xb: {  	s8 =	sshrl.u32 s25, $0x1;
	s26 =	sadd.s32 s9, s7;
	s24 =	sadd.s32 s5, s0  }
0xc: {  	s0 =	sadd.s32 $0x3E000, s0;
	s5 =	ssub.s32 s25, s8;
	s9 =	sshll.u32 s26, $0x2  }
0xd: {  	s25 =	simm.s32 $0x3;
	s26 =	simm.s32 $0x4;
	s4 =	sadd.s32 $0x39000, s24  }
0xe: {  	s10 =	sadd.s32 s0, s6;
	s5 =	smax.u32 s5, $0x1;
	s12 =	sadd.s32 s0, s9  }
0xf: {  	s0 =	sadd.s32 s11, s0;
	s24 =	simm.s32 $0x2;
	[dreg:$0x2] =	wrdreg s4  }
0x10: {  	s6 =	sadd.s32 $0x4650, s10;
	s7 =	sadd.s32 $0x4844, s10;
	s8 =	sadd.s32 $0x4A38, s10  }
0x11: {  	s9 =	sadd.s32 $0x4C2C, s10;
	s10 =	sadd.s32 $0x5DC, s12;
	s11 =	sadd.s32 $0x3E8, s12  }
0x12: {  	s12 =	sadd.s32 $0x1F4, s12;
	s13 =	sadd.s32 s1, s0;
	s0 =	simm.s32 $0x0  }
.LBB2_1:
0x13: {  	s1 =	rddreg [dreg:$0x2]  }
0x14: {  	[tilespmem:s2], [sflag:$0x9] =	stream.linear.gather [hbm4b:s1+s2], $0x1400, $0x38;
	[tilespmem:$0x5280] =	vst v63  }
0x15: {  	_ =	swait.ge [sflag:s14], $0x1400  }
0x16: {  	[sflag:s14] =	ssyncset.done $0x0  }
0x17: {  	[sflag:s14] =	ssyncadd.s32 $0xFFFFEC00  }
0x18: {  	[tilespmem:s16], [sflag:$0x1] =	stream.indirect.gather [hbm4b:s3+s15], $0x20, s2, s15, $0xb8;
	[tilespmem:$0x5280] =	vst v63  }
0x19: {  	s19 =	simm.s32 $0x80  }
0x1a: {  	[tilespmem:s18], [sflag:$0x2] =	stream.indirect.gather [hbm4b:s3+s15], $0x20, s19, s15, $0xb8;
	[tilespmem:$0x5280] =	vst v63  }
0x1b: {  	s21 =	simm.s32 $0x100  }
0x1c: {  	[tilespmem:s20], [sflag:$0x3] =	stream.indirect.gather [hbm4b:s3+s15], $0x20, s21, s15, $0xb8;
	[tilespmem:$0x5280] =	vst v63  }
0x1d: {  	s4 =	simm.s32 $0x180  }
0x1e: {  	[tilespmem:s22], [sflag:$0x4] =	stream.indirect.gather [hbm4b:s3+s15], $0x20, s4, s15, $0xb8;
	[tilespmem:$0x5280] =	vst v63  }
0x1f: {  	_ =	swait.ge [sflag:s23], $0xFA0  }
0x20: {  	[sflag:s23] =	ssyncset.done $0x0  }
0x21: {  	s17 =	sadd.s32 $0x0, s13;
	[sflag:s23] =	ssyncadd.s32 $0xFFFFF060  }
0x22: {  	[hbm4b:s17+s2] =	stream.linear.scatter [tilespmem:s16], [sflag:$0x5], $0xFA0, $0x38;
	[tilespmem:$0x5280] =	vst v63  }
0x23: {  	_ =	swait.ge [sflag:s24], $0xFA0  }
0x24: {  	[sflag:s24] =	ssyncset.done $0x0  }
0x25: {  	s19 =	sadd.s32 $0x0, s12;
	[sflag:s24] =	ssyncadd.s32 $0xFFFFF060  }
0x26: {  	[hbm4b:s19+s2] =	stream.linear.scatter [tilespmem:s18], [sflag:$0x6], $0xFA0, $0x38;
	[tilespmem:$0x5280] =	vst v63  }
0x27: {  	_ =	swait.ge [sflag:s25], $0xFA0  }
0x28: {  	[sflag:s25] =	ssyncset.done $0x0  }
0x29: {  	s21 =	sadd.s32 $0x0, s11;
	[sflag:s25] =	ssyncadd.s32 $0xFFFFF060  }
0x2a: {  	[hbm4b:s21+s2] =	stream.linear.scatter [tilespmem:s20], [sflag:$0x7], $0xFA0, $0x38;
	[tilespmem:$0x5280] =	vst v63  }
0x2b: {  	_ =	swait.ge [sflag:s26], $0xFA0  }
0x2c: {  	[sflag:s26] =	ssyncset.done $0x0  }
0x2d: {  	s4 =	sadd.s32 $0x0, s10;
	[sflag:s26] =	ssyncadd.s32 $0xFFFFF060  }
0x2e: {  	[hbm4b:s4+s2] =	stream.linear.scatter [tilespmem:s22], [sflag:$0x8], $0xFA0, $0x38;
	[tilespmem:$0x5280] =	vst v63  }
0x2f: {  	_ =	swait.ge [sflag:s28], $0xFA0  }
0x30: {  	[sflag:s28] =	ssyncset.done $0x0  }
0x31: {  	s17 =	simm.s32 $0x200;
	[sflag:s28] =	ssyncadd.s32 $0xFFFFF060  }
0x32: {  	[tilespmem:s16], [sflag:$0x1] =	stream.indirect.gather [hbm4b:s3+s15], $0x20, s17, s15, $0xb8;
	[tilespmem:$0x5280] =	vst v63  }
0x33: {  	_ =	swait.ge [sflag:s29], $0xFA0  }
0x34: {  	[sflag:s29] =	ssyncset.done $0x0  }
0x35: {  	s19 =	simm.s32 $0x280;
	[sflag:s29] =	ssyncadd.s32 $0xFFFFF060  }
0x36: {  	[tilespmem:s18], [sflag:$0x2] =	stream.indirect.gather [hbm4b:s3+s15], $0x20, s19, s15, $0xb8;
	[tilespmem:$0x5280] =	vst v63  }
0x37: {  	_ =	swait.ge [sflag:s30], $0xFA0  }
0x38: {  	[sflag:s30] =	ssyncset.done $0x0  }
0x39: {  	s21 =	simm.s32 $0x300;
	[sflag:s30] =	ssyncadd.s32 $0xFFFFF060  }
0x3a: {  	[tilespmem:s20], [sflag:$0x3] =	stream.indirect.gather [hbm4b:s3+s15], $0x20, s21, s15, $0xb8;
	[tilespmem:$0x5280] =	vst v63  }
0x3b: {  	_ =	swait.ge [sflag:s31], $0xFA0  }
0x3c: {  	s1 =	simm.s32 $0x380;
	[sflag:s31] =	ssyncset.done $0x0  }
0x3d: {  	s17 =	simm.s32 $0x7D0;
	s19 =	simm.s32 $0x580;
	[sflag:s31] =	ssyncadd.s32 $0xFFFFF060  }
.LBB2_2:
0x3e: {  	[tilespmem:s22], [sflag:$0x4] =	stream.indirect.gather [hbm4b:s3+s15], $0x20, s1, s15, $0xb8;
	[tilespmem:$0x5280] =	vst v63  }
0x3f: {  	s21 =	smov.u32 s17;
	s1 =	smov.u32 s19  }
0x40: {  	p0 =	sne.s32 s17, $0x3E80;
	s17 =	sadd.s32 $0x7D0, s17;
	_ =	swait.ge [sflag:s23], $0xFA0  }
0x41: {  	[sflag:s23] =	ssyncset.done $0x0  }
0x42: {  	s4 =	sadd.s32 s21, s13;
	[sflag:s23] =	ssyncadd.s32 $0xFFFFF060  }
0x43: {  	[hbm4b:s4+s2] =	stream.linear.scatter [tilespmem:s16], [sflag:$0x5], $0xFA0, $0x38;
	[tilespmem:$0x5280] =	vst v63  }
0x44: {  	_ =	swait.ge [sflag:s24], $0xFA0  }
0x45: {  	[sflag:s24] =	ssyncset.done $0x0  }
0x46: {  	s4 =	sadd.s32 s21, s12;
	[sflag:s24] =	ssyncadd.s32 $0xFFFFF060  }
0x47: {  	[hbm4b:s4+s2] =	stream.linear.scatter [tilespmem:s18], [sflag:$0x6], $0xFA0, $0x38;
	[tilespmem:$0x5280] =	vst v63  }
0x48: {  	_ =	swait.ge [sflag:s25], $0xFA0  }
0x49: {  	[sflag:s25] =	ssyncset.done $0x0  }
0x4a: {  	s4 =	sadd.s32 s21, s11;
	[sflag:s25] =	ssyncadd.s32 $0xFFFFF060  }
0x4b: {  	[hbm4b:s4+s2] =	stream.linear.scatter [tilespmem:s20], [sflag:$0x7], $0xFA0, $0x38;
	[tilespmem:$0x5280] =	vst v63  }
0x4c: {  	_ =	swait.ge [sflag:s26], $0xFA0  }
0x4d: {  	[sflag:s26] =	ssyncset.done $0x0  }
0x4e: {  	s4 =	sadd.s32 s21, s10;
	[sflag:s26] =	ssyncadd.s32 $0xFFFFF060  }
0x4f: {  	[hbm4b:s4+s2] =	stream.linear.scatter [tilespmem:s22], [sflag:$0x8], $0xFA0, $0x38;
	[tilespmem:$0x5280] =	vst v63  }
0x50: {  	_ =	swait.ge [sflag:s28], $0xFA0  }
0x51: {  	[sflag:s28] =	ssyncset.done $0x0  }
0x52: {  	s4 =	sadd.s32 $0xFFFFFE80, s19;
	[sflag:s28] =	ssyncadd.s32 $0xFFFFF060  }
0x53: {  	[tilespmem:s16], [sflag:$0x1] =	stream.indirect.gather [hbm4b:s3+s15], $0x20, s4, s15, $0xb8;
	[tilespmem:$0x5280] =	vst v63  }
0x54: {  	_ =	swait.ge [sflag:s29], $0xFA0  }
0x55: {  	[sflag:s29] =	ssyncset.done $0x0  }
0x56: {  	s4 =	sadd.s32 $0xFFFFFF00, s19;
	[sflag:s29] =	ssyncadd.s32 $0xFFFFF060  }
0x57: {  	[tilespmem:s18], [sflag:$0x2] =	stream.indirect.gather [hbm4b:s3+s15], $0x20, s4, s15, $0xb8;
	[tilespmem:$0x5280] =	vst v63  }
0x58: {  	_ =	swait.ge [sflag:s30], $0xFA0  }
0x59: {  	[sflag:s30] =	ssyncset.done $0x0  }
.Ltmp0:
0x5a: {  	s4 =	sadd.s32 $0xFFFFFF80, s19;
	[sflag:s30] =	ssyncadd.s32 $0xFFFFF060;
	(pc) =	sbr.rel @p0 .LBB2_2-.Ltmp0, $4  }
0x5b: {  	[tilespmem:s20], [sflag:$0x3] =	stream.indirect.gather [hbm4b:s3+s15], $0x20, s4, s15, $0xb8;
	[tilespmem:$0x5280] =	vst v63  }
0x5c: {  	_ =	swait.ge [sflag:s31], $0xFA0  }
0x5d: {  	[sflag:s31] =	ssyncset.done $0x0  }
0x5e: {  	s19 =	sadd.s32 $0x200, s19;
	[sflag:s31] =	ssyncadd.s32 $0xFFFFF060  }
0x5f: {  	[tilespmem:s22], [sflag:$0x4] =	stream.indirect.gather [hbm4b:s3+s15], $0x20, s1, s15, $0xb8;
	[tilespmem:$0x5280] =	vst v63  }
0x60: {  	_ =	swait.ge [sflag:s23], $0xFA0  }
0x61: {  	[sflag:s23] =	ssyncset.done $0x0  }
0x62: {  	[sflag:s23] =	ssyncadd.s32 $0xFFFFF060  }
0x63: {  	[hbm4b:s6+s2] =	stream.linear.scatter [tilespmem:s16], [sflag:$0x5], $0xFA0, $0x38;
	[tilespmem:$0x5280] =	vst v63  }
0x64: {  	_ =	swait.ge [sflag:s24], $0xFA0  }
0x65: {  	[sflag:s24] =	ssyncset.done $0x0  }
0x66: {  	[sflag:s24] =	ssyncadd.s32 $0xFFFFF060  }
0x67: {  	[hbm4b:s7+s2] =	stream.linear.scatter [tilespmem:s18], [sflag:$0x6], $0xFA0, $0x38;
	[tilespmem:$0x5280] =	vst v63  }
0x68: {  	_ =	swait.ge [sflag:s25], $0xFA0  }
0x69: {  	[sflag:s25] =	ssyncset.done $0x0  }
0x6a: {  	[sflag:s25] =	ssyncadd.s32 $0xFFFFF060  }
0x6b: {  	[hbm4b:s8+s2] =	stream.linear.scatter [tilespmem:s20], [sflag:$0x7], $0xFA0, $0x38;
	[tilespmem:$0x5280] =	vst v63  }
0x6c: {  	_ =	swait.ge [sflag:s26], $0xFA0  }
0x6d: {  	[sflag:s26] =	ssyncset.done $0x0  }
0x6e: {  	[sflag:s26] =	ssyncadd.s32 $0xFFFFF060  }
0x6f: {  	[hbm4b:s9+s2] =	stream.linear.scatter [tilespmem:s22], [sflag:$0x8], $0xFA0, $0x38;
	[tilespmem:$0x5280] =	vst v63  }
0x70: {  	_ =	swait.ge [sflag:s28], $0xFA0  }
0x71: {  	[sflag:s28] =	ssyncset.done $0x0  }
0x72: {  	[sflag:s28] =	ssyncadd.s32 $0xFFFFF060  }
0x73: {  	_ =	swait.ge [sflag:s29], $0xFA0  }
0x74: {  	[sflag:s29] =	ssyncset.done $0x0  }
0x75: {  	s0 =	sadd.s32 $0x1, s0;
	[sflag:s29] =	ssyncadd.s32 $0xFFFFF060  }
0x76: {  	p0 =	sne.s32 s0, s5;
	_ =	swait.ge [sflag:s30], $0xFA0  }
.Ltmp1:
0x77: {  	[sflag:s30] =	ssyncset.done $0x0;
	(pc) =	sbr.rel @p0 .LBB2_1-.Ltmp1, $4  }
0x78: {  	[sflag:s30] =	ssyncadd.s32 $0xFFFFF060  }
0x79: {  	_ =	swait.ge [sflag:s31], $0xFA0  }
0x7a: {  	[sflag:s31] =	ssyncset.done $0x0  }
0x7b: {  	[sflag:s31] =	ssyncadd.s32 $0xFFFFF060  }
0x7c: {  	_ =	sfence.sel $0x180000  }
0x7d: {  	[bflag:$0x0] =	sbarrier.arrive $0xFFFF  }
0x7e: {  	_ =	strace $0x90000056  }
0x7f: {  	s0 =	stileid.u32;
	[bflag:$0x2] =	sbarrier.arrive $0xFFFF  }
0x80: {  	p0 =	sne.s32 s0, $0x0;
	s0 =	rddreg [dreg:$0x1]  }
0x81: {  	s0 =	sadd.s32 @!p0 $0x100000, s0  }
0x82: {  	[sflag:s0] =	ssyncadd.tile.s32 @!p0 $0x1;
	_ =	shalt  }
.Lfunc_end2:
_tile_overlayer_lowered:
.L_overlay_start_2:
0x83: {  	(tag) =	ssettag $0x2  }
0x84: {  	s0 =	rddreg [dreg:$0x0];
	s2 =	stileid.u32  }
0x85: {  	s1 =	rddreg [dreg:$0x1];
	p0 =	sne.s32 s2, $0x0  }
0x86: {  	s3 =	rddreg [dreg:$0x2];
	[bflag:$0x3] =	sbarrier.arrive $0xFFFF;
	s2 =	simm.s32 @!p0 $0x1C09  }
0x87: {  	[timem:s3], [sflag:s2] =	dma.local @!p0 [hbm:s0], s1  }
0x88: {  	s0 =	simm.s32 @!p0 $0x9  }
0x89: {  	_ =	swait.ge @!p0 [sflag:s0], s1  }
0x8a: {  	s1 =	ssub.s32 @!p0 $0x0, s1;
	[sflag:s0] =	ssyncset.done @!p0 $0x0  }
0x8b: {  	[sflag:s0] =	ssyncadd.s32 @!p0 s1  }
0x8c: {  	[bflag:$0x3] =	sbarrier.arrive $0xFFFF  }
0x8d: {  	_ =	shalt  }

// kernel: kernel.35.cloned.1.call-start
scs
__scs_entry_jumppad:
0x0: {  	(pc) =	sbr.rel $0x88, $3  }
0x1: {  	(tag) =	ssettag $0x0;
	lr =	simm.s32 $0x1  }
0x2: {  	[smem:$0x3F8E] =	sst lr;
	_ =	strace $0xD0000000  }
0x3: {  	_ = 	snop  }
0x4: {  	_ = 	snop  }
0x5: {  	_ = 	snop  }
0x6: {  	_ = 	snop  }
0x7: {  	_ = 	snop  }
__scs_overlays_trampoline_lowered:
0x8: {  	[smem:$0x3F9D] =	sst s0  }
0x9: {  	[smem:$0x3F9E] =	sst s1  }
0xa: {  	[smem:$0x3F9F] =	sst s2  }
0xb: {  	[smem:$0x3FA0] =	sst s3  }
0xc: {  	[smem:$0x3FA1] =	sst s4  }
0xd: {  	[smem:$0x3FA2] =	sst s5  }
0xe: {  	[smem:$0x3FA3] =	sst s6  }
0xf: {  	[smem:$0x3FA4] =	sst s7  }
0x10: {  	[smem:$0x3FA5] =	sst s8  }
0x11: {  	[smem:$0x3FA6] =	sst s9;
	s0 =	simm.s32 @!p0 $0x0  }
0x12: {  	s1 =	sld [smem:$0x3F8C];
	s0 =	simm.s32 @p0 $0x1  }
0x13: {  	[smem:$0x3FA7] =	sst s0;
	s0 =	simm.s32 @!p1 $0x0  }
0x14: {  	s2 =	sld [smem:$0x3F8B];
	s0 =	simm.s32 @p1 $0x1  }
0x15: {  	[smem:$0x3FA8] =	sst s0;
	s0 =	simm.s32 @!p2 $0x0  }
0x16: {  	s3 =	sld [smem:$0x3FDB];
	s0 =	simm.s32 @p2 $0x1  }
0x17: {  	s4 =	simm.s32 $0x1BF5;
	[smem:$0x3FAA] =	sst s0  }
0x18: {  	s0 =	sld [smem:$0x3F8D];
	_ =	swait.ge [sflag:s4], $0x0  }
0x19: {  	s7 =	sld [smem:$0x3F8E]  }
0x1a: {  	s8 =	sadd.s32 $0xFFFFE003, lr  }
0x1b: {  	s9 =	sadd.s32 $0xFFFFFEF7, lr;
	s5 =	simm.s32 $0xFFFFFFFF;
	p2 =	slt.u32 s8, $0xFFFFF086  }
0x1c: {  	p1 =	slt.u32 s9, $0xF7A;
	s5 =	simm.s32 @!p2 $0x0  }
0x1d: {  	s5 =	simm.s32 @p1 $0x1;
	p0 =	seq.s32 s7, s2  }
0x1e: {  	s7 =	smul.u32 @!p0 $0xF7A, s2;
	p2 =	seq.s32 @!p0 s5, $0x0  }
0x1f: {  	s9 =	smul.u32 $0xF7A, s1;
	s8 =	simm.s32 @!p0 $0x1BF5;
	p2 =	por !p2, p0  }
0x20: {  	[sflag:s8] =	ssyncset.s32 @!p0 $0xFFFFF086;
	s6 =	sadd.s32 @!p0 s3, s7;
	s7 =	simm.s32 @!p0 $0x108  }
0x21: {  	s3 =	sadd.s32 s3, s9;
	s6 =	sadd.s32 @!p0 $0x88, s6;
	s7 =	simm.s32 @p2 $0x1082  }
0x22: {  	[simem:s7], [sflag:s8] =	dma.local @!p0 [hbm:s6], $0xF7A  }
0x23: {  	s9 =	sor.u32 $0xD0000000, s2;
	s6 =	simm.s32 $0x108;
	_ =	swait.ge @!p0 [sflag:s8], $0x0  }
0x24: {  	s3 =	sadd.s32 $0x88, s3;
	s6 =	simm.s32 @!p1 $0x1082;
	[sflag:s4] =	ssyncset.s32 $0xFFFFF086  }
0x25: {  	[simem:s6], [sflag:s4] =	dma.local [hbm:s3], $0xF7A  }
0x26: {  	[smem:$0x3F8E] =	sst s1;
	(tag) =	ssettag s2;
	_ =	strace s9  }
0x27: {  	s1 =	sld [smem:$0x3F9E]  }
0x28: {  	s2 =	sld [smem:$0x3F9F]  }
0x29: {  	s4 =	sld [smem:$0x3FA1]  }
0x2a: {  	p0 =	seq.s32 s5, $0x0;
	s5 =	sld [smem:$0x3FA2]  }
0x2b: {  	s6 =	sld [smem:$0x3FA3]  }
0x2c: {  	s7 =	sld [smem:$0x3FA4]  }
0x2d: {  	s3 =	simm.s32 $0x108;
	s8 =	sld [smem:$0x3FA5]  }
0x2e: {  	s3 =	simm.s32 @!p0 $0x1082;
	s9 =	sld [smem:$0x3FA6]  }
0x2f: {  	lr =	sadd.s32 s0, s3;
	s0 =	sld [smem:$0x3F9D]  }
0x30: {  	s3 =	sld [smem:$0x3FA0]  }
0x31: {  	[smem:$0x3FA9] =	sst s10  }
0x32: {  	s10 =	sld [smem:$0x3FA7];
	_ =	sdelay $0x3  }
0x33: {  	p0 =	seq.s32 s10, $0x1;
	s10 =	sld [smem:$0x3FA9];
	_ =	sdelay $0x3  }
0x34: {  	[smem:$0x3FA9] =	sst s10  }
0x35: {  	s10 =	sld [smem:$0x3FA8];
	_ =	sdelay $0x3  }
0x36: {  	p1 =	seq.s32 s10, $0x1;
	s10 =	sld [smem:$0x3FA9];
	_ =	sdelay $0x3  }
0x37: {  	[smem:$0x3FA9] =	sst s10  }
0x38: {  	s10 =	sld [smem:$0x3FAA]  }
0x39: {  	_ = 	snop;
	(pc) =	sbr.ind lr, $3  }
0x3a: {  	_ = 	snop  }
0x3b: {  	_ = 	snop  }
0x3c: {  	p2 =	seq.s32 s10, $0x1;
	s10 =	sld [smem:$0x3FA9]  }
0x3d: {  	_ =	shalt  }
0x3e: {  	_ =	shalt  }
0x3f: {  	_ =	shalt  }
0x40: {  	_ =	shalt  }
0x41: {  	_ =	shalt  }
0x42: {  	_ =	shalt  }
0x43: {  	_ =	shalt  }
0x44: {  	_ =	shalt  }
0x45: {  	_ =	shalt  }
0x46: {  	_ =	shalt  }
0x47: {  	_ =	shalt  }
0x48: {  	_ =	shalt  }
0x49: {  	_ =	shalt  }
0x4a: {  	_ =	shalt  }
0x4b: {  	_ =	shalt  }
0x4c: {  	_ =	shalt  }
0x4d: {  	_ =	shalt  }
0x4e: {  	_ =	shalt  }
0x4f: {  	_ =	shalt  }
0x50: {  	_ =	shalt  }
0x51: {  	_ =	shalt  }
0x52: {  	_ =	shalt  }
0x53: {  	_ =	shalt  }
0x54: {  	_ =	shalt  }
0x55: {  	_ =	shalt  }
0x56: {  	_ =	shalt  }
0x57: {  	_ =	shalt  }
0x58: {  	_ =	shalt  }
0x59: {  	_ =	shalt  }
0x5a: {  	_ =	shalt  }
0x5b: {  	_ =	shalt  }
0x5c: {  	_ =	shalt  }
0x5d: {  	_ =	shalt  }
0x5e: {  	_ =	shalt  }
0x5f: {  	_ =	shalt  }
0x60: {  	_ =	shalt  }
0x61: {  	_ =	shalt  }
0x62: {  	_ =	shalt  }
0x63: {  	_ =	shalt  }
0x64: {  	_ =	shalt  }
0x65: {  	_ =	shalt  }
0x66: {  	_ =	shalt  }
0x67: {  	_ =	shalt  }
0x68: {  	_ =	shalt  }
0x69: {  	_ =	shalt  }
0x6a: {  	_ =	shalt  }
0x6b: {  	_ =	shalt  }
0x6c: {  	_ =	shalt  }
0x6d: {  	_ =	shalt  }
0x6e: {  	_ =	shalt  }
0x6f: {  	_ =	shalt  }
0x70: {  	_ =	shalt  }
0x71: {  	_ =	shalt  }
0x72: {  	_ =	shalt  }
0x73: {  	_ =	shalt  }
0x74: {  	_ =	shalt  }
0x75: {  	_ =	shalt  }
0x76: {  	_ =	shalt  }
0x77: {  	_ =	shalt  }
0x78: {  	_ =	shalt  }
0x79: {  	_ =	shalt  }
0x7a: {  	_ =	shalt  }
0x7b: {  	_ =	shalt  }
0x7c: {  	_ =	shalt  }
0x7d: {  	_ =	shalt  }
0x7e: {  	_ =	shalt  }
0x7f: {  	_ =	shalt  }
0x80: {  	_ =	shalt  }
0x81: {  	_ =	shalt  }
0x82: {  	_ =	shalt  }
0x83: {  	_ =	shalt  }
0x84: {  	_ =	shalt  }
0x85: {  	_ =	shalt  }
0x86: {  	_ =	shalt  }
0x87: {  	_ =	shalt  }
.Lfunc_end0:
.L_simem_size_0:
called_computation.6_lowered:
.L_overlay_start_0:
0x88: {  	s2 =	sld [smem:$0x3FD9]  }
0x89: {  	s3 =	sld [smem:$0x3FFE];
	_ =	sdelay $0x1  }
0x8a: {  	s1 =	srdreg.scid  }
0x8b: {  	s0 =	sand.u32 $0x1, s1  }
0x8c: {  	s16 =	sshll.u32 s0, $0xA;
	s2 =	sadd.s32 s3, s2  }
0x8d: {  	s2 =	sadd.s32 s2, s16  }
0x8e: {  	[smem:$0x3FB5] =	sst s2  }
0x8f: {  	_ = 	snop  }
0x90: {  	(tm) =	ssettm $0x1  }
0x91: {  	s17 =	sld [smem:$0x3FFB];
	_ =	sdelay $0x3  }
0x92: {  	_ =	strace s17  }
0x93: {  	s2 =	sld [smem:$0x3FFC];
	_ =	sdelay $0x3  }
0x94: {  	_ =	strace s2  }
0x95: {  	s2 =	sld [smem:$0x3FFD];
	_ =	sdelay $0x3  }
0x96: {  	_ =	strace s2  }
0x97: {  	_ =	strace $0x8FFFFFFF  }
0x98: {  	s18 =	sld [smem:$0x3FDB];
	_ =	sdelay $0x1  }
0x99: {  	s19 =	simm.s32 $_scs_section_size  }
0x9a: {  	s4 =	simm.s32 $_size__tile_overlayer_lowered;
	s5 =	simm.s32 $_tile_overlayer_lowered  }
0x9b: {  	s22 =	simm.s32 $0x1BFF;
	s21 =	sshll.u32 s5, $0x1;
	s2 =	sadd.s32 s19, s18  }
0x9c: {  	s6 =	simm.s32 $0x0;
	s20 =	sshll.u32 s4, $0x1;
	s4 =	sadd.s32 s21, s2  }
0x9d: {  	[timem:s6], [sflag:s22] =	dma.local [hbm:s4], s20  }
0x9e: {  	_ =	swait.ge [sflag:s22], s20  }
0x9f: {  	s3 =	ssub.s32 $0x0, s20;
	[sflag:s22] =	ssyncset.done $0x0  }
0xa0: {  	[sflag:s22] =	ssyncadd.s32 s3;
	_ =	sdelay $0x1  }
0xa1: {  	s23 =	simm.s32 $0x1B8B  }
0xa2: {  	_ =	swait.ge [sflag:s23], $0x1  }
0xa3: {  	[sflag:s23] =	ssyncset.done $0x0  }
0xa4: {  	s25 =	simm.s32 $0x1B8E;
	s24 =	sld [smem:$0x3FFE];
	[sflag:s23] =	ssyncadd.s32 $0xFFFFFFFF  }
0xa5: {  	s26 =	simm.s32 $execute0_lowered;
	[smem:$0x3FD2] =	sst s25  }
0xa6: {  	s4 =	sshll.u32 s26, $0x1;
	_ =	strace $0x80000058;
	[dreg:$0x1] =	wrdreg $0xFFFFFFFF  }
0xa7: {  	s28 =	simm.s32 $_size_execute0_lowered;
	s2 =	sadd.s32 s2, s4;
	[dreg:$0x0] =	wrdreg $0x0  }
0xa8: {  	s4 =	sshll.u32 s28, $0x1;
	[dreg:$0x2] =	wrdreg s2  }
0xa9: {  	[dreg:$0x3] =	wrdreg s4  }
0xaa: {  	[dreg:$0x4] =	wrdreg $0xC0  }
0xab: {  	_ =	task [dreg:s6], $0x5FFFF  }
0xac: {  	[dreg:$0x1] =	wrdreg $0xFFFFFFFF  }
0xad: {  	[dreg:$0x0] =	wrdreg $0x60  }
0xae: {  	[dreg:$0x2] =	wrdreg s24  }
0xaf: {  	[dreg:$0x3] =	wrdreg $0x52800  }
0xb0: {  	[dreg:$0x4] =	wrdreg $0x9  }
0xb1: {  	_ =	task.clear_ibuf [dreg:s6], $0x5FFFF;
	_ =	strace $0x90000058  }
0xb2: {  	s29 =	simm.s32 $0x9;
	_ =	strace $0x8000005A  }
0xb3: {  	_ =	swait.ge [sflag:s29], $0x1  }
0xb4: {  	[sflag:s29] =	ssyncadd.s32 $0xFFFFFFFF  }
0xb5: {  	_ =	strace $0x9000005A  }
0xb6: {  	_ =	sfence  }
0xb7: {  	s30 =	sld [smem:$0x0];
	_ =	sdelay $0x2  }
0xb8: {  	s31 =	sshll.u32 s1, $0xD;
	s1 =	sshrl.u32 s1, $0x2  }
0xb9: {  	s3 =	sand.u32 $0x4000, s31;
	s1 =	sadd.s32 s1, s30  }
0xba: {  	s0 =	sor.u32 s3, s0;
	s1 =	sshll.u32 s1, $0x11  }
0xbb: {  	s0 =	sor.u32 s1, s0  }
0xbc: {  	s0 =	sadd.s32 $0x8F2B, s0  }
0xbd: {  	[sflag:s0] =	ssyncadd.remote.s32 $0x1  }
0xbe: {  	_ =	sfence.sel $0xFFFF  }
0xbf: {  	[dreg:$0x0] =	wrdreg $0xFFFFFFFF;
	(pc) =	sbr.abs _section_cstart, $3  }
0xc0: {  	[dreg:$0x1] =	wrdreg $0xFFFFFFFF  }
0xc1: {  	_ =	task.clear_ibuf [dreg:s6], $0x2FFFF;
	_ =	strace $0x9FFFFFFF  }
0xc2: {  	(tm) =	ssettm $0x7FFFFFFF  }
0xc3: {  	_ =	shalt  }
tec
execute0_lowered:
.L_overlay_start_1:
0x0: {  	(tag) =	ssettag $0x1  }
0x1: {  	s0 =	srdreg.scid;
	s1 =	rddreg [dreg:$0x0]  }
0x2: {  	s13 =	stileid.u32;
	s2 =	rddreg [dreg:$0x1];
	s18 =	simm.s32 $0x9  }
0x3: {  	s28 =	simm.s32 $0x4;
	s29 =	simm.s32 $0x5;
	s6 =	smul.u32 $0x4E20, s13  }
0x4: {  	s30 =	simm.s32 $0x6;
	s0 =	sand.u32 $0x1, s0;
	s21 =	smul.u32 $0x2710, s13  }
0x5: {  	s31 =	simm.s32 $0x7;
	s3 =	sshll.u32 s13, $0x1;
	s7 =	smul.u32 $0x4E200, s0  }
0x6: {  	s4 =	sor.u32 s0, s3;
	s10 =	ssub.s32 $0x2, s0;
	s0 =	smul.u32 $0x1388, s0  }
0x7: {  	s8 =	sadd.s32 $0x2F600, s1;
	s3 =	simm.s32 $0x0;
	s5 =	smul.u32 $0x280, s4  }
0x8: {  	s22 =	sshll.u32 s13, $0x6;
	[smem:$0x7FF] =	sst s3;
	s12 =	smul.u32 $0x4E20, s4  }
0x9: {  	s19 =	sshrl.u32 s6, $0x3;
	s11 =	sshrl.u32 s10, $0x1;
	s4 =	smul.u32 $0x27100, s4  }
0xa: {  	_ =	strace $0x80000059;
	s7 =	sadd.s32 s6, s7;
	s20 =	ssub.s32 s10, s11  }
0xb: {  	s6 =	sadd.s32 s6, s2;
	s0 =	sadd.s32 s0, s21;
	s21 =	simm.s32 $0x3340  }
0xc: {  	s9 =	sadd.s32 s5, s1;
	s5 =	sadd.s32 s19, s1;
	s7 =	sshrl.u32 s7, $0x3  }
0xd: {  	s4 =	sshrl.u32 s4, $0x3;
	s23 =	sadd.s32 s8, s12;
	s0 =	sshll.u32 s0, $0x2  }
0xe: {  	s26 =	smax.u32 s20, $0x1;
	s17 =	sshrl.u32 s6, $0x3;
	s19 =	simm.s32 $0x1400  }
0xf: {  	s20 =	simm.s32 $0x23A0;
	s1 =	sadd.s32 s7, s1;
	s5 =	sadd.s32 $0xDF400, s5  }
0x10: {  	s9 =	sadd.s32 $0xDA400, s9;
	s4 =	sadd.s32 s8, s4;
	[dreg:$0x5] =	wrdreg s23  }
0x11: {  	[dreg:$0xa] =	wrdreg s26;
	s0 =	sadd.s32 s8, s0;
	s23 =	simm.s32 $0x1  }
0x12: {  	s26 =	simm.s32 $0x3;
	[dreg:$0x3] =	wrdreg s5;
	s5 =	sor.u32 $0x1C09, s22  }
0x13: {  	[dreg:$0x4] =	wrdreg s9;
	s24 =	sadd.s32 $0x1F4, s4;
	s25 =	sadd.s32 $0x3E8, s4  }
0x14: {  	s4 =	sadd.s32 $0x5DC, s4;
	s1 =	sadd.s32 $0x137400, s1;
	[dreg:$0x6] =	wrdreg s24  }
0x15: {  	s10 =	sadd.s32 $0xDAC, s0;
	s14 =	sadd.s32 $0xBB8, s0;
	[dreg:$0x7] =	wrdreg s25  }
0x16: {  	s15 =	sadd.s32 $0x9C4, s0;
	s16 =	sadd.s32 $0x7D0, s0;
	[dreg:$0x8] =	wrdreg s4  }
0x17: {  	s22 =	simm.s32 $0x42E0;
	s0 =	simm.s32 $0x0;
	[dreg:$0x9] =	wrdreg s1  }
0x18: {  	s24 =	simm.s32 $0x7D;
	s25 =	simm.s32 $0x2;
	s1 =	simm.s32 $0x8  }
.LBB2_1:
0x19: {  	s4 =	rddreg [dreg:$0x3]  }
0x1a: {  	[spmem:s17], [sflag:s5] =	dma.local [hbm:s4], $0x9C4  }
0x1b: {  	_ =	swait.ge [sflag:s18], $0x9C4  }
0x1c: {  	[sflag:s18] =	ssyncset.done $0x0  }
0x1d: {  	s12 =	rddreg [dreg:$0x4];
	[sflag:s18] =	ssyncadd.s32 $0xFFFFF63C  }
0x1e: {  	[tilespmem:s3], [sflag:$0x9] =	stream.linear.gather [hbm4b:s12+s3], $0x1400, $0x38;
	[tilespmem:$0xA0A0] =	vst v63  }
0x1f: {  	_ =	swait.ge [sflag:s18], $0x1400  }
0x20: {  	[sflag:s18] =	ssyncset.done $0x0  }
0x21: {  	[sflag:s18] =	ssyncadd.s32 $0xFFFFEC00  }
0x22: {  	[bflag:$0x0] =	sbarrier.arrive $0xFFFF  }
0x23: {  	s13 =	rddreg [dreg:$0x5]  }
0x24: {  	[tilespmem:s19], [sflag:$0x1] =	stream.linear.gather [hbm4b:s13+s3], $0xFA0, $0x38;
	[tilespmem:$0xA0A0] =	vst v63  }
0x25: {  	s6 =	rddreg [dreg:$0x6]  }
0x26: {  	[tilespmem:s20], [sflag:$0x2] =	stream.linear.gather [hbm4b:s6+s3], $0xFA0, $0x38;
	[tilespmem:$0xA0A0] =	vst v63  }
0x27: {  	s7 =	rddreg [dreg:$0x7]  }
0x28: {  	[tilespmem:s21], [sflag:$0x3] =	stream.linear.gather [hbm4b:s7+s3], $0xFA0, $0x38;
	[tilespmem:$0xA0A0] =	vst v63  }
0x29: {  	s8 =	rddreg [dreg:$0x8]  }
0x2a: {  	[tilespmem:s22], [sflag:$0x4] =	stream.linear.gather [hbm4b:s8+s3], $0xFA0, $0x38;
	[tilespmem:$0xA0A0] =	vst v63  }
0x2b: {  	_ =	swait.ge [sflag:s23], $0xFA0  }
0x2c: {  	[sflag:s23] =	ssyncset.done $0x0  }
0x2d: {  	s9 =	simm.s32 $0x0;
	[sflag:s23] =	ssyncadd.s32 $0xFFFFF060  }
0x2e: {  	[spmem:s2] =	stream.indirect.scatter.add.f32 [tilespmem:s19], [sflag:$0x5], $0x20, s9, s24, $0xb8;
	[tilespmem:$0xA0A0] =	vst v63  }
0x2f: {  	_ =	swait.ge [sflag:s25], $0xFA0  }
0x30: {  	[sflag:s25] =	ssyncset.done $0x0  }
0x31: {  	s11 =	simm.s32 $0x80;
	[sflag:s25] =	ssyncadd.s32 $0xFFFFF060  }
0x32: {  	[spmem:s2] =	stream.indirect.scatter.add.f32 [tilespmem:s20], [sflag:$0x6], $0x20, s11, s24, $0xb8;
	[tilespmem:$0xA0A0] =	vst v63  }
0x33: {  	_ =	swait.ge [sflag:s26], $0xFA0  }
0x34: {  	[sflag:s26] =	ssyncset.done $0x0  }
0x35: {  	s12 =	simm.s32 $0x100;
	[sflag:s26] =	ssyncadd.s32 $0xFFFFF060  }
0x36: {  	[spmem:s2] =	stream.indirect.scatter.add.f32 [tilespmem:s21], [sflag:$0x7], $0x20, s12, s24, $0xb8;
	[tilespmem:$0xA0A0] =	vst v63  }
0x37: {  	_ =	swait.ge [sflag:s28], $0xFA0  }
0x38: {  	[sflag:s28] =	ssyncset.done $0x0  }
0x39: {  	s13 =	simm.s32 $0x180;
	[sflag:s28] =	ssyncadd.s32 $0xFFFFF060  }
0x3a: {  	[spmem:s2] =	stream.indirect.scatter.add.f32 [tilespmem:s22], [sflag:$0x8], $0x20, s13, s24, $0xb8;
	[tilespmem:$0xA0A0] =	vst v63  }
0x3b: {  	_ =	swait.ge [sflag:s29], $0xFA0  }
0x3c: {  	[sflag:s29] =	ssyncset.done $0x0  }
0x3d: {  	[sflag:s29] =	ssyncadd.s32 $0xFFFFF060  }
0x3e: {  	[tilespmem:s19], [sflag:$0x1] =	stream.linear.gather [hbm4b:s16+s3], $0xFA0, $0x38;
	[tilespmem:$0xA0A0] =	vst v63  }
0x3f: {  	_ =	swait.ge [sflag:s30], $0xFA0  }
0x40: {  	[sflag:s30] =	ssyncset.done $0x0  }
0x41: {  	[sflag:s30] =	ssyncadd.s32 $0xFFFFF060  }
0x42: {  	[tilespmem:s20], [sflag:$0x2] =	stream.linear.gather [hbm4b:s15+s3], $0xFA0, $0x38;
	[tilespmem:$0xA0A0] =	vst v63  }
0x43: {  	_ =	swait.ge [sflag:s31], $0xFA0  }
0x44: {  	[sflag:s31] =	ssyncset.done $0x0  }
0x45: {  	[sflag:s31] =	ssyncadd.s32 $0xFFFFF060  }
0x46: {  	[tilespmem:s21], [sflag:$0x3] =	stream.linear.gather [hbm4b:s14+s3], $0xFA0, $0x38;
	[tilespmem:$0xA0A0] =	vst v63  }
0x47: {  	s4 =	simm.s32 $0x800;
	s6 =	sadd.s32 $0x7D0, s15;
	_ =	swait.ge [sflag:s1], $0xFA0  }
0x48: {  	s7 =	sadd.s32 $0x7D0, s16;
	s8 =	sadd.s32 $0x7D0, s10;
	[sflag:s1] =	ssyncset.done $0x0  }
0x49: {  	s9 =	sadd.s32 $0x7D0, s14;
	s13 =	smov.u32 s10;
	[sflag:s1] =	ssyncadd.s32 $0xFFFFF060  }
.LBB2_2:
0x4a: {  	[tilespmem:s22], [sflag:$0x4] =	stream.linear.gather [hbm4b:s13+s3], $0xFA0, $0x38;
	[tilespmem:$0xA0A0] =	vst v63  }
0x4b: {  	s11 =	smov.u32 s4;
	s13 =	smov.u32 s8  }
0x4c: {  	p0 =	sne.s32 s4, $0x4000;
	s4 =	sadd.s32 $0x800, s4;
	_ =	swait.ge [sflag:s23], $0xFA0  }
0x4d: {  	[sflag:s23] =	ssyncset.done $0x0  }
0x4e: {  	s11 =	sshra.s32 s11, $0x2;
	[sflag:s23] =	ssyncadd.s32 $0xFFFFF060  }
0x4f: {  	[spmem:s2] =	stream.indirect.scatter.add.f32 [tilespmem:s19], [sflag:$0x5], $0x20, s11, s24, $0xb8;
	[tilespmem:$0xA0A0] =	vst v63  }
0x50: {  	_ =	swait.ge [sflag:s25], $0xFA0  }
0x51: {  	[sflag:s25] =	ssyncset.done $0x0  }
0x52: {  	s12 =	sadd.s32 $0x80, s11;
	[sflag:s25] =	ssyncadd.s32 $0xFFFFF060  }
0x53: {  	[spmem:s2] =	stream.indirect.scatter.add.f32 [tilespmem:s20], [sflag:$0x6], $0x20, s12, s24, $0xb8;
	[tilespmem:$0xA0A0] =	vst v63  }
0x54: {  	_ =	swait.ge [sflag:s26], $0xFA0  }
0x55: {  	[sflag:s26] =	ssyncset.done $0x0  }
0x56: {  	s12 =	sadd.s32 $0x100, s11;
	[sflag:s26] =	ssyncadd.s32 $0xFFFFF060  }
0x57: {  	[spmem:s2] =	stream.indirect.scatter.add.f32 [tilespmem:s21], [sflag:$0x7], $0x20, s12, s24, $0xb8;
	[tilespmem:$0xA0A0] =	vst v63  }
0x58: {  	_ =	swait.ge [sflag:s28], $0xFA0  }
0x59: {  	[sflag:s28] =	ssyncset.done $0x0  }
0x5a: {  	s11 =	sadd.s32 $0x180, s11;
	[sflag:s28] =	ssyncadd.s32 $0xFFFFF060  }
0x5b: {  	[spmem:s2] =	stream.indirect.scatter.add.f32 [tilespmem:s22], [sflag:$0x8], $0x20, s11, s24, $0xb8;
	[tilespmem:$0xA0A0] =	vst v63  }
0x5c: {  	_ =	swait.ge [sflag:s29], $0xFA0  }
0x5d: {  	[sflag:s29] =	ssyncset.done $0x0  }
0x5e: {  	[sflag:s29] =	ssyncadd.s32 $0xFFFFF060  }
0x5f: {  	[tilespmem:s19], [sflag:$0x1] =	stream.linear.gather [hbm4b:s7+s3], $0xFA0, $0x38;
	[tilespmem:$0xA0A0] =	vst v63  }
0x60: {  	_ =	swait.ge [sflag:s30], $0xFA0  }
0x61: {  	[sflag:s30] =	ssyncset.done $0x0  }
0x62: {  	[sflag:s30] =	ssyncadd.s32 $0xFFFFF060  }
0x63: {  	[tilespmem:s20], [sflag:$0x2] =	stream.linear.gather [hbm4b:s6+s3], $0xFA0, $0x38;
	[tilespmem:$0xA0A0] =	vst v63  }
0x64: {  	_ =	swait.ge [sflag:s31], $0xFA0  }
0x65: {  	[sflag:s31] =	ssyncset.done $0x0  }
.Ltmp0:
0x66: {  	[sflag:s31] =	ssyncadd.s32 $0xFFFFF060;
	(pc) =	sbr.rel @p0 .LBB2_2-.Ltmp0, $4  }
0x67: {  	[tilespmem:s21], [sflag:$0x3] =	stream.linear.gather [hbm4b:s9+s3], $0xFA0, $0x38;
	[tilespmem:$0xA0A0] =	vst v63  }
0x68: {  	_ =	swait.ge [sflag:s1], $0xFA0  }
0x69: {  	s7 =	sadd.s32 $0x7D0, s7;
	s6 =	sadd.s32 $0x7D0, s6;
	[sflag:s1] =	ssyncset.done $0x0  }
0x6a: {  	s8 =	sadd.s32 $0x7D0, s8;
	s9 =	sadd.s32 $0x7D0, s9;
	[sflag:s1] =	ssyncadd.s32 $0xFFFFF060  }
0x6b: {  	[tilespmem:s22], [sflag:$0x4] =	stream.linear.gather [hbm4b:s13+s3], $0xFA0, $0x38;
	[tilespmem:$0xA0A0] =	vst v63  }
0x6c: {  	_ =	swait.ge [sflag:s23], $0xFA0  }
0x6d: {  	[sflag:s23] =	ssyncset.done $0x0  }
0x6e: {  	s4 =	simm.s32 $0x1200;
	[sflag:s23] =	ssyncadd.s32 $0xFFFFF060  }
0x6f: {  	[spmem:s2] =	stream.indirect.scatter.add.f32 [tilespmem:s19], [sflag:$0x5], $0x20, s4, s24, $0xb8;
	[tilespmem:$0xA0A0] =	vst v63  }
0x70: {  	_ =	swait.ge [sflag:s25], $0xFA0  }
0x71: {  	[sflag:s25] =	ssyncset.done $0x0  }
0x72: {  	s8 =	simm.s32 $0x1280;
	[sflag:s25] =	ssyncadd.s32 $0xFFFFF060  }
0x73: {  	[spmem:s2] =	stream.indirect.scatter.add.f32 [tilespmem:s20], [sflag:$0x6], $0x20, s8, s24, $0xb8;
	[tilespmem:$0xA0A0] =	vst v63  }
0x74: {  	_ =	swait.ge [sflag:s26], $0xFA0  }
0x75: {  	[sflag:s26] =	ssyncset.done $0x0  }
0x76: {  	s9 =	simm.s32 $0x1300;
	[sflag:s26] =	ssyncadd.s32 $0xFFFFF060  }
0x77: {  	[spmem:s2] =	stream.indirect.scatter.add.f32 [tilespmem:s21], [sflag:$0x7], $0x20, s9, s24, $0xb8;
	[tilespmem:$0xA0A0] =	vst v63  }
0x78: {  	_ =	swait.ge [sflag:s28], $0xFA0  }
0x79: {  	[sflag:s28] =	ssyncset.done $0x0  }
0x7a: {  	s11 =	simm.s32 $0x1380;
	[sflag:s28] =	ssyncadd.s32 $0xFFFFF060  }
0x7b: {  	[spmem:s2] =	stream.indirect.scatter.add.f32 [tilespmem:s22], [sflag:$0x8], $0x20, s11, s24, $0xb8;
	[tilespmem:$0xA0A0] =	vst v63  }
0x7c: {  	_ =	swait.ge [sflag:s29], $0xFA0  }
0x7d: {  	[sflag:s29] =	ssyncset.done $0x0  }
0x7e: {  	[sflag:s29] =	ssyncadd.s32 $0xFFFFF060  }
0x7f: {  	_ =	swait.ge [sflag:s30], $0xFA0  }
0x80: {  	[sflag:s30] =	ssyncset.done $0x0  }
0x81: {  	[sflag:s30] =	ssyncadd.s32 $0xFFFFF060  }
0x82: {  	_ =	swait.ge [sflag:s31], $0xFA0  }
0x83: {  	[sflag:s31] =	ssyncset.done $0x0  }
0x84: {  	[sflag:s31] =	ssyncadd.s32 $0xFFFFF060  }
0x85: {  	_ =	swait.ge [sflag:s1], $0xFA0  }
0x86: {  	[sflag:s1] =	ssyncset.done $0x0  }
0x87: {  	[sflag:s1] =	ssyncadd.s32 $0xFFFFF060  }
0x88: {  	[bflag:$0x0] =	sbarrier.arrive $0xFFFF  }
0x89: {  	s12 =	rddreg [dreg:$0x9]  }
0x8a: {  	[hbm:s12], [sflag:s5] =	dma.local [spmem:s17], $0x9C4  }
0x8b: {  	_ =	swait.ge [sflag:s18], $0x9C4  }
0x8c: {  	s0 =	sadd.s32 $0x1, s0;
	s13 =	rddreg [dreg:$0xa]  }
0x8d: {  	p0 =	sne.s32 s0, s13  }
.Ltmp1:
0x8e: {  	_ = 	snop;
	(pc) =	sbr.rel @p0 .LBB2_1-.Ltmp1, $3  }
0x8f: {  	_ =	sdelay $0x1  }
0x90: {  	[sflag:s18] =	ssyncset.done $0x0  }
0x91: {  	[sflag:s18] =	ssyncadd.s32 $0xFFFFF63C  }
0x92: {  	_ =	sfence.sel $0x180000  }
0x93: {  	[bflag:$0x0] =	sbarrier.arrive $0xFFFF  }
0x94: {  	_ =	strace $0x90000059  }
0x95: {  	s0 =	stileid.u32;
	[bflag:$0x2] =	sbarrier.arrive $0xFFFF  }
0x96: {  	p0 =	sne.s32 s0, $0x0;
	s0 =	rddreg [dreg:$0x2]  }
0x97: {  	s0 =	sadd.s32 @!p0 $0x100000, s0  }
0x98: {  	[sflag:s0] =	ssyncadd.tile.s32 @!p0 $0x1;
	_ =	shalt  }
.Lfunc_end2:
_tile_overlayer_lowered:
.L_overlay_start_2:
0x99: {  	(tag) =	ssettag $0x2  }
0x9a: {  	s0 =	rddreg [dreg:$0x0];
	s2 =	stileid.u32  }
0x9b: {  	s1 =	rddreg [dreg:$0x1];
	p0 =	sne.s32 s2, $0x0  }
0x9c: {  	s3 =	rddreg [dreg:$0x2];
	[bflag:$0x3] =	sbarrier.arrive $0xFFFF;
	s2 =	simm.s32 @!p0 $0x1C09  }
0x9d: {  	[timem:s3], [sflag:s2] =	dma.local @!p0 [hbm:s0], s1  }
0x9e: {  	s0 =	simm.s32 @!p0 $0x9  }
0x9f: {  	_ =	swait.ge @!p0 [sflag:s0], s1  }
0xa0: {  	s1 =	ssub.s32 @!p0 $0x0, s1;
	[sflag:s0] =	ssyncset.done @!p0 $0x0  }
0xa1: {  	[sflag:s0] =	ssyncadd.s32 @!p0 s1  }
0xa2: {  	[bflag:$0x3] =	sbarrier.arrive $0xFFFF  }
0xa3: {  	_ =	shalt  }

</sc_bundles>
